<compile_context>
chip_gen: v7x
topology: tpu7x:2x2x1
jax: 0.10.2.dev20260603
libtpu: 0.0.44.dev20260713+nightly
codegen_flags: <defaults>
</compile_context>

<pallas_src>
import functools
import math

import jax
import jax.numpy as jnp
from jax import lax
from jax.experimental import pallas as pl
from jax.experimental.pallas import tpu as pltpu
from jax.experimental.pallas import tpu_sc as plsc

N = 10000
E = 320000
ND = 128
ED = 16
H = 8
D = 16
SCALE = 1.0 / math.sqrt(D)

NB = 1000
EB = 2560
G1 = 80
NG1 = 125
G2 = 40
NG2 = 250
NW = 32
EPW = E // NW

_SC_PARAMS = pltpu.CompilerParams(
    needs_layout_passes=False, use_tc_tiling_on_sc=False)


def _tables_body(node_ref, wnq_ref, wnk_ref, wnv_ref, bkd_ref, bqd_ref,
                 bq_ref, bk_ref, bv_ref, a_ref, b_ref, v_ref):
    x = node_ref[...]
    dn = (((1,), (1,)), ((), ()))
    at = lax.dot_general(x, wnq_ref[...], dn,
                         preferred_element_type=jnp.float32) + bq_ref[...]
    bt = lax.dot_general(x, wnk_ref[...], dn,
                         preferred_element_type=jnp.float32) + bk_ref[...]
    vt = lax.dot_general(x, wnv_ref[...], dn,
                         preferred_element_type=jnp.float32) + bv_ref[...]
    ap = jnp.dot(at, bkd_ref[...], preferred_element_type=jnp.float32)
    bp = jnp.dot(bt, bqd_ref[...], preferred_element_type=jnp.float32)
    a_ref[:, :ND] = at
    a_ref[:, ND:] = ap
    b_ref[:, :ND] = bt
    b_ref[:, ND:] = bp
    v_ref[...] = vt


def _make_tables(node, wnq, wnk, wnv, bkd, bqd, bq, bk, bv):
    full = lambda shape: pl.BlockSpec(shape, lambda i: (0,) * len(shape))
    return pl.pallas_call(
        _tables_body,
        grid=(N // NB,),
        in_specs=[
            pl.BlockSpec((NB, ND), lambda i: (i, 0)),
            full((ND, ND)), full((ND, ND)), full((ND, ND)),
            full((ND, ND)), full((ND, ND)),
            full((1, ND)), full((1, ND)), full((1, ND)),
        ],
        out_specs=[
            pl.BlockSpec((NB, 2 * ND), lambda i: (i, 0)),
            pl.BlockSpec((NB, 2 * ND), lambda i: (i, 0)),
            pl.BlockSpec((NB, ND), lambda i: (i, 0)),
        ],
        out_shape=[
            jax.ShapeDtypeStruct((N, 2 * ND), jnp.float32),
            jax.ShapeDtypeStruct((N, 2 * ND), jnp.float32),
            jax.ShapeDtypeStruct((N, ND), jnp.float32),
        ],
    )(node, wnq, wnk, wnv, bkd, bqd, bq, bk, bv)


def _t1_body(edge_ref, weq_ref, wek_ref, wev_ref, ones_ref, eye_ref,
             t1t_ref, et_ref, ev0_ref):
    x = edge_ref[...]
    dn = (((1,), (1,)), ((), ()))
    eq = lax.dot_general(x, weq_ref[...], dn,
                         preferred_element_type=jnp.float32)
    ek = lax.dot_general(x, wek_ref[...], dn,
                         preferred_element_type=jnp.float32)
    t1t_ref[...] = lax.dot_general(ones_ref[...], eq * ek,
                                   (((0,), (1,)), ((), ())),
                                   preferred_element_type=jnp.float32)
    et_ref[...] = lax.dot_general(eye_ref[...], x,
                                  (((1,), (1,)), ((), ())),
                                  preferred_element_type=jnp.float32)
    ev0_ref[...] = lax.dot_general(x, wev_ref[...], dn,
                                   preferred_element_type=jnp.float32)


def _make_t1_ev0(edge, weq, wek, wev, ones8, eye16):
    return pl.pallas_call(
        _t1_body,
        grid=(E // EB,),
        in_specs=[
            pl.BlockSpec((EB, ED), lambda i: (i, 0)),
            pl.BlockSpec((ND, ED), lambda i: (0, 0)),
            pl.BlockSpec((ND, ED), lambda i: (0, 0)),
            pl.BlockSpec((ND, ED), lambda i: (0, 0)),
            pl.BlockSpec((ND, H), lambda i: (0, 0)),
            pl.BlockSpec((ED, ED), lambda i: (0, 0)),
        ],
        out_specs=[
            pl.BlockSpec((H, EB), lambda i: (0, i)),
            pl.BlockSpec((ED, EB), lambda i: (0, i)),
            pl.BlockSpec((EB, ND), lambda i: (i, 0)),
        ],
        out_shape=[
            jax.ShapeDtypeStruct((H, E), jnp.float32),
            jax.ShapeDtypeStruct((ED, E), jnp.float32),
            jax.ShapeDtypeStruct((E, ND), jnp.float32),
        ],
    )(edge, weq, wek, wev, ones8, eye16)


def _sc1_body(a_hbm, b_hbm, et_hbm, t1t_hbm, ei_hbm,
              ex_hbm,
              src_all, dst_all,
              a_rows0, a_rows1, b_rows0, b_rows1, edge_v0, edge_v1,
              t1_v0, t1_v1, ex_v0, ex_v1,
              sem_i0, sem_i1, sem_o0, sem_o1):
    c = lax.axis_index("c")
    s = lax.axis_index("s")
    base = (c * 16 + s) * EPW
    iot = jnp.arange(16, dtype=jnp.int32)
    bufs = ((a_rows0, b_rows0, edge_v0, t1_v0, ex_v0, sem_i0, sem_o0),
            (a_rows1, b_rows1, edge_v1, t1_v1, ex_v1, sem_i1, sem_o1))

    pltpu.sync_copy(ei_hbm.at[0, pl.ds(base, EPW)], src_all)
    pltpu.sync_copy(ei_hbm.at[1, pl.ds(base, EPW)], dst_all)

    def in_copies(g, b):
        ar, br, ev, tv, _, si, _ = bufs[b]
        off = base + g * G1
        return (
            pltpu.make_async_copy(et_hbm.at[:, pl.ds(off, G1)], ev, si),
            pltpu.make_async_copy(t1t_hbm.at[:, pl.ds(off, G1)], tv, si),
            pltpu.make_async_copy(a_hbm.at[src_all.at[pl.ds(g * G1, G1)]],
                                  ar, si),
            pltpu.make_async_copy(b_hbm.at[dst_all.at[pl.ds(g * G1, G1)]],
                                  br, si),
        )

    def issue_in(g, b):
        for cp in in_copies(g, b):
            cp.start()

    def wait_in(g, b):
        for cp in in_copies(g, b):
            cp.wait()

    def out_copy(g, b):
        xv, so = bufs[b][4], bufs[b][6]
        off = base + g * G1
        return pltpu.make_async_copy(xv, ex_hbm.at[pl.ds(off, G1), :], so)

    def compute(b):
        ar, br, ev, tv, xv = bufs[b][:5]

        def one_edge(e):
            esp = jnp.full((16,), e, jnp.int32)
            edg = plsc.load_gather(ev, [iot, esp])
            sums = []
            for h in range(H):
                qh = ar[e, pl.ds(h * 16, 16)]
                kh = br[e, pl.ds(h * 16, 16)]
                ph = (ar[e, pl.ds(ND + h * 16, 16)]
                      + br[e, pl.ds(ND + h * 16, 16)])
                sums.append(jnp.sum(qh * kh + ph * edg))
            acc = jnp.zeros((16,), jnp.float32)
            for h in range(H):
                acc = acc + jnp.where(iot == h, sums[h], jnp.float32(0.0))
            t1g = plsc.load_gather(tv, [iot & 7, esp])
            xv[e, :] = jnp.exp((acc + t1g) * SCALE)

        def ebody(p, _):
            one_edge(p * 4)
            one_edge(p * 4 + 1)
            one_edge(p * 4 + 2)
            one_edge(p * 4 + 3)
            return 0
        lax.fori_loop(0, G1 // 4, ebody, 0)

    issue_in(0, 0)
    issue_in(1, 1)

    def pair(g2, _):
        g = g2 * 2
        for b in (0, 1):
            gb = g + b
            wait_in(gb, b)
            @pl.when(gb >= 2)
            def _():
                out_copy(gb - 2, b).wait()
            compute(b)
            out_copy(gb, b).start()
            @pl.when(gb < NG1 - 2)
            def _():
                issue_in(gb + 2, b)
        return 0
    lax.fori_loop(0, (NG1 - 1) // 2, pair, 0)

    gb = NG1 - 1
    wait_in(gb, 0)
    out_copy(gb - 2, 0).wait()
    compute(0)
    out_copy(gb, 0).start()
    out_copy(gb - 1, 1).wait()
    out_copy(gb, 0).wait()


def _run_sc1(a, b, et, t1t, ei):
    mesh = plsc.VectorSubcoreMesh(core_axis_name="c", subcore_axis_name="s")
    kern = functools.partial(
        pl.kernel,
        mesh=mesh,
        out_type=jax.ShapeDtypeStruct((E, 16), jnp.float32),
        scratch_types=[
            pltpu.VMEM((EPW,), jnp.int32),
            pltpu.VMEM((EPW,), jnp.int32),
            pltpu.VMEM((G1, 2 * ND), jnp.float32),
            pltpu.VMEM((G1, 2 * ND), jnp.float32),
            pltpu.VMEM((G1, 2 * ND), jnp.float32),
            pltpu.VMEM((G1, 2 * ND), jnp.float32),
            pltpu.VMEM((ED, G1), jnp.float32),
            pltpu.VMEM((ED, G1), jnp.float32),
            pltpu.VMEM((H, G1), jnp.float32),
            pltpu.VMEM((H, G1), jnp.float32),
            pltpu.VMEM((G1, 16), jnp.float32),
            pltpu.VMEM((G1, 16), jnp.float32),
            pltpu.SemaphoreType.DMA,
            pltpu.SemaphoreType.DMA,
            pltpu.SemaphoreType.DMA,
            pltpu.SemaphoreType.DMA,
        ],
        compiler_params=_SC_PARAMS,
    )(_sc1_body)
    return kern(a, b, et, t1t, ei)


def _sc2_body(vt_hbm, ev0_hbm, ex_hbm, ei_hbm,
              pssum_hbm, pagg_hbm,
              dst_all,
              src_v0, src_v1, ex_v0, ex_v1, ev0_v0, ev0_v1,
              vt_rows0, vt_rows1, zb128, zb16,
              agg_sh, ssum_sh,
              sem_i0, sem_i1, sem_s0, sem_s1):
    c = lax.axis_index("c")
    s = lax.axis_index("s")
    base = (c * 16 + s) * EPW
    iot = jnp.arange(16, dtype=jnp.int32)
    bufs = ((src_v0, ex_v0, ev0_v0, vt_rows0, sem_i0, sem_s0),
            (src_v1, ex_v1, ev0_v1, vt_rows1, sem_i1, sem_s1))

    pltpu.sync_copy(ei_hbm.at[1, pl.ds(base, EPW)], dst_all)

    zero16 = jnp.zeros((16,), jnp.float32)
    def zr(i, _):
        for j in range(8):
            zb128[i, pl.ds(j * 16, 16)] = zero16
        return 0
    lax.fori_loop(0, 10, zr, 0)
    def zr2(i, _):
        zb16[i, :] = zero16
        return 0
    lax.fori_loop(0, 100, zr2, 0)
    @pl.when(s < 10)
    def _():
        def za(k, _):
            pltpu.sync_copy(zb128,
                            agg_sh.at[pl.ds(s * 1000 + k * 10, 10), :])
            return 0
        lax.fori_loop(0, 100, za, 0)
        def zs(k, _):
            pltpu.sync_copy(zb16,
                            ssum_sh.at[pl.ds(s * 1000 + k * 100, 100), :])
            return 0
        lax.fori_loop(0, 10, zs, 0)
    plsc.subcore_barrier()

    def in_copies(g, b):
        sv, xv, ov, vr, si, _ = bufs[b]
        off = base + g * G2
        return (
            pltpu.make_async_copy(ei_hbm.at[0, pl.ds(off, G2)], sv, si),
            pltpu.make_async_copy(ex_hbm.at[pl.ds(off, G2), :], xv, si),
            pltpu.make_async_copy(ev0_hbm.at[pl.ds(off, G2), :], ov, si),
            pltpu.make_async_copy(vt_hbm.at[dst_all.at[pl.ds(g * G2, G2)]],
                                  vr, si),
        )

    def issue_in(g, b):
        for cp in in_copies(g, b):
            cp.start()

    def wait_in(g, b):
        for cp in in_copies(g, b):
            cp.wait()

    def scatter_copies(b):
        sv, xv, ov = bufs[b][:3]
        ss = bufs[b][5]
        return (
            pltpu.make_async_copy(ov, agg_sh.at[sv], ss),
            pltpu.make_async_copy(xv, ssum_sh.at[sv], ss),
        )

    def compute(b):
        _, xv, ov, vr = bufs[b][:4]

        def ebody(e, _):
            exv = xv[e, :]
            for h in range(H):
                sl = pl.ds(h * 16, 16)
                ov[e, sl] = exv[h] * (ov[e, sl] + vr[e, sl])
            return 0
        lax.fori_loop(0, G2, ebody, 0)

    issue_in(0, 0)
    issue_in(1, 1)

    def pair(g2, _):
        g = g2 * 2
        for b in (0, 1):
            gb = g + b
            wait_in(gb, b)
            compute(b)
            for cp in scatter_copies(b):
                cp.start(add=True)
            for cp in scatter_copies(b):
                cp.wait()
            @pl.when(gb < NG2 - 2)
            def _():
                issue_in(gb + 2, b)
        return 0
    lax.fori_loop(0, NG2 // 2, pair, 0)
    plsc.subcore_barrier()

    @pl.when(s < 10)
    def _():
        pltpu.sync_copy(agg_sh.at[pl.ds(s * 1000, 1000), :],
                        pagg_hbm.at[c, pl.ds(s * 1000, 1000), :])
        pltpu.sync_copy(ssum_sh.at[pl.ds(s * 1000, 1000), :],
                        pssum_hbm.at[c, pl.ds(s * 1000, 1000), :])


def _run_sc2(vt, ev0, ex, ei):
    mesh = plsc.VectorSubcoreMesh(core_axis_name="c", subcore_axis_name="s")
    kern = functools.partial(
        pl.kernel,
        mesh=mesh,
        out_type=[
            jax.ShapeDtypeStruct((2, N, 16), jnp.float32),
            jax.ShapeDtypeStruct((2, N, ND), jnp.float32),
        ],
        scratch_types=[
            pltpu.VMEM((EPW,), jnp.int32),
            pltpu.VMEM((G2,), jnp.int32),
            pltpu.VMEM((G2,), jnp.int32),
            pltpu.VMEM((G2, 16), jnp.float32),
            pltpu.VMEM((G2, 16), jnp.float32),
            pltpu.VMEM((G2, ND), jnp.float32),
            pltpu.VMEM((G2, ND), jnp.float32),
            pltpu.VMEM((G2, ND), jnp.float32),
            pltpu.VMEM((G2, ND), jnp.float32),
            pltpu.VMEM((10, 128), jnp.float32),
            pltpu.VMEM((100, 16), jnp.float32),
            pltpu.VMEM_SHARED((N, ND), jnp.float32),
            pltpu.VMEM_SHARED((N, 16), jnp.float32),
            pltpu.SemaphoreType.DMA,
            pltpu.SemaphoreType.DMA,
            pltpu.SemaphoreType.DMA,
            pltpu.SemaphoreType.DMA,
        ],
        compiler_params=_SC_PARAMS,
    )(_sc2_body)
    return kern(vt, ev0, ex, ei)


def _combine_body(pagg_ref, ps_ref, emat_ref, wo_ref, wob_ref, out_ref):
    agg = pagg_ref[0] + pagg_ref[1]
    ssum = (ps_ref[0] + ps_ref[1])[:, 0:H]
    recip = 1.0 / (ssum + 1e-16)
    scl = jnp.dot(recip, emat_ref[...], preferred_element_type=jnp.float32)
    dn = (((1,), (1,)), ((), ()))
    out_ref[...] = lax.dot_general(
        agg * scl, wo_ref[...], dn, preferred_element_type=jnp.float32
    ) + wob_ref[...]


def _combine(pagg, pssum, emat, wo, wob):
    return pl.pallas_call(
        _combine_body,
        grid=(N // NB,),
        in_specs=[
            pl.BlockSpec((2, NB, ND), lambda i: (0, i, 0)),
            pl.BlockSpec((2, NB, 16), lambda i: (0, i, 0)),
            pl.BlockSpec((H, ND), lambda i: (0, 0)),
            pl.BlockSpec((ND, ND), lambda i: (0, 0)),
            pl.BlockSpec((1, ND), lambda i: (0, 0)),
        ],
        out_specs=pl.BlockSpec((NB, ND), lambda i: (i, 0)),
        out_shape=jax.ShapeDtypeStruct((N, ND), jnp.float32),
    )(pagg, pssum, emat, wo, wob)


def _blockdiag(w):
    m = jnp.zeros((ND, ND), jnp.float32)
    for h in range(H):
        m = m.at[h * 16:(h + 1) * 16, h * 16:(h + 1) * 16].set(
            w[h * 16:(h + 1) * 16, :])
    return m


def kernel(node_tensors, edge_tensors, edge_index, Wnq_w, Wnq_b, Wnk_w,
           Wnk_b, Wnv_w, Wnv_b, Weq_w, Weq_b, Wek_w, Wek_b, Wev_w, Wev_b,
           Wo_w, Wo_b):
    bq = (Wnq_b + Weq_b).reshape(1, ND)
    bk = (Wnk_b + Wek_b).reshape(1, ND)
    bv = (Wnv_b + Wev_b).reshape(1, ND)
    bkd = _blockdiag(Wek_w)
    bqd = _blockdiag(Weq_w)
    ones8 = jnp.zeros((ND, H), jnp.float32)
    for h in range(H):
        ones8 = ones8.at[h * 16:(h + 1) * 16, h].set(1.0)
    emat = ones8.T

    eye16 = jnp.eye(ED, dtype=jnp.float32)
    a, b, vt = _make_tables(node_tensors, Wnq_w, Wnk_w, Wnv_w, bkd, bqd,
                            bq, bk, bv)
    t1t, et, ev0 = _make_t1_ev0(edge_tensors, Weq_w, Wek_w, Wev_w, ones8,
                                eye16)
    ex = _run_sc1(a, b, et, t1t, edge_index)
    pssum, pagg = _run_sc2(vt, ev0, ex, edge_index)
    return _combine(pagg, pssum, emat, Wo_w, Wo_b.reshape(1, ND))

# --- scband reference (transcript-rebuilt; emitter-appended) ---
"""Pipeline reference for scband-node-multi-head-attention-51539608256 (READ-ONLY COPY).

The authoritative reference and input builder live on the scoring server;
editing this copy changes nothing except your own understanding.
"""

import jax, jax.numpy as jnp
import numpy as np
import math

N_NODES = 10000
N_EDGES = 320000
NODE_DIM = 128
EDGE_DIM = 16
N_HEADS = 8
HEAD_DIM = NODE_DIM // N_HEADS
SCALE = 1.0 / math.sqrt(HEAD_DIM)


def _mk_w(key, out_dim, in_dim):
    return jax.random.normal(key, (out_dim, in_dim), dtype=jnp.float32) * (1.0 / math.sqrt(in_dim))


def setup_inputs(seed: int = 0) -> dict:
    key = jax.random.key(seed)
    ks = jax.random.split(key, 24)
    inp = {}
    inp["node_tensors"] = jax.random.normal(ks[0], (N_NODES, NODE_DIM), dtype=jnp.float32)
    inp["edge_tensors"] = jax.random.normal(ks[1], (N_EDGES, EDGE_DIM), dtype=jnp.float32)
    inp["edge_index"] = jax.random.randint(ks[2], (2, N_EDGES), 0, N_NODES, dtype=jnp.int32)
    inp["Wnq_w"] = _mk_w(ks[3], NODE_DIM, NODE_DIM); inp["Wnq_b"] = jnp.zeros((NODE_DIM,), jnp.float32)
    inp["Wnk_w"] = _mk_w(ks[4], NODE_DIM, NODE_DIM); inp["Wnk_b"] = jnp.zeros((NODE_DIM,), jnp.float32)
    inp["Wnv_w"] = _mk_w(ks[5], NODE_DIM, NODE_DIM); inp["Wnv_b"] = jnp.zeros((NODE_DIM,), jnp.float32)
    inp["Weq_w"] = _mk_w(ks[6], NODE_DIM, EDGE_DIM); inp["Weq_b"] = jnp.zeros((NODE_DIM,), jnp.float32)
    inp["Wek_w"] = _mk_w(ks[7], NODE_DIM, EDGE_DIM); inp["Wek_b"] = jnp.zeros((NODE_DIM,), jnp.float32)
    inp["Wev_w"] = _mk_w(ks[8], NODE_DIM, EDGE_DIM); inp["Wev_b"] = jnp.zeros((NODE_DIM,), jnp.float32)
    inp["Wo_w"] = _mk_w(ks[9], NODE_DIM, NODE_DIM); inp["Wo_b"] = jnp.zeros((NODE_DIM,), jnp.float32)
    return inp


def _lin(x, w, b):
    return x @ w.T + b


def _sep(x):
    # [M, node_dim] -> [H, M, head_dim]
    return x.reshape(x.shape[0], N_HEADS, HEAD_DIM).transpose(1, 0, 2)


def reference(node_tensors, edge_tensors, edge_index, Wnq_w, Wnq_b, Wnk_w, Wnk_b, Wnv_w, Wnv_b, Weq_w, Weq_b, Wek_w, Wek_b, Wev_w, Wev_b, Wo_w, Wo_b):
    src = edge_index[0, :]
    dst = edge_index[1, :]
    eQ = _sep(_lin(edge_tensors, Weq_w, Weq_b))
    eK = _sep(_lin(edge_tensors, Wek_w, Wek_b))
    eV = _sep(_lin(edge_tensors, Wev_w, Wev_b))
    nQ = _sep(_lin(node_tensors, Wnq_w, Wnq_b))
    nK = _sep(_lin(node_tensors, Wnk_w, Wnk_b))
    nV = _sep(_lin(node_tensors, Wnv_w, Wnv_b))
    Q = eQ + nQ[:, src, :]              # [H, E, D]
    K = eK + nK[:, dst, :]              # [H, E, D]
    attn_score = (Q * K).sum(axis=-1) * SCALE   # [H, E]
    # segment softmax over edges grouped by edge_index[0]
    score = attn_score.T                # [E, H]
    smax = jax.ops.segment_max(score, src, num_segments=N_NODES)   # [N, H]
    ex = jnp.exp(score - smax[src])
    ssum = jax.ops.segment_sum(ex, src, num_segments=N_NODES)
    attn_weight = (ex / (ssum[src] + 1e-16)).T   # [H, E]
    V = eV + nV[:, dst, :]              # [H, E, D]
    weighted = attn_weight[..., None] * V        # [H, E, D]
    agg = jax.ops.segment_sum(weighted.transpose(1, 0, 2), src, num_segments=N_NODES)  # [N, H, D]
    concat = agg.reshape(N_NODES, NODE_DIM)
    out = _lin(concat, Wo_w, Wo_b)
    return out

if __name__ == "__main__":
    import jax
    _d = setup_inputs()
    print(jax.jit(kernel)(*tuple(_d.values())))

</pallas_src>

<mosaic_0001>
#map = affine_map<(d0, d1) -> (0, 0)>
module attributes {stable_mosaic.version = 14 : i64} {
  func.func @_sc1_body(%arg0: i32, %arg1: i32, %arg2: memref<10000x256xf32, #tpu.memory_space<hbm>>, %arg3: memref<10000x256xf32, #tpu.memory_space<hbm>>, %arg4: memref<16x320000xf32, #tpu.memory_space<hbm>>, %arg5: memref<8x320000xf32, #tpu.memory_space<hbm>>, %arg6: memref<2x320000xi32, #tpu.memory_space<hbm>>, %arg7: memref<320000x16xf32, #tpu.memory_space<hbm>>, %arg8: memref<10000xi32, #tpu.memory_space<vmem>>, %arg9: memref<10000xi32, #tpu.memory_space<vmem>>, %arg10: memref<80x256xf32, #tpu.memory_space<vmem>>, %arg11: memref<80x256xf32, #tpu.memory_space<vmem>>, %arg12: memref<80x256xf32, #tpu.memory_space<vmem>>, %arg13: memref<80x256xf32, #tpu.memory_space<vmem>>, %arg14: memref<16x80xf32, #tpu.memory_space<vmem>>, %arg15: memref<16x80xf32, #tpu.memory_space<vmem>>, %arg16: memref<8x80xf32, #tpu.memory_space<vmem>>, %arg17: memref<8x80xf32, #tpu.memory_space<vmem>>, %arg18: memref<80x16xf32, #tpu.memory_space<vmem>>, %arg19: memref<80x16xf32, #tpu.memory_space<vmem>>, %arg20: memref<!tpu.dma_semaphore, #tpu.memory_space<semaphore_mem>>, %arg21: memref<!tpu.dma_semaphore, #tpu.memory_space<semaphore_mem>>, %arg22: memref<!tpu.dma_semaphore, #tpu.memory_space<semaphore_mem>>, %arg23: memref<!tpu.dma_semaphore, #tpu.memory_space<semaphore_mem>>) attributes {dimension_semantics = [#tpu.dimension_semantics<core_parallel>, #tpu.dimension_semantics<subcore_parallel>], iteration_bounds = array<i64: 2, 16>, scalar_prefetch = 0 : i64, scratch_operands = 16 : i64, tpu.core_type = #tpu.core_type<sc_vector_subcore>, window_params = [{transform_indices = #map}, {transform_indices = #map}, {transform_indices = #map}, {transform_indices = #map}, {transform_indices = #map}, {transform_indices = #map}]} {
    %mul3A = arith.constant 16 : i32
    %mul3A_0 = arith.muli %arg0, %mul3A : i32
    %add3A = arith.addi %mul3A_0, %arg1 : i32
    %mul3A_1 = arith.constant 10000 : i32
    %mul3A_2 = arith.muli %add3A, %mul3A_1 : i32
    %iota3A = tpu.iota {dimensions = array<i32: 0>} : vector<16xi32>
    %run_scoped3A = arith.constant 0 : i32
    "tpu.region"() ({
      %run_scoped3A_99 = tpu.sem_alloc : memref<!tpu.dma_semaphore, #tpu.memory_space<semaphore_mem>>
      %dma_start3A_100 = tpu.memref_slice %arg6[%run_scoped3A, %mul3A_2] : memref<2x320000xi32, #tpu.memory_space<hbm>> -> memref<1x10000xi32, #tpu.memory_space<hbm>>
      %dma_start3A_101 = tpu.memref_squeeze %dma_start3A_100 : memref<1x10000xi32, #tpu.memory_space<hbm>> -> memref<10000xi32, #tpu.memory_space<hbm>>
      %dma_start3A_102 = tpu.memref_slice %arg6[%run_scoped3A, %mul3A_2] : memref<2x320000xi32, #tpu.memory_space<hbm>> -> memref<1x10000xi32, #tpu.memory_space<hbm>>
      %dma_start3A_103 = tpu.memref_squeeze %dma_start3A_102 : memref<1x10000xi32, #tpu.memory_space<hbm>> -> memref<10000xi32, #tpu.memory_space<hbm>>
      tpu.enqueue_dma source(%dma_start3A_103 : memref<10000xi32, #tpu.memory_space<hbm>>) target(%arg8 : memref<10000xi32, #tpu.memory_space<vmem>>) target_semaphore(%run_scoped3A_99 : memref<!tpu.dma_semaphore, #tpu.memory_space<semaphore_mem>>)
      %dma_wait3A_104 = tpu.memref_slice %arg6[%run_scoped3A, %mul3A_2] : memref<2x320000xi32, #tpu.memory_space<hbm>> -> memref<1x10000xi32, #tpu.memory_space<hbm>>
      %dma_wait3A_105 = tpu.memref_squeeze %dma_wait3A_104 : memref<1x10000xi32, #tpu.memory_space<hbm>> -> memref<10000xi32, #tpu.memory_space<hbm>>
      %dma_wait3A_106 = tpu.memref_slice %arg6[%run_scoped3A, %mul3A_2] : memref<2x320000xi32, #tpu.memory_space<hbm>> -> memref<1x10000xi32, #tpu.memory_space<hbm>>
      %dma_wait3A_107 = tpu.memref_squeeze %dma_wait3A_106 : memref<1x10000xi32, #tpu.memory_space<hbm>> -> memref<10000xi32, #tpu.memory_space<hbm>>
      tpu.wait_dma2 semaphore(%run_scoped3A_99 : memref<!tpu.dma_semaphore, #tpu.memory_space<semaphore_mem>>) src(%dma_wait3A_107 : memref<10000xi32, #tpu.memory_space<hbm>>) dst(%arg8 : memref<10000xi32, #tpu.memory_space<vmem>>)
      tpu.yield
    }) : () -> ()
    %run_scoped3A_3 = arith.constant 1 : i32
    "tpu.region"() ({
      %run_scoped3A_99 = tpu.sem_alloc : memref<!tpu.dma_semaphore, #tpu.memory_space<semaphore_mem>>
      %dma_start3A_100 = tpu.memref_slice %arg6[%run_scoped3A_3, %mul3A_2] : memref<2x320000xi32, #tpu.memory_space<hbm>> -> memref<1x10000xi32, #tpu.memory_space<hbm>>
      %dma_start3A_101 = tpu.memref_squeeze %dma_start3A_100 : memref<1x10000xi32, #tpu.memory_space<hbm>> -> memref<10000xi32, #tpu.memory_space<hbm>>
      %dma_start3A_102 = tpu.memref_slice %arg6[%run_scoped3A_3, %mul3A_2] : memref<2x320000xi32, #tpu.memory_space<hbm>> -> memref<1x10000xi32, #tpu.memory_space<hbm>>
      %dma_start3A_103 = tpu.memref_squeeze %dma_start3A_102 : memref<1x10000xi32, #tpu.memory_space<hbm>> -> memref<10000xi32, #tpu.memory_space<hbm>>
      tpu.enqueue_dma source(%dma_start3A_103 : memref<10000xi32, #tpu.memory_space<hbm>>) target(%arg9 : memref<10000xi32, #tpu.memory_space<vmem>>) target_semaphore(%run_scoped3A_99 : memref<!tpu.dma_semaphore, #tpu.memory_space<semaphore_mem>>)
      %dma_wait3A_104 = tpu.memref_slice %arg6[%run_scoped3A_3, %mul3A_2] : memref<2x320000xi32, #tpu.memory_space<hbm>> -> memref<1x10000xi32, #tpu.memory_space<hbm>>
      %dma_wait3A_105 = tpu.memref_squeeze %dma_wait3A_104 : memref<1x10000xi32, #tpu.memory_space<hbm>> -> memref<10000xi32, #tpu.memory_space<hbm>>
      %dma_wait3A_106 = tpu.memref_slice %arg6[%run_scoped3A_3, %mul3A_2] : memref<2x320000xi32, #tpu.memory_space<hbm>> -> memref<1x10000xi32, #tpu.memory_space<hbm>>
      %dma_wait3A_107 = tpu.memref_squeeze %dma_wait3A_106 : memref<1x10000xi32, #tpu.memory_space<hbm>> -> memref<10000xi32, #tpu.memory_space<hbm>>
      tpu.wait_dma2 semaphore(%run_scoped3A_99 : memref<!tpu.dma_semaphore, #tpu.memory_space<semaphore_mem>>) src(%dma_wait3A_107 : memref<10000xi32, #tpu.memory_space<hbm>>) dst(%arg9 : memref<10000xi32, #tpu.memory_space<vmem>>)
      tpu.yield
    }) : () -> ()
    %add3A_4 = arith.constant 0 : i32
    %add3A_5 = arith.addi %mul3A_2, %add3A_4 : i32
    %dma_start3A = arith.constant 0 : i32
    %dma_start3A_6 = tpu.memref_slice %arg4[%dma_start3A, %add3A_5] : memref<16x320000xf32, #tpu.memory_space<hbm>> -> memref<16x80xf32, #tpu.memory_space<hbm>>
    %dma_start3A_7 = arith.constant 0 : i32
    %dma_start3A_8 = tpu.memref_slice %arg4[%dma_start3A_7, %add3A_5] : memref<16x320000xf32, #tpu.memory_space<hbm>> -> memref<16x80xf32, #tpu.memory_space<hbm>>
    tpu.enqueue_dma source(%dma_start3A_8 : memref<16x80xf32, #tpu.memory_space<hbm>>) target(%arg14 : memref<16x80xf32, #tpu.memory_space<vmem>>) target_semaphore(%arg20 : memref<!tpu.dma_semaphore, #tpu.memory_space<semaphore_mem>>)
    %dma_start3A_9 = arith.constant 0 : i32
    %dma_start3A_10 = tpu.memref_slice %arg5[%dma_start3A_9, %add3A_5] : memref<8x320000xf32, #tpu.memory_space<hbm>> -> memref<8x80xf32, #tpu.memory_space<hbm>>
    %dma_start3A_11 = arith.constant 0 : i32
    %dma_start3A_12 = tpu.memref_slice %arg5[%dma_start3A_11, %add3A_5] : memref<8x320000xf32, #tpu.memory_space<hbm>> -> memref<8x80xf32, #tpu.memory_space<hbm>>
    tpu.enqueue_dma source(%dma_start3A_12 : memref<8x80xf32, #tpu.memory_space<hbm>>) target(%arg16 : memref<8x80xf32, #tpu.memory_space<vmem>>) target_semaphore(%arg20 : memref<!tpu.dma_semaphore, #tpu.memory_space<semaphore_mem>>)
    %dma_start3A_13 = arith.constant 0 : i32
    %dma_start3A_14 = tpu.memref_slice %arg8[%dma_start3A_13] : memref<10000xi32, #tpu.memory_space<vmem>> -> memref<80xi32, #tpu.memory_space<vmem>>
    %dma_start3A_15 = arith.constant 0 : i32
    %dma_start3A_16 = arith.constant 0 : i32
    %dma_start3A_17 = tpu.memref_slice %arg2[%dma_start3A_15, %dma_start3A_16] : memref<10000x256xf32, #tpu.memory_space<hbm>> -> memref<10000x256xf32, #tpu.memory_space<hbm>>
    tpu.enqueue_indirect_dma source(%dma_start3A_17 : memref<10000x256xf32, #tpu.memory_space<hbm>>) target(%arg10 : memref<80x256xf32, #tpu.memory_space<vmem>>) offsets(%dma_start3A_14 : memref<80xi32, #tpu.memory_space<vmem>>) semaphore(%arg20 : memref<!tpu.dma_semaphore, #tpu.memory_space<semaphore_mem>>)
    %dma_start3A_18 = arith.constant 0 : i32
    %dma_start3A_19 = tpu.memref_slice %arg9[%dma_start3A_18] : memref<10000xi32, #tpu.memory_space<vmem>> -> memref<80xi32, #tpu.memory_space<vmem>>
    %dma_start3A_20 = arith.constant 0 : i32
    %dma_start3A_21 = arith.constant 0 : i32
    %dma_start3A_22 = tpu.memref_slice %arg3[%dma_start3A_20, %dma_start3A_21] : memref<10000x256xf32, #tpu.memory_space<hbm>> -> memref<10000x256xf32, #tpu.memory_space<hbm>>
    tpu.enqueue_indirect_dma source(%dma_start3A_22 : memref<10000x256xf32, #tpu.memory_space<hbm>>) target(%arg12 : memref<80x256xf32, #tpu.memory_space<vmem>>) offsets(%dma_start3A_19 : memref<80xi32, #tpu.memory_space<vmem>>) semaphore(%arg20 : memref<!tpu.dma_semaphore, #tpu.memory_space<semaphore_mem>>)
    %add3A_23 = arith.constant 80 : i32
    %add3A_24 = arith.addi %mul3A_2, %add3A_23 : i32
    %dma_start3A_25 = arith.constant 0 : i32
    %dma_start3A_26 = tpu.memref_slice %arg4[%dma_start3A_25, %add3A_24] : memref<16x320000xf32, #tpu.memory_space<hbm>> -> memref<16x80xf32, #tpu.memory_space<hbm>>
    %dma_start3A_27 = arith.constant 0 : i32
    %dma_start3A_28 = tpu.memref_slice %arg4[%dma_start3A_27, %add3A_24] : memref<16x320000xf32, #tpu.memory_space<hbm>> -> memref<16x80xf32, #tpu.memory_space<hbm>>
    tpu.enqueue_dma source(%dma_start3A_28 : memref<16x80xf32, #tpu.memory_space<hbm>>) target(%arg15 : memref<16x80xf32, #tpu.memory_space<vmem>>) target_semaphore(%arg21 : memref<!tpu.dma_semaphore, #tpu.memory_space<semaphore_mem>>)
    %dma_start3A_29 = arith.constant 0 : i32
    %dma_start3A_30 = tpu.memref_slice %arg5[%dma_start3A_29, %add3A_24] : memref<8x320000xf32, #tpu.memory_space<hbm>> -> memref<8x80xf32, #tpu.memory_space<hbm>>
    %dma_start3A_31 = arith.constant 0 : i32
    %dma_start3A_32 = tpu.memref_slice %arg5[%dma_start3A_31, %add3A_24] : memref<8x320000xf32, #tpu.memory_space<hbm>> -> memref<8x80xf32, #tpu.memory_space<hbm>>
    tpu.enqueue_dma source(%dma_start3A_32 : memref<8x80xf32, #tpu.memory_space<hbm>>) target(%arg17 : memref<8x80xf32, #tpu.memory_space<vmem>>) target_semaphore(%arg21 : memref<!tpu.dma_semaphore, #tpu.memory_space<semaphore_mem>>)
    %dma_start3A_33 = arith.constant 80 : i32
    %dma_start3A_34 = tpu.memref_slice %arg8[%dma_start3A_33] : memref<10000xi32, #tpu.memory_space<vmem>> -> memref<80xi32, #tpu.memory_space<vmem>>
    %dma_start3A_35 = arith.constant 0 : i32
    %dma_start3A_36 = arith.constant 0 : i32
    %dma_start3A_37 = tpu.memref_slice %arg2[%dma_start3A_35, %dma_start3A_36] : memref<10000x256xf32, #tpu.memory_space<hbm>> -> memref<10000x256xf32, #tpu.memory_space<hbm>>
    tpu.enqueue_indirect_dma source(%dma_start3A_37 : memref<10000x256xf32, #tpu.memory_space<hbm>>) target(%arg11 : memref<80x256xf32, #tpu.memory_space<vmem>>) offsets(%dma_start3A_34 : memref<80xi32, #tpu.memory_space<vmem>>) semaphore(%arg21 : memref<!tpu.dma_semaphore, #tpu.memory_space<semaphore_mem>>)
    %dma_start3A_38 = arith.constant 80 : i32
    %dma_start3A_39 = tpu.memref_slice %arg9[%dma_start3A_38] : memref<10000xi32, #tpu.memory_space<vmem>> -> memref<80xi32, #tpu.memory_space<vmem>>
    %dma_start3A_40 = arith.constant 0 : i32
    %dma_start3A_41 = arith.constant 0 : i32
    %dma_start3A_42 = tpu.memref_slice %arg3[%dma_start3A_40, %dma_start3A_41] : memref<10000x256xf32, #tpu.memory_space<hbm>> -> memref<10000x256xf32, #tpu.memory_space<hbm>>
    tpu.enqueue_indirect_dma source(%dma_start3A_42 : memref<10000x256xf32, #tpu.memory_space<hbm>>) target(%arg13 : memref<80x256xf32, #tpu.memory_space<vmem>>) offsets(%dma_start3A_39 : memref<80xi32, #tpu.memory_space<vmem>>) semaphore(%arg21 : memref<!tpu.dma_semaphore, #tpu.memory_space<semaphore_mem>>)
    %scan3A = arith.constant 0 : i32
    %scan3A_43 = arith.constant 0 : i32
    %scan3A_44 = arith.constant 62 : i32
    %scan3A_45 = arith.addi %scan3A_43, %scan3A_44 : i32
    %scan3A_46 = arith.constant 1 : i32
    %scan3A_47 = scf.for %scan3A_99 = %scan3A_43 to %scan3A_45 step %scan3A_46 iter_args(%scan3A_100 = %scan3A) -> (i32)  : i32 {
      %mul3A_101 = arith.constant 2 : i32
      %mul3A_102 = arith.muli %scan3A_99, %mul3A_101 : i32
      %add3A_103 = arith.constant 0 : i32
      %add3A_104 = arith.addi %mul3A_102, %add3A_103 : i32
      %mul3A_105 = arith.constant 80 : i32
      %mul3A_106 = arith.muli %add3A_104, %mul3A_105 : i32
      %add3A_107 = arith.addi %mul3A_2, %mul3A_106 : i32
      %mul3A_108 = arith.constant 80 : i32
      %mul3A_109 = arith.muli %add3A_104, %mul3A_108 : i32
      %mul3A_110 = arith.constant 80 : i32
      %mul3A_111 = arith.muli %add3A_104, %mul3A_110 : i32
      %dma_wait3A_112 = arith.constant 0 : i32
      %dma_wait3A_113 = tpu.memref_slice %arg4[%dma_wait3A_112, %add3A_107] : memref<16x320000xf32, #tpu.memory_space<hbm>> -> memref<16x80xf32, #tpu.memory_space<hbm>>
      %dma_wait3A_114 = arith.constant 0 : i32
      %dma_wait3A_115 = tpu.memref_slice %arg4[%dma_wait3A_114, %add3A_107] : memref<16x320000xf32, #tpu.memory_space<hbm>> -> memref<16x80xf32, #tpu.memory_space<hbm>>
      tpu.wait_dma2 semaphore(%arg20 : memref<!tpu.dma_semaphore, #tpu.memory_space<semaphore_mem>>) src(%dma_wait3A_115 : memref<16x80xf32, #tpu.memory_space<hbm>>) dst(%arg14 : memref<16x80xf32, #tpu.memory_space<vmem>>)
      %dma_wait3A_116 = arith.constant 0 : i32
      %dma_wait3A_117 = tpu.memref_slice %arg5[%dma_wait3A_116, %add3A_107] : memref<8x320000xf32, #tpu.memory_space<hbm>> -> memref<8x80xf32, #tpu.memory_space<hbm>>
      %dma_wait3A_118 = arith.constant 0 : i32
      %dma_wait3A_119 = tpu.memref_slice %arg5[%dma_wait3A_118, %add3A_107] : memref<8x320000xf32, #tpu.memory_space<hbm>> -> memref<8x80xf32, #tpu.memory_space<hbm>>
      tpu.wait_dma2 semaphore(%arg20 : memref<!tpu.dma_semaphore, #tpu.memory_space<semaphore_mem>>) src(%dma_wait3A_119 : memref<8x80xf32, #tpu.memory_space<hbm>>) dst(%arg16 : memref<8x80xf32, #tpu.memory_space<vmem>>)
      %dma_wait3A_120 = tpu.memref_slice %arg8[%mul3A_109] : memref<10000xi32, #tpu.memory_space<vmem>> -> memref<80xi32, #tpu.memory_space<vmem>>
      %dma_wait3A_121 = arith.constant 0 : i32
      %dma_wait3A_122 = arith.constant 0 : i32
      %dma_wait3A_123 = tpu.memref_slice %arg2[%dma_wait3A_121, %dma_wait3A_122] : memref<10000x256xf32, #tpu.memory_space<hbm>> -> memref<10000x256xf32, #tpu.memory_space<hbm>>
      tpu.wait_indirect_dma semaphore(%arg20 : memref<!tpu.dma_semaphore, #tpu.memory_space<semaphore_mem>>) src(%dma_wait3A_123 : memref<10000x256xf32, #tpu.memory_space<hbm>>) dst(%arg10 : memref<80x256xf32, #tpu.memory_space<vmem>>)
      %dma_wait3A_124 = tpu.memref_slice %arg9[%mul3A_111] : memref<10000xi32, #tpu.memory_space<vmem>> -> memref<80xi32, #tpu.memory_space<vmem>>
      %dma_wait3A_125 = arith.constant 0 : i32
      %dma_wait3A_126 = arith.constant 0 : i32
      %dma_wait3A_127 = tpu.memref_slice %arg3[%dma_wait3A_125, %dma_wait3A_126] : memref<10000x256xf32, #tpu.memory_space<hbm>> -> memref<10000x256xf32, #tpu.memory_space<hbm>>
      tpu.wait_indirect_dma semaphore(%arg20 : memref<!tpu.dma_semaphore, #tpu.memory_space<semaphore_mem>>) src(%dma_wait3A_127 : memref<10000x256xf32, #tpu.memory_space<hbm>>) dst(%arg12 : memref<80x256xf32, #tpu.memory_space<vmem>>)
      %ge3A = arith.constant 2 : i32
      %ge3A_128 = arith.cmpi sge, %add3A_104, %ge3A : i32
      %convert_element_type3A = arith.extui %ge3A_128 : i1 to i32
      %cond3A = arith.constant 0 : i32
      %cond3A_129 = arith.cmpi ne, %convert_element_type3A, %cond3A : i32
      scf.if %cond3A_129 {
        %sub3A = arith.constant 2 : i32
        %sub3A_198 = arith.subi %add3A_104, %sub3A : i32
        %mul3A_199 = arith.constant 80 : i32
        %mul3A_200 = arith.muli %sub3A_198, %mul3A_199 : i32
        %add3A_201 = arith.addi %mul3A_2, %mul3A_200 : i32
        %dma_wait3A_202 = arith.constant 0 : i32
        %dma_wait3A_203 = tpu.memref_slice %arg7[%add3A_201, %dma_wait3A_202] : memref<320000x16xf32, #tpu.memory_space<hbm>> -> memref<80x16xf32, #tpu.memory_space<hbm>>
        %dma_wait3A_204 = arith.constant 0 : i32
        %dma_wait3A_205 = tpu.memref_slice %arg7[%add3A_201, %dma_wait3A_204] : memref<320000x16xf32, #tpu.memory_space<hbm>> -> memref<80x16xf32, #tpu.memory_space<hbm>>
        tpu.wait_dma2 semaphore(%arg22 : memref<!tpu.dma_semaphore, #tpu.memory_space<semaphore_mem>>) src(%arg18 : memref<80x16xf32, #tpu.memory_space<vmem>>) dst(%dma_wait3A_205 : memref<80x16xf32, #tpu.memory_space<hbm>>)
      } else {
      }
      %scan3A_130 = arith.constant 0 : i32
      %scan3A_131 = arith.constant 0 : i32
      %scan3A_132 = arith.constant 20 : i32
      %scan3A_133 = arith.addi %scan3A_131, %scan3A_132 : i32
      %scan3A_134 = arith.constant 1 : i32
      %scan3A_135 = scf.for %scan3A_198 = %scan3A_131 to %scan3A_133 step %scan3A_134 iter_args(%scan3A_199 = %scan3A_130) -> (i32)  : i32 {
        %mul3A_200 = arith.constant 4 : i32
        %mul3A_201 = arith.muli %scan3A_198, %mul3A_200 : i32
        %broadcast_in_dim3A = vector.broadcast %mul3A_201 : i32 to vector<16xi32>
        %gather3A = tpu.vector_load_idx %arg14[%iota3A, %broadcast_in_dim3A] : memref<16x80xf32, #tpu.memory_space<vmem>>[vector<16xi32>, vector<16xi32>], vector<16xf32>,
        %get3A = arith.index_cast %mul3A_201 : i32 to index
        %get3A_202 = arith.constant 0 : index
        %get3A_203 = tpu.vector_load %arg10[%get3A, %get3A_202] {strides = array<i32>} : memref<80x256xf32, #tpu.memory_space<vmem>>, vector<16xf32>,
        %get3A_204 = arith.index_cast %mul3A_201 : i32 to index
        %get3A_205 = arith.constant 0 : index
        %get3A_206 = tpu.vector_load %arg12[%get3A_204, %get3A_205] {strides = array<i32>} : memref<80x256xf32, #tpu.memory_space<vmem>>, vector<16xf32>,
        %get3A_207 = arith.index_cast %mul3A_201 : i32 to index
        %get3A_208 = arith.constant 128 : index
        %get3A_209 = tpu.vector_load %arg10[%get3A_207, %get3A_208] {strides = array<i32>} : memref<80x256xf32, #tpu.memory_space<vmem>>, vector<16xf32>,
        %get3A_210 = arith.index_cast %mul3A_201 : i32 to index
        %get3A_211 = arith.constant 128 : index
        %get3A_212 = tpu.vector_load %arg12[%get3A_210, %get3A_211] {strides = array<i32>} : memref<80x256xf32, #tpu.memory_space<vmem>>, vector<16xf32>,
        %add3A_213 = arith.addf %get3A_209, %get3A_212 : vector<16xf32>
        %mul3A_214 = arith.mulf %get3A_203, %get3A_206 : vector<16xf32>
        %mul3A_215 = arith.mulf %add3A_213, %gather3A : vector<16xf32>
        %add3A_216 = arith.addf %mul3A_214, %mul3A_215 : vector<16xf32>
        %reduce_sum3A = arith.constant true
        %reduce_sum3A_217 = vector.broadcast %reduce_sum3A : i1 to vector<16xi1>
        %reduce_sum3A_218 = tpu.scan <sum>, %add3A_216 masked %reduce_sum3A_217 : vector<16xf32>, vector<16xi1> -> vector<16xf32>
        %reduce_sum3A_219 = vector.extract %reduce_sum3A_218[15] : f32 from vector<16xf32>
        %get3A_220 = arith.index_cast %mul3A_201 : i32 to index
        %get3A_221 = arith.constant 16 : index
        %get3A_222 = tpu.vector_load %arg10[%get3A_220, %get3A_221] {strides = array<i32>} : memref<80x256xf32, #tpu.memory_space<vmem>>, vector<16xf32>,
        %get3A_223 = arith.index_cast %mul3A_201 : i32 to index
        %get3A_224 = arith.constant 16 : index
        %get3A_225 = tpu.vector_load %arg12[%get3A_223, %get3A_224] {strides = array<i32>} : memref<80x256xf32, #tpu.memory_space<vmem>>, vector<16xf32>,
        %get3A_226 = arith.index_cast %mul3A_201 : i32 to index
        %get3A_227 = arith.constant 144 : index
        %get3A_228 = tpu.vector_load %arg10[%get3A_226, %get3A_227] {strides = array<i32>} : memref<80x256xf32, #tpu.memory_space<vmem>>, vector<16xf32>,
        %get3A_229 = arith.index_cast %mul3A_201 : i32 to index
        %get3A_230 = arith.constant 144 : index
        %get3A_231 = tpu.vector_load %arg12[%get3A_229, %get3A_230] {strides = array<i32>} : memref<80x256xf32, #tpu.memory_space<vmem>>, vector<16xf32>,
        %add3A_232 = arith.addf %get3A_228, %get3A_231 : vector<16xf32>
        %mul3A_233 = arith.mulf %get3A_222, %get3A_225 : vector<16xf32>
        %mul3A_234 = arith.mulf %add3A_232, %gather3A : vector<16xf32>
        %add3A_235 = arith.addf %mul3A_233, %mul3A_234 : vector<16xf32>
        %reduce_sum3A_236 = arith.constant true
        %reduce_sum3A_237 = vector.broadcast %reduce_sum3A_236 : i1 to vector<16xi1>
        %reduce_sum3A_238 = tpu.scan <sum>, %add3A_235 masked %reduce_sum3A_237 : vector<16xf32>, vector<16xi1> -> vector<16xf32>
        %reduce_sum3A_239 = vector.extract %reduce_sum3A_238[15] : f32 from vector<16xf32>
        %get3A_240 = arith.index_cast %mul3A_201 : i32 to index
        %get3A_241 = arith.constant 32 : index
        %get3A_242 = tpu.vector_load %arg10[%get3A_240, %get3A_241] {strides = array<i32>} : memref<80x256xf32, #tpu.memory_space<vmem>>, vector<16xf32>,
        %get3A_243 = arith.index_cast %mul3A_201 : i32 to index
        %get3A_244 = arith.constant 32 : index
        %get3A_245 = tpu.vector_load %arg12[%get3A_243, %get3A_244] {strides = array<i32>} : memref<80x256xf32, #tpu.memory_space<vmem>>, vector<16xf32>,
        %get3A_246 = arith.index_cast %mul3A_201 : i32 to index
        %get3A_247 = arith.constant 160 : index
        %get3A_248 = tpu.vector_load %arg10[%get3A_246, %get3A_247] {strides = array<i32>} : memref<80x256xf32, #tpu.memory_space<vmem>>, vector<16xf32>,
        %get3A_249 = arith.index_cast %mul3A_201 : i32 to index
        %get3A_250 = arith.constant 160 : index
        %get3A_251 = tpu.vector_load %arg12[%get3A_249, %get3A_250] {strides = array<i32>} : memref<80x256xf32, #tpu.memory_space<vmem>>, vector<16xf32>,
        %add3A_252 = arith.addf %get3A_248, %get3A_251 : vector<16xf32>
        %mul3A_253 = arith.mulf %get3A_242, %get3A_245 : vector<16xf32>
        %mul3A_254 = arith.mulf %add3A_252, %gather3A : vector<16xf32>
        %add3A_255 = arith.addf %mul3A_253, %mul3A_254 : vector<16xf32>
        %reduce_sum3A_256 = arith.constant true
        %reduce_sum3A_257 = vector.broadcast %reduce_sum3A_256 : i1 to vector<16xi1>
        %reduce_sum3A_258 = tpu.scan <sum>, %add3A_255 masked %reduce_sum3A_257 : vector<16xf32>, vector<16xi1> -> vector<16xf32>
        %reduce_sum3A_259 = vector.extract %reduce_sum3A_258[15] : f32 from vector<16xf32>
        %get3A_260 = arith.index_cast %mul3A_201 : i32 to index
        %get3A_261 = arith.constant 48 : index
        %get3A_262 = tpu.vector_load %arg10[%get3A_260, %get3A_261] {strides = array<i32>} : memref<80x256xf32, #tpu.memory_space<vmem>>, vector<16xf32>,
        %get3A_263 = arith.index_cast %mul3A_201 : i32 to index
        %get3A_264 = arith.constant 48 : index
        %get3A_265 = tpu.vector_load %arg12[%get3A_263, %get3A_264] {strides = array<i32>} : memref<80x256xf32, #tpu.memory_space<vmem>>, vector<16xf32>,
        %get3A_266 = arith.index_cast %mul3A_201 : i32 to index
        %get3A_267 = arith.constant 176 : index
        %get3A_268 = tpu.vector_load %arg10[%get3A_266, %get3A_267] {strides = array<i32>} : memref<80x256xf32, #tpu.memory_space<vmem>>, vector<16xf32>,
        %get3A_269 = arith.index_cast %mul3A_201 : i32 to index
        %get3A_270 = arith.constant 176 : index
        %get3A_271 = tpu.vector_load %arg12[%get3A_269, %get3A_270] {strides = array<i32>} : memref<80x256xf32, #tpu.memory_space<vmem>>, vector<16xf32>,
        %add3A_272 = arith.addf %get3A_268, %get3A_271 : vector<16xf32>
        %mul3A_273 = arith.mulf %get3A_262, %get3A_265 : vector<16xf32>
        %mul3A_274 = arith.mulf %add3A_272, %gather3A : vector<16xf32>
        %add3A_275 = arith.addf %mul3A_273, %mul3A_274 : vector<16xf32>
        %reduce_sum3A_276 = arith.constant true
        %reduce_sum3A_277 = vector.broadcast %reduce_sum3A_276 : i1 to vector<16xi1>
        %reduce_sum3A_278 = tpu.scan <sum>, %add3A_275 masked %reduce_sum3A_277 : vector<16xf32>, vector<16xi1> -> vector<16xf32>
        %reduce_sum3A_279 = vector.extract %reduce_sum3A_278[15] : f32 from vector<16xf32>
        %get3A_280 = arith.index_cast %mul3A_201 : i32 to index
        %get3A_281 = arith.constant 64 : index
        %get3A_282 = tpu.vector_load %arg10[%get3A_280, %get3A_281] {strides = array<i32>} : memref<80x256xf32, #tpu.memory_space<vmem>>, vector<16xf32>,
        %get3A_283 = arith.index_cast %mul3A_201 : i32 to index
        %get3A_284 = arith.constant 64 : index
        %get3A_285 = tpu.vector_load %arg12[%get3A_283, %get3A_284] {strides = array<i32>} : memref<80x256xf32, #tpu.memory_space<vmem>>, vector<16xf32>,
        %get3A_286 = arith.index_cast %mul3A_201 : i32 to index
        %get3A_287 = arith.constant 192 : index
        %get3A_288 = tpu.vector_load %arg10[%get3A_286, %get3A_287] {strides = array<i32>} : memref<80x256xf32, #tpu.memory_space<vmem>>, vector<16xf32>,
        %get3A_289 = arith.index_cast %mul3A_201 : i32 to index
        %get3A_290 = arith.constant 192 : index
        %get3A_291 = tpu.vector_load %arg12[%get3A_289, %get3A_290] {strides = array<i32>} : memref<80x256xf32, #tpu.memory_space<vmem>>, vector<16xf32>,
        %add3A_292 = arith.addf %get3A_288, %get3A_291 : vector<16xf32>
        %mul3A_293 = arith.mulf %get3A_282, %get3A_285 : vector<16xf32>
        %mul3A_294 = arith.mulf %add3A_292, %gather3A : vector<16xf32>
        %add3A_295 = arith.addf %mul3A_293, %mul3A_294 : vector<16xf32>
        %reduce_sum3A_296 = arith.constant true
        %reduce_sum3A_297 = vector.broadcast %reduce_sum3A_296 : i1 to vector<16xi1>
        %reduce_sum3A_298 = tpu.scan <sum>, %add3A_295 masked %reduce_sum3A_297 : vector<16xf32>, vector<16xi1> -> vector<16xf32>
        %reduce_sum3A_299 = vector.extract %reduce_sum3A_298[15] : f32 from vector<16xf32>
        %get3A_300 = arith.index_cast %mul3A_201 : i32 to index
        %get3A_301 = arith.constant 80 : index
        %get3A_302 = tpu.vector_load %arg10[%get3A_300, %get3A_301] {strides = array<i32>} : memref<80x256xf32, #tpu.memory_space<vmem>>, vector<16xf32>,
        %get3A_303 = arith.index_cast %mul3A_201 : i32 to index
        %get3A_304 = arith.constant 80 : index
        %get3A_305 = tpu.vector_load %arg12[%get3A_303, %get3A_304] {strides = array<i32>} : memref<80x256xf32, #tpu.memory_space<vmem>>, vector<16xf32>,
        %get3A_306 = arith.index_cast %mul3A_201 : i32 to index
        %get3A_307 = arith.constant 208 : index
        %get3A_308 = tpu.vector_load %arg10[%get3A_306, %get3A_307] {strides = array<i32>} : memref<80x256xf32, #tpu.memory_space<vmem>>, vector<16xf32>,
        %get3A_309 = arith.index_cast %mul3A_201 : i32 to index
        %get3A_310 = arith.constant 208 : index
        %get3A_311 = tpu.vector_load %arg12[%get3A_309, %get3A_310] {strides = array<i32>} : memref<80x256xf32, #tpu.memory_space<vmem>>, vector<16xf32>,
        %add3A_312 = arith.addf %get3A_308, %get3A_311 : vector<16xf32>
        %mul3A_313 = arith.mulf %get3A_302, %get3A_305 : vector<16xf32>
        %mul3A_314 = arith.mulf %add3A_312, %gather3A : vector<16xf32>
        %add3A_315 = arith.addf %mul3A_313, %mul3A_314 : vector<16xf32>
        %reduce_sum3A_316 = arith.constant true
        %reduce_sum3A_317 = vector.broadcast %reduce_sum3A_316 : i1 to vector<16xi1>
        %reduce_sum3A_318 = tpu.scan <sum>, %add3A_315 masked %reduce_sum3A_317 : vector<16xf32>, vector<16xi1> -> vector<16xf32>
        %reduce_sum3A_319 = vector.extract %reduce_sum3A_318[15] : f32 from vector<16xf32>
        %get3A_320 = arith.index_cast %mul3A_201 : i32 to index
        %get3A_321 = arith.constant 96 : index
        %get3A_322 = tpu.vector_load %arg10[%get3A_320, %get3A_321] {strides = array<i32>} : memref<80x256xf32, #tpu.memory_space<vmem>>, vector<16xf32>,
        %get3A_323 = arith.index_cast %mul3A_201 : i32 to index
        %get3A_324 = arith.constant 96 : index
        %get3A_325 = tpu.vector_load %arg12[%get3A_323, %get3A_324] {strides = array<i32>} : memref<80x256xf32, #tpu.memory_space<vmem>>, vector<16xf32>,
        %get3A_326 = arith.index_cast %mul3A_201 : i32 to index
        %get3A_327 = arith.constant 224 : index
        %get3A_328 = tpu.vector_load %arg10[%get3A_326, %get3A_327] {strides = array<i32>} : memref<80x256xf32, #tpu.memory_space<vmem>>, vector<16xf32>,
        %get3A_329 = arith.index_cast %mul3A_201 : i32 to index
        %get3A_330 = arith.constant 224 : index
        %get3A_331 = tpu.vector_load %arg12[%get3A_329, %get3A_330] {strides = array<i32>} : memref<80x256xf32, #tpu.memory_space<vmem>>, vector<16xf32>,
        %add3A_332 = arith.addf %get3A_328, %get3A_331 : vector<16xf32>
        %mul3A_333 = arith.mulf %get3A_322, %get3A_325 : vector<16xf32>
        %mul3A_334 = arith.mulf %add3A_332, %gather3A : vector<16xf32>
        %add3A_335 = arith.addf %mul3A_333, %mul3A_334 : vector<16xf32>
        %reduce_sum3A_336 = arith.constant true
        %reduce_sum3A_337 = vector.broadcast %reduce_sum3A_336 : i1 to vector<16xi1>
        %reduce_sum3A_338 = tpu.scan <sum>, %add3A_335 masked %reduce_sum3A_337 : vector<16xf32>, vector<16xi1> -> vector<16xf32>
        %reduce_sum3A_339 = vector.extract %reduce_sum3A_338[15] : f32 from vector<16xf32>
        %get3A_340 = arith.index_cast %mul3A_201 : i32 to index
        %get3A_341 = arith.constant 112 : index
        %get3A_342 = tpu.vector_load %arg10[%get3A_340, %get3A_341] {strides = array<i32>} : memref<80x256xf32, #tpu.memory_space<vmem>>, vector<16xf32>,
        %get3A_343 = arith.index_cast %mul3A_201 : i32 to index
        %get3A_344 = arith.constant 112 : index
        %get3A_345 = tpu.vector_load %arg12[%get3A_343, %get3A_344] {strides = array<i32>} : memref<80x256xf32, #tpu.memory_space<vmem>>, vector<16xf32>,
        %get3A_346 = arith.index_cast %mul3A_201 : i32 to index
        %get3A_347 = arith.constant 240 : index
        %get3A_348 = tpu.vector_load %arg10[%get3A_346, %get3A_347] {strides = array<i32>} : memref<80x256xf32, #tpu.memory_space<vmem>>, vector<16xf32>,
        %get3A_349 = arith.index_cast %mul3A_201 : i32 to index
        %get3A_350 = arith.constant 240 : index
        %get3A_351 = tpu.vector_load %arg12[%get3A_349, %get3A_350] {strides = array<i32>} : memref<80x256xf32, #tpu.memory_space<vmem>>, vector<16xf32>,
        %add3A_352 = arith.addf %get3A_348, %get3A_351 : vector<16xf32>
        %mul3A_353 = arith.mulf %get3A_342, %get3A_345 : vector<16xf32>
        %mul3A_354 = arith.mulf %add3A_352, %gather3A : vector<16xf32>
        %add3A_355 = arith.addf %mul3A_353, %mul3A_354 : vector<16xf32>
        %reduce_sum3A_356 = arith.constant true
        %reduce_sum3A_357 = vector.broadcast %reduce_sum3A_356 : i1 to vector<16xi1>
        %reduce_sum3A_358 = tpu.scan <sum>, %add3A_355 masked %reduce_sum3A_357 : vector<16xf32>, vector<16xi1> -> vector<16xf32>
        %reduce_sum3A_359 = vector.extract %reduce_sum3A_358[15] : f32 from vector<16xf32>
        %broadcast_in_dim3A_360 = arith.constant 0.000000e+00 : f32
        %broadcast_in_dim3A_361 = vector.broadcast %broadcast_in_dim3A_360 : f32 to vector<16xf32>
        %eq3A = arith.constant 0 : i32
        %eq3A_362 = vector.broadcast %eq3A : i32 to vector<16xi32>
        %eq3A_363 = arith.cmpi eq, %iota3A, %eq3A_362 : vector<16xi32>
        %jit3A = arith.constant 0.000000e+00 : f32
        %broadcast_in_dim3A_364 = vector.broadcast %reduce_sum3A_219 : f32 to vector<16xf32>
        %broadcast_in_dim3A_365 = vector.broadcast %jit3A : f32 to vector<16xf32>
        %select_n3A = arith.select %eq3A_363, %broadcast_in_dim3A_364, %broadcast_in_dim3A_365 : vector<16xi1>, vector<16xf32>
        %add3A_366 = arith.addf %broadcast_in_dim3A_361, %select_n3A : vector<16xf32>
        %eq3A_367 = arith.constant 1 : i32
        %eq3A_368 = vector.broadcast %eq3A_367 : i32 to vector<16xi32>
        %eq3A_369 = arith.cmpi eq, %iota3A, %eq3A_368 : vector<16xi32>
        %jit3A_370 = arith.constant 0.000000e+00 : f32
        %broadcast_in_dim3A_371 = vector.broadcast %reduce_sum3A_239 : f32 to vector<16xf32>
        %broadcast_in_dim3A_372 = vector.broadcast %jit3A_370 : f32 to vector<16xf32>
        %select_n3A_373 = arith.select %eq3A_369, %broadcast_in_dim3A_371, %broadcast_in_dim3A_372 : vector<16xi1>, vector<16xf32>
        %add3A_374 = arith.addf %add3A_366, %select_n3A_373 : vector<16xf32>
        %eq3A_375 = arith.constant 2 : i32
        %eq3A_376 = vector.broadcast %eq3A_375 : i32 to vector<16xi32>
        %eq3A_377 = arith.cmpi eq, %iota3A, %eq3A_376 : vector<16xi32>
        %jit3A_378 = arith.constant 0.000000e+00 : f32
        %broadcast_in_dim3A_379 = vector.broadcast %reduce_sum3A_259 : f32 to vector<16xf32>
        %broadcast_in_dim3A_380 = vector.broadcast %jit3A_378 : f32 to vector<16xf32>
        %select_n3A_381 = arith.select %eq3A_377, %broadcast_in_dim3A_379, %broadcast_in_dim3A_380 : vector<16xi1>, vector<16xf32>
        %add3A_382 = arith.addf %add3A_374, %select_n3A_381 : vector<16xf32>
        %eq3A_383 = arith.constant 3 : i32
        %eq3A_384 = vector.broadcast %eq3A_383 : i32 to vector<16xi32>
        %eq3A_385 = arith.cmpi eq, %iota3A, %eq3A_384 : vector<16xi32>
        %jit3A_386 = arith.constant 0.000000e+00 : f32
        %broadcast_in_dim3A_387 = vector.broadcast %reduce_sum3A_279 : f32 to vector<16xf32>
        %broadcast_in_dim3A_388 = vector.broadcast %jit3A_386 : f32 to vector<16xf32>
        %select_n3A_389 = arith.select %eq3A_385, %broadcast_in_dim3A_387, %broadcast_in_dim3A_388 : vector<16xi1>, vector<16xf32>
        %add3A_390 = arith.addf %add3A_382, %select_n3A_389 : vector<16xf32>
        %eq3A_391 = arith.constant 4 : i32
        %eq3A_392 = vector.broadcast %eq3A_391 : i32 to vector<16xi32>
        %eq3A_393 = arith.cmpi eq, %iota3A, %eq3A_392 : vector<16xi32>
        %jit3A_394 = arith.constant 0.000000e+00 : f32
        %broadcast_in_dim3A_395 = vector.broadcast %reduce_sum3A_299 : f32 to vector<16xf32>
        %broadcast_in_dim3A_396 = vector.broadcast %jit3A_394 : f32 to vector<16xf32>
        %select_n3A_397 = arith.select %eq3A_393, %broadcast_in_dim3A_395, %broadcast_in_dim3A_396 : vector<16xi1>, vector<16xf32>
        %add3A_398 = arith.addf %add3A_390, %select_n3A_397 : vector<16xf32>
        %eq3A_399 = arith.constant 5 : i32
        %eq3A_400 = vector.broadcast %eq3A_399 : i32 to vector<16xi32>
        %eq3A_401 = arith.cmpi eq, %iota3A, %eq3A_400 : vector<16xi32>
        %jit3A_402 = arith.constant 0.000000e+00 : f32
        %broadcast_in_dim3A_403 = vector.broadcast %reduce_sum3A_319 : f32 to vector<16xf32>
        %broadcast_in_dim3A_404 = vector.broadcast %jit3A_402 : f32 to vector<16xf32>
        %select_n3A_405 = arith.select %eq3A_401, %broadcast_in_dim3A_403, %broadcast_in_dim3A_404 : vector<16xi1>, vector<16xf32>
        %add3A_406 = arith.addf %add3A_398, %select_n3A_405 : vector<16xf32>
        %eq3A_407 = arith.constant 6 : i32
        %eq3A_408 = vector.broadcast %eq3A_407 : i32 to vector<16xi32>
        %eq3A_409 = arith.cmpi eq, %iota3A, %eq3A_408 : vector<16xi32>
        %jit3A_410 = arith.constant 0.000000e+00 : f32
        %broadcast_in_dim3A_411 = vector.broadcast %reduce_sum3A_339 : f32 to vector<16xf32>
        %broadcast_in_dim3A_412 = vector.broadcast %jit3A_410 : f32 to vector<16xf32>
        %select_n3A_413 = arith.select %eq3A_409, %broadcast_in_dim3A_411, %broadcast_in_dim3A_412 : vector<16xi1>, vector<16xf32>
        %add3A_414 = arith.addf %add3A_406, %select_n3A_413 : vector<16xf32>
        %eq3A_415 = arith.constant 7 : i32
        %eq3A_416 = vector.broadcast %eq3A_415 : i32 to vector<16xi32>
        %eq3A_417 = arith.cmpi eq, %iota3A, %eq3A_416 : vector<16xi32>
        %jit3A_418 = arith.constant 0.000000e+00 : f32
        %broadcast_in_dim3A_419 = vector.broadcast %reduce_sum3A_359 : f32 to vector<16xf32>
        %broadcast_in_dim3A_420 = vector.broadcast %jit3A_418 : f32 to vector<16xf32>
        %select_n3A_421 = arith.select %eq3A_417, %broadcast_in_dim3A_419, %broadcast_in_dim3A_420 : vector<16xi1>, vector<16xf32>
        %add3A_422 = arith.addf %add3A_414, %select_n3A_421 : vector<16xf32>
        %and3A = arith.constant 7 : i32
        %and3A_423 = vector.broadcast %and3A : i32 to vector<16xi32>
        %and3A_424 = arith.andi %iota3A, %and3A_423 : vector<16xi32>
        %gather3A_425 = tpu.vector_load_idx %arg16[%and3A_424, %broadcast_in_dim3A] : memref<8x80xf32, #tpu.memory_space<vmem>>[vector<16xi32>, vector<16xi32>], vector<16xf32>,
        %add3A_426 = arith.addf %add3A_422, %gather3A_425 : vector<16xf32>
        %mul3A_427 = arith.constant 2.500000e-01 : f32
        %mul3A_428 = vector.broadcast %mul3A_427 : f32 to vector<16xf32>
        %mul3A_429 = arith.mulf %add3A_426, %mul3A_428 : vector<16xf32>
        %exp3A = math.exp %mul3A_429 : vector<16xf32>
        %swap3A = arith.index_cast %mul3A_201 : i32 to index
        %swap3A_430 = arith.constant 0 : index
        %swap3A_431 = tpu.vector_load %arg18[%swap3A, %swap3A_430] {strides = array<i32>} : memref<80x16xf32, #tpu.memory_space<vmem>>, vector<16xf32>,
        tpu.vector_store %arg18[%swap3A, %swap3A_430], %exp3A {strides = array<i32>} : memref<80x16xf32, #tpu.memory_space<vmem>>, vector<16xf32>,
        %mul3A_432 = arith.constant 4 : i32
        %mul3A_433 = arith.muli %scan3A_198, %mul3A_432 : i32
        %add3A_434 = arith.constant 1 : i32
        %add3A_435 = arith.addi %mul3A_433, %add3A_434 : i32
        %broadcast_in_dim3A_436 = vector.broadcast %add3A_435 : i32 to vector<16xi32>
        %gather3A_437 = tpu.vector_load_idx %arg14[%iota3A, %broadcast_in_dim3A_436] : memref<16x80xf32, #tpu.memory_space<vmem>>[vector<16xi32>, vector<16xi32>], vector<16xf32>,
        %get3A_438 = arith.index_cast %add3A_435 : i32 to index
        %get3A_439 = arith.constant 0 : index
        %get3A_440 = tpu.vector_load %arg10[%get3A_438, %get3A_439] {strides = array<i32>} : memref<80x256xf32, #tpu.memory_space<vmem>>, vector<16xf32>,
        %get3A_441 = arith.index_cast %add3A_435 : i32 to index
        %get3A_442 = arith.constant 0 : index
        %get3A_443 = tpu.vector_load %arg12[%get3A_441, %get3A_442] {strides = array<i32>} : memref<80x256xf32, #tpu.memory_space<vmem>>, vector<16xf32>,
        %get3A_444 = arith.index_cast %add3A_435 : i32 to index
        %get3A_445 = arith.constant 128 : index
        %get3A_446 = tpu.vector_load %arg10[%get3A_444, %get3A_445] {strides = array<i32>} : memref<80x256xf32, #tpu.memory_space<vmem>>, vector<16xf32>,
        %get3A_447 = arith.index_cast %add3A_435 : i32 to index
        %get3A_448 = arith.constant 128 : index
        %get3A_449 = tpu.vector_load %arg12[%get3A_447, %get3A_448] {strides = array<i32>} : memref<80x256xf32, #tpu.memory_space<vmem>>, vector<16xf32>,
        %add3A_450 = arith.addf %get3A_446, %get3A_449 : vector<16xf32>
        %mul3A_451 = arith.mulf %get3A_440, %get3A_443 : vector<16xf32>
        %mul3A_452 = arith.mulf %add3A_450, %gather3A_437 : vector<16xf32>
        %add3A_453 = arith.addf %mul3A_451, %mul3A_452 : vector<16xf32>
        %reduce_sum3A_454 = arith.constant true
        %reduce_sum3A_455 = vector.broadcast %reduce_sum3A_454 : i1 to vector<16xi1>
        %reduce_sum3A_456 = tpu.scan <sum>, %add3A_453 masked %reduce_sum3A_455 : vector<16xf32>, vector<16xi1> -> vector<16xf32>
        %reduce_sum3A_457 = vector.extract %reduce_sum3A_456[15] : f32 from vector<16xf32>
        %get3A_458 = arith.index_cast %add3A_435 : i32 to index
        %get3A_459 = arith.constant 16 : index
        %get3A_460 = tpu.vector_load %arg10[%get3A_458, %get3A_459] {strides = array<i32>} : memref<80x256xf32, #tpu.memory_space<vmem>>, vector<16xf32>,
        %get3A_461 = arith.index_cast %add3A_435 : i32 to index
        %get3A_462 = arith.constant 16 : index
        %get3A_463 = tpu.vector_load %arg12[%get3A_461, %get3A_462] {strides = array<i32>} : memref<80x256xf32, #tpu.memory_space<vmem>>, vector<16xf32>,
        %get3A_464 = arith.index_cast %add3A_435 : i32 to index
        %get3A_465 = arith.constant 144 : index
        %get3A_466 = tpu.vector_load %arg10[%get3A_464, %get3A_465] {strides = array<i32>} : memref<80x256xf32, #tpu.memory_space<vmem>>, vector<16xf32>,
        %get3A_467 = arith.index_cast %add3A_435 : i32 to index
        %get3A_468 = arith.constant 144 : index
        %get3A_469 = tpu.vector_load %arg12[%get3A_467, %get3A_468] {strides = array<i32>} : memref<80x256xf32, #tpu.memory_space<vmem>>, vector<16xf32>,
        %add3A_470 = arith.addf %get3A_466, %get3A_469 : vector<16xf32>
        %mul3A_471 = arith.mulf %get3A_460, %get3A_463 : vector<16xf32>
        %mul3A_472 = arith.mulf %add3A_470, %gather3A_437 : vector<16xf32>
        %add3A_473 = arith.addf %mul3A_471, %mul3A_472 : vector<16xf32>
        %reduce_sum3A_474 = arith.constant true
        %reduce_sum3A_475 = vector.broadcast %reduce_sum3A_474 : i1 to vector<16xi1>
        %reduce_sum3A_476 = tpu.scan <sum>, %add3A_473 masked %reduce_sum3A_475 : vector<16xf32>, vector<16xi1> -> vector<16xf32>
        %reduce_sum3A_477 = vector.extract %reduce_sum3A_476[15] : f32 from vector<16xf32>
        %get3A_478 = arith.index_cast %add3A_435 : i32 to index
        %get3A_479 = arith.constant 32 : index
        %get3A_480 = tpu.vector_load %arg10[%get3A_478, %get3A_479] {strides = array<i32>} : memref<80x256xf32, #tpu.memory_space<vmem>>, vector<16xf32>,
        %get3A_481 = arith.index_cast %add3A_435 : i32 to index
        %get3A_482 = arith.constant 32 : index
        %get3A_483 = tpu.vector_load %arg12[%get3A_481, %get3A_482] {strides = array<i32>} : memref<80x256xf32, #tpu.memory_space<vmem>>, vector<16xf32>,
        %get3A_484 = arith.index_cast %add3A_435 : i32 to index
        %get3A_485 = arith.constant 160 : index
        %get3A_486 = tpu.vector_load %arg10[%get3A_484, %get3A_485] {strides = array<i32>} : memref<80x256xf32, #tpu.memory_space<vmem>>, vector<16xf32>,
        %get3A_487 = arith.index_cast %add3A_435 : i32 to index
        %get3A_488 = arith.constant 160 : index
        %get3A_489 = tpu.vector_load %arg12[%get3A_487, %get3A_488] {strides = array<i32>} : memref<80x256xf32, #tpu.memory_space<vmem>>, vector<16xf32>,
        %add3A_490 = arith.addf %get3A_486, %get3A_489 : vector<16xf32>
        %mul3A_491 = arith.mulf %get3A_480, %get3A_483 : vector<16xf32>
        %mul3A_492 = arith.mulf %add3A_490, %gather3A_437 : vector<16xf32>
        %add3A_493 = arith.addf %mul3A_491, %mul3A_492 : vector<16xf32>
        %reduce_sum3A_494 = arith.constant true
        %reduce_sum3A_495 = vector.broadcast %reduce_sum3A_494 : i1 to vector<16xi1>
        %reduce_sum3A_496 = tpu.scan <sum>, %add3A_493 masked %reduce_sum3A_495 : vector<16xf32>, vector<16xi1> -> vector<16xf32>
        %reduce_sum3A_497 = vector.extract %reduce_sum3A_496[15] : f32 from vector<16xf32>
        %get3A_498 = arith.index_cast %add3A_435 : i32 to index
        %get3A_499 = arith.constant 48 : index
        %get3A_500 = tpu.vector_load %arg10[%get3A_498, %get3A_499] {strides = array<i32>} : memref<80x256xf32, #tpu.memory_space<vmem>>, vector<16xf32>,
        %get3A_501 = arith.index_cast %add3A_435 : i32 to index
        %get3A_502 = arith.constant 48 : index
        %get3A_503 = tpu.vector_load %arg12[%get3A_501, %get3A_502] {strides = array<i32>} : memref<80x256xf32, #tpu.memory_space<vmem>>, vector<16xf32>,
        %get3A_504 = arith.index_cast %add3A_435 : i32 to index
        %get3A_505 = arith.constant 176 : index
        %get3A_506 = tpu.vector_load %arg10[%get3A_504, %get3A_505] {strides = array<i32>} : memref<80x256xf32, #tpu.memory_space<vmem>>, vector<16xf32>,
        %get3A_507 = arith.index_cast %add3A_435 : i32 to index
        %get3A_508 = arith.constant 176 : index
        %get3A_509 = tpu.vector_load %arg12[%get3A_507, %get3A_508] {strides = array<i32>} : memref<80x256xf32, #tpu.memory_space<vmem>>, vector<16xf32>,
        %add3A_510 = arith.addf %get3A_506, %get3A_509 : vector<16xf32>
        %mul3A_511 = arith.mulf %get3A_500, %get3A_503 : vector<16xf32>
        %mul3A_512 = arith.mulf %add3A_510, %gather3A_437 : vector<16xf32>
        %add3A_513 = arith.addf %mul3A_511, %mul3A_512 : vector<16xf32>
        %reduce_sum3A_514 = arith.constant true
        %reduce_sum3A_515 = vector.broadcast %reduce_sum3A_514 : i1 to vector<16xi1>
        %reduce_sum3A_516 = tpu.scan <sum>, %add3A_513 masked %reduce_sum3A_515 : vector<16xf32>, vector<16xi1> -> vector<16xf32>
        %reduce_sum3A_517 = vector.extract %reduce_sum3A_516[15] : f32 from vector<16xf32>
        %get3A_518 = arith.index_cast %add3A_435 : i32 to index
        %get3A_519 = arith.constant 64 : index
        %get3A_520 = tpu.vector_load %arg10[%get3A_518, %get3A_519] {strides = array<i32>} : memref<80x256xf32, #tpu.memory_space<vmem>>, vector<16xf32>,
        %get3A_521 = arith.index_cast %add3A_435 : i32 to index
        %get3A_522 = arith.constant 64 : index
        %get3A_523 = tpu.vector_load %arg12[%get3A_521, %get3A_522] {strides = array<i32>} : memref<80x256xf32, #tpu.memory_space<vmem>>, vector<16xf32>,
        %get3A_524 = arith.index_cast %add3A_435 : i32 to index
        %get3A_525 = arith.constant 192 : index
        %get3A_526 = tpu.vector_load %arg10[%get3A_524, %get3A_525] {strides = array<i32>} : memref<80x256xf32, #tpu.memory_space<vmem>>, vector<16xf32>,
        %get3A_527 = arith.index_cast %add3A_435 : i32 to index
        %get3A_528 = arith.constant 192 : index
        %get3A_529 = tpu.vector_load %arg12[%get3A_527, %get3A_528] {strides = array<i32>} : memref<80x256xf32, #tpu.memory_space<vmem>>, vector<16xf32>,
        %add3A_530 = arith.addf %get3A_526, %get3A_529 : vector<16xf32>
        %mul3A_531 = arith.mulf %get3A_520, %get3A_523 : vector<16xf32>
        %mul3A_532 = arith.mulf %add3A_530, %gather3A_437 : vector<16xf32>
        %add3A_533 = arith.addf %mul3A_531, %mul3A_532 : vector<16xf32>
        %reduce_sum3A_534 = arith.constant true
        %reduce_sum3A_535 = vector.broadcast %reduce_sum3A_534 : i1 to vector<16xi1>
        %reduce_sum3A_536 = tpu.scan <sum>, %add3A_533 masked %reduce_sum3A_535 : vector<16xf32>, vector<16xi1> -> vector<16xf32>
        %reduce_sum3A_537 = vector.extract %reduce_sum3A_536[15] : f32 from vector<16xf32>
        %get3A_538 = arith.index_cast %add3A_435 : i32 to index
        %get3A_539 = arith.constant 80 : index
        %get3A_540 = tpu.vector_load %arg10[%get3A_538, %get3A_539] {strides = array<i32>} : memref<80x256xf32, #tpu.memory_space<vmem>>, vector<16xf32>,
        %get3A_541 = arith.index_cast %add3A_435 : i32 to index
        %get3A_542 = arith.constant 80 : index
        %get3A_543 = tpu.vector_load %arg12[%get3A_541, %get3A_542] {strides = array<i32>} : memref<80x256xf32, #tpu.memory_space<vmem>>, vector<16xf32>,
        %get3A_544 = arith.index_cast %add3A_435 : i32 to index
        %get3A_545 = arith.constant 208 : index
        %get3A_546 = tpu.vector_load %arg10[%get3A_544, %get3A_545] {strides = array<i32>} : memref<80x256xf32, #tpu.memory_space<vmem>>, vector<16xf32>,
        %get3A_547 = arith.index_cast %add3A_435 : i32 to index
        %get3A_548 = arith.constant 208 : index
        %get3A_549 = tpu.vector_load %arg12[%get3A_547, %get3A_548] {strides = array<i32>} : memref<80x256xf32, #tpu.memory_space<vmem>>, vector<16xf32>,
        %add3A_550 = arith.addf %get3A_546, %get3A_549 : vector<16xf32>
        %mul3A_551 = arith.mulf %get3A_540, %get3A_543 : vector<16xf32>
        %mul3A_552 = arith.mulf %add3A_550, %gather3A_437 : vector<16xf32>
        %add3A_553 = arith.addf %mul3A_551, %mul3A_552 : vector<16xf32>
        %reduce_sum3A_554 = arith.constant true
        %reduce_sum3A_555 = vector.broadcast %reduce_sum3A_554 : i1 to vector<16xi1>
        %reduce_sum3A_556 = tpu.scan <sum>, %add3A_553 masked %reduce_sum3A_555 : vector<16xf32>, vector<16xi1> -> vector<16xf32>
        %reduce_sum3A_557 = vector.extract %reduce_sum3A_556[15] : f32 from vector<16xf32>
        %get3A_558 = arith.index_cast %add3A_435 : i32 to index
        %get3A_559 = arith.constant 96 : index
        %get3A_560 = tpu.vector_load %arg10[%get3A_558, %get3A_559] {strides = array<i32>} : memref<80x256xf32, #tpu.memory_space<vmem>>, vector<16xf32>,
        %get3A_561 = arith.index_cast %add3A_435 : i32 to index
        %get3A_562 = arith.constant 96 : index
        %get3A_563 = tpu.vector_load %arg12[%get3A_561, %get3A_562] {strides = array<i32>} : memref<80x256xf32, #tpu.memory_space<vmem>>, vector<16xf32>,
        %get3A_564 = arith.index_cast %add3A_435 : i32 to index
        %get3A_565 = arith.constant 224 : index
        %get3A_566 = tpu.vector_load %arg10[%get3A_564, %get3A_565] {strides = array<i32>} : memref<80x256xf32, #tpu.memory_space<vmem>>, vector<16xf32>,
        %get3A_567 = arith.index_cast %add3A_435 : i32 to index
        %get3A_568 = arith.constant 224 : index
        %get3A_569 = tpu.vector_load %arg12[%get3A_567, %get3A_568] {strides = array<i32>} : memref<80x256xf32, #tpu.memory_space<vmem>>, vector<16xf32>,
        %add3A_570 = arith.addf %get3A_566, %get3A_569 : vector<16xf32>
        %mul3A_571 = arith.mulf %get3A_560, %get3A_563 : vector<16xf32>
        %mul3A_572 = arith.mulf %add3A_570, %gather3A_437 : vector<16xf32>
        %add3A_573 = arith.addf %mul3A_571, %mul3A_572 : vector<16xf32>
        %reduce_sum3A_574 = arith.constant true
        %reduce_sum3A_575 = vector.broadcast %reduce_sum3A_574 : i1 to vector<16xi1>
        %reduce_sum3A_576 = tpu.scan <sum>, %add3A_573 masked %reduce_sum3A_575 : vector<16xf32>, vector<16xi1> -> vector<16xf32>
        %reduce_sum3A_577 = vector.extract %reduce_sum3A_576[15] : f32 from vector<16xf32>
        %get3A_578 = arith.index_cast %add3A_435 : i32 to index
        %get3A_579 = arith.constant 112 : index
        %get3A_580 = tpu.vector_load %arg10[%get3A_578, %get3A_579] {strides = array<i32>} : memref<80x256xf32, #tpu.memory_space<vmem>>, vector<16xf32>,
        %get3A_581 = arith.index_cast %add3A_435 : i32 to index
        %get3A_582 = arith.constant 112 : index
        %get3A_583 = tpu.vector_load %arg12[%get3A_581, %get3A_582] {strides = array<i32>} : memref<80x256xf32, #tpu.memory_space<vmem>>, vector<16xf32>,
        %get3A_584 = arith.index_cast %add3A_435 : i32 to index
        %get3A_585 = arith.constant 240 : index
        %get3A_586 = tpu.vector_load %arg10[%get3A_584, %get3A_585] {strides = array<i32>} : memref<80x256xf32, #tpu.memory_space<vmem>>, vector<16xf32>,
        %get3A_587 = arith.index_cast %add3A_435 : i32 to index
        %get3A_588 = arith.constant 240 : index
        %get3A_589 = tpu.vector_load %arg12[%get3A_587, %get3A_588] {strides = array<i32>} : memref<80x256xf32, #tpu.memory_space<vmem>>, vector<16xf32>,
        %add3A_590 = arith.addf %get3A_586, %get3A_589 : vector<16xf32>
        %mul3A_591 = arith.mulf %get3A_580, %get3A_583 : vector<16xf32>
        %mul3A_592 = arith.mulf %add3A_590, %gather3A_437 : vector<16xf32>
        %add3A_593 = arith.addf %mul3A_591, %mul3A_592 : vector<16xf32>
        %reduce_sum3A_594 = arith.constant true
        %reduce_sum3A_595 = vector.broadcast %reduce_sum3A_594 : i1 to vector<16xi1>
        %reduce_sum3A_596 = tpu.scan <sum>, %add3A_593 masked %reduce_sum3A_595 : vector<16xf32>, vector<16xi1> -> vector<16xf32>
        %reduce_sum3A_597 = vector.extract %reduce_sum3A_596[15] : f32 from vector<16xf32>
        %broadcast_in_dim3A_598 = arith.constant 0.000000e+00 : f32
        %broadcast_in_dim3A_599 = vector.broadcast %broadcast_in_dim3A_598 : f32 to vector<16xf32>
        %eq3A_600 = arith.constant 0 : i32
        %eq3A_601 = vector.broadcast %eq3A_600 : i32 to vector<16xi32>
        %eq3A_602 = arith.cmpi eq, %iota3A, %eq3A_601 : vector<16xi32>
        %jit3A_603 = arith.constant 0.000000e+00 : f32
        %broadcast_in_dim3A_604 = vector.broadcast %reduce_sum3A_457 : f32 to vector<16xf32>
        %broadcast_in_dim3A_605 = vector.broadcast %jit3A_603 : f32 to vector<16xf32>
        %select_n3A_606 = arith.select %eq3A_602, %broadcast_in_dim3A_604, %broadcast_in_dim3A_605 : vector<16xi1>, vector<16xf32>
        %add3A_607 = arith.addf %broadcast_in_dim3A_599, %select_n3A_606 : vector<16xf32>
        %eq3A_608 = arith.constant 1 : i32
        %eq3A_609 = vector.broadcast %eq3A_608 : i32 to vector<16xi32>
        %eq3A_610 = arith.cmpi eq, %iota3A, %eq3A_609 : vector<16xi32>
        %jit3A_611 = arith.constant 0.000000e+00 : f32
        %broadcast_in_dim3A_612 = vector.broadcast %reduce_sum3A_477 : f32 to vector<16xf32>
        %broadcast_in_dim3A_613 = vector.broadcast %jit3A_611 : f32 to vector<16xf32>
        %select_n3A_614 = arith.select %eq3A_610, %broadcast_in_dim3A_612, %broadcast_in_dim3A_613 : vector<16xi1>, vector<16xf32>
        %add3A_615 = arith.addf %add3A_607, %select_n3A_614 : vector<16xf32>
        %eq3A_616 = arith.constant 2 : i32
        %eq3A_617 = vector.broadcast %eq3A_616 : i32 to vector<16xi32>
        %eq3A_618 = arith.cmpi eq, %iota3A, %eq3A_617 : vector<16xi32>
        %jit3A_619 = arith.constant 0.000000e+00 : f32
        %broadcast_in_dim3A_620 = vector.broadcast %reduce_sum3A_497 : f32 to vector<16xf32>
        %broadcast_in_dim3A_621 = vector.broadcast %jit3A_619 : f32 to vector<16xf32>
        %select_n3A_622 = arith.select %eq3A_618, %broadcast_in_dim3A_620, %broadcast_in_dim3A_621 : vector<16xi1>, vector<16xf32>
        %add3A_623 = arith.addf %add3A_615, %select_n3A_622 : vector<16xf32>
        %eq3A_624 = arith.constant 3 : i32
        %eq3A_625 = vector.broadcast %eq3A_624 : i32 to vector<16xi32>
        %eq3A_626 = arith.cmpi eq, %iota3A, %eq3A_625 : vector<16xi32>
        %jit3A_627 = arith.constant 0.000000e+00 : f32
        %broadcast_in_dim3A_628 = vector.broadcast %reduce_sum3A_517 : f32 to vector<16xf32>
        %broadcast_in_dim3A_629 = vector.broadcast %jit3A_627 : f32 to vector<16xf32>
        %select_n3A_630 = arith.select %eq3A_626, %broadcast_in_dim3A_628, %broadcast_in_dim3A_629 : vector<16xi1>, vector<16xf32>
        %add3A_631 = arith.addf %add3A_623, %select_n3A_630 : vector<16xf32>
        %eq3A_632 = arith.constant 4 : i32
        %eq3A_633 = vector.broadcast %eq3A_632 : i32 to vector<16xi32>
        %eq3A_634 = arith.cmpi eq, %iota3A, %eq3A_633 : vector<16xi32>
        %jit3A_635 = arith.constant 0.000000e+00 : f32
        %broadcast_in_dim3A_636 = vector.broadcast %reduce_sum3A_537 : f32 to vector<16xf32>
        %broadcast_in_dim3A_637 = vector.broadcast %jit3A_635 : f32 to vector<16xf32>
        %select_n3A_638 = arith.select %eq3A_634, %broadcast_in_dim3A_636, %broadcast_in_dim3A_637 : vector<16xi1>, vector<16xf32>
        %add3A_639 = arith.addf %add3A_631, %select_n3A_638 : vector<16xf32>
        %eq3A_640 = arith.constant 5 : i32
        %eq3A_641 = vector.broadcast %eq3A_640 : i32 to vector<16xi32>
        %eq3A_642 = arith.cmpi eq, %iota3A, %eq3A_641 : vector<16xi32>
        %jit3A_643 = arith.constant 0.000000e+00 : f32
        %broadcast_in_dim3A_644 = vector.broadcast %reduce_sum3A_557 : f32 to vector<16xf32>
        %broadcast_in_dim3A_645 = vector.broadcast %jit3A_643 : f32 to vector<16xf32>
        %select_n3A_646 = arith.select %eq3A_642, %broadcast_in_dim3A_644, %broadcast_in_dim3A_645 : vector<16xi1>, vector<16xf32>
        %add3A_647 = arith.addf %add3A_639, %select_n3A_646 : vector<16xf32>
        %eq3A_648 = arith.constant 6 : i32
        %eq3A_649 = vector.broadcast %eq3A_648 : i32 to vector<16xi32>
        %eq3A_650 = arith.cmpi eq, %iota3A, %eq3A_649 : vector<16xi32>
        %jit3A_651 = arith.constant 0.000000e+00 : f32
        %broadcast_in_dim3A_652 = vector.broadcast %reduce_sum3A_577 : f32 to vector<16xf32>
        %broadcast_in_dim3A_653 = vector.broadcast %jit3A_651 : f32 to vector<16xf32>
        %select_n3A_654 = arith.select %eq3A_650, %broadcast_in_dim3A_652, %broadcast_in_dim3A_653 : vector<16xi1>, vector<16xf32>
        %add3A_655 = arith.addf %add3A_647, %select_n3A_654 : vector<16xf32>
        %eq3A_656 = arith.constant 7 : i32
        %eq3A_657 = vector.broadcast %eq3A_656 : i32 to vector<16xi32>
        %eq3A_658 = arith.cmpi eq, %iota3A, %eq3A_657 : vector<16xi32>
        %jit3A_659 = arith.constant 0.000000e+00 : f32
        %broadcast_in_dim3A_660 = vector.broadcast %reduce_sum3A_597 : f32 to vector<16xf32>
        %broadcast_in_dim3A_661 = vector.broadcast %jit3A_659 : f32 to vector<16xf32>
        %select_n3A_662 = arith.select %eq3A_658, %broadcast_in_dim3A_660, %broadcast_in_dim3A_661 : vector<16xi1>, vector<16xf32>
        %add3A_663 = arith.addf %add3A_655, %select_n3A_662 : vector<16xf32>
        %and3A_664 = arith.constant 7 : i32
        %and3A_665 = vector.broadcast %and3A_664 : i32 to vector<16xi32>
        %and3A_666 = arith.andi %iota3A, %and3A_665 : vector<16xi32>
        %gather3A_667 = tpu.vector_load_idx %arg16[%and3A_666, %broadcast_in_dim3A_436] : memref<8x80xf32, #tpu.memory_space<vmem>>[vector<16xi32>, vector<16xi32>], vector<16xf32>,
        %add3A_668 = arith.addf %add3A_663, %gather3A_667 : vector<16xf32>
        %mul3A_669 = arith.constant 2.500000e-01 : f32
        %mul3A_670 = vector.broadcast %mul3A_669 : f32 to vector<16xf32>
        %mul3A_671 = arith.mulf %add3A_668, %mul3A_670 : vector<16xf32>
        %exp3A_672 = math.exp %mul3A_671 : vector<16xf32>
        %swap3A_673 = arith.index_cast %add3A_435 : i32 to index
        %swap3A_674 = arith.constant 0 : index
        %swap3A_675 = tpu.vector_load %arg18[%swap3A_673, %swap3A_674] {strides = array<i32>} : memref<80x16xf32, #tpu.memory_space<vmem>>, vector<16xf32>,
        tpu.vector_store %arg18[%swap3A_673, %swap3A_674], %exp3A_672 {strides = array<i32>} : memref<80x16xf32, #tpu.memory_space<vmem>>, vector<16xf32>,
        %mul3A_676 = arith.constant 4 : i32
        %mul3A_677 = arith.muli %scan3A_198, %mul3A_676 : i32
        %add3A_678 = arith.constant 2 : i32
        %add3A_679 = arith.addi %mul3A_677, %add3A_678 : i32
        %broadcast_in_dim3A_680 = vector.broadcast %add3A_679 : i32 to vector<16xi32>
        %gather3A_681 = tpu.vector_load_idx %arg14[%iota3A, %broadcast_in_dim3A_680] : memref<16x80xf32, #tpu.memory_space<vmem>>[vector<16xi32>, vector<16xi32>], vector<16xf32>,
        %get3A_682 = arith.index_cast %add3A_679 : i32 to index
        %get3A_683 = arith.constant 0 : index
        %get3A_684 = tpu.vector_load %arg10[%get3A_682, %get3A_683] {strides = array<i32>} : memref<80x256xf32, #tpu.memory_space<vmem>>, vector<16xf32>,
        %get3A_685 = arith.index_cast %add3A_679 : i32 to index
        %get3A_686 = arith.constant 0 : index
        %get3A_687 = tpu.vector_load %arg12[%get3A_685, %get3A_686] {strides = array<i32>} : memref<80x256xf32, #tpu.memory_space<vmem>>, vector<16xf32>,
        %get3A_688 = arith.index_cast %add3A_679 : i32 to index
        %get3A_689 = arith.constant 128 : index
        %get3A_690 = tpu.vector_load %arg10[%get3A_688, %get3A_689] {strides = array<i32>} : memref<80x256xf32, #tpu.memory_space<vmem>>, vector<16xf32>,
        %get3A_691 = arith.index_cast %add3A_679 : i32 to index
        %get3A_692 = arith.constant 128 : index
        %get3A_693 = tpu.vector_load %arg12[%get3A_691, %get3A_692] {strides = array<i32>} : memref<80x256xf32, #tpu.memory_space<vmem>>, vector<16xf32>,
        %add3A_694 = arith.addf %get3A_690, %get3A_693 : vector<16xf32>
        %mul3A_695 = arith.mulf %get3A_684, %get3A_687 : vector<16xf32>
        %mul3A_696 = arith.mulf %add3A_694, %gather3A_681 : vector<16xf32>
        %add3A_697 = arith.addf %mul3A_695, %mul3A_696 : vector<16xf32>
        %reduce_sum3A_698 = arith.constant true
        %reduce_sum3A_699 = vector.broadcast %reduce_sum3A_698 : i1 to vector<16xi1>
        %reduce_sum3A_700 = tpu.scan <sum>, %add3A_697 masked %reduce_sum3A_699 : vector<16xf32>, vector<16xi1> -> vector<16xf32>
        %reduce_sum3A_701 = vector.extract %reduce_sum3A_700[15] : f32 from vector<16xf32>
        %get3A_702 = arith.index_cast %add3A_679 : i32 to index
        %get3A_703 = arith.constant 16 : index
        %get3A_704 = tpu.vector_load %arg10[%get3A_702, %get3A_703] {strides = array<i32>} : memref<80x256xf32, #tpu.memory_space<vmem>>, vector<16xf32>,
        %get3A_705 = arith.index_cast %add3A_679 : i32 to index
        %get3A_706 = arith.constant 16 : index
        %get3A_707 = tpu.vector_load %arg12[%get3A_705, %get3A_706] {strides = array<i32>} : memref<80x256xf32, #tpu.memory_space<vmem>>, vector<16xf32>,
        %get3A_708 = arith.index_cast %add3A_679 : i32 to index
        %get3A_709 = arith.constant 144 : index
        %get3A_710 = tpu.vector_load %arg10[%get3A_708, %get3A_709] {strides = array<i32>} : memref<80x256xf32, #tpu.memory_space<vmem>>, vector<16xf32>,
        %get3A_711 = arith.index_cast %add3A_679 : i32 to index
        %get3A_712 = arith.constant 144 : index
        %get3A_713 = tpu.vector_load %arg12[%get3A_711, %get3A_712] {strides = array<i32>} : memref<80x256xf32, #tpu.memory_space<vmem>>, vector<16xf32>,
        %add3A_714 = arith.addf %get3A_710, %get3A_713 : vector<16xf32>
        %mul3A_715 = arith.mulf %get3A_704, %get3A_707 : vector<16xf32>
        %mul3A_716 = arith.mulf %add3A_714, %gather3A_681 : vector<16xf32>
        %add3A_717 = arith.addf %mul3A_715, %mul3A_716 : vector<16xf32>
        %reduce_sum3A_718 = arith.constant true
        %reduce_sum3A_719 = vector.broadcast %reduce_sum3A_718 : i1 to vector<16xi1>
        %reduce_sum3A_720 = tpu.scan <sum>, %add3A_717 masked %reduce_sum3A_719 : vector<16xf32>, vector<16xi1> -> vector<16xf32>
        %reduce_sum3A_721 = vector.extract %reduce_sum3A_720[15] : f32 from vector<16xf32>
        %get3A_722 = arith.index_cast %add3A_679 : i32 to index
        %get3A_723 = arith.constant 32 : index
        %get3A_724 = tpu.vector_load %arg10[%get3A_722, %get3A_723] {strides = array<i32>} : memref<80x256xf32, #tpu.memory_space<vmem>>, vector<16xf32>,
        %get3A_725 = arith.index_cast %add3A_679 : i32 to index
        %get3A_726 = arith.constant 32 : index
        %get3A_727 = tpu.vector_load %arg12[%get3A_725, %get3A_726] {strides = array<i32>} : memref<80x256xf32, #tpu.memory_space<vmem>>, vector<16xf32>,
        %get3A_728 = arith.index_cast %add3A_679 : i32 to index
        %get3A_729 = arith.constant 160 : index
        %get3A_730 = tpu.vector_load %arg10[%get3A_728, %get3A_729] {strides = array<i32>} : memref<80x256xf32, #tpu.memory_space<vmem>>, vector<16xf32>,
        %get3A_731 = arith.index_cast %add3A_679 : i32 to index
        %get3A_732 = arith.constant 160 : index
        %get3A_733 = tpu.vector_load %arg12[%get3A_731, %get3A_732] {strides = array<i32>} : memref<80x256xf32, #tpu.memory_space<vmem>>, vector<16xf32>,
        %add3A_734 = arith.addf %get3A_730, %get3A_733 : vector<16xf32>
        %mul3A_735 = arith.mulf %get3A_724, %get3A_727 : vector<16xf32>
        %mul3A_736 = arith.mulf %add3A_734, %gather3A_681 : vector<16xf32>
        %add3A_737 = arith.addf %mul3A_735, %mul3A_736 : vector<16xf32>
        %reduce_sum3A_738 = arith.constant true
        %reduce_sum3A_739 = vector.broadcast %reduce_sum3A_738 : i1 to vector<16xi1>
        %reduce_sum3A_740 = tpu.scan <sum>, %add3A_737 masked %reduce_sum3A_739 : vector<16xf32>, vector<16xi1> -> vector<16xf32>
        %reduce_sum3A_741 = vector.extract %reduce_sum3A_740[15] : f32 from vector<16xf32>
        %get3A_742 = arith.index_cast %add3A_679 : i32 to index
        %get3A_743 = arith.constant 48 : index
        %get3A_744 = tpu.vector_load %arg10[%get3A_742, %get3A_743] {strides = array<i32>} : memref<80x256xf32, #tpu.memory_space<vmem>>, vector<16xf32>,
        %get3A_745 = arith.index_cast %add3A_679 : i32 to index
        %get3A_746 = arith.constant 48 : index
        %get3A_747 = tpu.vector_load %arg12[%get3A_745, %get3A_746] {strides = array<i32>} : memref<80x256xf32, #tpu.memory_space<vmem>>, vector<16xf32>,
        %get3A_748 = arith.index_cast %add3A_679 : i32 to index
        %get3A_749 = arith.constant 176 : index
        %get3A_750 = tpu.vector_load %arg10[%get3A_748, %get3A_749] {strides = array<i32>} : memref<80x256xf32, #tpu.memory_space<vmem>>, vector<16xf32>,
        %get3A_751 = arith.index_cast %add3A_679 : i32 to index
        %get3A_752 = arith.constant 176 : index
        %get3A_753 = tpu.vector_load %arg12[%get3A_751, %get3A_752] {strides = array<i32>} : memref<80x256xf32, #tpu.memory_space<vmem>>, vector<16xf32>,
        %add3A_754 = arith.addf %get3A_750, %get3A_753 : vector<16xf32>
        %mul3A_755 = arith.mulf %get3A_744, %get3A_747 : vector<16xf32>
        %mul3A_756 = arith.mulf %add3A_754, %gather3A_681 : vector<16xf32>
        %add3A_757 = arith.addf %mul3A_755, %mul3A_756 : vector<16xf32>
        %reduce_sum3A_758 = arith.constant true
        %reduce_sum3A_759 = vector.broadcast %reduce_sum3A_758 : i1 to vector<16xi1>
        %reduce_sum3A_760 = tpu.scan <sum>, %add3A_757 masked %reduce_sum3A_759 : vector<16xf32>, vector<16xi1> -> vector<16xf32>
        %reduce_sum3A_761 = vector.extract %reduce_sum3A_760[15] : f32 from vector<16xf32>
        %get3A_762 = arith.index_cast %add3A_679 : i32 to index
        %get3A_763 = arith.constant 64 : index
        %get3A_764 = tpu.vector_load %arg10[%get3A_762, %get3A_763] {strides = array<i32>} : memref<80x256xf32, #tpu.memory_space<vmem>>, vector<16xf32>,
        %get3A_765 = arith.index_cast %add3A_679 : i32 to index
        %get3A_766 = arith.constant 64 : index
        %get3A_767 = tpu.vector_load %arg12[%get3A_765, %get3A_766] {strides = array<i32>} : memref<80x256xf32, #tpu.memory_space<vmem>>, vector<16xf32>,
        %get3A_768 = arith.index_cast %add3A_679 : i32 to index
        %get3A_769 = arith.constant 192 : index
        %get3A_770 = tpu.vector_load %arg10[%get3A_768, %get3A_769] {strides = array<i32>} : memref<80x256xf32, #tpu.memory_space<vmem>>, vector<16xf32>,
        %get3A_771 = arith.index_cast %add3A_679 : i32 to index
        %get3A_772 = arith.constant 192 : index
        %get3A_773 = tpu.vector_load %arg12[%get3A_771, %get3A_772] {strides = array<i32>} : memref<80x256xf32, #tpu.memory_space<vmem>>, vector<16xf32>,
        %add3A_774 = arith.addf %get3A_770, %get3A_773 : vector<16xf32>
        %mul3A_775 = arith.mulf %get3A_764, %get3A_767 : vector<16xf32>
        %mul3A_776 = arith.mulf %add3A_774, %gather3A_681 : vector<16xf32>
        %add3A_777 = arith.addf %mul3A_775, %mul3A_776 : vector<16xf32>
        %reduce_sum3A_778 = arith.constant true
        %reduce_sum3A_779 = vector.broadcast %reduce_sum3A_778 : i1 to vector<16xi1>
        %reduce_sum3A_780 = tpu.scan <sum>, %add3A_777 masked %reduce_sum3A_779 : vector<16xf32>, vector<16xi1> -> vector<16xf32>
        %reduce_sum3A_781 = vector.extract %reduce_sum3A_780[15] : f32 from vector<16xf32>
        %get3A_782 = arith.index_cast %add3A_679 : i32 to index
        %get3A_783 = arith.constant 80 : index
        %get3A_784 = tpu.vector_load %arg10[%get3A_782, %get3A_783] {strides = array<i32>} : memref<80x256xf32, #tpu.memory_space<vmem>>, vector<16xf32>,
        %get3A_785 = arith.index_cast %add3A_679 : i32 to index
        %get3A_786 = arith.constant 80 : index
        %get3A_787 = tpu.vector_load %arg12[%get3A_785, %get3A_786] {strides = array<i32>} : memref<80x256xf32, #tpu.memory_space<vmem>>, vector<16xf32>,
        %get3A_788 = arith.index_cast %add3A_679 : i32 to index
        %get3A_789 = arith.constant 208 : index
        %get3A_790 = tpu.vector_load %arg10[%get3A_788, %get3A_789] {strides = array<i32>} : memref<80x256xf32, #tpu.memory_space<vmem>>, vector<16xf32>,
        %get3A_791 = arith.index_cast %add3A_679 : i32 to index
        %get3A_792 = arith.constant 208 : index
        %get3A_793 = tpu.vector_load %arg12[%get3A_791, %get3A_792] {strides = array<i32>} : memref<80x256xf32, #tpu.memory_space<vmem>>, vector<16xf32>,
        %add3A_794 = arith.addf %get3A_790, %get3A_793 : vector<16xf32>
        %mul3A_795 = arith.mulf %get3A_784, %get3A_787 : vector<16xf32>
        %mul3A_796 = arith.mulf %add3A_794, %gather3A_681 : vector<16xf32>
        %add3A_797 = arith.addf %mul3A_795, %mul3A_796 : vector<16xf32>
        %reduce_sum3A_798 = arith.constant true
        %reduce_sum3A_799 = vector.broadcast %reduce_sum3A_798 : i1 to vector<16xi1>
        %reduce_sum3A_800 = tpu.scan <sum>, %add3A_797 masked %reduce_sum3A_799 : vector<16xf32>, vector<16xi1> -> vector<16xf32>
        %reduce_sum3A_801 = vector.extract %reduce_sum3A_800[15] : f32 from vector<16xf32>
        %get3A_802 = arith.index_cast %add3A_679 : i32 to index
        %get3A_803 = arith.constant 96 : index
        %get3A_804 = tpu.vector_load %arg10[%get3A_802, %get3A_803] {strides = array<i32>} : memref<80x256xf32, #tpu.memory_space<vmem>>, vector<16xf32>,
        %get3A_805 = arith.index_cast %add3A_679 : i32 to index
        %get3A_806 = arith.constant 96 : index
        %get3A_807 = tpu.vector_load %arg12[%get3A_805, %get3A_806] {strides = array<i32>} : memref<80x256xf32, #tpu.memory_space<vmem>>, vector<16xf32>,
        %get3A_808 = arith.index_cast %add3A_679 : i32 to index
        %get3A_809 = arith.constant 224 : index
        %get3A_810 = tpu.vector_load %arg10[%get3A_808, %get3A_809] {strides = array<i32>} : memref<80x256xf32, #tpu.memory_space<vmem>>, vector<16xf32>,
        %get3A_811 = arith.index_cast %add3A_679 : i32 to index
        %get3A_812 = arith.constant 224 : index
        %get3A_813 = tpu.vector_load %arg12[%get3A_811, %get3A_812] {strides = array<i32>} : memref<80x256xf32, #tpu.memory_space<vmem>>, vector<16xf32>,
        %add3A_814 = arith.addf %get3A_810, %get3A_813 : vector<16xf32>
        %mul3A_815 = arith.mulf %get3A_804, %get3A_807 : vector<16xf32>
        %mul3A_816 = arith.mulf %add3A_814, %gather3A_681 : vector<16xf32>
        %add3A_817 = arith.addf %mul3A_815, %mul3A_816 : vector<16xf32>
        %reduce_sum3A_818 = arith.constant true
        %reduce_sum3A_819 = vector.broadcast %reduce_sum3A_818 : i1 to vector<16xi1>
        %reduce_sum3A_820 = tpu.scan <sum>, %add3A_817 masked %reduce_sum3A_819 : vector<16xf32>, vector<16xi1> -> vector<16xf32>
        %reduce_sum3A_821 = vector.extract %reduce_sum3A_820[15] : f32 from vector<16xf32>
        %get3A_822 = arith.index_cast %add3A_679 : i32 to index
        %get3A_823 = arith.constant 112 : index
        %get3A_824 = tpu.vector_load %arg10[%get3A_822, %get3A_823] {strides = array<i32>} : memref<80x256xf32, #tpu.memory_space<vmem>>, vector<16xf32>,
        %get3A_825 = arith.index_cast %add3A_679 : i32 to index
        %get3A_826 = arith.constant 112 : index
        %get3A_827 = tpu.vector_load %arg12[%get3A_825, %get3A_826] {strides = array<i32>} : memref<80x256xf32, #tpu.memory_space<vmem>>, vector<16xf32>,
        %get3A_828 = arith.index_cast %add3A_679 : i32 to index
        %get3A_829 = arith.constant 240 : index
        %get3A_830 = tpu.vector_load %arg10[%get3A_828, %get3A_829] {strides = array<i32>} : memref<80x256xf32, #tpu.memory_space<vmem>>, vector<16xf32>,
        %get3A_831 = arith.index_cast %add3A_679 : i32 to index
        %get3A_832 = arith.constant 240 : index
        %get3A_833 = tpu.vector_load %arg12[%get3A_831, %get3A_832] {strides = array<i32>} : memref<80x256xf32, #tpu.memory_space<vmem>>, vector<16xf32>,
        %add3A_834 = arith.addf %get3A_830, %get3A_833 : vector<16xf32>
        %mul3A_835 = arith.mulf %get3A_824, %get3A_827 : vector<16xf32>
        %mul3A_836 = arith.mulf %add3A_834, %gather3A_681 : vector<16xf32>
        %add3A_837 = arith.addf %mul3A_835, %mul3A_836 : vector<16xf32>
        %reduce_sum3A_838 = arith.constant true
        %reduce_sum3A_839 = vector.broadcast %reduce_sum3A_838 : i1 to vector<16xi1>
        %reduce_sum3A_840 = tpu.scan <sum>, %add3A_837 masked %reduce_sum3A_839 : vector<16xf32>, vector<16xi1> -> vector<16xf32>
        %reduce_sum3A_841 = vector.extract %reduce_sum3A_840[15] : f32 from vector<16xf32>
        %broadcast_in_dim3A_842 = arith.constant 0.000000e+00 : f32
        %broadcast_in_dim3A_843 = vector.broadcast %broadcast_in_dim3A_842 : f32 to vector<16xf32>
        %eq3A_844 = arith.constant 0 : i32
        %eq3A_845 = vector.broadcast %eq3A_844 : i32 to vector<16xi32>
        %eq3A_846 = arith.cmpi eq, %iota3A, %eq3A_845 : vector<16xi32>
        %jit3A_847 = arith.constant 0.000000e+00 : f32
        %broadcast_in_dim3A_848 = vector.broadcast %reduce_sum3A_701 : f32 to vector<16xf32>
        %broadcast_in_dim3A_849 = vector.broadcast %jit3A_847 : f32 to vector<16xf32>
        %select_n3A_850 = arith.select %eq3A_846, %broadcast_in_dim3A_848, %broadcast_in_dim3A_849 : vector<16xi1>, vector<16xf32>
        %add3A_851 = arith.addf %broadcast_in_dim3A_843, %select_n3A_850 : vector<16xf32>
        %eq3A_852 = arith.constant 1 : i32
        %eq3A_853 = vector.broadcast %eq3A_852 : i32 to vector<16xi32>
        %eq3A_854 = arith.cmpi eq, %iota3A, %eq3A_853 : vector<16xi32>
        %jit3A_855 = arith.constant 0.000000e+00 : f32
        %broadcast_in_dim3A_856 = vector.broadcast %reduce_sum3A_721 : f32 to vector<16xf32>
        %broadcast_in_dim3A_857 = vector.broadcast %jit3A_855 : f32 to vector<16xf32>
        %select_n3A_858 = arith.select %eq3A_854, %broadcast_in_dim3A_856, %broadcast_in_dim3A_857 : vector<16xi1>, vector<16xf32>
        %add3A_859 = arith.addf %add3A_851, %select_n3A_858 : vector<16xf32>
        %eq3A_860 = arith.constant 2 : i32
        %eq3A_861 = vector.broadcast %eq3A_860 : i32 to vector<16xi32>
        %eq3A_862 = arith.cmpi eq, %iota3A, %eq3A_861 : vector<16xi32>
        %jit3A_863 = arith.constant 0.000000e+00 : f32
        %broadcast_in_dim3A_864 = vector.broadcast %reduce_sum3A_741 : f32 to vector<16xf32>
        %broadcast_in_dim3A_865 = vector.broadcast %jit3A_863 : f32 to vector<16xf32>
        %select_n3A_866 = arith.select %eq3A_862, %broadcast_in_dim3A_864, %broadcast_in_dim3A_865 : vector<16xi1>, vector<16xf32>
        %add3A_867 = arith.addf %add3A_859, %select_n3A_866 : vector<16xf32>
        %eq3A_868 = arith.constant 3 : i32
        %eq3A_869 = vector.broadcast %eq3A_868 : i32 to vector<16xi32>
        %eq3A_870 = arith.cmpi eq, %iota3A, %eq3A_869 : vector<16xi32>
        %jit3A_871 = arith.constant 0.000000e+00 : f32
        %broadcast_in_dim3A_872 = vector.broadcast %reduce_sum3A_761 : f32 to vector<16xf32>
        %broadcast_in_dim3A_873 = vector.broadcast %jit3A_871 : f32 to vector<16xf32>
        %select_n3A_874 = arith.select %eq3A_870, %broadcast_in_dim3A_872, %broadcast_in_dim3A_873 : vector<16xi1>, vector<16xf32>
        %add3A_875 = arith.addf %add3A_867, %select_n3A_874 : vector<16xf32>
        %eq3A_876 = arith.constant 4 : i32
        %eq3A_877 = vector.broadcast %eq3A_876 : i32 to vector<16xi32>
        %eq3A_878 = arith.cmpi eq, %iota3A, %eq3A_877 : vector<16xi32>
        %jit3A_879 = arith.constant 0.000000e+00 : f32
        %broadcast_in_dim3A_880 = vector.broadcast %reduce_sum3A_781 : f32 to vector<16xf32>
        %broadcast_in_dim3A_881 = vector.broadcast %jit3A_879 : f32 to vector<16xf32>
        %select_n3A_882 = arith.select %eq3A_878, %broadcast_in_dim3A_880, %broadcast_in_dim3A_881 : vector<16xi1>, vector<16xf32>
        %add3A_883 = arith.addf %add3A_875, %select_n3A_882 : vector<16xf32>
        %eq3A_884 = arith.constant 5 : i32
        %eq3A_885 = vector.broadcast %eq3A_884 : i32 to vector<16xi32>
        %eq3A_886 = arith.cmpi eq, %iota3A, %eq3A_885 : vector<16xi32>
        %jit3A_887 = arith.constant 0.000000e+00 : f32
        %broadcast_in_dim3A_888 = vector.broadcast %reduce_sum3A_801 : f32 to vector<16xf32>
        %broadcast_in_dim3A_889 = vector.broadcast %jit3A_887 : f32 to vector<16xf32>
        %select_n3A_890 = arith.select %eq3A_886, %broadcast_in_dim3A_888, %broadcast_in_dim3A_889 : vector<16xi1>, vector<16xf32>
        %add3A_891 = arith.addf %add3A_883, %select_n3A_890 : vector<16xf32>
        %eq3A_892 = arith.constant 6 : i32
        %eq3A_893 = vector.broadcast %eq3A_892 : i32 to vector<16xi32>
        %eq3A_894 = arith.cmpi eq, %iota3A, %eq3A_893 : vector<16xi32>
        %jit3A_895 = arith.constant 0.000000e+00 : f32
        %broadcast_in_dim3A_896 = vector.broadcast %reduce_sum3A_821 : f32 to vector<16xf32>
        %broadcast_in_dim3A_897 = vector.broadcast %jit3A_895 : f32 to vector<16xf32>
        %select_n3A_898 = arith.select %eq3A_894, %broadcast_in_dim3A_896, %broadcast_in_dim3A_897 : vector<16xi1>, vector<16xf32>
        %add3A_899 = arith.addf %add3A_891, %select_n3A_898 : vector<16xf32>
        %eq3A_900 = arith.constant 7 : i32
        %eq3A_901 = vector.broadcast %eq3A_900 : i32 to vector<16xi32>
        %eq3A_902 = arith.cmpi eq, %iota3A, %eq3A_901 : vector<16xi32>
        %jit3A_903 = arith.constant 0.000000e+00 : f32
        %broadcast_in_dim3A_904 = vector.broadcast %reduce_sum3A_841 : f32 to vector<16xf32>
        %broadcast_in_dim3A_905 = vector.broadcast %jit3A_903 : f32 to vector<16xf32>
        %select_n3A_906 = arith.select %eq3A_902, %broadcast_in_dim3A_904, %broadcast_in_dim3A_905 : vector<16xi1>, vector<16xf32>
        %add3A_907 = arith.addf %add3A_899, %select_n3A_906 : vector<16xf32>
        %and3A_908 = arith.constant 7 : i32
        %and3A_909 = vector.broadcast %and3A_908 : i32 to vector<16xi32>
        %and3A_910 = arith.andi %iota3A, %and3A_909 : vector<16xi32>
        %gather3A_911 = tpu.vector_load_idx %arg16[%and3A_910, %broadcast_in_dim3A_680] : memref<8x80xf32, #tpu.memory_space<vmem>>[vector<16xi32>, vector<16xi32>], vector<16xf32>,
        %add3A_912 = arith.addf %add3A_907, %gather3A_911 : vector<16xf32>
        %mul3A_913 = arith.constant 2.500000e-01 : f32
        %mul3A_914 = vector.broadcast %mul3A_913 : f32 to vector<16xf32>
        %mul3A_915 = arith.mulf %add3A_912, %mul3A_914 : vector<16xf32>
        %exp3A_916 = math.exp %mul3A_915 : vector<16xf32>
        %swap3A_917 = arith.index_cast %add3A_679 : i32 to index
        %swap3A_918 = arith.constant 0 : index
        %swap3A_919 = tpu.vector_load %arg18[%swap3A_917, %swap3A_918] {strides = array<i32>} : memref<80x16xf32, #tpu.memory_space<vmem>>, vector<16xf32>,
        tpu.vector_store %arg18[%swap3A_917, %swap3A_918], %exp3A_916 {strides = array<i32>} : memref<80x16xf32, #tpu.memory_space<vmem>>, vector<16xf32>,
        %mul3A_920 = arith.constant 4 : i32
        %mul3A_921 = arith.muli %scan3A_198, %mul3A_920 : i32
        %add3A_922 = arith.constant 3 : i32
        %add3A_923 = arith.addi %mul3A_921, %add3A_922 : i32
        %broadcast_in_dim3A_924 = vector.broadcast %add3A_923 : i32 to vector<16xi32>
        %gather3A_925 = tpu.vector_load_idx %arg14[%iota3A, %broadcast_in_dim3A_924] : memref<16x80xf32, #tpu.memory_space<vmem>>[vector<16xi32>, vector<16xi32>], vector<16xf32>,
        %get3A_926 = arith.index_cast %add3A_923 : i32 to index
        %get3A_927 = arith.constant 0 : index
        %get3A_928 = tpu.vector_load %arg10[%get3A_926, %get3A_927] {strides = array<i32>} : memref<80x256xf32, #tpu.memory_space<vmem>>, vector<16xf32>,
        %get3A_929 = arith.index_cast %add3A_923 : i32 to index
        %get3A_930 = arith.constant 0 : index
        %get3A_931 = tpu.vector_load %arg12[%get3A_929, %get3A_930] {strides = array<i32>} : memref<80x256xf32, #tpu.memory_space<vmem>>, vector<16xf32>,
        %get3A_932 = arith.index_cast %add3A_923 : i32 to index
        %get3A_933 = arith.constant 128 : index
        %get3A_934 = tpu.vector_load %arg10[%get3A_932, %get3A_933] {strides = array<i32>} : memref<80x256xf32, #tpu.memory_space<vmem>>, vector<16xf32>,
        %get3A_935 = arith.index_cast %add3A_923 : i32 to index
        %get3A_936 = arith.constant 128 : index
        %get3A_937 = tpu.vector_load %arg12[%get3A_935, %get3A_936] {strides = array<i32>} : memref<80x256xf32, #tpu.memory_space<vmem>>, vector<16xf32>,
        %add3A_938 = arith.addf %get3A_934, %get3A_937 : vector<16xf32>
        %mul3A_939 = arith.mulf %get3A_928, %get3A_931 : vector<16xf32>
        %mul3A_940 = arith.mulf %add3A_938, %gather3A_925 : vector<16xf32>
        %add3A_941 = arith.addf %mul3A_939, %mul3A_940 : vector<16xf32>
        %reduce_sum3A_942 = arith.constant true
        %reduce_sum3A_943 = vector.broadcast %reduce_sum3A_942 : i1 to vector<16xi1>
        %reduce_sum3A_944 = tpu.scan <sum>, %add3A_941 masked %reduce_sum3A_943 : vector<16xf32>, vector<16xi1> -> vector<16xf32>
        %reduce_sum3A_945 = vector.extract %reduce_sum3A_944[15] : f32 from vector<16xf32>
        %get3A_946 = arith.index_cast %add3A_923 : i32 to index
        %get3A_947 = arith.constant 16 : index
        %get3A_948 = tpu.vector_load %arg10[%get3A_946, %get3A_947] {strides = array<i32>} : memref<80x256xf32, #tpu.memory_space<vmem>>, vector<16xf32>,
        %get3A_949 = arith.index_cast %add3A_923 : i32 to index
        %get3A_950 = arith.constant 16 : index
        %get3A_951 = tpu.vector_load %arg12[%get3A_949, %get3A_950] {strides = array<i32>} : memref<80x256xf32, #tpu.memory_space<vmem>>, vector<16xf32>,
        %get3A_952 = arith.index_cast %add3A_923 : i32 to index
        %get3A_953 = arith.constant 144 : index
        %get3A_954 = tpu.vector_load %arg10[%get3A_952, %get3A_953] {strides = array<i32>} : memref<80x256xf32, #tpu.memory_space<vmem>>, vector<16xf32>,
        %get3A_955 = arith.index_cast %add3A_923 : i32 to index
        %get3A_956 = arith.constant 144 : index
        %get3A_957 = tpu.vector_load %arg12[%get3A_955, %get3A_956] {strides = array<i32>} : memref<80x256xf32, #tpu.memory_space<vmem>>, vector<16xf32>,
        %add3A_958 = arith.addf %get3A_954, %get3A_957 : vector<16xf32>
        %mul3A_959 = arith.mulf %get3A_948, %get3A_951 : vector<16xf32>
        %mul3A_960 = arith.mulf %add3A_958, %gather3A_925 : vector<16xf32>
        %add3A_961 = arith.addf %mul3A_959, %mul3A_960 : vector<16xf32>
        %reduce_sum3A_962 = arith.constant true
        %reduce_sum3A_963 = vector.broadcast %reduce_sum3A_962 : i1 to vector<16xi1>
        %reduce_sum3A_964 = tpu.scan <sum>, %add3A_961 masked %reduce_sum3A_963 : vector<16xf32>, vector<16xi1> -> vector<16xf32>
        %reduce_sum3A_965 = vector.extract %reduce_sum3A_964[15] : f32 from vector<16xf32>
        %get3A_966 = arith.index_cast %add3A_923 : i32 to index
        %get3A_967 = arith.constant 32 : index
        %get3A_968 = tpu.vector_load %arg10[%get3A_966, %get3A_967] {strides = array<i32>} : memref<80x256xf32, #tpu.memory_space<vmem>>, vector<16xf32>,
        %get3A_969 = arith.index_cast %add3A_923 : i32 to index
        %get3A_970 = arith.constant 32 : index
        %get3A_971 = tpu.vector_load %arg12[%get3A_969, %get3A_970] {strides = array<i32>} : memref<80x256xf32, #tpu.memory_space<vmem>>, vector<16xf32>,
        %get3A_972 = arith.index_cast %add3A_923 : i32 to index
        %get3A_973 = arith.constant 160 : index
        %get3A_974 = tpu.vector_load %arg10[%get3A_972, %get3A_973] {strides = array<i32>} : memref<80x256xf32, #tpu.memory_space<vmem>>, vector<16xf32>,
        %get3A_975 = arith.index_cast %add3A_923 : i32 to index
        %get3A_976 = arith.constant 160 : index
        %get3A_977 = tpu.vector_load %arg12[%get3A_975, %get3A_976] {strides = array<i32>} : memref<80x256xf32, #tpu.memory_space<vmem>>, vector<16xf32>,
        %add3A_978 = arith.addf %get3A_974, %get3A_977 : vector<16xf32>
        %mul3A_979 = arith.mulf %get3A_968, %get3A_971 : vector<16xf32>
        %mul3A_980 = arith.mulf %add3A_978, %gather3A_925 : vector<16xf32>
        %add3A_981 = arith.addf %mul3A_979, %mul3A_980 : vector<16xf32>
        %reduce_sum3A_982 = arith.constant true
        %reduce_sum3A_983 = vector.broadcast %reduce_sum3A_982 : i1 to vector<16xi1>
        %reduce_sum3A_984 = tpu.scan <sum>, %add3A_981 masked %reduce_sum3A_983 : vector<16xf32>, vector<16xi1> -> vector<16xf32>
        %reduce_sum3A_985 = vector.extract %reduce_sum3A_984[15] : f32 from vector<16xf32>
        %get3A_986 = arith.index_cast %add3A_923 : i32 to index
        %get3A_987 = arith.constant 48 : index
        %get3A_988 = tpu.vector_load %arg10[%get3A_986, %get3A_987] {strides = array<i32>} : memref<80x256xf32, #tpu.memory_space<vmem>>, vector<16xf32>,
        %get3A_989 = arith.index_cast %add3A_923 : i32 to index
        %get3A_990 = arith.constant 48 : index
        %get3A_991 = tpu.vector_load %arg12[%get3A_989, %get3A_990] {strides = array<i32>} : memref<80x256xf32, #tpu.memory_space<vmem>>, vector<16xf32>,
        %get3A_992 = arith.index_cast %add3A_923 : i32 to index
        %get3A_993 = arith.constant 176 : index
        %get3A_994 = tpu.vector_load %arg10[%get3A_992, %get3A_993] {strides = array<i32>} : memref<80x256xf32, #tpu.memory_space<vmem>>, vector<16xf32>,
        %get3A_995 = arith.index_cast %add3A_923 : i32 to index
        %get3A_996 = arith.constant 176 : index
        %get3A_997 = tpu.vector_load %arg12[%get3A_995, %get3A_996] {strides = array<i32>} : memref<80x256xf32, #tpu.memory_space<vmem>>, vector<16xf32>,
        %add3A_998 = arith.addf %get3A_994, %get3A_997 : vector<16xf32>
        %mul3A_999 = arith.mulf %get3A_988, %get3A_991 : vector<16xf32>
        %mul3A_1000 = arith.mulf %add3A_998, %gather3A_925 : vector<16xf32>
        %add3A_1001 = arith.addf %mul3A_999, %mul3A_1000 : vector<16xf32>
        %reduce_sum3A_1002 = arith.constant true
        %reduce_sum3A_1003 = vector.broadcast %reduce_sum3A_1002 : i1 to vector<16xi1>
        %reduce_sum3A_1004 = tpu.scan <sum>, %add3A_1001 masked %reduce_sum3A_1003 : vector<16xf32>, vector<16xi1> -> vector<16xf32>
        %reduce_sum3A_1005 = vector.extract %reduce_sum3A_1004[15] : f32 from vector<16xf32>
        %get3A_1006 = arith.index_cast %add3A_923 : i32 to index
        %get3A_1007 = arith.constant 64 : index
        %get3A_1008 = tpu.vector_load %arg10[%get3A_1006, %get3A_1007] {strides = array<i32>} : memref<80x256xf32, #tpu.memory_space<vmem>>, vector<16xf32>,
        %get3A_1009 = arith.index_cast %add3A_923 : i32 to index
        %get3A_1010 = arith.constant 64 : index
        %get3A_1011 = tpu.vector_load %arg12[%get3A_1009, %get3A_1010] {strides = array<i32>} : memref<80x256xf32, #tpu.memory_space<vmem>>, vector<16xf32>,
        %get3A_1012 = arith.index_cast %add3A_923 : i32 to index
        %get3A_1013 = arith.constant 192 : index
        %get3A_1014 = tpu.vector_load %arg10[%get3A_1012, %get3A_1013] {strides = array<i32>} : memref<80x256xf32, #tpu.memory_space<vmem>>, vector<16xf32>,
        %get3A_1015 = arith.index_cast %add3A_923 : i32 to index
        %get3A_1016 = arith.constant 192 : index
        %get3A_1017 = tpu.vector_load %arg12[%get3A_1015, %get3A_1016] {strides = array<i32>} : memref<80x256xf32, #tpu.memory_space<vmem>>, vector<16xf32>,
        %add3A_1018 = arith.addf %get3A_1014, %get3A_1017 : vector<16xf32>
        %mul3A_1019 = arith.mulf %get3A_1008, %get3A_1011 : vector<16xf32>
        %mul3A_1020 = arith.mulf %add3A_1018, %gather3A_925 : vector<16xf32>
        %add3A_1021 = arith.addf %mul3A_1019, %mul3A_1020 : vector<16xf32>
        %reduce_sum3A_1022 = arith.constant true
        %reduce_sum3A_1023 = vector.broadcast %reduce_sum3A_1022 : i1 to vector<16xi1>
        %reduce_sum3A_1024 = tpu.scan <sum>, %add3A_1021 masked %reduce_sum3A_1023 : vector<16xf32>, vector<16xi1> -> vector<16xf32>
        %reduce_sum3A_1025 = vector.extract %reduce_sum3A_1024[15] : f32 from vector<16xf32>
        %get3A_1026 = arith.index_cast %add3A_923 : i32 to index
        %get3A_1027 = arith.constant 80 : index
        %get3A_1028 = tpu.vector_load %arg10[%get3A_1026, %get3A_1027] {strides = array<i32>} : memref<80x256xf32, #tpu.memory_space<vmem>>, vector<16xf32>,
        %get3A_1029 = arith.index_cast %add3A_923 : i32 to index
        %get3A_1030 = arith.constant 80 : index
        %get3A_1031 = tpu.vector_load %arg12[%get3A_1029, %get3A_1030] {strides = array<i32>} : memref<80x256xf32, #tpu.memory_space<vmem>>, vector<16xf32>,
        %get3A_1032 = arith.index_cast %add3A_923 : i32 to index
        %get3A_1033 = arith.constant 208 : index
        %get3A_1034 = tpu.vector_load %arg10[%get3A_1032, %get3A_1033] {strides = array<i32>} : memref<80x256xf32, #tpu.memory_space<vmem>>, vector<16xf32>,
        %get3A_1035 = arith.index_cast %add3A_923 : i32 to index
        %get3A_1036 = arith.constant 208 : index
        %get3A_1037 = tpu.vector_load %arg12[%get3A_1035, %get3A_1036] {strides = array<i32>} : memref<80x256xf32, #tpu.memory_space<vmem>>, vector<16xf32>,
        %add3A_1038 = arith.addf %get3A_1034, %get3A_1037 : vector<16xf32>
        %mul3A_1039 = arith.mulf %get3A_1028, %get3A_1031 : vector<16xf32>
        %mul3A_1040 = arith.mulf %add3A_1038, %gather3A_925 : vector<16xf32>
        %add3A_1041 = arith.addf %mul3A_1039, %mul3A_1040 : vector<16xf32>
        %reduce_sum3A_1042 = arith.constant true
        %reduce_sum3A_1043 = vector.broadcast %reduce_sum3A_1042 : i1 to vector<16xi1>
        %reduce_sum3A_1044 = tpu.scan <sum>, %add3A_1041 masked %reduce_sum3A_1043 : vector<16xf32>, vector<16xi1> -> vector<16xf32>
        %reduce_sum3A_1045 = vector.extract %reduce_sum3A_1044[15] : f32 from vector<16xf32>
        %get3A_1046 = arith.index_cast %add3A_923 : i32 to index
        %get3A_1047 = arith.constant 96 : index
        %get3A_1048 = tpu.vector_load %arg10[%get3A_1046, %get3A_1047] {strides = array<i32>} : memref<80x256xf32, #tpu.memory_space<vmem>>, vector<16xf32>,
        %get3A_1049 = arith.index_cast %add3A_923 : i32 to index
        %get3A_1050 = arith.constant 96 : index
        %get3A_1051 = tpu.vector_load %arg12[%get3A_1049, %get3A_1050] {strides = array<i32>} : memref<80x256xf32, #tpu.memory_space<vmem>>, vector<16xf32>,
        %get3A_1052 = arith.index_cast %add3A_923 : i32 to index
        %get3A_1053 = arith.constant 224 : index
        %get3A_1054 = tpu.vector_load %arg10[%get3A_1052, %get3A_1053] {strides = array<i32>} : memref<80x256xf32, #tpu.memory_space<vmem>>, vector<16xf32>,
        %get3A_1055 = arith.index_cast %add3A_923 : i32 to index
        %get3A_1056 = arith.constant 224 : index
        %get3A_1057 = tpu.vector_load %arg12[%get3A_1055, %get3A_1056] {strides = array<i32>} : memref<80x256xf32, #tpu.memory_space<vmem>>, vector<16xf32>,
        %add3A_1058 = arith.addf %get3A_1054, %get3A_1057 : vector<16xf32>
        %mul3A_1059 = arith.mulf %get3A_1048, %get3A_1051 : vector<16xf32>
        %mul3A_1060 = arith.mulf %add3A_1058, %gather3A_925 : vector<16xf32>
        %add3A_1061 = arith.addf %mul3A_1059, %mul3A_1060 : vector<16xf32>
        %reduce_sum3A_1062 = arith.constant true
        %reduce_sum3A_1063 = vector.broadcast %reduce_sum3A_1062 : i1 to vector<16xi1>
        %reduce_sum3A_1064 = tpu.scan <sum>, %add3A_1061 masked %reduce_sum3A_1063 : vector<16xf32>, vector<16xi1> -> vector<16xf32>
        %reduce_sum3A_1065 = vector.extract %reduce_sum3A_1064[15] : f32 from vector<16xf32>
        %get3A_1066 = arith.index_cast %add3A_923 : i32 to index
        %get3A_1067 = arith.constant 112 : index
        %get3A_1068 = tpu.vector_load %arg10[%get3A_1066, %get3A_1067] {strides = array<i32>} : memref<80x256xf32, #tpu.memory_space<vmem>>, vector<16xf32>,
        %get3A_1069 = arith.index_cast %add3A_923 : i32 to index
        %get3A_1070 = arith.constant 112 : index
        %get3A_1071 = tpu.vector_load %arg12[%get3A_1069, %get3A_1070] {strides = array<i32>} : memref<80x256xf32, #tpu.memory_space<vmem>>, vector<16xf32>,
        %get3A_1072 = arith.index_cast %add3A_923 : i32 to index
        %get3A_1073 = arith.constant 240 : index
        %get3A_1074 = tpu.vector_load %arg10[%get3A_1072, %get3A_1073] {strides = array<i32>} : memref<80x256xf32, #tpu.memory_space<vmem>>, vector<16xf32>,
        %get3A_1075 = arith.index_cast %add3A_923 : i32 to index
        %get3A_1076 = arith.constant 240 : index
        %get3A_1077 = tpu.vector_load %arg12[%get3A_1075, %get3A_1076] {strides = array<i32>} : memref<80x256xf32, #tpu.memory_space<vmem>>, vector<16xf32>,
        %add3A_1078 = arith.addf %get3A_1074, %get3A_1077 : vector<16xf32>
        %mul3A_1079 = arith.mulf %get3A_1068, %get3A_1071 : vector<16xf32>
        %mul3A_1080 = arith.mulf %add3A_1078, %gather3A_925 : vector<16xf32>
        %add3A_1081 = arith.addf %mul3A_1079, %mul3A_1080 : vector<16xf32>
        %reduce_sum3A_1082 = arith.constant true
        %reduce_sum3A_1083 = vector.broadcast %reduce_sum3A_1082 : i1 to vector<16xi1>
        %reduce_sum3A_1084 = tpu.scan <sum>, %add3A_1081 masked %reduce_sum3A_1083 : vector<16xf32>, vector<16xi1> -> vector<16xf32>
        %reduce_sum3A_1085 = vector.extract %reduce_sum3A_1084[15] : f32 from vector<16xf32>
        %broadcast_in_dim3A_1086 = arith.constant 0.000000e+00 : f32
        %broadcast_in_dim3A_1087 = vector.broadcast %broadcast_in_dim3A_1086 : f32 to vector<16xf32>
        %eq3A_1088 = arith.constant 0 : i32
        %eq3A_1089 = vector.broadcast %eq3A_1088 : i32 to vector<16xi32>
        %eq3A_1090 = arith.cmpi eq, %iota3A, %eq3A_1089 : vector<16xi32>
        %jit3A_1091 = arith.constant 0.000000e+00 : f32
        %broadcast_in_dim3A_1092 = vector.broadcast %reduce_sum3A_945 : f32 to vector<16xf32>
        %broadcast_in_dim3A_1093 = vector.broadcast %jit3A_1091 : f32 to vector<16xf32>
        %select_n3A_1094 = arith.select %eq3A_1090, %broadcast_in_dim3A_1092, %broadcast_in_dim3A_1093 : vector<16xi1>, vector<16xf32>
        %add3A_1095 = arith.addf %broadcast_in_dim3A_1087, %select_n3A_1094 : vector<16xf32>
        %eq3A_1096 = arith.constant 1 : i32
        %eq3A_1097 = vector.broadcast %eq3A_1096 : i32 to vector<16xi32>
        %eq3A_1098 = arith.cmpi eq, %iota3A, %eq3A_1097 : vector<16xi32>
        %jit3A_1099 = arith.constant 0.000000e+00 : f32
        %broadcast_in_dim3A_1100 = vector.broadcast %reduce_sum3A_965 : f32 to vector<16xf32>
        %broadcast_in_dim3A_1101 = vector.broadcast %jit3A_1099 : f32 to vector<16xf32>
        %select_n3A_1102 = arith.select %eq3A_1098, %broadcast_in_dim3A_1100, %broadcast_in_dim3A_1101 : vector<16xi1>, vector<16xf32>
        %add3A_1103 = arith.addf %add3A_1095, %select_n3A_1102 : vector<16xf32>
        %eq3A_1104 = arith.constant 2 : i32
        %eq3A_1105 = vector.broadcast %eq3A_1104 : i32 to vector<16xi32>
        %eq3A_1106 = arith.cmpi eq, %iota3A, %eq3A_1105 : vector<16xi32>
        %jit3A_1107 = arith.constant 0.000000e+00 : f32
        %broadcast_in_dim3A_1108 = vector.broadcast %reduce_sum3A_985 : f32 to vector<16xf32>
        %broadcast_in_dim3A_1109 = vector.broadcast %jit3A_1107 : f32 to vector<16xf32>
        %select_n3A_1110 = arith.select %eq3A_1106, %broadcast_in_dim3A_1108, %broadcast_in_dim3A_1109 : vector<16xi1>, vector<16xf32>
        %add3A_1111 = arith.addf %add3A_1103, %select_n3A_1110 : vector<16xf32>
        %eq3A_1112 = arith.constant 3 : i32
        %eq3A_1113 = vector.broadcast %eq3A_1112 : i32 to vector<16xi32>
        %eq3A_1114 = arith.cmpi eq, %iota3A, %eq3A_1113 : vector<16xi32>
        %jit3A_1115 = arith.constant 0.000000e+00 : f32
        %broadcast_in_dim3A_1116 = vector.broadcast %reduce_sum3A_1005 : f32 to vector<16xf32>
        %broadcast_in_dim3A_1117 = vector.broadcast %jit3A_1115 : f32 to vector<16xf32>
        %select_n3A_1118 = arith.select %eq3A_1114, %broadcast_in_dim3A_1116, %broadcast_in_dim3A_1117 : vector<16xi1>, vector<16xf32>
        %add3A_1119 = arith.addf %add3A_1111, %select_n3A_1118 : vector<16xf32>
        %eq3A_1120 = arith.constant 4 : i32
        %eq3A_1121 = vector.broadcast %eq3A_1120 : i32 to vector<16xi32>
        %eq3A_1122 = arith.cmpi eq, %iota3A, %eq3A_1121 : vector<16xi32>
        %jit3A_1123 = arith.constant 0.000000e+00 : f32
        %broadcast_in_dim3A_1124 = vector.broadcast %reduce_sum3A_1025 : f32 to vector<16xf32>
        %broadcast_in_dim3A_1125 = vector.broadcast %jit3A_1123 : f32 to vector<16xf32>
        %select_n3A_1126 = arith.select %eq3A_1122, %broadcast_in_dim3A_1124, %broadcast_in_dim3A_1125 : vector<16xi1>, vector<16xf32>
        %add3A_1127 = arith.addf %add3A_1119, %select_n3A_1126 : vector<16xf32>
        %eq3A_1128 = arith.constant 5 : i32
        %eq3A_1129 = vector.broadcast %eq3A_1128 : i32 to vector<16xi32>
        %eq3A_1130 = arith.cmpi eq, %iota3A, %eq3A_1129 : vector<16xi32>
        %jit3A_1131 = arith.constant 0.000000e+00 : f32
        %broadcast_in_dim3A_1132 = vector.broadcast %reduce_sum3A_1045 : f32 to vector<16xf32>
        %broadcast_in_dim3A_1133 = vector.broadcast %jit3A_1131 : f32 to vector<16xf32>
        %select_n3A_1134 = arith.select %eq3A_1130, %broadcast_in_dim3A_1132, %broadcast_in_dim3A_1133 : vector<16xi1>, vector<16xf32>
        %add3A_1135 = arith.addf %add3A_1127, %select_n3A_1134 : vector<16xf32>
        %eq3A_1136 = arith.constant 6 : i32
        %eq3A_1137 = vector.broadcast %eq3A_1136 : i32 to vector<16xi32>
        %eq3A_1138 = arith.cmpi eq, %iota3A, %eq3A_1137 : vector<16xi32>
        %jit3A_1139 = arith.constant 0.000000e+00 : f32
        %broadcast_in_dim3A_1140 = vector.broadcast %reduce_sum3A_1065 : f32 to vector<16xf32>
        %broadcast_in_dim3A_1141 = vector.broadcast %jit3A_1139 : f32 to vector<16xf32>
        %select_n3A_1142 = arith.select %eq3A_1138, %broadcast_in_dim3A_1140, %broadcast_in_dim3A_1141 : vector<16xi1>, vector<16xf32>
        %add3A_1143 = arith.addf %add3A_1135, %select_n3A_1142 : vector<16xf32>
        %eq3A_1144 = arith.constant 7 : i32
        %eq3A_1145 = vector.broadcast %eq3A_1144 : i32 to vector<16xi32>
        %eq3A_1146 = arith.cmpi eq, %iota3A, %eq3A_1145 : vector<16xi32>
        %jit3A_1147 = arith.constant 0.000000e+00 : f32
        %broadcast_in_dim3A_1148 = vector.broadcast %reduce_sum3A_1085 : f32 to vector<16xf32>
        %broadcast_in_dim3A_1149 = vector.broadcast %jit3A_1147 : f32 to vector<16xf32>
        %select_n3A_1150 = arith.select %eq3A_1146, %broadcast_in_dim3A_1148, %broadcast_in_dim3A_1149 : vector<16xi1>, vector<16xf32>
        %add3A_1151 = arith.addf %add3A_1143, %select_n3A_1150 : vector<16xf32>
        %and3A_1152 = arith.constant 7 : i32
        %and3A_1153 = vector.broadcast %and3A_1152 : i32 to vector<16xi32>
        %and3A_1154 = arith.andi %iota3A, %and3A_1153 : vector<16xi32>
        %gather3A_1155 = tpu.vector_load_idx %arg16[%and3A_1154, %broadcast_in_dim3A_924] : memref<8x80xf32, #tpu.memory_space<vmem>>[vector<16xi32>, vector<16xi32>], vector<16xf32>,
        %add3A_1156 = arith.addf %add3A_1151, %gather3A_1155 : vector<16xf32>
        %mul3A_1157 = arith.constant 2.500000e-01 : f32
        %mul3A_1158 = vector.broadcast %mul3A_1157 : f32 to vector<16xf32>
        %mul3A_1159 = arith.mulf %add3A_1156, %mul3A_1158 : vector<16xf32>
        %exp3A_1160 = math.exp %mul3A_1159 : vector<16xf32>
        %swap3A_1161 = arith.index_cast %add3A_923 : i32 to index
        %swap3A_1162 = arith.constant 0 : index
        %swap3A_1163 = tpu.vector_load %arg18[%swap3A_1161, %swap3A_1162] {strides = array<i32>} : memref<80x16xf32, #tpu.memory_space<vmem>>, vector<16xf32>,
        tpu.vector_store %arg18[%swap3A_1161, %swap3A_1162], %exp3A_1160 {strides = array<i32>} : memref<80x16xf32, #tpu.memory_space<vmem>>, vector<16xf32>,
        %scan3A_1164 = arith.constant 0 : i32
        scf.yield %scan3A_1164 : i32
      }
      %scan3A_136 = arith.constant 20 : i32
      %mul3A_137 = arith.constant 80 : i32
      %mul3A_138 = arith.muli %add3A_104, %mul3A_137 : i32
      %add3A_139 = arith.addi %mul3A_2, %mul3A_138 : i32
      %dma_start3A_140 = arith.constant 0 : i32
      %dma_start3A_141 = tpu.memref_slice %arg7[%add3A_139, %dma_start3A_140] : memref<320000x16xf32, #tpu.memory_space<hbm>> -> memref<80x16xf32, #tpu.memory_space<hbm>>
      %dma_start3A_142 = arith.constant 0 : i32
      %dma_start3A_143 = tpu.memref_slice %arg7[%add3A_139, %dma_start3A_142] : memref<320000x16xf32, #tpu.memory_space<hbm>> -> memref<80x16xf32, #tpu.memory_space<hbm>>
      tpu.enqueue_dma source(%arg18 : memref<80x16xf32, #tpu.memory_space<vmem>>) target(%dma_start3A_143 : memref<80x16xf32, #tpu.memory_space<hbm>>) target_semaphore(%arg22 : memref<!tpu.dma_semaphore, #tpu.memory_space<semaphore_mem>>)
      %lt3A = arith.constant 123 : i32
      %lt3A_144 = arith.cmpi slt, %add3A_104, %lt3A : i32
      %convert_element_type3A_145 = arith.extui %lt3A_144 : i1 to i32
      %cond3A_146 = arith.constant 0 : i32
      %cond3A_147 = arith.cmpi ne, %convert_element_type3A_145, %cond3A_146 : i32
      scf.if %cond3A_147 {
        %add3A_198 = arith.constant 2 : i32
        %add3A_199 = arith.addi %add3A_104, %add3A_198 : i32
        %mul3A_200 = arith.constant 80 : i32
        %mul3A_201 = arith.muli %add3A_199, %mul3A_200 : i32
        %add3A_202 = arith.addi %mul3A_2, %mul3A_201 : i32
        %mul3A_203 = arith.constant 80 : i32
        %mul3A_204 = arith.muli %add3A_199, %mul3A_203 : i32
        %mul3A_205 = arith.constant 80 : i32
        %mul3A_206 = arith.muli %add3A_199, %mul3A_205 : i32
        %dma_start3A_207 = arith.constant 0 : i32
        %dma_start3A_208 = tpu.memref_slice %arg4[%dma_start3A_207, %add3A_202] : memref<16x320000xf32, #tpu.memory_space<hbm>> -> memref<16x80xf32, #tpu.memory_space<hbm>>
        %dma_start3A_209 = arith.constant 0 : i32
        %dma_start3A_210 = tpu.memref_slice %arg4[%dma_start3A_209, %add3A_202] : memref<16x320000xf32, #tpu.memory_space<hbm>> -> memref<16x80xf32, #tpu.memory_space<hbm>>
        tpu.enqueue_dma source(%dma_start3A_210 : memref<16x80xf32, #tpu.memory_space<hbm>>) target(%arg14 : memref<16x80xf32, #tpu.memory_space<vmem>>) target_semaphore(%arg20 : memref<!tpu.dma_semaphore, #tpu.memory_space<semaphore_mem>>)
        %dma_start3A_211 = arith.constant 0 : i32
        %dma_start3A_212 = tpu.memref_slice %arg5[%dma_start3A_211, %add3A_202] : memref<8x320000xf32, #tpu.memory_space<hbm>> -> memref<8x80xf32, #tpu.memory_space<hbm>>
        %dma_start3A_213 = arith.constant 0 : i32
        %dma_start3A_214 = tpu.memref_slice %arg5[%dma_start3A_213, %add3A_202] : memref<8x320000xf32, #tpu.memory_space<hbm>> -> memref<8x80xf32, #tpu.memory_space<hbm>>
        tpu.enqueue_dma source(%dma_start3A_214 : memref<8x80xf32, #tpu.memory_space<hbm>>) target(%arg16 : memref<8x80xf32, #tpu.memory_space<vmem>>) target_semaphore(%arg20 : memref<!tpu.dma_semaphore, #tpu.memory_space<semaphore_mem>>)
        %dma_start3A_215 = tpu.memref_slice %arg8[%mul3A_204] : memref<10000xi32, #tpu.memory_space<vmem>> -> memref<80xi32, #tpu.memory_space<vmem>>
        %dma_start3A_216 = arith.constant 0 : i32
        %dma_start3A_217 = arith.constant 0 : i32
        %dma_start3A_218 = tpu.memref_slice %arg2[%dma_start3A_216, %dma_start3A_217] : memref<10000x256xf32, #tpu.memory_space<hbm>> -> memref<10000x256xf32, #tpu.memory_space<hbm>>
        tpu.enqueue_indirect_dma source(%dma_start3A_218 : memref<10000x256xf32, #tpu.memory_space<hbm>>) target(%arg10 : memref<80x256xf32, #tpu.memory_space<vmem>>) offsets(%dma_start3A_215 : memref<80xi32, #tpu.memory_space<vmem>>) semaphore(%arg20 : memref<!tpu.dma_semaphore, #tpu.memory_space<semaphore_mem>>)
        %dma_start3A_219 = tpu.memref_slice %arg9[%mul3A_206] : memref<10000xi32, #tpu.memory_space<vmem>> -> memref<80xi32, #tpu.memory_space<vmem>>
        %dma_start3A_220 = arith.constant 0 : i32
        %dma_start3A_221 = arith.constant 0 : i32
        %dma_start3A_222 = tpu.memref_slice %arg3[%dma_start3A_220, %dma_start3A_221] : memref<10000x256xf32, #tpu.memory_space<hbm>> -> memref<10000x256xf32, #tpu.memory_space<hbm>>
        tpu.enqueue_indirect_dma source(%dma_start3A_222 : memref<10000x256xf32, #tpu.memory_space<hbm>>) target(%arg12 : memref<80x256xf32, #tpu.memory_space<vmem>>) offsets(%dma_start3A_219 : memref<80xi32, #tpu.memory_space<vmem>>) semaphore(%arg20 : memref<!tpu.dma_semaphore, #tpu.memory_space<semaphore_mem>>)
      } else {
      }
      %add3A_148 = arith.constant 1 : i32
      %add3A_149 = arith.addi %mul3A_102, %add3A_148 : i32
      %mul3A_150 = arith.constant 80 : i32
      %mul3A_151 = arith.muli %add3A_149, %mul3A_150 : i32
      %add3A_152 = arith.addi %mul3A_2, %mul3A_151 : i32
      %mul3A_153 = arith.constant 80 : i32
      %mul3A_154 = arith.muli %add3A_149, %mul3A_153 : i32
      %mul3A_155 = arith.constant 80 : i32
      %mul3A_156 = arith.muli %add3A_149, %mul3A_155 : i32
      %dma_wait3A_157 = arith.constant 0 : i32
      %dma_wait3A_158 = tpu.memref_slice %arg4[%dma_wait3A_157, %add3A_152] : memref<16x320000xf32, #tpu.memory_space<hbm>> -> memref<16x80xf32, #tpu.memory_space<hbm>>
      %dma_wait3A_159 = arith.constant 0 : i32
      %dma_wait3A_160 = tpu.memref_slice %arg4[%dma_wait3A_159, %add3A_152] : memref<16x320000xf32, #tpu.memory_space<hbm>> -> memref<16x80xf32, #tpu.memory_space<hbm>>
      tpu.wait_dma2 semaphore(%arg21 : memref<!tpu.dma_semaphore, #tpu.memory_space<semaphore_mem>>) src(%dma_wait3A_160 : memref<16x80xf32, #tpu.memory_space<hbm>>) dst(%arg15 : memref<16x80xf32, #tpu.memory_space<vmem>>)
      %dma_wait3A_161 = arith.constant 0 : i32
      %dma_wait3A_162 = tpu.memref_slice %arg5[%dma_wait3A_161, %add3A_152] : memref<8x320000xf32, #tpu.memory_space<hbm>> -> memref<8x80xf32, #tpu.memory_space<hbm>>
      %dma_wait3A_163 = arith.constant 0 : i32
      %dma_wait3A_164 = tpu.memref_slice %arg5[%dma_wait3A_163, %add3A_152] : memref<8x320000xf32, #tpu.memory_space<hbm>> -> memref<8x80xf32, #tpu.memory_space<hbm>>
      tpu.wait_dma2 semaphore(%arg21 : memref<!tpu.dma_semaphore, #tpu.memory_space<semaphore_mem>>) src(%dma_wait3A_164 : memref<8x80xf32, #tpu.memory_space<hbm>>) dst(%arg17 : memref<8x80xf32, #tpu.memory_space<vmem>>)
      %dma_wait3A_165 = tpu.memref_slice %arg8[%mul3A_154] : memref<10000xi32, #tpu.memory_space<vmem>> -> memref<80xi32, #tpu.memory_space<vmem>>
      %dma_wait3A_166 = arith.constant 0 : i32
      %dma_wait3A_167 = arith.constant 0 : i32
      %dma_wait3A_168 = tpu.memref_slice %arg2[%dma_wait3A_166, %dma_wait3A_167] : memref<10000x256xf32, #tpu.memory_space<hbm>> -> memref<10000x256xf32, #tpu.memory_space<hbm>>
      tpu.wait_indirect_dma semaphore(%arg21 : memref<!tpu.dma_semaphore, #tpu.memory_space<semaphore_mem>>) src(%dma_wait3A_168 : memref<10000x256xf32, #tpu.memory_space<hbm>>) dst(%arg11 : memref<80x256xf32, #tpu.memory_space<vmem>>)
      %dma_wait3A_169 = tpu.memref_slice %arg9[%mul3A_156] : memref<10000xi32, #tpu.memory_space<vmem>> -> memref<80xi32, #tpu.memory_space<vmem>>
      %dma_wait3A_170 = arith.constant 0 : i32
      %dma_wait3A_171 = arith.constant 0 : i32
      %dma_wait3A_172 = tpu.memref_slice %arg3[%dma_wait3A_170, %dma_wait3A_171] : memref<10000x256xf32, #tpu.memory_space<hbm>> -> memref<10000x256xf32, #tpu.memory_space<hbm>>
      tpu.wait_indirect_dma semaphore(%arg21 : memref<!tpu.dma_semaphore, #tpu.memory_space<semaphore_mem>>) src(%dma_wait3A_172 : memref<10000x256xf32, #tpu.memory_space<hbm>>) dst(%arg13 : memref<80x256xf32, #tpu.memory_space<vmem>>)
      %ge3A_173 = arith.constant 2 : i32
      %ge3A_174 = arith.cmpi sge, %add3A_149, %ge3A_173 : i32
      %convert_element_type3A_175 = arith.extui %ge3A_174 : i1 to i32
      %cond3A_176 = arith.constant 0 : i32
      %cond3A_177 = arith.cmpi ne, %convert_element_type3A_175, %cond3A_176 : i32
      scf.if %cond3A_177 {
        %sub3A = arith.constant 2 : i32
        %sub3A_198 = arith.subi %add3A_149, %sub3A : i32
        %mul3A_199 = arith.constant 80 : i32
        %mul3A_200 = arith.muli %sub3A_198, %mul3A_199 : i32
        %add3A_201 = arith.addi %mul3A_2, %mul3A_200 : i32
        %dma_wait3A_202 = arith.constant 0 : i32
        %dma_wait3A_203 = tpu.memref_slice %arg7[%add3A_201, %dma_wait3A_202] : memref<320000x16xf32, #tpu.memory_space<hbm>> -> memref<80x16xf32, #tpu.memory_space<hbm>>
        %dma_wait3A_204 = arith.constant 0 : i32
        %dma_wait3A_205 = tpu.memref_slice %arg7[%add3A_201, %dma_wait3A_204] : memref<320000x16xf32, #tpu.memory_space<hbm>> -> memref<80x16xf32, #tpu.memory_space<hbm>>
        tpu.wait_dma2 semaphore(%arg23 : memref<!tpu.dma_semaphore, #tpu.memory_space<semaphore_mem>>) src(%arg19 : memref<80x16xf32, #tpu.memory_space<vmem>>) dst(%dma_wait3A_205 : memref<80x16xf32, #tpu.memory_space<hbm>>)
      } else {
      }
      %scan3A_178 = arith.constant 0 : i32
      %scan3A_179 = arith.constant 0 : i32
      %scan3A_180 = arith.constant 20 : i32
      %scan3A_181 = arith.addi %scan3A_179, %scan3A_180 : i32
      %scan3A_182 = arith.constant 1 : i32
      %scan3A_183 = scf.for %scan3A_198 = %scan3A_179 to %scan3A_181 step %scan3A_182 iter_args(%scan3A_199 = %scan3A_178) -> (i32)  : i32 {
        %mul3A_200 = arith.constant 4 : i32
        %mul3A_201 = arith.muli %scan3A_198, %mul3A_200 : i32
        %broadcast_in_dim3A = vector.broadcast %mul3A_201 : i32 to vector<16xi32>
        %gather3A = tpu.vector_load_idx %arg15[%iota3A, %broadcast_in_dim3A] : memref<16x80xf32, #tpu.memory_space<vmem>>[vector<16xi32>, vector<16xi32>], vector<16xf32>,
        %get3A = arith.index_cast %mul3A_201 : i32 to index
        %get3A_202 = arith.constant 0 : index
        %get3A_203 = tpu.vector_load %arg11[%get3A, %get3A_202] {strides = array<i32>} : memref<80x256xf32, #tpu.memory_space<vmem>>, vector<16xf32>,
        %get3A_204 = arith.index_cast %mul3A_201 : i32 to index
        %get3A_205 = arith.constant 0 : index
        %get3A_206 = tpu.vector_load %arg13[%get3A_204, %get3A_205] {strides = array<i32>} : memref<80x256xf32, #tpu.memory_space<vmem>>, vector<16xf32>,
        %get3A_207 = arith.index_cast %mul3A_201 : i32 to index
        %get3A_208 = arith.constant 128 : index
        %get3A_209 = tpu.vector_load %arg11[%get3A_207, %get3A_208] {strides = array<i32>} : memref<80x256xf32, #tpu.memory_space<vmem>>, vector<16xf32>,
        %get3A_210 = arith.index_cast %mul3A_201 : i32 to index
        %get3A_211 = arith.constant 128 : index
        %get3A_212 = tpu.vector_load %arg13[%get3A_210, %get3A_211] {strides = array<i32>} : memref<80x256xf32, #tpu.memory_space<vmem>>, vector<16xf32>,
        %add3A_213 = arith.addf %get3A_209, %get3A_212 : vector<16xf32>
        %mul3A_214 = arith.mulf %get3A_203, %get3A_206 : vector<16xf32>
        %mul3A_215 = arith.mulf %add3A_213, %gather3A : vector<16xf32>
        %add3A_216 = arith.addf %mul3A_214, %mul3A_215 : vector<16xf32>
        %reduce_sum3A = arith.constant true
        %reduce_sum3A_217 = vector.broadcast %reduce_sum3A : i1 to vector<16xi1>
        %reduce_sum3A_218 = tpu.scan <sum>, %add3A_216 masked %reduce_sum3A_217 : vector<16xf32>, vector<16xi1> -> vector<16xf32>
        %reduce_sum3A_219 = vector.extract %reduce_sum3A_218[15] : f32 from vector<16xf32>
        %get3A_220 = arith.index_cast %mul3A_201 : i32 to index
        %get3A_221 = arith.constant 16 : index
        %get3A_222 = tpu.vector_load %arg11[%get3A_220, %get3A_221] {strides = array<i32>} : memref<80x256xf32, #tpu.memory_space<vmem>>, vector<16xf32>,
        %get3A_223 = arith.index_cast %mul3A_201 : i32 to index
        %get3A_224 = arith.constant 16 : index
        %get3A_225 = tpu.vector_load %arg13[%get3A_223, %get3A_224] {strides = array<i32>} : memref<80x256xf32, #tpu.memory_space<vmem>>, vector<16xf32>,
        %get3A_226 = arith.index_cast %mul3A_201 : i32 to index
        %get3A_227 = arith.constant 144 : index
        %get3A_228 = tpu.vector_load %arg11[%get3A_226, %get3A_227] {strides = array<i32>} : memref<80x256xf32, #tpu.memory_space<vmem>>, vector<16xf32>,
        %get3A_229 = arith.index_cast %mul3A_201 : i32 to index
        %get3A_230 = arith.constant 144 : index
        %get3A_231 = tpu.vector_load %arg13[%get3A_229, %get3A_230] {strides = array<i32>} : memref<80x256xf32, #tpu.memory_space<vmem>>, vector<16xf32>,
        %add3A_232 = arith.addf %get3A_228, %get3A_231 : vector<16xf32>
        %mul3A_233 = arith.mulf %get3A_222, %get3A_225 : vector<16xf32>
        %mul3A_234 = arith.mulf %add3A_232, %gather3A : vector<16xf32>
        %add3A_235 = arith.addf %mul3A_233, %mul3A_234 : vector<16xf32>
        %reduce_sum3A_236 = arith.constant true
        %reduce_sum3A_237 = vector.broadcast %reduce_sum3A_236 : i1 to vector<16xi1>
        %reduce_sum3A_238 = tpu.scan <sum>, %add3A_235 masked %reduce_sum3A_237 : vector<16xf32>, vector<16xi1> -> vector<16xf32>
        %reduce_sum3A_239 = vector.extract %reduce_sum3A_238[15] : f32 from vector<16xf32>
        %get3A_240 = arith.index_cast %mul3A_201 : i32 to index
        %get3A_241 = arith.constant 32 : index
        %get3A_242 = tpu.vector_load %arg11[%get3A_240, %get3A_241] {strides = array<i32>} : memref<80x256xf32, #tpu.memory_space<vmem>>, vector<16xf32>,
        %get3A_243 = arith.index_cast %mul3A_201 : i32 to index
        %get3A_244 = arith.constant 32 : index
        %get3A_245 = tpu.vector_load %arg13[%get3A_243, %get3A_244] {strides = array<i32>} : memref<80x256xf32, #tpu.memory_space<vmem>>, vector<16xf32>,
        %get3A_246 = arith.index_cast %mul3A_201 : i32 to index
        %get3A_247 = arith.constant 160 : index
        %get3A_248 = tpu.vector_load %arg11[%get3A_246, %get3A_247] {strides = array<i32>} : memref<80x256xf32, #tpu.memory_space<vmem>>, vector<16xf32>,
        %get3A_249 = arith.index_cast %mul3A_201 : i32 to index
        %get3A_250 = arith.constant 160 : index
        %get3A_251 = tpu.vector_load %arg13[%get3A_249, %get3A_250] {strides = array<i32>} : memref<80x256xf32, #tpu.memory_space<vmem>>, vector<16xf32>,
        %add3A_252 = arith.addf %get3A_248, %get3A_251 : vector<16xf32>
        %mul3A_253 = arith.mulf %get3A_242, %get3A_245 : vector<16xf32>
        %mul3A_254 = arith.mulf %add3A_252, %gather3A : vector<16xf32>
        %add3A_255 = arith.addf %mul3A_253, %mul3A_254 : vector<16xf32>
        %reduce_sum3A_256 = arith.constant true
        %reduce_sum3A_257 = vector.broadcast %reduce_sum3A_256 : i1 to vector<16xi1>
        %reduce_sum3A_258 = tpu.scan <sum>, %add3A_255 masked %reduce_sum3A_257 : vector<16xf32>, vector<16xi1> -> vector<16xf32>
        %reduce_sum3A_259 = vector.extract %reduce_sum3A_258[15] : f32 from vector<16xf32>
        %get3A_260 = arith.index_cast %mul3A_201 : i32 to index
        %get3A_261 = arith.constant 48 : index
        %get3A_262 = tpu.vector_load %arg11[%get3A_260, %get3A_261] {strides = array<i32>} : memref<80x256xf32, #tpu.memory_space<vmem>>, vector<16xf32>,
        %get3A_263 = arith.index_cast %mul3A_201 : i32 to index
        %get3A_264 = arith.constant 48 : index
        %get3A_265 = tpu.vector_load %arg13[%get3A_263, %get3A_264] {strides = array<i32>} : memref<80x256xf32, #tpu.memory_space<vmem>>, vector<16xf32>,
        %get3A_266 = arith.index_cast %mul3A_201 : i32 to index
        %get3A_267 = arith.constant 176 : index
        %get3A_268 = tpu.vector_load %arg11[%get3A_266, %get3A_267] {strides = array<i32>} : memref<80x256xf32, #tpu.memory_space<vmem>>, vector<16xf32>,
        %get3A_269 = arith.index_cast %mul3A_201 : i32 to index
        %get3A_270 = arith.constant 176 : index
        %get3A_271 = tpu.vector_load %arg13[%get3A_269, %get3A_270] {strides = array<i32>} : memref<80x256xf32, #tpu.memory_space<vmem>>, vector<16xf32>,
        %add3A_272 = arith.addf %get3A_268, %get3A_271 : vector<16xf32>
        %mul3A_273 = arith.mulf %get3A_262, %get3A_265 : vector<16xf32>
        %mul3A_274 = arith.mulf %add3A_272, %gather3A : vector<16xf32>
        %add3A_275 = arith.addf %mul3A_273, %mul3A_274 : vector<16xf32>
        %reduce_sum3A_276 = arith.constant true
        %reduce_sum3A_277 = vector.broadcast %reduce_sum3A_276 : i1 to vector<16xi1>
        %reduce_sum3A_278 = tpu.scan <sum>, %add3A_275 masked %reduce_sum3A_277 : vector<16xf32>, vector<16xi1> -> vector<16xf32>
        %reduce_sum3A_279 = vector.extract %reduce_sum3A_278[15] : f32 from vector<16xf32>
        %get3A_280 = arith.index_cast %mul3A_201 : i32 to index
        %get3A_281 = arith.constant 64 : index
        %get3A_282 = tpu.vector_load %arg11[%get3A_280, %get3A_281] {strides = array<i32>} : memref<80x256xf32, #tpu.memory_space<vmem>>, vector<16xf32>,
        %get3A_283 = arith.index_cast %mul3A_201 : i32 to index
        %get3A_284 = arith.constant 64 : index
        %get3A_285 = tpu.vector_load %arg13[%get3A_283, %get3A_284] {strides = array<i32>} : memref<80x256xf32, #tpu.memory_space<vmem>>, vector<16xf32>,
        %get3A_286 = arith.index_cast %mul3A_201 : i32 to index
        %get3A_287 = arith.constant 192 : index
        %get3A_288 = tpu.vector_load %arg11[%get3A_286, %get3A_287] {strides = array<i32>} : memref<80x256xf32, #tpu.memory_space<vmem>>, vector<16xf32>,
        %get3A_289 = arith.index_cast %mul3A_201 : i32 to index
        %get3A_290 = arith.constant 192 : index
        %get3A_291 = tpu.vector_load %arg13[%get3A_289, %get3A_290] {strides = array<i32>} : memref<80x256xf32, #tpu.memory_space<vmem>>, vector<16xf32>,
        %add3A_292 = arith.addf %get3A_288, %get3A_291 : vector<16xf32>
        %mul3A_293 = arith.mulf %get3A_282, %get3A_285 : vector<16xf32>
        %mul3A_294 = arith.mulf %add3A_292, %gather3A : vector<16xf32>
        %add3A_295 = arith.addf %mul3A_293, %mul3A_294 : vector<16xf32>
        %reduce_sum3A_296 = arith.constant true
        %reduce_sum3A_297 = vector.broadcast %reduce_sum3A_296 : i1 to vector<16xi1>
        %reduce_sum3A_298 = tpu.scan <sum>, %add3A_295 masked %reduce_sum3A_297 : vector<16xf32>, vector<16xi1> -> vector<16xf32>
        %reduce_sum3A_299 = vector.extract %reduce_sum3A_298[15] : f32 from vector<16xf32>
        %get3A_300 = arith.index_cast %mul3A_201 : i32 to index
        %get3A_301 = arith.constant 80 : index
        %get3A_302 = tpu.vector_load %arg11[%get3A_300, %get3A_301] {strides = array<i32>} : memref<80x256xf32, #tpu.memory_space<vmem>>, vector<16xf32>,
        %get3A_303 = arith.index_cast %mul3A_201 : i32 to index
        %get3A_304 = arith.constant 80 : index
        %get3A_305 = tpu.vector_load %arg13[%get3A_303, %get3A_304] {strides = array<i32>} : memref<80x256xf32, #tpu.memory_space<vmem>>, vector<16xf32>,
        %get3A_306 = arith.index_cast %mul3A_201 : i32 to index
        %get3A_307 = arith.constant 208 : index
        %get3A_308 = tpu.vector_load %arg11[%get3A_306, %get3A_307] {strides = array<i32>} : memref<80x256xf32, #tpu.memory_space<vmem>>, vector<16xf32>,
        %get3A_309 = arith.index_cast %mul3A_201 : i32 to index
        %get3A_310 = arith.constant 208 : index
        %get3A_311 = tpu.vector_load %arg13[%get3A_309, %get3A_310] {strides = array<i32>} : memref<80x256xf32, #tpu.memory_space<vmem>>, vector<16xf32>,
        %add3A_312 = arith.addf %get3A_308, %get3A_311 : vector<16xf32>
        %mul3A_313 = arith.mulf %get3A_302, %get3A_305 : vector<16xf32>
        %mul3A_314 = arith.mulf %add3A_312, %gather3A : vector<16xf32>
        %add3A_315 = arith.addf %mul3A_313, %mul3A_314 : vector<16xf32>
        %reduce_sum3A_316 = arith.constant true
        %reduce_sum3A_317 = vector.broadcast %reduce_sum3A_316 : i1 to vector<16xi1>
        %reduce_sum3A_318 = tpu.scan <sum>, %add3A_315 masked %reduce_sum3A_317 : vector<16xf32>, vector<16xi1> -> vector<16xf32>
        %reduce_sum3A_319 = vector.extract %reduce_sum3A_318[15] : f32 from vector<16xf32>
        %get3A_320 = arith.index_cast %mul3A_201 : i32 to index
        %get3A_321 = arith.constant 96 : index
        %get3A_322 = tpu.vector_load %arg11[%get3A_320, %get3A_321] {strides = array<i32>} : memref<80x256xf32, #tpu.memory_space<vmem>>, vector<16xf32>,
        %get3A_323 = arith.index_cast %mul3A_201 : i32 to index
        %get3A_324 = arith.constant 96 : index
        %get3A_325 = tpu.vector_load %arg13[%get3A_323, %get3A_324] {strides = array<i32>} : memref<80x256xf32, #tpu.memory_space<vmem>>, vector<16xf32>,
        %get3A_326 = arith.index_cast %mul3A_201 : i32 to index
        %get3A_327 = arith.constant 224 : index
        %get3A_328 = tpu.vector_load %arg11[%get3A_326, %get3A_327] {strides = array<i32>} : memref<80x256xf32, #tpu.memory_space<vmem>>, vector<16xf32>,
        %get3A_329 = arith.index_cast %mul3A_201 : i32 to index
        %get3A_330 = arith.constant 224 : index
        %get3A_331 = tpu.vector_load %arg13[%get3A_329, %get3A_330] {strides = array<i32>} : memref<80x256xf32, #tpu.memory_space<vmem>>, vector<16xf32>,
        %add3A_332 = arith.addf %get3A_328, %get3A_331 : vector<16xf32>
        %mul3A_333 = arith.mulf %get3A_322, %get3A_325 : vector<16xf32>
        %mul3A_334 = arith.mulf %add3A_332, %gather3A : vector<16xf32>
        %add3A_335 = arith.addf %mul3A_333, %mul3A_334 : vector<16xf32>
        %reduce_sum3A_336 = arith.constant true
        %reduce_sum3A_337 = vector.broadcast %reduce_sum3A_336 : i1 to vector<16xi1>
        %reduce_sum3A_338 = tpu.scan <sum>, %add3A_335 masked %reduce_sum3A_337 : vector<16xf32>, vector<16xi1> -> vector<16xf32>
        %reduce_sum3A_339 = vector.extract %reduce_sum3A_338[15] : f32 from vector<16xf32>
        %get3A_340 = arith.index_cast %mul3A_201 : i32 to index
        %get3A_341 = arith.constant 112 : index
        %get3A_342 = tpu.vector_load %arg11[%get3A_340, %get3A_341] {strides = array<i32>} : memref<80x256xf32, #tpu.memory_space<vmem>>, vector<16xf32>,
        %get3A_343 = arith.index_cast %mul3A_201 : i32 to index
        %get3A_344 = arith.constant 112 : index
        %get3A_345 = tpu.vector_load %arg13[%get3A_343, %get3A_344] {strides = array<i32>} : memref<80x256xf32, #tpu.memory_space<vmem>>, vector<16xf32>,
        %get3A_346 = arith.index_cast %mul3A_201 : i32 to index
        %get3A_347 = arith.constant 240 : index
        %get3A_348 = tpu.vector_load %arg11[%get3A_346, %get3A_347] {strides = array<i32>} : memref<80x256xf32, #tpu.memory_space<vmem>>, vector<16xf32>,
        %get3A_349 = arith.index_cast %mul3A_201 : i32 to index
        %get3A_350 = arith.constant 240 : index
        %get3A_351 = tpu.vector_load %arg13[%get3A_349, %get3A_350] {strides = array<i32>} : memref<80x256xf32, #tpu.memory_space<vmem>>, vector<16xf32>,
        %add3A_352 = arith.addf %get3A_348, %get3A_351 : vector<16xf32>
        %mul3A_353 = arith.mulf %get3A_342, %get3A_345 : vector<16xf32>
        %mul3A_354 = arith.mulf %add3A_352, %gather3A : vector<16xf32>
        %add3A_355 = arith.addf %mul3A_353, %mul3A_354 : vector<16xf32>
        %reduce_sum3A_356 = arith.constant true
        %reduce_sum3A_357 = vector.broadcast %reduce_sum3A_356 : i1 to vector<16xi1>
        %reduce_sum3A_358 = tpu.scan <sum>, %add3A_355 masked %reduce_sum3A_357 : vector<16xf32>, vector<16xi1> -> vector<16xf32>
        %reduce_sum3A_359 = vector.extract %reduce_sum3A_358[15] : f32 from vector<16xf32>
        %broadcast_in_dim3A_360 = arith.constant 0.000000e+00 : f32
        %broadcast_in_dim3A_361 = vector.broadcast %broadcast_in_dim3A_360 : f32 to vector<16xf32>
        %eq3A = arith.constant 0 : i32
        %eq3A_362 = vector.broadcast %eq3A : i32 to vector<16xi32>
        %eq3A_363 = arith.cmpi eq, %iota3A, %eq3A_362 : vector<16xi32>
        %jit3A = arith.constant 0.000000e+00 : f32
        %broadcast_in_dim3A_364 = vector.broadcast %reduce_sum3A_219 : f32 to vector<16xf32>
        %broadcast_in_dim3A_365 = vector.broadcast %jit3A : f32 to vector<16xf32>
        %select_n3A = arith.select %eq3A_363, %broadcast_in_dim3A_364, %broadcast_in_dim3A_365 : vector<16xi1>, vector<16xf32>
        %add3A_366 = arith.addf %broadcast_in_dim3A_361, %select_n3A : vector<16xf32>
        %eq3A_367 = arith.constant 1 : i32
        %eq3A_368 = vector.broadcast %eq3A_367 : i32 to vector<16xi32>
        %eq3A_369 = arith.cmpi eq, %iota3A, %eq3A_368 : vector<16xi32>
        %jit3A_370 = arith.constant 0.000000e+00 : f32
        %broadcast_in_dim3A_371 = vector.broadcast %reduce_sum3A_239 : f32 to vector<16xf32>
        %broadcast_in_dim3A_372 = vector.broadcast %jit3A_370 : f32 to vector<16xf32>
        %select_n3A_373 = arith.select %eq3A_369, %broadcast_in_dim3A_371, %broadcast_in_dim3A_372 : vector<16xi1>, vector<16xf32>
        %add3A_374 = arith.addf %add3A_366, %select_n3A_373 : vector<16xf32>
        %eq3A_375 = arith.constant 2 : i32
        %eq3A_376 = vector.broadcast %eq3A_375 : i32 to vector<16xi32>
        %eq3A_377 = arith.cmpi eq, %iota3A, %eq3A_376 : vector<16xi32>
        %jit3A_378 = arith.constant 0.000000e+00 : f32
        %broadcast_in_dim3A_379 = vector.broadcast %reduce_sum3A_259 : f32 to vector<16xf32>
        %broadcast_in_dim3A_380 = vector.broadcast %jit3A_378 : f32 to vector<16xf32>
        %select_n3A_381 = arith.select %eq3A_377, %broadcast_in_dim3A_379, %broadcast_in_dim3A_380 : vector<16xi1>, vector<16xf32>
        %add3A_382 = arith.addf %add3A_374, %select_n3A_381 : vector<16xf32>
        %eq3A_383 = arith.constant 3 : i32
        %eq3A_384 = vector.broadcast %eq3A_383 : i32 to vector<16xi32>
        %eq3A_385 = arith.cmpi eq, %iota3A, %eq3A_384 : vector<16xi32>
        %jit3A_386 = arith.constant 0.000000e+00 : f32
        %broadcast_in_dim3A_387 = vector.broadcast %reduce_sum3A_279 : f32 to vector<16xf32>
        %broadcast_in_dim3A_388 = vector.broadcast %jit3A_386 : f32 to vector<16xf32>
        %select_n3A_389 = arith.select %eq3A_385, %broadcast_in_dim3A_387, %broadcast_in_dim3A_388 : vector<16xi1>, vector<16xf32>
        %add3A_390 = arith.addf %add3A_382, %select_n3A_389 : vector<16xf32>
        %eq3A_391 = arith.constant 4 : i32
        %eq3A_392 = vector.broadcast %eq3A_391 : i32 to vector<16xi32>
        %eq3A_393 = arith.cmpi eq, %iota3A, %eq3A_392 : vector<16xi32>
        %jit3A_394 = arith.constant 0.000000e+00 : f32
        %broadcast_in_dim3A_395 = vector.broadcast %reduce_sum3A_299 : f32 to vector<16xf32>
        %broadcast_in_dim3A_396 = vector.broadcast %jit3A_394 : f32 to vector<16xf32>
        %select_n3A_397 = arith.select %eq3A_393, %broadcast_in_dim3A_395, %broadcast_in_dim3A_396 : vector<16xi1>, vector<16xf32>
        %add3A_398 = arith.addf %add3A_390, %select_n3A_397 : vector<16xf32>
        %eq3A_399 = arith.constant 5 : i32
        %eq3A_400 = vector.broadcast %eq3A_399 : i32 to vector<16xi32>
        %eq3A_401 = arith.cmpi eq, %iota3A, %eq3A_400 : vector<16xi32>
        %jit3A_402 = arith.constant 0.000000e+00 : f32
        %broadcast_in_dim3A_403 = vector.broadcast %reduce_sum3A_319 : f32 to vector<16xf32>
        %broadcast_in_dim3A_404 = vector.broadcast %jit3A_402 : f32 to vector<16xf32>
        %select_n3A_405 = arith.select %eq3A_401, %broadcast_in_dim3A_403, %broadcast_in_dim3A_404 : vector<16xi1>, vector<16xf32>
        %add3A_406 = arith.addf %add3A_398, %select_n3A_405 : vector<16xf32>
        %eq3A_407 = arith.constant 6 : i32
        %eq3A_408 = vector.broadcast %eq3A_407 : i32 to vector<16xi32>
        %eq3A_409 = arith.cmpi eq, %iota3A, %eq3A_408 : vector<16xi32>
        %jit3A_410 = arith.constant 0.000000e+00 : f32
        %broadcast_in_dim3A_411 = vector.broadcast %reduce_sum3A_339 : f32 to vector<16xf32>
        %broadcast_in_dim3A_412 = vector.broadcast %jit3A_410 : f32 to vector<16xf32>
        %select_n3A_413 = arith.select %eq3A_409, %broadcast_in_dim3A_411, %broadcast_in_dim3A_412 : vector<16xi1>, vector<16xf32>
        %add3A_414 = arith.addf %add3A_406, %select_n3A_413 : vector<16xf32>
        %eq3A_415 = arith.constant 7 : i32
        %eq3A_416 = vector.broadcast %eq3A_415 : i32 to vector<16xi32>
        %eq3A_417 = arith.cmpi eq, %iota3A, %eq3A_416 : vector<16xi32>
        %jit3A_418 = arith.constant 0.000000e+00 : f32
        %broadcast_in_dim3A_419 = vector.broadcast %reduce_sum3A_359 : f32 to vector<16xf32>
        %broadcast_in_dim3A_420 = vector.broadcast %jit3A_418 : f32 to vector<16xf32>
        %select_n3A_421 = arith.select %eq3A_417, %broadcast_in_dim3A_419, %broadcast_in_dim3A_420 : vector<16xi1>, vector<16xf32>
        %add3A_422 = arith.addf %add3A_414, %select_n3A_421 : vector<16xf32>
        %and3A = arith.constant 7 : i32
        %and3A_423 = vector.broadcast %and3A : i32 to vector<16xi32>
        %and3A_424 = arith.andi %iota3A, %and3A_423 : vector<16xi32>
        %gather3A_425 = tpu.vector_load_idx %arg17[%and3A_424, %broadcast_in_dim3A] : memref<8x80xf32, #tpu.memory_space<vmem>>[vector<16xi32>, vector<16xi32>], vector<16xf32>,
        %add3A_426 = arith.addf %add3A_422, %gather3A_425 : vector<16xf32>
        %mul3A_427 = arith.constant 2.500000e-01 : f32
        %mul3A_428 = vector.broadcast %mul3A_427 : f32 to vector<16xf32>
        %mul3A_429 = arith.mulf %add3A_426, %mul3A_428 : vector<16xf32>
        %exp3A = math.exp %mul3A_429 : vector<16xf32>
        %swap3A = arith.index_cast %mul3A_201 : i32 to index
        %swap3A_430 = arith.constant 0 : index
        %swap3A_431 = tpu.vector_load %arg19[%swap3A, %swap3A_430] {strides = array<i32>} : memref<80x16xf32, #tpu.memory_space<vmem>>, vector<16xf32>,
        tpu.vector_store %arg19[%swap3A, %swap3A_430], %exp3A {strides = array<i32>} : memref<80x16xf32, #tpu.memory_space<vmem>>, vector<16xf32>,
        %mul3A_432 = arith.constant 4 : i32
        %mul3A_433 = arith.muli %scan3A_198, %mul3A_432 : i32
        %add3A_434 = arith.constant 1 : i32
        %add3A_435 = arith.addi %mul3A_433, %add3A_434 : i32
        %broadcast_in_dim3A_436 = vector.broadcast %add3A_435 : i32 to vector<16xi32>
        %gather3A_437 = tpu.vector_load_idx %arg15[%iota3A, %broadcast_in_dim3A_436] : memref<16x80xf32, #tpu.memory_space<vmem>>[vector<16xi32>, vector<16xi32>], vector<16xf32>,
        %get3A_438 = arith.index_cast %add3A_435 : i32 to index
        %get3A_439 = arith.constant 0 : index
        %get3A_440 = tpu.vector_load %arg11[%get3A_438, %get3A_439] {strides = array<i32>} : memref<80x256xf32, #tpu.memory_space<vmem>>, vector<16xf32>,
        %get3A_441 = arith.index_cast %add3A_435 : i32 to index
        %get3A_442 = arith.constant 0 : index
        %get3A_443 = tpu.vector_load %arg13[%get3A_441, %get3A_442] {strides = array<i32>} : memref<80x256xf32, #tpu.memory_space<vmem>>, vector<16xf32>,
        %get3A_444 = arith.index_cast %add3A_435 : i32 to index
        %get3A_445 = arith.constant 128 : index
        %get3A_446 = tpu.vector_load %arg11[%get3A_444, %get3A_445] {strides = array<i32>} : memref<80x256xf32, #tpu.memory_space<vmem>>, vector<16xf32>,
        %get3A_447 = arith.index_cast %add3A_435 : i32 to index
        %get3A_448 = arith.constant 128 : index
        %get3A_449 = tpu.vector_load %arg13[%get3A_447, %get3A_448] {strides = array<i32>} : memref<80x256xf32, #tpu.memory_space<vmem>>, vector<16xf32>,
        %add3A_450 = arith.addf %get3A_446, %get3A_449 : vector<16xf32>
        %mul3A_451 = arith.mulf %get3A_440, %get3A_443 : vector<16xf32>
        %mul3A_452 = arith.mulf %add3A_450, %gather3A_437 : vector<16xf32>
        %add3A_453 = arith.addf %mul3A_451, %mul3A_452 : vector<16xf32>
        %reduce_sum3A_454 = arith.constant true
        %reduce_sum3A_455 = vector.broadcast %reduce_sum3A_454 : i1 to vector<16xi1>
        %reduce_sum3A_456 = tpu.scan <sum>, %add3A_453 masked %reduce_sum3A_455 : vector<16xf32>, vector<16xi1> -> vector<16xf32>
        %reduce_sum3A_457 = vector.extract %reduce_sum3A_456[15] : f32 from vector<16xf32>
        %get3A_458 = arith.index_cast %add3A_435 : i32 to index
        %get3A_459 = arith.constant 16 : index
        %get3A_460 = tpu.vector_load %arg11[%get3A_458, %get3A_459] {strides = array<i32>} : memref<80x256xf32, #tpu.memory_space<vmem>>, vector<16xf32>,
        %get3A_461 = arith.index_cast %add3A_435 : i32 to index
        %get3A_462 = arith.constant 16 : index
        %get3A_463 = tpu.vector_load %arg13[%get3A_461, %get3A_462] {strides = array<i32>} : memref<80x256xf32, #tpu.memory_space<vmem>>, vector<16xf32>,
        %get3A_464 = arith.index_cast %add3A_435 : i32 to index
        %get3A_465 = arith.constant 144 : index
        %get3A_466 = tpu.vector_load %arg11[%get3A_464, %get3A_465] {strides = array<i32>} : memref<80x256xf32, #tpu.memory_space<vmem>>, vector<16xf32>,
        %get3A_467 = arith.index_cast %add3A_435 : i32 to index
        %get3A_468 = arith.constant 144 : index
        %get3A_469 = tpu.vector_load %arg13[%get3A_467, %get3A_468] {strides = array<i32>} : memref<80x256xf32, #tpu.memory_space<vmem>>, vector<16xf32>,
        %add3A_470 = arith.addf %get3A_466, %get3A_469 : vector<16xf32>
        %mul3A_471 = arith.mulf %get3A_460, %get3A_463 : vector<16xf32>
        %mul3A_472 = arith.mulf %add3A_470, %gather3A_437 : vector<16xf32>
        %add3A_473 = arith.addf %mul3A_471, %mul3A_472 : vector<16xf32>
        %reduce_sum3A_474 = arith.constant true
        %reduce_sum3A_475 = vector.broadcast %reduce_sum3A_474 : i1 to vector<16xi1>
        %reduce_sum3A_476 = tpu.scan <sum>, %add3A_473 masked %reduce_sum3A_475 : vector<16xf32>, vector<16xi1> -> vector<16xf32>
        %reduce_sum3A_477 = vector.extract %reduce_sum3A_476[15] : f32 from vector<16xf32>
        %get3A_478 = arith.index_cast %add3A_435 : i32 to index
        %get3A_479 = arith.constant 32 : index
        %get3A_480 = tpu.vector_load %arg11[%get3A_478, %get3A_479] {strides = array<i32>} : memref<80x256xf32, #tpu.memory_space<vmem>>, vector<16xf32>,
        %get3A_481 = arith.index_cast %add3A_435 : i32 to index
        %get3A_482 = arith.constant 32 : index
        %get3A_483 = tpu.vector_load %arg13[%get3A_481, %get3A_482] {strides = array<i32>} : memref<80x256xf32, #tpu.memory_space<vmem>>, vector<16xf32>,
        %get3A_484 = arith.index_cast %add3A_435 : i32 to index
        %get3A_485 = arith.constant 160 : index
        %get3A_486 = tpu.vector_load %arg11[%get3A_484, %get3A_485] {strides = array<i32>} : memref<80x256xf32, #tpu.memory_space<vmem>>, vector<16xf32>,
        %get3A_487 = arith.index_cast %add3A_435 : i32 to index
        %get3A_488 = arith.constant 160 : index
        %get3A_489 = tpu.vector_load %arg13[%get3A_487, %get3A_488] {strides = array<i32>} : memref<80x256xf32, #tpu.memory_space<vmem>>, vector<16xf32>,
        %add3A_490 = arith.addf %get3A_486, %get3A_489 : vector<16xf32>
        %mul3A_491 = arith.mulf %get3A_480, %get3A_483 : vector<16xf32>
        %mul3A_492 = arith.mulf %add3A_490, %gather3A_437 : vector<16xf32>
        %add3A_493 = arith.addf %mul3A_491, %mul3A_492 : vector<16xf32>
        %reduce_sum3A_494 = arith.constant true
        %reduce_sum3A_495 = vector.broadcast %reduce_sum3A_494 : i1 to vector<16xi1>
        %reduce_sum3A_496 = tpu.scan <sum>, %add3A_493 masked %reduce_sum3A_495 : vector<16xf32>, vector<16xi1> -> vector<16xf32>
        %reduce_sum3A_497 = vector.extract %reduce_sum3A_496[15] : f32 from vector<16xf32>
        %get3A_498 = arith.index_cast %add3A_435 : i32 to index
        %get3A_499 = arith.constant 48 : index
        %get3A_500 = tpu.vector_load %arg11[%get3A_498, %get3A_499] {strides = array<i32>} : memref<80x256xf32, #tpu.memory_space<vmem>>, vector<16xf32>,
        %get3A_501 = arith.index_cast %add3A_435 : i32 to index
        %get3A_502 = arith.constant 48 : index
        %get3A_503 = tpu.vector_load %arg13[%get3A_501, %get3A_502] {strides = array<i32>} : memref<80x256xf32, #tpu.memory_space<vmem>>, vector<16xf32>,
        %get3A_504 = arith.index_cast %add3A_435 : i32 to index
        %get3A_505 = arith.constant 176 : index
        %get3A_506 = tpu.vector_load %arg11[%get3A_504, %get3A_505] {strides = array<i32>} : memref<80x256xf32, #tpu.memory_space<vmem>>, vector<16xf32>,
        %get3A_507 = arith.index_cast %add3A_435 : i32 to index
        %get3A_508 = arith.constant 176 : index
        %get3A_509 = tpu.vector_load %arg13[%get3A_507, %get3A_508] {strides = array<i32>} : memref<80x256xf32, #tpu.memory_space<vmem>>, vector<16xf32>,
        %add3A_510 = arith.addf %get3A_506, %get3A_509 : vector<16xf32>
        %mul3A_511 = arith.mulf %get3A_500, %get3A_503 : vector<16xf32>
        %mul3A_512 = arith.mulf %add3A_510, %gather3A_437 : vector<16xf32>
        %add3A_513 = arith.addf %mul3A_511, %mul3A_512 : vector<16xf32>
        %reduce_sum3A_514 = arith.constant true
        %reduce_sum3A_515 = vector.broadcast %reduce_sum3A_514 : i1 to vector<16xi1>
        %reduce_sum3A_516 = tpu.scan <sum>, %add3A_513 masked %reduce_sum3A_515 : vector<16xf32>, vector<16xi1> -> vector<16xf32>
        %reduce_sum3A_517 = vector.extract %reduce_sum3A_516[15] : f32 from vector<16xf32>
        %get3A_518 = arith.index_cast %add3A_435 : i32 to index
        %get3A_519 = arith.constant 64 : index
        %get3A_520 = tpu.vector_load %arg11[%get3A_518, %get3A_519] {strides = array<i32>} : memref<80x256xf32, #tpu.memory_space<vmem>>, vector<16xf32>,
        %get3A_521 = arith.index_cast %add3A_435 : i32 to index
        %get3A_522 = arith.constant 64 : index
        %get3A_523 = tpu.vector_load %arg13[%get3A_521, %get3A_522] {strides = array<i32>} : memref<80x256xf32, #tpu.memory_space<vmem>>, vector<16xf32>,
        %get3A_524 = arith.index_cast %add3A_435 : i32 to index
        %get3A_525 = arith.constant 192 : index
        %get3A_526 = tpu.vector_load %arg11[%get3A_524, %get3A_525] {strides = array<i32>} : memref<80x256xf32, #tpu.memory_space<vmem>>, vector<16xf32>,
        %get3A_527 = arith.index_cast %add3A_435 : i32 to index
        %get3A_528 = arith.constant 192 : index
        %get3A_529 = tpu.vector_load %arg13[%get3A_527, %get3A_528] {strides = array<i32>} : memref<80x256xf32, #tpu.memory_space<vmem>>, vector<16xf32>,
        %add3A_530 = arith.addf %get3A_526, %get3A_529 : vector<16xf32>
        %mul3A_531 = arith.mulf %get3A_520, %get3A_523 : vector<16xf32>
        %mul3A_532 = arith.mulf %add3A_530, %gather3A_437 : vector<16xf32>
        %add3A_533 = arith.addf %mul3A_531, %mul3A_532 : vector<16xf32>
        %reduce_sum3A_534 = arith.constant true
        %reduce_sum3A_535 = vector.broadcast %reduce_sum3A_534 : i1 to vector<16xi1>
        %reduce_sum3A_536 = tpu.scan <sum>, %add3A_533 masked %reduce_sum3A_535 : vector<16xf32>, vector<16xi1> -> vector<16xf32>
        %reduce_sum3A_537 = vector.extract %reduce_sum3A_536[15] : f32 from vector<16xf32>
        %get3A_538 = arith.index_cast %add3A_435 : i32 to index
        %get3A_539 = arith.constant 80 : index
        %get3A_540 = tpu.vector_load %arg11[%get3A_538, %get3A_539] {strides = array<i32>} : memref<80x256xf32, #tpu.memory_space<vmem>>, vector<16xf32>,
        %get3A_541 = arith.index_cast %add3A_435 : i32 to index
        %get3A_542 = arith.constant 80 : index
        %get3A_543 = tpu.vector_load %arg13[%get3A_541, %get3A_542] {strides = array<i32>} : memref<80x256xf32, #tpu.memory_space<vmem>>, vector<16xf32>,
        %get3A_544 = arith.index_cast %add3A_435 : i32 to index
        %get3A_545 = arith.constant 208 : index
        %get3A_546 = tpu.vector_load %arg11[%get3A_544, %get3A_545] {strides = array<i32>} : memref<80x256xf32, #tpu.memory_space<vmem>>, vector<16xf32>,
        %get3A_547 = arith.index_cast %add3A_435 : i32 to index
        %get3A_548 = arith.constant 208 : index
        %get3A_549 = tpu.vector_load %arg13[%get3A_547, %get3A_548] {strides = array<i32>} : memref<80x256xf32, #tpu.memory_space<vmem>>, vector<16xf32>,
        %add3A_550 = arith.addf %get3A_546, %get3A_549 : vector<16xf32>
        %mul3A_551 = arith.mulf %get3A_540, %get3A_543 : vector<16xf32>
        %mul3A_552 = arith.mulf %add3A_550, %gather3A_437 : vector<16xf32>
        %add3A_553 = arith.addf %mul3A_551, %mul3A_552 : vector<16xf32>
        %reduce_sum3A_554 = arith.constant true
        %reduce_sum3A_555 = vector.broadcast %reduce_sum3A_554 : i1 to vector<16xi1>
        %reduce_sum3A_556 = tpu.scan <sum>, %add3A_553 masked %reduce_sum3A_555 : vector<16xf32>, vector<16xi1> -> vector<16xf32>
        %reduce_sum3A_557 = vector.extract %reduce_sum3A_556[15] : f32 from vector<16xf32>
        %get3A_558 = arith.index_cast %add3A_435 : i32 to index
        %get3A_559 = arith.constant 96 : index
        %get3A_560 = tpu.vector_load %arg11[%get3A_558, %get3A_559] {strides = array<i32>} : memref<80x256xf32, #tpu.memory_space<vmem>>, vector<16xf32>,
        %get3A_561 = arith.index_cast %add3A_435 : i32 to index
        %get3A_562 = arith.constant 96 : index
        %get3A_563 = tpu.vector_load %arg13[%get3A_561, %get3A_562] {strides = array<i32>} : memref<80x256xf32, #tpu.memory_space<vmem>>, vector<16xf32>,
        %get3A_564 = arith.index_cast %add3A_435 : i32 to index
        %get3A_565 = arith.constant 224 : index
        %get3A_566 = tpu.vector_load %arg11[%get3A_564, %get3A_565] {strides = array<i32>} : memref<80x256xf32, #tpu.memory_space<vmem>>, vector<16xf32>,
        %get3A_567 = arith.index_cast %add3A_435 : i32 to index
        %get3A_568 = arith.constant 224 : index
        %get3A_569 = tpu.vector_load %arg13[%get3A_567, %get3A_568] {strides = array<i32>} : memref<80x256xf32, #tpu.memory_space<vmem>>, vector<16xf32>,
        %add3A_570 = arith.addf %get3A_566, %get3A_569 : vector<16xf32>
        %mul3A_571 = arith.mulf %get3A_560, %get3A_563 : vector<16xf32>
        %mul3A_572 = arith.mulf %add3A_570, %gather3A_437 : vector<16xf32>
        %add3A_573 = arith.addf %mul3A_571, %mul3A_572 : vector<16xf32>
        %reduce_sum3A_574 = arith.constant true
        %reduce_sum3A_575 = vector.broadcast %reduce_sum3A_574 : i1 to vector<16xi1>
        %reduce_sum3A_576 = tpu.scan <sum>, %add3A_573 masked %reduce_sum3A_575 : vector<16xf32>, vector<16xi1> -> vector<16xf32>
        %reduce_sum3A_577 = vector.extract %reduce_sum3A_576[15] : f32 from vector<16xf32>
        %get3A_578 = arith.index_cast %add3A_435 : i32 to index
        %get3A_579 = arith.constant 112 : index
        %get3A_580 = tpu.vector_load %arg11[%get3A_578, %get3A_579] {strides = array<i32>} : memref<80x256xf32, #tpu.memory_space<vmem>>, vector<16xf32>,
        %get3A_581 = arith.index_cast %add3A_435 : i32 to index
        %get3A_582 = arith.constant 112 : index
        %get3A_583 = tpu.vector_load %arg13[%get3A_581, %get3A_582] {strides = array<i32>} : memref<80x256xf32, #tpu.memory_space<vmem>>, vector<16xf32>,
        %get3A_584 = arith.index_cast %add3A_435 : i32 to index
        %get3A_585 = arith.constant 240 : index
        %get3A_586 = tpu.vector_load %arg11[%get3A_584, %get3A_585] {strides = array<i32>} : memref<80x256xf32, #tpu.memory_space<vmem>>, vector<16xf32>,
        %get3A_587 = arith.index_cast %add3A_435 : i32 to index
        %get3A_588 = arith.constant 240 : index
        %get3A_589 = tpu.vector_load %arg13[%get3A_587, %get3A_588] {strides = array<i32>} : memref<80x256xf32, #tpu.memory_space<vmem>>, vector<16xf32>,
        %add3A_590 = arith.addf %get3A_586, %get3A_589 : vector<16xf32>
        %mul3A_591 = arith.mulf %get3A_580, %get3A_583 : vector<16xf32>
        %mul3A_592 = arith.mulf %add3A_590, %gather3A_437 : vector<16xf32>
        %add3A_593 = arith.addf %mul3A_591, %mul3A_592 : vector<16xf32>
        %reduce_sum3A_594 = arith.constant true
        %reduce_sum3A_595 = vector.broadcast %reduce_sum3A_594 : i1 to vector<16xi1>
        %reduce_sum3A_596 = tpu.scan <sum>, %add3A_593 masked %reduce_sum3A_595 : vector<16xf32>, vector<16xi1> -> vector<16xf32>
        %reduce_sum3A_597 = vector.extract %reduce_sum3A_596[15] : f32 from vector<16xf32>
        %broadcast_in_dim3A_598 = arith.constant 0.000000e+00 : f32
        %broadcast_in_dim3A_599 = vector.broadcast %broadcast_in_dim3A_598 : f32 to vector<16xf32>
        %eq3A_600 = arith.constant 0 : i32
        %eq3A_601 = vector.broadcast %eq3A_600 : i32 to vector<16xi32>
        %eq3A_602 = arith.cmpi eq, %iota3A, %eq3A_601 : vector<16xi32>
        %jit3A_603 = arith.constant 0.000000e+00 : f32
        %broadcast_in_dim3A_604 = vector.broadcast %reduce_sum3A_457 : f32 to vector<16xf32>
        %broadcast_in_dim3A_605 = vector.broadcast %jit3A_603 : f32 to vector<16xf32>
        %select_n3A_606 = arith.select %eq3A_602, %broadcast_in_dim3A_604, %broadcast_in_dim3A_605 : vector<16xi1>, vector<16xf32>
        %add3A_607 = arith.addf %broadcast_in_dim3A_599, %select_n3A_606 : vector<16xf32>
        %eq3A_608 = arith.constant 1 : i32
        %eq3A_609 = vector.broadcast %eq3A_608 : i32 to vector<16xi32>
        %eq3A_610 = arith.cmpi eq, %iota3A, %eq3A_609 : vector<16xi32>
        %jit3A_611 = arith.constant 0.000000e+00 : f32
        %broadcast_in_dim3A_612 = vector.broadcast %reduce_sum3A_477 : f32 to vector<16xf32>
        %broadcast_in_dim3A_613 = vector.broadcast %jit3A_611 : f32 to vector<16xf32>
        %select_n3A_614 = arith.select %eq3A_610, %broadcast_in_dim3A_612, %broadcast_in_dim3A_613 : vector<16xi1>, vector<16xf32>
        %add3A_615 = arith.addf %add3A_607, %select_n3A_614 : vector<16xf32>
        %eq3A_616 = arith.constant 2 : i32
        %eq3A_617 = vector.broadcast %eq3A_616 : i32 to vector<16xi32>
        %eq3A_618 = arith.cmpi eq, %iota3A, %eq3A_617 : vector<16xi32>
        %jit3A_619 = arith.constant 0.000000e+00 : f32
        %broadcast_in_dim3A_620 = vector.broadcast %reduce_sum3A_497 : f32 to vector<16xf32>
        %broadcast_in_dim3A_621 = vector.broadcast %jit3A_619 : f32 to vector<16xf32>
        %select_n3A_622 = arith.select %eq3A_618, %broadcast_in_dim3A_620, %broadcast_in_dim3A_621 : vector<16xi1>, vector<16xf32>
        %add3A_623 = arith.addf %add3A_615, %select_n3A_622 : vector<16xf32>
        %eq3A_624 = arith.constant 3 : i32
        %eq3A_625 = vector.broadcast %eq3A_624 : i32 to vector<16xi32>
        %eq3A_626 = arith.cmpi eq, %iota3A, %eq3A_625 : vector<16xi32>
        %jit3A_627 = arith.constant 0.000000e+00 : f32
        %broadcast_in_dim3A_628 = vector.broadcast %reduce_sum3A_517 : f32 to vector<16xf32>
        %broadcast_in_dim3A_629 = vector.broadcast %jit3A_627 : f32 to vector<16xf32>
        %select_n3A_630 = arith.select %eq3A_626, %broadcast_in_dim3A_628, %broadcast_in_dim3A_629 : vector<16xi1>, vector<16xf32>
        %add3A_631 = arith.addf %add3A_623, %select_n3A_630 : vector<16xf32>
        %eq3A_632 = arith.constant 4 : i32
        %eq3A_633 = vector.broadcast %eq3A_632 : i32 to vector<16xi32>
        %eq3A_634 = arith.cmpi eq, %iota3A, %eq3A_633 : vector<16xi32>
        %jit3A_635 = arith.constant 0.000000e+00 : f32
        %broadcast_in_dim3A_636 = vector.broadcast %reduce_sum3A_537 : f32 to vector<16xf32>
        %broadcast_in_dim3A_637 = vector.broadcast %jit3A_635 : f32 to vector<16xf32>
        %select_n3A_638 = arith.select %eq3A_634, %broadcast_in_dim3A_636, %broadcast_in_dim3A_637 : vector<16xi1>, vector<16xf32>
        %add3A_639 = arith.addf %add3A_631, %select_n3A_638 : vector<16xf32>
        %eq3A_640 = arith.constant 5 : i32
        %eq3A_641 = vector.broadcast %eq3A_640 : i32 to vector<16xi32>
        %eq3A_642 = arith.cmpi eq, %iota3A, %eq3A_641 : vector<16xi32>
        %jit3A_643 = arith.constant 0.000000e+00 : f32
        %broadcast_in_dim3A_644 = vector.broadcast %reduce_sum3A_557 : f32 to vector<16xf32>
        %broadcast_in_dim3A_645 = vector.broadcast %jit3A_643 : f32 to vector<16xf32>
        %select_n3A_646 = arith.select %eq3A_642, %broadcast_in_dim3A_644, %broadcast_in_dim3A_645 : vector<16xi1>, vector<16xf32>
        %add3A_647 = arith.addf %add3A_639, %select_n3A_646 : vector<16xf32>
        %eq3A_648 = arith.constant 6 : i32
        %eq3A_649 = vector.broadcast %eq3A_648 : i32 to vector<16xi32>
        %eq3A_650 = arith.cmpi eq, %iota3A, %eq3A_649 : vector<16xi32>
        %jit3A_651 = arith.constant 0.000000e+00 : f32
        %broadcast_in_dim3A_652 = vector.broadcast %reduce_sum3A_577 : f32 to vector<16xf32>
        %broadcast_in_dim3A_653 = vector.broadcast %jit3A_651 : f32 to vector<16xf32>
        %select_n3A_654 = arith.select %eq3A_650, %broadcast_in_dim3A_652, %broadcast_in_dim3A_653 : vector<16xi1>, vector<16xf32>
        %add3A_655 = arith.addf %add3A_647, %select_n3A_654 : vector<16xf32>
        %eq3A_656 = arith.constant 7 : i32
        %eq3A_657 = vector.broadcast %eq3A_656 : i32 to vector<16xi32>
        %eq3A_658 = arith.cmpi eq, %iota3A, %eq3A_657 : vector<16xi32>
        %jit3A_659 = arith.constant 0.000000e+00 : f32
        %broadcast_in_dim3A_660 = vector.broadcast %reduce_sum3A_597 : f32 to vector<16xf32>
        %broadcast_in_dim3A_661 = vector.broadcast %jit3A_659 : f32 to vector<16xf32>
        %select_n3A_662 = arith.select %eq3A_658, %broadcast_in_dim3A_660, %broadcast_in_dim3A_661 : vector<16xi1>, vector<16xf32>
        %add3A_663 = arith.addf %add3A_655, %select_n3A_662 : vector<16xf32>
        %and3A_664 = arith.constant 7 : i32
        %and3A_665 = vector.broadcast %and3A_664 : i32 to vector<16xi32>
        %and3A_666 = arith.andi %iota3A, %and3A_665 : vector<16xi32>
        %gather3A_667 = tpu.vector_load_idx %arg17[%and3A_666, %broadcast_in_dim3A_436] : memref<8x80xf32, #tpu.memory_space<vmem>>[vector<16xi32>, vector<16xi32>], vector<16xf32>,
        %add3A_668 = arith.addf %add3A_663, %gather3A_667 : vector<16xf32>
        %mul3A_669 = arith.constant 2.500000e-01 : f32
        %mul3A_670 = vector.broadcast %mul3A_669 : f32 to vector<16xf32>
        %mul3A_671 = arith.mulf %add3A_668, %mul3A_670 : vector<16xf32>
        %exp3A_672 = math.exp %mul3A_671 : vector<16xf32>
        %swap3A_673 = arith.index_cast %add3A_435 : i32 to index
        %swap3A_674 = arith.constant 0 : index
        %swap3A_675 = tpu.vector_load %arg19[%swap3A_673, %swap3A_674] {strides = array<i32>} : memref<80x16xf32, #tpu.memory_space<vmem>>, vector<16xf32>,
        tpu.vector_store %arg19[%swap3A_673, %swap3A_674], %exp3A_672 {strides = array<i32>} : memref<80x16xf32, #tpu.memory_space<vmem>>, vector<16xf32>,
        %mul3A_676 = arith.constant 4 : i32
        %mul3A_677 = arith.muli %scan3A_198, %mul3A_676 : i32
        %add3A_678 = arith.constant 2 : i32
        %add3A_679 = arith.addi %mul3A_677, %add3A_678 : i32
        %broadcast_in_dim3A_680 = vector.broadcast %add3A_679 : i32 to vector<16xi32>
        %gather3A_681 = tpu.vector_load_idx %arg15[%iota3A, %broadcast_in_dim3A_680] : memref<16x80xf32, #tpu.memory_space<vmem>>[vector<16xi32>, vector<16xi32>], vector<16xf32>,
        %get3A_682 = arith.index_cast %add3A_679 : i32 to index
        %get3A_683 = arith.constant 0 : index
        %get3A_684 = tpu.vector_load %arg11[%get3A_682, %get3A_683] {strides = array<i32>} : memref<80x256xf32, #tpu.memory_space<vmem>>, vector<16xf32>,
        %get3A_685 = arith.index_cast %add3A_679 : i32 to index
        %get3A_686 = arith.constant 0 : index
        %get3A_687 = tpu.vector_load %arg13[%get3A_685, %get3A_686] {strides = array<i32>} : memref<80x256xf32, #tpu.memory_space<vmem>>, vector<16xf32>,
        %get3A_688 = arith.index_cast %add3A_679 : i32 to index
        %get3A_689 = arith.constant 128 : index
        %get3A_690 = tpu.vector_load %arg11[%get3A_688, %get3A_689] {strides = array<i32>} : memref<80x256xf32, #tpu.memory_space<vmem>>, vector<16xf32>,
        %get3A_691 = arith.index_cast %add3A_679 : i32 to index
        %get3A_692 = arith.constant 128 : index
        %get3A_693 = tpu.vector_load %arg13[%get3A_691, %get3A_692] {strides = array<i32>} : memref<80x256xf32, #tpu.memory_space<vmem>>, vector<16xf32>,
        %add3A_694 = arith.addf %get3A_690, %get3A_693 : vector<16xf32>
        %mul3A_695 = arith.mulf %get3A_684, %get3A_687 : vector<16xf32>
        %mul3A_696 = arith.mulf %add3A_694, %gather3A_681 : vector<16xf32>
        %add3A_697 = arith.addf %mul3A_695, %mul3A_696 : vector<16xf32>
        %reduce_sum3A_698 = arith.constant true
        %reduce_sum3A_699 = vector.broadcast %reduce_sum3A_698 : i1 to vector<16xi1>
        %reduce_sum3A_700 = tpu.scan <sum>, %add3A_697 masked %reduce_sum3A_699 : vector<16xf32>, vector<16xi1> -> vector<16xf32>
        %reduce_sum3A_701 = vector.extract %reduce_sum3A_700[15] : f32 from vector<16xf32>
        %get3A_702 = arith.index_cast %add3A_679 : i32 to index
        %get3A_703 = arith.constant 16 : index
        %get3A_704 = tpu.vector_load %arg11[%get3A_702, %get3A_703] {strides = array<i32>} : memref<80x256xf32, #tpu.memory_space<vmem>>, vector<16xf32>,
        %get3A_705 = arith.index_cast %add3A_679 : i32 to index
        %get3A_706 = arith.constant 16 : index
        %get3A_707 = tpu.vector_load %arg13[%get3A_705, %get3A_706] {strides = array<i32>} : memref<80x256xf32, #tpu.memory_space<vmem>>, vector<16xf32>,
        %get3A_708 = arith.index_cast %add3A_679 : i32 to index
        %get3A_709 = arith.constant 144 : index
        %get3A_710 = tpu.vector_load %arg11[%get3A_708, %get3A_709] {strides = array<i32>} : memref<80x256xf32, #tpu.memory_space<vmem>>, vector<16xf32>,
        %get3A_711 = arith.index_cast %add3A_679 : i32 to index
        %get3A_712 = arith.constant 144 : index
        %get3A_713 = tpu.vector_load %arg13[%get3A_711, %get3A_712] {strides = array<i32>} : memref<80x256xf32, #tpu.memory_space<vmem>>, vector<16xf32>,
        %add3A_714 = arith.addf %get3A_710, %get3A_713 : vector<16xf32>
        %mul3A_715 = arith.mulf %get3A_704, %get3A_707 : vector<16xf32>
        %mul3A_716 = arith.mulf %add3A_714, %gather3A_681 : vector<16xf32>
        %add3A_717 = arith.addf %mul3A_715, %mul3A_716 : vector<16xf32>
        %reduce_sum3A_718 = arith.constant true
        %reduce_sum3A_719 = vector.broadcast %reduce_sum3A_718 : i1 to vector<16xi1>
        %reduce_sum3A_720 = tpu.scan <sum>, %add3A_717 masked %reduce_sum3A_719 : vector<16xf32>, vector<16xi1> -> vector<16xf32>
        %reduce_sum3A_721 = vector.extract %reduce_sum3A_720[15] : f32 from vector<16xf32>
        %get3A_722 = arith.index_cast %add3A_679 : i32 to index
        %get3A_723 = arith.constant 32 : index
        %get3A_724 = tpu.vector_load %arg11[%get3A_722, %get3A_723] {strides = array<i32>} : memref<80x256xf32, #tpu.memory_space<vmem>>, vector<16xf32>,
        %get3A_725 = arith.index_cast %add3A_679 : i32 to index
        %get3A_726 = arith.constant 32 : index
        %get3A_727 = tpu.vector_load %arg13[%get3A_725, %get3A_726] {strides = array<i32>} : memref<80x256xf32, #tpu.memory_space<vmem>>, vector<16xf32>,
        %get3A_728 = arith.index_cast %add3A_679 : i32 to index
        %get3A_729 = arith.constant 160 : index
        %get3A_730 = tpu.vector_load %arg11[%get3A_728, %get3A_729] {strides = array<i32>} : memref<80x256xf32, #tpu.memory_space<vmem>>, vector<16xf32>,
        %get3A_731 = arith.index_cast %add3A_679 : i32 to index
        %get3A_732 = arith.constant 160 : index
        %get3A_733 = tpu.vector_load %arg13[%get3A_731, %get3A_732] {strides = array<i32>} : memref<80x256xf32, #tpu.memory_space<vmem>>, vector<16xf32>,
        %add3A_734 = arith.addf %get3A_730, %get3A_733 : vector<16xf32>
        %mul3A_735 = arith.mulf %get3A_724, %get3A_727 : vector<16xf32>
        %mul3A_736 = arith.mulf %add3A_734, %gather3A_681 : vector<16xf32>
        %add3A_737 = arith.addf %mul3A_735, %mul3A_736 : vector<16xf32>
        %reduce_sum3A_738 = arith.constant true
        %reduce_sum3A_739 = vector.broadcast %reduce_sum3A_738 : i1 to vector<16xi1>
        %reduce_sum3A_740 = tpu.scan <sum>, %add3A_737 masked %reduce_sum3A_739 : vector<16xf32>, vector<16xi1> -> vector<16xf32>
        %reduce_sum3A_741 = vector.extract %reduce_sum3A_740[15] : f32 from vector<16xf32>
        %get3A_742 = arith.index_cast %add3A_679 : i32 to index
        %get3A_743 = arith.constant 48 : index
        %get3A_744 = tpu.vector_load %arg11[%get3A_742, %get3A_743] {strides = array<i32>} : memref<80x256xf32, #tpu.memory_space<vmem>>, vector<16xf32>,
        %get3A_745 = arith.index_cast %add3A_679 : i32 to index
        %get3A_746 = arith.constant 48 : index
        %get3A_747 = tpu.vector_load %arg13[%get3A_745, %get3A_746] {strides = array<i32>} : memref<80x256xf32, #tpu.memory_space<vmem>>, vector<16xf32>,
        %get3A_748 = arith.index_cast %add3A_679 : i32 to index
        %get3A_749 = arith.constant 176 : index
        %get3A_750 = tpu.vector_load %arg11[%get3A_748, %get3A_749] {strides = array<i32>} : memref<80x256xf32, #tpu.memory_space<vmem>>, vector<16xf32>,
        %get3A_751 = arith.index_cast %add3A_679 : i32 to index
        %get3A_752 = arith.constant 176 : index
        %get3A_753 = tpu.vector_load %arg13[%get3A_751, %get3A_752] {strides = array<i32>} : memref<80x256xf32, #tpu.memory_space<vmem>>, vector<16xf32>,
        %add3A_754 = arith.addf %get3A_750, %get3A_753 : vector<16xf32>
        %mul3A_755 = arith.mulf %get3A_744, %get3A_747 : vector<16xf32>
        %mul3A_756 = arith.mulf %add3A_754, %gather3A_681 : vector<16xf32>
        %add3A_757 = arith.addf %mul3A_755, %mul3A_756 : vector<16xf32>
        %reduce_sum3A_758 = arith.constant true
        %reduce_sum3A_759 = vector.broadcast %reduce_sum3A_758 : i1 to vector<16xi1>
        %reduce_sum3A_760 = tpu.scan <sum>, %add3A_757 masked %reduce_sum3A_759 : vector<16xf32>, vector<16xi1> -> vector<16xf32>
        %reduce_sum3A_761 = vector.extract %reduce_sum3A_760[15] : f32 from vector<16xf32>
        %get3A_762 = arith.index_cast %add3A_679 : i32 to index
        %get3A_763 = arith.constant 64 : index
        %get3A_764 = tpu.vector_load %arg11[%get3A_762, %get3A_763] {strides = array<i32>} : memref<80x256xf32, #tpu.memory_space<vmem>>, vector<16xf32>,
        %get3A_765 = arith.index_cast %add3A_679 : i32 to index
        %get3A_766 = arith.constant 64 : index
        %get3A_767 = tpu.vector_load %arg13[%get3A_765, %get3A_766] {strides = array<i32>} : memref<80x256xf32, #tpu.memory_space<vmem>>, vector<16xf32>,
        %get3A_768 = arith.index_cast %add3A_679 : i32 to index
        %get3A_769 = arith.constant 192 : index
        %get3A_770 = tpu.vector_load %arg11[%get3A_768, %get3A_769] {strides = array<i32>} : memref<80x256xf32, #tpu.memory_space<vmem>>, vector<16xf32>,
        %get3A_771 = arith.index_cast %add3A_679 : i32 to index
        %get3A_772 = arith.constant 192 : index
        %get3A_773 = tpu.vector_load %arg13[%get3A_771, %get3A_772] {strides = array<i32>} : memref<80x256xf32, #tpu.memory_space<vmem>>, vector<16xf32>,
        %add3A_774 = arith.addf %get3A_770, %get3A_773 : vector<16xf32>
        %mul3A_775 = arith.mulf %get3A_764, %get3A_767 : vector<16xf32>
        %mul3A_776 = arith.mulf %add3A_774, %gather3A_681 : vector<16xf32>
        %add3A_777 = arith.addf %mul3A_775, %mul3A_776 : vector<16xf32>
        %reduce_sum3A_778 = arith.constant true
        %reduce_sum3A_779 = vector.broadcast %reduce_sum3A_778 : i1 to vector<16xi1>
        %reduce_sum3A_780 = tpu.scan <sum>, %add3A_777 masked %reduce_sum3A_779 : vector<16xf32>, vector<16xi1> -> vector<16xf32>
        %reduce_sum3A_781 = vector.extract %reduce_sum3A_780[15] : f32 from vector<16xf32>
        %get3A_782 = arith.index_cast %add3A_679 : i32 to index
        %get3A_783 = arith.constant 80 : index
        %get3A_784 = tpu.vector_load %arg11[%get3A_782, %get3A_783] {strides = array<i32>} : memref<80x256xf32, #tpu.memory_space<vmem>>, vector<16xf32>,
        %get3A_785 = arith.index_cast %add3A_679 : i32 to index
        %get3A_786 = arith.constant 80 : index
        %get3A_787 = tpu.vector_load %arg13[%get3A_785, %get3A_786] {strides = array<i32>} : memref<80x256xf32, #tpu.memory_space<vmem>>, vector<16xf32>,
        %get3A_788 = arith.index_cast %add3A_679 : i32 to index
        %get3A_789 = arith.constant 208 : index
        %get3A_790 = tpu.vector_load %arg11[%get3A_788, %get3A_789] {strides = array<i32>} : memref<80x256xf32, #tpu.memory_space<vmem>>, vector<16xf32>,
        %get3A_791 = arith.index_cast %add3A_679 : i32 to index
        %get3A_792 = arith.constant 208 : index
        %get3A_793 = tpu.vector_load %arg13[%get3A_791, %get3A_792] {strides = array<i32>} : memref<80x256xf32, #tpu.memory_space<vmem>>, vector<16xf32>,
        %add3A_794 = arith.addf %get3A_790, %get3A_793 : vector<16xf32>
        %mul3A_795 = arith.mulf %get3A_784, %get3A_787 : vector<16xf32>
        %mul3A_796 = arith.mulf %add3A_794, %gather3A_681 : vector<16xf32>
        %add3A_797 = arith.addf %mul3A_795, %mul3A_796 : vector<16xf32>
        %reduce_sum3A_798 = arith.constant true
        %reduce_sum3A_799 = vector.broadcast %reduce_sum3A_798 : i1 to vector<16xi1>
        %reduce_sum3A_800 = tpu.scan <sum>, %add3A_797 masked %reduce_sum3A_799 : vector<16xf32>, vector<16xi1> -> vector<16xf32>
        %reduce_sum3A_801 = vector.extract %reduce_sum3A_800[15] : f32 from vector<16xf32>
        %get3A_802 = arith.index_cast %add3A_679 : i32 to index
        %get3A_803 = arith.constant 96 : index
        %get3A_804 = tpu.vector_load %arg11[%get3A_802, %get3A_803] {strides = array<i32>} : memref<80x256xf32, #tpu.memory_space<vmem>>, vector<16xf32>,
        %get3A_805 = arith.index_cast %add3A_679 : i32 to index
        %get3A_806 = arith.constant 96 : index
        %get3A_807 = tpu.vector_load %arg13[%get3A_805, %get3A_806] {strides = array<i32>} : memref<80x256xf32, #tpu.memory_space<vmem>>, vector<16xf32>,
        %get3A_808 = arith.index_cast %add3A_679 : i32 to index
        %get3A_809 = arith.constant 224 : index
        %get3A_810 = tpu.vector_load %arg11[%get3A_808, %get3A_809] {strides = array<i32>} : memref<80x256xf32, #tpu.memory_space<vmem>>, vector<16xf32>,
        %get3A_811 = arith.index_cast %add3A_679 : i32 to index
        %get3A_812 = arith.constant 224 : index
        %get3A_813 = tpu.vector_load %arg13[%get3A_811, %get3A_812] {strides = array<i32>} : memref<80x256xf32, #tpu.memory_space<vmem>>, vector<16xf32>,
        %add3A_814 = arith.addf %get3A_810, %get3A_813 : vector<16xf32>
        %mul3A_815 = arith.mulf %get3A_804, %get3A_807 : vector<16xf32>
        %mul3A_816 = arith.mulf %add3A_814, %gather3A_681 : vector<16xf32>
        %add3A_817 = arith.addf %mul3A_815, %mul3A_816 : vector<16xf32>
        %reduce_sum3A_818 = arith.constant true
        %reduce_sum3A_819 = vector.broadcast %reduce_sum3A_818 : i1 to vector<16xi1>
        %reduce_sum3A_820 = tpu.scan <sum>, %add3A_817 masked %reduce_sum3A_819 : vector<16xf32>, vector<16xi1> -> vector<16xf32>
        %reduce_sum3A_821 = vector.extract %reduce_sum3A_820[15] : f32 from vector<16xf32>
        %get3A_822 = arith.index_cast %add3A_679 : i32 to index
        %get3A_823 = arith.constant 112 : index
        %get3A_824 = tpu.vector_load %arg11[%get3A_822, %get3A_823] {strides = array<i32>} : memref<80x256xf32, #tpu.memory_space<vmem>>, vector<16xf32>,
        %get3A_825 = arith.index_cast %add3A_679 : i32 to index
        %get3A_826 = arith.constant 112 : index
        %get3A_827 = tpu.vector_load %arg13[%get3A_825, %get3A_826] {strides = array<i32>} : memref<80x256xf32, #tpu.memory_space<vmem>>, vector<16xf32>,
        %get3A_828 = arith.index_cast %add3A_679 : i32 to index
        %get3A_829 = arith.constant 240 : index
        %get3A_830 = tpu.vector_load %arg11[%get3A_828, %get3A_829] {strides = array<i32>} : memref<80x256xf32, #tpu.memory_space<vmem>>, vector<16xf32>,
        %get3A_831 = arith.index_cast %add3A_679 : i32 to index
        %get3A_832 = arith.constant 240 : index
        %get3A_833 = tpu.vector_load %arg13[%get3A_831, %get3A_832] {strides = array<i32>} : memref<80x256xf32, #tpu.memory_space<vmem>>, vector<16xf32>,
        %add3A_834 = arith.addf %get3A_830, %get3A_833 : vector<16xf32>
        %mul3A_835 = arith.mulf %get3A_824, %get3A_827 : vector<16xf32>
        %mul3A_836 = arith.mulf %add3A_834, %gather3A_681 : vector<16xf32>
        %add3A_837 = arith.addf %mul3A_835, %mul3A_836 : vector<16xf32>
        %reduce_sum3A_838 = arith.constant true
        %reduce_sum3A_839 = vector.broadcast %reduce_sum3A_838 : i1 to vector<16xi1>
        %reduce_sum3A_840 = tpu.scan <sum>, %add3A_837 masked %reduce_sum3A_839 : vector<16xf32>, vector<16xi1> -> vector<16xf32>
        %reduce_sum3A_841 = vector.extract %reduce_sum3A_840[15] : f32 from vector<16xf32>
        %broadcast_in_dim3A_842 = arith.constant 0.000000e+00 : f32
        %broadcast_in_dim3A_843 = vector.broadcast %broadcast_in_dim3A_842 : f32 to vector<16xf32>
        %eq3A_844 = arith.constant 0 : i32
        %eq3A_845 = vector.broadcast %eq3A_844 : i32 to vector<16xi32>
        %eq3A_846 = arith.cmpi eq, %iota3A, %eq3A_845 : vector<16xi32>
        %jit3A_847 = arith.constant 0.000000e+00 : f32
        %broadcast_in_dim3A_848 = vector.broadcast %reduce_sum3A_701 : f32 to vector<16xf32>
        %broadcast_in_dim3A_849 = vector.broadcast %jit3A_847 : f32 to vector<16xf32>
        %select_n3A_850 = arith.select %eq3A_846, %broadcast_in_dim3A_848, %broadcast_in_dim3A_849 : vector<16xi1>, vector<16xf32>
        %add3A_851 = arith.addf %broadcast_in_dim3A_843, %select_n3A_850 : vector<16xf32>
        %eq3A_852 = arith.constant 1 : i32
        %eq3A_853 = vector.broadcast %eq3A_852 : i32 to vector<16xi32>
        %eq3A_854 = arith.cmpi eq, %iota3A, %eq3A_853 : vector<16xi32>
        %jit3A_855 = arith.constant 0.000000e+00 : f32
        %broadcast_in_dim3A_856 = vector.broadcast %reduce_sum3A_721 : f32 to vector<16xf32>
        %broadcast_in_dim3A_857 = vector.broadcast %jit3A_855 : f32 to vector<16xf32>
        %select_n3A_858 = arith.select %eq3A_854, %broadcast_in_dim3A_856, %broadcast_in_dim3A_857 : vector<16xi1>, vector<16xf32>
        %add3A_859 = arith.addf %add3A_851, %select_n3A_858 : vector<16xf32>
        %eq3A_860 = arith.constant 2 : i32
        %eq3A_861 = vector.broadcast %eq3A_860 : i32 to vector<16xi32>
        %eq3A_862 = arith.cmpi eq, %iota3A, %eq3A_861 : vector<16xi32>
        %jit3A_863 = arith.constant 0.000000e+00 : f32
        %broadcast_in_dim3A_864 = vector.broadcast %reduce_sum3A_741 : f32 to vector<16xf32>
        %broadcast_in_dim3A_865 = vector.broadcast %jit3A_863 : f32 to vector<16xf32>
        %select_n3A_866 = arith.select %eq3A_862, %broadcast_in_dim3A_864, %broadcast_in_dim3A_865 : vector<16xi1>, vector<16xf32>
        %add3A_867 = arith.addf %add3A_859, %select_n3A_866 : vector<16xf32>
        %eq3A_868 = arith.constant 3 : i32
        %eq3A_869 = vector.broadcast %eq3A_868 : i32 to vector<16xi32>
        %eq3A_870 = arith.cmpi eq, %iota3A, %eq3A_869 : vector<16xi32>
        %jit3A_871 = arith.constant 0.000000e+00 : f32
        %broadcast_in_dim3A_872 = vector.broadcast %reduce_sum3A_761 : f32 to vector<16xf32>
        %broadcast_in_dim3A_873 = vector.broadcast %jit3A_871 : f32 to vector<16xf32>
        %select_n3A_874 = arith.select %eq3A_870, %broadcast_in_dim3A_872, %broadcast_in_dim3A_873 : vector<16xi1>, vector<16xf32>
        %add3A_875 = arith.addf %add3A_867, %select_n3A_874 : vector<16xf32>
        %eq3A_876 = arith.constant 4 : i32
        %eq3A_877 = vector.broadcast %eq3A_876 : i32 to vector<16xi32>
        %eq3A_878 = arith.cmpi eq, %iota3A, %eq3A_877 : vector<16xi32>
        %jit3A_879 = arith.constant 0.000000e+00 : f32
        %broadcast_in_dim3A_880 = vector.broadcast %reduce_sum3A_781 : f32 to vector<16xf32>
        %broadcast_in_dim3A_881 = vector.broadcast %jit3A_879 : f32 to vector<16xf32>
        %select_n3A_882 = arith.select %eq3A_878, %broadcast_in_dim3A_880, %broadcast_in_dim3A_881 : vector<16xi1>, vector<16xf32>
        %add3A_883 = arith.addf %add3A_875, %select_n3A_882 : vector<16xf32>
        %eq3A_884 = arith.constant 5 : i32
        %eq3A_885 = vector.broadcast %eq3A_884 : i32 to vector<16xi32>
        %eq3A_886 = arith.cmpi eq, %iota3A, %eq3A_885 : vector<16xi32>
        %jit3A_887 = arith.constant 0.000000e+00 : f32
        %broadcast_in_dim3A_888 = vector.broadcast %reduce_sum3A_801 : f32 to vector<16xf32>
        %broadcast_in_dim3A_889 = vector.broadcast %jit3A_887 : f32 to vector<16xf32>
        %select_n3A_890 = arith.select %eq3A_886, %broadcast_in_dim3A_888, %broadcast_in_dim3A_889 : vector<16xi1>, vector<16xf32>
        %add3A_891 = arith.addf %add3A_883, %select_n3A_890 : vector<16xf32>
        %eq3A_892 = arith.constant 6 : i32
        %eq3A_893 = vector.broadcast %eq3A_892 : i32 to vector<16xi32>
        %eq3A_894 = arith.cmpi eq, %iota3A, %eq3A_893 : vector<16xi32>
        %jit3A_895 = arith.constant 0.000000e+00 : f32
        %broadcast_in_dim3A_896 = vector.broadcast %reduce_sum3A_821 : f32 to vector<16xf32>
        %broadcast_in_dim3A_897 = vector.broadcast %jit3A_895 : f32 to vector<16xf32>
        %select_n3A_898 = arith.select %eq3A_894, %broadcast_in_dim3A_896, %broadcast_in_dim3A_897 : vector<16xi1>, vector<16xf32>
        %add3A_899 = arith.addf %add3A_891, %select_n3A_898 : vector<16xf32>
        %eq3A_900 = arith.constant 7 : i32
        %eq3A_901 = vector.broadcast %eq3A_900 : i32 to vector<16xi32>
        %eq3A_902 = arith.cmpi eq, %iota3A, %eq3A_901 : vector<16xi32>
        %jit3A_903 = arith.constant 0.000000e+00 : f32
        %broadcast_in_dim3A_904 = vector.broadcast %reduce_sum3A_841 : f32 to vector<16xf32>
        %broadcast_in_dim3A_905 = vector.broadcast %jit3A_903 : f32 to vector<16xf32>
        %select_n3A_906 = arith.select %eq3A_902, %broadcast_in_dim3A_904, %broadcast_in_dim3A_905 : vector<16xi1>, vector<16xf32>
        %add3A_907 = arith.addf %add3A_899, %select_n3A_906 : vector<16xf32>
        %and3A_908 = arith.constant 7 : i32
        %and3A_909 = vector.broadcast %and3A_908 : i32 to vector<16xi32>
        %and3A_910 = arith.andi %iota3A, %and3A_909 : vector<16xi32>
        %gather3A_911 = tpu.vector_load_idx %arg17[%and3A_910, %broadcast_in_dim3A_680] : memref<8x80xf32, #tpu.memory_space<vmem>>[vector<16xi32>, vector<16xi32>], vector<16xf32>,
        %add3A_912 = arith.addf %add3A_907, %gather3A_911 : vector<16xf32>
        %mul3A_913 = arith.constant 2.500000e-01 : f32
        %mul3A_914 = vector.broadcast %mul3A_913 : f32 to vector<16xf32>
        %mul3A_915 = arith.mulf %add3A_912, %mul3A_914 : vector<16xf32>
        %exp3A_916 = math.exp %mul3A_915 : vector<16xf32>
        %swap3A_917 = arith.index_cast %add3A_679 : i32 to index
        %swap3A_918 = arith.constant 0 : index
        %swap3A_919 = tpu.vector_load %arg19[%swap3A_917, %swap3A_918] {strides = array<i32>} : memref<80x16xf32, #tpu.memory_space<vmem>>, vector<16xf32>,
        tpu.vector_store %arg19[%swap3A_917, %swap3A_918], %exp3A_916 {strides = array<i32>} : memref<80x16xf32, #tpu.memory_space<vmem>>, vector<16xf32>,
        %mul3A_920 = arith.constant 4 : i32
        %mul3A_921 = arith.muli %scan3A_198, %mul3A_920 : i32
        %add3A_922 = arith.constant 3 : i32
        %add3A_923 = arith.addi %mul3A_921, %add3A_922 : i32
        %broadcast_in_dim3A_924 = vector.broadcast %add3A_923 : i32 to vector<16xi32>
        %gather3A_925 = tpu.vector_load_idx %arg15[%iota3A, %broadcast_in_dim3A_924] : memref<16x80xf32, #tpu.memory_space<vmem>>[vector<16xi32>, vector<16xi32>], vector<16xf32>,
        %get3A_926 = arith.index_cast %add3A_923 : i32 to index
        %get3A_927 = arith.constant 0 : index
        %get3A_928 = tpu.vector_load %arg11[%get3A_926, %get3A_927] {strides = array<i32>} : memref<80x256xf32, #tpu.memory_space<vmem>>, vector<16xf32>,
        %get3A_929 = arith.index_cast %add3A_923 : i32 to index
        %get3A_930 = arith.constant 0 : index
        %get3A_931 = tpu.vector_load %arg13[%get3A_929, %get3A_930] {strides = array<i32>} : memref<80x256xf32, #tpu.memory_space<vmem>>, vector<16xf32>,
        %get3A_932 = arith.index_cast %add3A_923 : i32 to index
        %get3A_933 = arith.constant 128 : index
        %get3A_934 = tpu.vector_load %arg11[%get3A_932, %get3A_933] {strides = array<i32>} : memref<80x256xf32, #tpu.memory_space<vmem>>, vector<16xf32>,
        %get3A_935 = arith.index_cast %add3A_923 : i32 to index
        %get3A_936 = arith.constant 128 : index
        %get3A_937 = tpu.vector_load %arg13[%get3A_935, %get3A_936] {strides = array<i32>} : memref<80x256xf32, #tpu.memory_space<vmem>>, vector<16xf32>,
        %add3A_938 = arith.addf %get3A_934, %get3A_937 : vector<16xf32>
        %mul3A_939 = arith.mulf %get3A_928, %get3A_931 : vector<16xf32>
        %mul3A_940 = arith.mulf %add3A_938, %gather3A_925 : vector<16xf32>
        %add3A_941 = arith.addf %mul3A_939, %mul3A_940 : vector<16xf32>
        %reduce_sum3A_942 = arith.constant true
        %reduce_sum3A_943 = vector.broadcast %reduce_sum3A_942 : i1 to vector<16xi1>
        %reduce_sum3A_944 = tpu.scan <sum>, %add3A_941 masked %reduce_sum3A_943 : vector<16xf32>, vector<16xi1> -> vector<16xf32>
        %reduce_sum3A_945 = vector.extract %reduce_sum3A_944[15] : f32 from vector<16xf32>
        %get3A_946 = arith.index_cast %add3A_923 : i32 to index
        %get3A_947 = arith.constant 16 : index
        %get3A_948 = tpu.vector_load %arg11[%get3A_946, %get3A_947] {strides = array<i32>} : memref<80x256xf32, #tpu.memory_space<vmem>>, vector<16xf32>,
        %get3A_949 = arith.index_cast %add3A_923 : i32 to index
        %get3A_950 = arith.constant 16 : index
        %get3A_951 = tpu.vector_load %arg13[%get3A_949, %get3A_950] {strides = array<i32>} : memref<80x256xf32, #tpu.memory_space<vmem>>, vector<16xf32>,
        %get3A_952 = arith.index_cast %add3A_923 : i32 to index
        %get3A_953 = arith.constant 144 : index
        %get3A_954 = tpu.vector_load %arg11[%get3A_952, %get3A_953] {strides = array<i32>} : memref<80x256xf32, #tpu.memory_space<vmem>>, vector<16xf32>,
        %get3A_955 = arith.index_cast %add3A_923 : i32 to index
        %get3A_956 = arith.constant 144 : index
        %get3A_957 = tpu.vector_load %arg13[%get3A_955, %get3A_956] {strides = array<i32>} : memref<80x256xf32, #tpu.memory_space<vmem>>, vector<16xf32>,
        %add3A_958 = arith.addf %get3A_954, %get3A_957 : vector<16xf32>
        %mul3A_959 = arith.mulf %get3A_948, %get3A_951 : vector<16xf32>
        %mul3A_960 = arith.mulf %add3A_958, %gather3A_925 : vector<16xf32>
        %add3A_961 = arith.addf %mul3A_959, %mul3A_960 : vector<16xf32>
        %reduce_sum3A_962 = arith.constant true
        %reduce_sum3A_963 = vector.broadcast %reduce_sum3A_962 : i1 to vector<16xi1>
        %reduce_sum3A_964 = tpu.scan <sum>, %add3A_961 masked %reduce_sum3A_963 : vector<16xf32>, vector<16xi1> -> vector<16xf32>
        %reduce_sum3A_965 = vector.extract %reduce_sum3A_964[15] : f32 from vector<16xf32>
        %get3A_966 = arith.index_cast %add3A_923 : i32 to index
        %get3A_967 = arith.constant 32 : index
        %get3A_968 = tpu.vector_load %arg11[%get3A_966, %get3A_967] {strides = array<i32>} : memref<80x256xf32, #tpu.memory_space<vmem>>, vector<16xf32>,
        %get3A_969 = arith.index_cast %add3A_923 : i32 to index
        %get3A_970 = arith.constant 32 : index
        %get3A_971 = tpu.vector_load %arg13[%get3A_969, %get3A_970] {strides = array<i32>} : memref<80x256xf32, #tpu.memory_space<vmem>>, vector<16xf32>,
        %get3A_972 = arith.index_cast %add3A_923 : i32 to index
        %get3A_973 = arith.constant 160 : index
        %get3A_974 = tpu.vector_load %arg11[%get3A_972, %get3A_973] {strides = array<i32>} : memref<80x256xf32, #tpu.memory_space<vmem>>, vector<16xf32>,
        %get3A_975 = arith.index_cast %add3A_923 : i32 to index
        %get3A_976 = arith.constant 160 : index
        %get3A_977 = tpu.vector_load %arg13[%get3A_975, %get3A_976] {strides = array<i32>} : memref<80x256xf32, #tpu.memory_space<vmem>>, vector<16xf32>,
        %add3A_978 = arith.addf %get3A_974, %get3A_977 : vector<16xf32>
        %mul3A_979 = arith.mulf %get3A_968, %get3A_971 : vector<16xf32>
        %mul3A_980 = arith.mulf %add3A_978, %gather3A_925 : vector<16xf32>
        %add3A_981 = arith.addf %mul3A_979, %mul3A_980 : vector<16xf32>
        %reduce_sum3A_982 = arith.constant true
        %reduce_sum3A_983 = vector.broadcast %reduce_sum3A_982 : i1 to vector<16xi1>
        %reduce_sum3A_984 = tpu.scan <sum>, %add3A_981 masked %reduce_sum3A_983 : vector<16xf32>, vector<16xi1> -> vector<16xf32>
        %reduce_sum3A_985 = vector.extract %reduce_sum3A_984[15] : f32 from vector<16xf32>
        %get3A_986 = arith.index_cast %add3A_923 : i32 to index
        %get3A_987 = arith.constant 48 : index
        %get3A_988 = tpu.vector_load %arg11[%get3A_986, %get3A_987] {strides = array<i32>} : memref<80x256xf32, #tpu.memory_space<vmem>>, vector<16xf32>,
        %get3A_989 = arith.index_cast %add3A_923 : i32 to index
        %get3A_990 = arith.constant 48 : index
        %get3A_991 = tpu.vector_load %arg13[%get3A_989, %get3A_990] {strides = array<i32>} : memref<80x256xf32, #tpu.memory_space<vmem>>, vector<16xf32>,
        %get3A_992 = arith.index_cast %add3A_923 : i32 to index
        %get3A_993 = arith.constant 176 : index
        %get3A_994 = tpu.vector_load %arg11[%get3A_992, %get3A_993] {strides = array<i32>} : memref<80x256xf32, #tpu.memory_space<vmem>>, vector<16xf32>,
        %get3A_995 = arith.index_cast %add3A_923 : i32 to index
        %get3A_996 = arith.constant 176 : index
        %get3A_997 = tpu.vector_load %arg13[%get3A_995, %get3A_996] {strides = array<i32>} : memref<80x256xf32, #tpu.memory_space<vmem>>, vector<16xf32>,
        %add3A_998 = arith.addf %get3A_994, %get3A_997 : vector<16xf32>
        %mul3A_999 = arith.mulf %get3A_988, %get3A_991 : vector<16xf32>
        %mul3A_1000 = arith.mulf %add3A_998, %gather3A_925 : vector<16xf32>
        %add3A_1001 = arith.addf %mul3A_999, %mul3A_1000 : vector<16xf32>
        %reduce_sum3A_1002 = arith.constant true
        %reduce_sum3A_1003 = vector.broadcast %reduce_sum3A_1002 : i1 to vector<16xi1>
        %reduce_sum3A_1004 = tpu.scan <sum>, %add3A_1001 masked %reduce_sum3A_1003 : vector<16xf32>, vector<16xi1> -> vector<16xf32>
        %reduce_sum3A_1005 = vector.extract %reduce_sum3A_1004[15] : f32 from vector<16xf32>
        %get3A_1006 = arith.index_cast %add3A_923 : i32 to index
        %get3A_1007 = arith.constant 64 : index
        %get3A_1008 = tpu.vector_load %arg11[%get3A_1006, %get3A_1007] {strides = array<i32>} : memref<80x256xf32, #tpu.memory_space<vmem>>, vector<16xf32>,
        %get3A_1009 = arith.index_cast %add3A_923 : i32 to index
        %get3A_1010 = arith.constant 64 : index
        %get3A_1011 = tpu.vector_load %arg13[%get3A_1009, %get3A_1010] {strides = array<i32>} : memref<80x256xf32, #tpu.memory_space<vmem>>, vector<16xf32>,
        %get3A_1012 = arith.index_cast %add3A_923 : i32 to index
        %get3A_1013 = arith.constant 192 : index
        %get3A_1014 = tpu.vector_load %arg11[%get3A_1012, %get3A_1013] {strides = array<i32>} : memref<80x256xf32, #tpu.memory_space<vmem>>, vector<16xf32>,
        %get3A_1015 = arith.index_cast %add3A_923 : i32 to index
        %get3A_1016 = arith.constant 192 : index
        %get3A_1017 = tpu.vector_load %arg13[%get3A_1015, %get3A_1016] {strides = array<i32>} : memref<80x256xf32, #tpu.memory_space<vmem>>, vector<16xf32>,
        %add3A_1018 = arith.addf %get3A_1014, %get3A_1017 : vector<16xf32>
        %mul3A_1019 = arith.mulf %get3A_1008, %get3A_1011 : vector<16xf32>
        %mul3A_1020 = arith.mulf %add3A_1018, %gather3A_925 : vector<16xf32>
        %add3A_1021 = arith.addf %mul3A_1019, %mul3A_1020 : vector<16xf32>
        %reduce_sum3A_1022 = arith.constant true
        %reduce_sum3A_1023 = vector.broadcast %reduce_sum3A_1022 : i1 to vector<16xi1>
        %reduce_sum3A_1024 = tpu.scan <sum>, %add3A_1021 masked %reduce_sum3A_1023 : vector<16xf32>, vector<16xi1> -> vector<16xf32>
        %reduce_sum3A_1025 = vector.extract %reduce_sum3A_1024[15] : f32 from vector<16xf32>
        %get3A_1026 = arith.index_cast %add3A_923 : i32 to index
        %get3A_1027 = arith.constant 80 : index
        %get3A_1028 = tpu.vector_load %arg11[%get3A_1026, %get3A_1027] {strides = array<i32>} : memref<80x256xf32, #tpu.memory_space<vmem>>, vector<16xf32>,
        %get3A_1029 = arith.index_cast %add3A_923 : i32 to index
        %get3A_1030 = arith.constant 80 : index
        %get3A_1031 = tpu.vector_load %arg13[%get3A_1029, %get3A_1030] {strides = array<i32>} : memref<80x256xf32, #tpu.memory_space<vmem>>, vector<16xf32>,
        %get3A_1032 = arith.index_cast %add3A_923 : i32 to index
        %get3A_1033 = arith.constant 208 : index
        %get3A_1034 = tpu.vector_load %arg11[%get3A_1032, %get3A_1033] {strides = array<i32>} : memref<80x256xf32, #tpu.memory_space<vmem>>, vector<16xf32>,
        %get3A_1035 = arith.index_cast %add3A_923 : i32 to index
        %get3A_1036 = arith.constant 208 : index
        %get3A_1037 = tpu.vector_load %arg13[%get3A_1035, %get3A_1036] {strides = array<i32>} : memref<80x256xf32, #tpu.memory_space<vmem>>, vector<16xf32>,
        %add3A_1038 = arith.addf %get3A_1034, %get3A_1037 : vector<16xf32>
        %mul3A_1039 = arith.mulf %get3A_1028, %get3A_1031 : vector<16xf32>
        %mul3A_1040 = arith.mulf %add3A_1038, %gather3A_925 : vector<16xf32>
        %add3A_1041 = arith.addf %mul3A_1039, %mul3A_1040 : vector<16xf32>
        %reduce_sum3A_1042 = arith.constant true
        %reduce_sum3A_1043 = vector.broadcast %reduce_sum3A_1042 : i1 to vector<16xi1>
        %reduce_sum3A_1044 = tpu.scan <sum>, %add3A_1041 masked %reduce_sum3A_1043 : vector<16xf32>, vector<16xi1> -> vector<16xf32>
        %reduce_sum3A_1045 = vector.extract %reduce_sum3A_1044[15] : f32 from vector<16xf32>
        %get3A_1046 = arith.index_cast %add3A_923 : i32 to index
        %get3A_1047 = arith.constant 96 : index
        %get3A_1048 = tpu.vector_load %arg11[%get3A_1046, %get3A_1047] {strides = array<i32>} : memref<80x256xf32, #tpu.memory_space<vmem>>, vector<16xf32>,
        %get3A_1049 = arith.index_cast %add3A_923 : i32 to index
        %get3A_1050 = arith.constant 96 : index
        %get3A_1051 = tpu.vector_load %arg13[%get3A_1049, %get3A_1050] {strides = array<i32>} : memref<80x256xf32, #tpu.memory_space<vmem>>, vector<16xf32>,
        %get3A_1052 = arith.index_cast %add3A_923 : i32 to index
        %get3A_1053 = arith.constant 224 : index
        %get3A_1054 = tpu.vector_load %arg11[%get3A_1052, %get3A_1053] {strides = array<i32>} : memref<80x256xf32, #tpu.memory_space<vmem>>, vector<16xf32>,
        %get3A_1055 = arith.index_cast %add3A_923 : i32 to index
        %get3A_1056 = arith.constant 224 : index
        %get3A_1057 = tpu.vector_load %arg13[%get3A_1055, %get3A_1056] {strides = array<i32>} : memref<80x256xf32, #tpu.memory_space<vmem>>, vector<16xf32>,
        %add3A_1058 = arith.addf %get3A_1054, %get3A_1057 : vector<16xf32>
        %mul3A_1059 = arith.mulf %get3A_1048, %get3A_1051 : vector<16xf32>
        %mul3A_1060 = arith.mulf %add3A_1058, %gather3A_925 : vector<16xf32>
        %add3A_1061 = arith.addf %mul3A_1059, %mul3A_1060 : vector<16xf32>
        %reduce_sum3A_1062 = arith.constant true
        %reduce_sum3A_1063 = vector.broadcast %reduce_sum3A_1062 : i1 to vector<16xi1>
        %reduce_sum3A_1064 = tpu.scan <sum>, %add3A_1061 masked %reduce_sum3A_1063 : vector<16xf32>, vector<16xi1> -> vector<16xf32>
        %reduce_sum3A_1065 = vector.extract %reduce_sum3A_1064[15] : f32 from vector<16xf32>
        %get3A_1066 = arith.index_cast %add3A_923 : i32 to index
        %get3A_1067 = arith.constant 112 : index
        %get3A_1068 = tpu.vector_load %arg11[%get3A_1066, %get3A_1067] {strides = array<i32>} : memref<80x256xf32, #tpu.memory_space<vmem>>, vector<16xf32>,
        %get3A_1069 = arith.index_cast %add3A_923 : i32 to index
        %get3A_1070 = arith.constant 112 : index
        %get3A_1071 = tpu.vector_load %arg13[%get3A_1069, %get3A_1070] {strides = array<i32>} : memref<80x256xf32, #tpu.memory_space<vmem>>, vector<16xf32>,
        %get3A_1072 = arith.index_cast %add3A_923 : i32 to index
        %get3A_1073 = arith.constant 240 : index
        %get3A_1074 = tpu.vector_load %arg11[%get3A_1072, %get3A_1073] {strides = array<i32>} : memref<80x256xf32, #tpu.memory_space<vmem>>, vector<16xf32>,
        %get3A_1075 = arith.index_cast %add3A_923 : i32 to index
        %get3A_1076 = arith.constant 240 : index
        %get3A_1077 = tpu.vector_load %arg13[%get3A_1075, %get3A_1076] {strides = array<i32>} : memref<80x256xf32, #tpu.memory_space<vmem>>, vector<16xf32>,
        %add3A_1078 = arith.addf %get3A_1074, %get3A_1077 : vector<16xf32>
        %mul3A_1079 = arith.mulf %get3A_1068, %get3A_1071 : vector<16xf32>
        %mul3A_1080 = arith.mulf %add3A_1078, %gather3A_925 : vector<16xf32>
        %add3A_1081 = arith.addf %mul3A_1079, %mul3A_1080 : vector<16xf32>
        %reduce_sum3A_1082 = arith.constant true
        %reduce_sum3A_1083 = vector.broadcast %reduce_sum3A_1082 : i1 to vector<16xi1>
        %reduce_sum3A_1084 = tpu.scan <sum>, %add3A_1081 masked %reduce_sum3A_1083 : vector<16xf32>, vector<16xi1> -> vector<16xf32>
        %reduce_sum3A_1085 = vector.extract %reduce_sum3A_1084[15] : f32 from vector<16xf32>
        %broadcast_in_dim3A_1086 = arith.constant 0.000000e+00 : f32
        %broadcast_in_dim3A_1087 = vector.broadcast %broadcast_in_dim3A_1086 : f32 to vector<16xf32>
        %eq3A_1088 = arith.constant 0 : i32
        %eq3A_1089 = vector.broadcast %eq3A_1088 : i32 to vector<16xi32>
        %eq3A_1090 = arith.cmpi eq, %iota3A, %eq3A_1089 : vector<16xi32>
        %jit3A_1091 = arith.constant 0.000000e+00 : f32
        %broadcast_in_dim3A_1092 = vector.broadcast %reduce_sum3A_945 : f32 to vector<16xf32>
        %broadcast_in_dim3A_1093 = vector.broadcast %jit3A_1091 : f32 to vector<16xf32>
        %select_n3A_1094 = arith.select %eq3A_1090, %broadcast_in_dim3A_1092, %broadcast_in_dim3A_1093 : vector<16xi1>, vector<16xf32>
        %add3A_1095 = arith.addf %broadcast_in_dim3A_1087, %select_n3A_1094 : vector<16xf32>
        %eq3A_1096 = arith.constant 1 : i32
        %eq3A_1097 = vector.broadcast %eq3A_1096 : i32 to vector<16xi32>
        %eq3A_1098 = arith.cmpi eq, %iota3A, %eq3A_1097 : vector<16xi32>
        %jit3A_1099 = arith.constant 0.000000e+00 : f32
        %broadcast_in_dim3A_1100 = vector.broadcast %reduce_sum3A_965 : f32 to vector<16xf32>
        %broadcast_in_dim3A_1101 = vector.broadcast %jit3A_1099 : f32 to vector<16xf32>
        %select_n3A_1102 = arith.select %eq3A_1098, %broadcast_in_dim3A_1100, %broadcast_in_dim3A_1101 : vector<16xi1>, vector<16xf32>
        %add3A_1103 = arith.addf %add3A_1095, %select_n3A_1102 : vector<16xf32>
        %eq3A_1104 = arith.constant 2 : i32
        %eq3A_1105 = vector.broadcast %eq3A_1104 : i32 to vector<16xi32>
        %eq3A_1106 = arith.cmpi eq, %iota3A, %eq3A_1105 : vector<16xi32>
        %jit3A_1107 = arith.constant 0.000000e+00 : f32
        %broadcast_in_dim3A_1108 = vector.broadcast %reduce_sum3A_985 : f32 to vector<16xf32>
        %broadcast_in_dim3A_1109 = vector.broadcast %jit3A_1107 : f32 to vector<16xf32>
        %select_n3A_1110 = arith.select %eq3A_1106, %broadcast_in_dim3A_1108, %broadcast_in_dim3A_1109 : vector<16xi1>, vector<16xf32>
        %add3A_1111 = arith.addf %add3A_1103, %select_n3A_1110 : vector<16xf32>
        %eq3A_1112 = arith.constant 3 : i32
        %eq3A_1113 = vector.broadcast %eq3A_1112 : i32 to vector<16xi32>
        %eq3A_1114 = arith.cmpi eq, %iota3A, %eq3A_1113 : vector<16xi32>
        %jit3A_1115 = arith.constant 0.000000e+00 : f32
        %broadcast_in_dim3A_1116 = vector.broadcast %reduce_sum3A_1005 : f32 to vector<16xf32>
        %broadcast_in_dim3A_1117 = vector.broadcast %jit3A_1115 : f32 to vector<16xf32>
        %select_n3A_1118 = arith.select %eq3A_1114, %broadcast_in_dim3A_1116, %broadcast_in_dim3A_1117 : vector<16xi1>, vector<16xf32>
        %add3A_1119 = arith.addf %add3A_1111, %select_n3A_1118 : vector<16xf32>
        %eq3A_1120 = arith.constant 4 : i32
        %eq3A_1121 = vector.broadcast %eq3A_1120 : i32 to vector<16xi32>
        %eq3A_1122 = arith.cmpi eq, %iota3A, %eq3A_1121 : vector<16xi32>
        %jit3A_1123 = arith.constant 0.000000e+00 : f32
        %broadcast_in_dim3A_1124 = vector.broadcast %reduce_sum3A_1025 : f32 to vector<16xf32>
        %broadcast_in_dim3A_1125 = vector.broadcast %jit3A_1123 : f32 to vector<16xf32>
        %select_n3A_1126 = arith.select %eq3A_1122, %broadcast_in_dim3A_1124, %broadcast_in_dim3A_1125 : vector<16xi1>, vector<16xf32>
        %add3A_1127 = arith.addf %add3A_1119, %select_n3A_1126 : vector<16xf32>
        %eq3A_1128 = arith.constant 5 : i32
        %eq3A_1129 = vector.broadcast %eq3A_1128 : i32 to vector<16xi32>
        %eq3A_1130 = arith.cmpi eq, %iota3A, %eq3A_1129 : vector<16xi32>
        %jit3A_1131 = arith.constant 0.000000e+00 : f32
        %broadcast_in_dim3A_1132 = vector.broadcast %reduce_sum3A_1045 : f32 to vector<16xf32>
        %broadcast_in_dim3A_1133 = vector.broadcast %jit3A_1131 : f32 to vector<16xf32>
        %select_n3A_1134 = arith.select %eq3A_1130, %broadcast_in_dim3A_1132, %broadcast_in_dim3A_1133 : vector<16xi1>, vector<16xf32>
        %add3A_1135 = arith.addf %add3A_1127, %select_n3A_1134 : vector<16xf32>
        %eq3A_1136 = arith.constant 6 : i32
        %eq3A_1137 = vector.broadcast %eq3A_1136 : i32 to vector<16xi32>
        %eq3A_1138 = arith.cmpi eq, %iota3A, %eq3A_1137 : vector<16xi32>
        %jit3A_1139 = arith.constant 0.000000e+00 : f32
        %broadcast_in_dim3A_1140 = vector.broadcast %reduce_sum3A_1065 : f32 to vector<16xf32>
        %broadcast_in_dim3A_1141 = vector.broadcast %jit3A_1139 : f32 to vector<16xf32>
        %select_n3A_1142 = arith.select %eq3A_1138, %broadcast_in_dim3A_1140, %broadcast_in_dim3A_1141 : vector<16xi1>, vector<16xf32>
        %add3A_1143 = arith.addf %add3A_1135, %select_n3A_1142 : vector<16xf32>
        %eq3A_1144 = arith.constant 7 : i32
        %eq3A_1145 = vector.broadcast %eq3A_1144 : i32 to vector<16xi32>
        %eq3A_1146 = arith.cmpi eq, %iota3A, %eq3A_1145 : vector<16xi32>
        %jit3A_1147 = arith.constant 0.000000e+00 : f32
        %broadcast_in_dim3A_1148 = vector.broadcast %reduce_sum3A_1085 : f32 to vector<16xf32>
        %broadcast_in_dim3A_1149 = vector.broadcast %jit3A_1147 : f32 to vector<16xf32>
        %select_n3A_1150 = arith.select %eq3A_1146, %broadcast_in_dim3A_1148, %broadcast_in_dim3A_1149 : vector<16xi1>, vector<16xf32>
        %add3A_1151 = arith.addf %add3A_1143, %select_n3A_1150 : vector<16xf32>
        %and3A_1152 = arith.constant 7 : i32
        %and3A_1153 = vector.broadcast %and3A_1152 : i32 to vector<16xi32>
        %and3A_1154 = arith.andi %iota3A, %and3A_1153 : vector<16xi32>
        %gather3A_1155 = tpu.vector_load_idx %arg17[%and3A_1154, %broadcast_in_dim3A_924] : memref<8x80xf32, #tpu.memory_space<vmem>>[vector<16xi32>, vector<16xi32>], vector<16xf32>,
        %add3A_1156 = arith.addf %add3A_1151, %gather3A_1155 : vector<16xf32>
        %mul3A_1157 = arith.constant 2.500000e-01 : f32
        %mul3A_1158 = vector.broadcast %mul3A_1157 : f32 to vector<16xf32>
        %mul3A_1159 = arith.mulf %add3A_1156, %mul3A_1158 : vector<16xf32>
        %exp3A_1160 = math.exp %mul3A_1159 : vector<16xf32>
        %swap3A_1161 = arith.index_cast %add3A_923 : i32 to index
        %swap3A_1162 = arith.constant 0 : index
        %swap3A_1163 = tpu.vector_load %arg19[%swap3A_1161, %swap3A_1162] {strides = array<i32>} : memref<80x16xf32, #tpu.memory_space<vmem>>, vector<16xf32>,
        tpu.vector_store %arg19[%swap3A_1161, %swap3A_1162], %exp3A_1160 {strides = array<i32>} : memref<80x16xf32, #tpu.memory_space<vmem>>, vector<16xf32>,
        %scan3A_1164 = arith.constant 0 : i32
        scf.yield %scan3A_1164 : i32
      }
      %scan3A_184 = arith.constant 20 : i32
      %mul3A_185 = arith.constant 80 : i32
      %mul3A_186 = arith.muli %add3A_149, %mul3A_185 : i32
      %add3A_187 = arith.addi %mul3A_2, %mul3A_186 : i32
      %dma_start3A_188 = arith.constant 0 : i32
      %dma_start3A_189 = tpu.memref_slice %arg7[%add3A_187, %dma_start3A_188] : memref<320000x16xf32, #tpu.memory_space<hbm>> -> memref<80x16xf32, #tpu.memory_space<hbm>>
      %dma_start3A_190 = arith.constant 0 : i32
      %dma_start3A_191 = tpu.memref_slice %arg7[%add3A_187, %dma_start3A_190] : memref<320000x16xf32, #tpu.memory_space<hbm>> -> memref<80x16xf32, #tpu.memory_space<hbm>>
      tpu.enqueue_dma source(%arg19 : memref<80x16xf32, #tpu.memory_space<vmem>>) target(%dma_start3A_191 : memref<80x16xf32, #tpu.memory_space<hbm>>) target_semaphore(%arg23 : memref<!tpu.dma_semaphore, #tpu.memory_space<semaphore_mem>>)
      %lt3A_192 = arith.constant 123 : i32
      %lt3A_193 = arith.cmpi slt, %add3A_149, %lt3A_192 : i32
      %convert_element_type3A_194 = arith.extui %lt3A_193 : i1 to i32
      %cond3A_195 = arith.constant 0 : i32
      %cond3A_196 = arith.cmpi ne, %convert_element_type3A_194, %cond3A_195 : i32
      scf.if %cond3A_196 {
        %add3A_198 = arith.constant 2 : i32
        %add3A_199 = arith.addi %add3A_149, %add3A_198 : i32
        %mul3A_200 = arith.constant 80 : i32
        %mul3A_201 = arith.muli %add3A_199, %mul3A_200 : i32
        %add3A_202 = arith.addi %mul3A_2, %mul3A_201 : i32
        %mul3A_203 = arith.constant 80 : i32
        %mul3A_204 = arith.muli %add3A_199, %mul3A_203 : i32
        %mul3A_205 = arith.constant 80 : i32
        %mul3A_206 = arith.muli %add3A_199, %mul3A_205 : i32
        %dma_start3A_207 = arith.constant 0 : i32
        %dma_start3A_208 = tpu.memref_slice %arg4[%dma_start3A_207, %add3A_202] : memref<16x320000xf32, #tpu.memory_space<hbm>> -> memref<16x80xf32, #tpu.memory_space<hbm>>
        %dma_start3A_209 = arith.constant 0 : i32
        %dma_start3A_210 = tpu.memref_slice %arg4[%dma_start3A_209, %add3A_202] : memref<16x320000xf32, #tpu.memory_space<hbm>> -> memref<16x80xf32, #tpu.memory_space<hbm>>
        tpu.enqueue_dma source(%dma_start3A_210 : memref<16x80xf32, #tpu.memory_space<hbm>>) target(%arg15 : memref<16x80xf32, #tpu.memory_space<vmem>>) target_semaphore(%arg21 : memref<!tpu.dma_semaphore, #tpu.memory_space<semaphore_mem>>)
        %dma_start3A_211 = arith.constant 0 : i32
        %dma_start3A_212 = tpu.memref_slice %arg5[%dma_start3A_211, %add3A_202] : memref<8x320000xf32, #tpu.memory_space<hbm>> -> memref<8x80xf32, #tpu.memory_space<hbm>>
        %dma_start3A_213 = arith.constant 0 : i32
        %dma_start3A_214 = tpu.memref_slice %arg5[%dma_start3A_213, %add3A_202] : memref<8x320000xf32, #tpu.memory_space<hbm>> -> memref<8x80xf32, #tpu.memory_space<hbm>>
        tpu.enqueue_dma source(%dma_start3A_214 : memref<8x80xf32, #tpu.memory_space<hbm>>) target(%arg17 : memref<8x80xf32, #tpu.memory_space<vmem>>) target_semaphore(%arg21 : memref<!tpu.dma_semaphore, #tpu.memory_space<semaphore_mem>>)
        %dma_start3A_215 = tpu.memref_slice %arg8[%mul3A_204] : memref<10000xi32, #tpu.memory_space<vmem>> -> memref<80xi32, #tpu.memory_space<vmem>>
        %dma_start3A_216 = arith.constant 0 : i32
        %dma_start3A_217 = arith.constant 0 : i32
        %dma_start3A_218 = tpu.memref_slice %arg2[%dma_start3A_216, %dma_start3A_217] : memref<10000x256xf32, #tpu.memory_space<hbm>> -> memref<10000x256xf32, #tpu.memory_space<hbm>>
        tpu.enqueue_indirect_dma source(%dma_start3A_218 : memref<10000x256xf32, #tpu.memory_space<hbm>>) target(%arg11 : memref<80x256xf32, #tpu.memory_space<vmem>>) offsets(%dma_start3A_215 : memref<80xi32, #tpu.memory_space<vmem>>) semaphore(%arg21 : memref<!tpu.dma_semaphore, #tpu.memory_space<semaphore_mem>>)
        %dma_start3A_219 = tpu.memref_slice %arg9[%mul3A_206] : memref<10000xi32, #tpu.memory_space<vmem>> -> memref<80xi32, #tpu.memory_space<vmem>>
        %dma_start3A_220 = arith.constant 0 : i32
        %dma_start3A_221 = arith.constant 0 : i32
        %dma_start3A_222 = tpu.memref_slice %arg3[%dma_start3A_220, %dma_start3A_221] : memref<10000x256xf32, #tpu.memory_space<hbm>> -> memref<10000x256xf32, #tpu.memory_space<hbm>>
        tpu.enqueue_indirect_dma source(%dma_start3A_222 : memref<10000x256xf32, #tpu.memory_space<hbm>>) target(%arg13 : memref<80x256xf32, #tpu.memory_space<vmem>>) offsets(%dma_start3A_219 : memref<80xi32, #tpu.memory_space<vmem>>) semaphore(%arg21 : memref<!tpu.dma_semaphore, #tpu.memory_space<semaphore_mem>>)
      } else {
      }
      %scan3A_197 = arith.constant 0 : i32
      scf.yield %scan3A_197 : i32
    }
    %scan3A_48 = arith.constant 62 : i32
    %add3A_49 = arith.constant 9920 : i32
    %add3A_50 = arith.addi %mul3A_2, %add3A_49 : i32
    %dma_wait3A = arith.constant 0 : i32
    %dma_wait3A_51 = tpu.memref_slice %arg4[%dma_wait3A, %add3A_50] : memref<16x320000xf32, #tpu.memory_space<hbm>> -> memref<16x80xf32, #tpu.memory_space<hbm>>
    %dma_wait3A_52 = arith.constant 0 : i32
    %dma_wait3A_53 = tpu.memref_slice %arg4[%dma_wait3A_52, %add3A_50] : memref<16x320000xf32, #tpu.memory_space<hbm>> -> memref<16x80xf32, #tpu.memory_space<hbm>>
    tpu.wait_dma2 semaphore(%arg20 : memref<!tpu.dma_semaphore, #tpu.memory_space<semaphore_mem>>) src(%dma_wait3A_53 : memref<16x80xf32, #tpu.memory_space<hbm>>) dst(%arg14 : memref<16x80xf32, #tpu.memory_space<vmem>>)
    %dma_wait3A_54 = arith.constant 0 : i32
    %dma_wait3A_55 = tpu.memref_slice %arg5[%dma_wait3A_54, %add3A_50] : memref<8x320000xf32, #tpu.memory_space<hbm>> -> memref<8x80xf32, #tpu.memory_space<hbm>>
    %dma_wait3A_56 = arith.constant 0 : i32
    %dma_wait3A_57 = tpu.memref_slice %arg5[%dma_wait3A_56, %add3A_50] : memref<8x320000xf32, #tpu.memory_space<hbm>> -> memref<8x80xf32, #tpu.memory_space<hbm>>
    tpu.wait_dma2 semaphore(%arg20 : memref<!tpu.dma_semaphore, #tpu.memory_space<semaphore_mem>>) src(%dma_wait3A_57 : memref<8x80xf32, #tpu.memory_space<hbm>>) dst(%arg16 : memref<8x80xf32, #tpu.memory_space<vmem>>)
    %dma_wait3A_58 = arith.constant 9920 : i32
    %dma_wait3A_59 = tpu.memref_slice %arg8[%dma_wait3A_58] : memref<10000xi32, #tpu.memory_space<vmem>> -> memref<80xi32, #tpu.memory_space<vmem>>
    %dma_wait3A_60 = arith.constant 0 : i32
    %dma_wait3A_61 = arith.constant 0 : i32
    %dma_wait3A_62 = tpu.memref_slice %arg2[%dma_wait3A_60, %dma_wait3A_61] : memref<10000x256xf32, #tpu.memory_space<hbm>> -> memref<10000x256xf32, #tpu.memory_space<hbm>>
    tpu.wait_indirect_dma semaphore(%arg20 : memref<!tpu.dma_semaphore, #tpu.memory_space<semaphore_mem>>) src(%dma_wait3A_62 : memref<10000x256xf32, #tpu.memory_space<hbm>>) dst(%arg10 : memref<80x256xf32, #tpu.memory_space<vmem>>)
    %dma_wait3A_63 = arith.constant 9920 : i32
    %dma_wait3A_64 = tpu.memref_slice %arg9[%dma_wait3A_63] : memref<10000xi32, #tpu.memory_space<vmem>> -> memref<80xi32, #tpu.memory_space<vmem>>
    %dma_wait3A_65 = arith.constant 0 : i32
    %dma_wait3A_66 = arith.constant 0 : i32
    %dma_wait3A_67 = tpu.memref_slice %arg3[%dma_wait3A_65, %dma_wait3A_66] : memref<10000x256xf32, #tpu.memory_space<hbm>> -> memref<10000x256xf32, #tpu.memory_space<hbm>>
    tpu.wait_indirect_dma semaphore(%arg20 : memref<!tpu.dma_semaphore, #tpu.memory_space<semaphore_mem>>) src(%dma_wait3A_67 : memref<10000x256xf32, #tpu.memory_space<hbm>>) dst(%arg12 : memref<80x256xf32, #tpu.memory_space<vmem>>)
    %add3A_68 = arith.constant 9760 : i32
    %add3A_69 = arith.addi %mul3A_2, %add3A_68 : i32
    %dma_wait3A_70 = arith.constant 0 : i32
    %dma_wait3A_71 = tpu.memref_slice %arg7[%add3A_69, %dma_wait3A_70] : memref<320000x16xf32, #tpu.memory_space<hbm>> -> memref<80x16xf32, #tpu.memory_space<hbm>>
    %dma_wait3A_72 = arith.constant 0 : i32
    %dma_wait3A_73 = tpu.memref_slice %arg7[%add3A_69, %dma_wait3A_72] : memref<320000x16xf32, #tpu.memory_space<hbm>> -> memref<80x16xf32, #tpu.memory_space<hbm>>
    tpu.wait_dma2 semaphore(%arg22 : memref<!tpu.dma_semaphore, #tpu.memory_space<semaphore_mem>>) src(%arg18 : memref<80x16xf32, #tpu.memory_space<vmem>>) dst(%dma_wait3A_73 : memref<80x16xf32, #tpu.memory_space<hbm>>)
    %scan3A_74 = arith.constant 0 : i32
    %scan3A_75 = arith.constant 0 : i32
    %scan3A_76 = arith.constant 20 : i32
    %scan3A_77 = arith.addi %scan3A_75, %scan3A_76 : i32
    %scan3A_78 = arith.constant 1 : i32
    %scan3A_79 = scf.for %scan3A_99 = %scan3A_75 to %scan3A_77 step %scan3A_78 iter_args(%scan3A_100 = %scan3A_74) -> (i32)  : i32 {
      %mul3A_101 = arith.constant 4 : i32
      %mul3A_102 = arith.muli %scan3A_99, %mul3A_101 : i32
      %broadcast_in_dim3A = vector.broadcast %mul3A_102 : i32 to vector<16xi32>
      %gather3A = tpu.vector_load_idx %arg14[%iota3A, %broadcast_in_dim3A] : memref<16x80xf32, #tpu.memory_space<vmem>>[vector<16xi32>, vector<16xi32>], vector<16xf32>,
      %get3A = arith.index_cast %mul3A_102 : i32 to index
      %get3A_103 = arith.constant 0 : index
      %get3A_104 = tpu.vector_load %arg10[%get3A, %get3A_103] {strides = array<i32>} : memref<80x256xf32, #tpu.memory_space<vmem>>, vector<16xf32>,
      %get3A_105 = arith.index_cast %mul3A_102 : i32 to index
      %get3A_106 = arith.constant 0 : index
      %get3A_107 = tpu.vector_load %arg12[%get3A_105, %get3A_106] {strides = array<i32>} : memref<80x256xf32, #tpu.memory_space<vmem>>, vector<16xf32>,
      %get3A_108 = arith.index_cast %mul3A_102 : i32 to index
      %get3A_109 = arith.constant 128 : index
      %get3A_110 = tpu.vector_load %arg10[%get3A_108, %get3A_109] {strides = array<i32>} : memref<80x256xf32, #tpu.memory_space<vmem>>, vector<16xf32>,
      %get3A_111 = arith.index_cast %mul3A_102 : i32 to index
      %get3A_112 = arith.constant 128 : index
      %get3A_113 = tpu.vector_load %arg12[%get3A_111, %get3A_112] {strides = array<i32>} : memref<80x256xf32, #tpu.memory_space<vmem>>, vector<16xf32>,
      %add3A_114 = arith.addf %get3A_110, %get3A_113 : vector<16xf32>
      %mul3A_115 = arith.mulf %get3A_104, %get3A_107 : vector<16xf32>
      %mul3A_116 = arith.mulf %add3A_114, %gather3A : vector<16xf32>
      %add3A_117 = arith.addf %mul3A_115, %mul3A_116 : vector<16xf32>
      %reduce_sum3A = arith.constant true
      %reduce_sum3A_118 = vector.broadcast %reduce_sum3A : i1 to vector<16xi1>
      %reduce_sum3A_119 = tpu.scan <sum>, %add3A_117 masked %reduce_sum3A_118 : vector<16xf32>, vector<16xi1> -> vector<16xf32>
      %reduce_sum3A_120 = vector.extract %reduce_sum3A_119[15] : f32 from vector<16xf32>
      %get3A_121 = arith.index_cast %mul3A_102 : i32 to index
      %get3A_122 = arith.constant 16 : index
      %get3A_123 = tpu.vector_load %arg10[%get3A_121, %get3A_122] {strides = array<i32>} : memref<80x256xf32, #tpu.memory_space<vmem>>, vector<16xf32>,
      %get3A_124 = arith.index_cast %mul3A_102 : i32 to index
      %get3A_125 = arith.constant 16 : index
      %get3A_126 = tpu.vector_load %arg12[%get3A_124, %get3A_125] {strides = array<i32>} : memref<80x256xf32, #tpu.memory_space<vmem>>, vector<16xf32>,
      %get3A_127 = arith.index_cast %mul3A_102 : i32 to index
      %get3A_128 = arith.constant 144 : index
      %get3A_129 = tpu.vector_load %arg10[%get3A_127, %get3A_128] {strides = array<i32>} : memref<80x256xf32, #tpu.memory_space<vmem>>, vector<16xf32>,
      %get3A_130 = arith.index_cast %mul3A_102 : i32 to index
      %get3A_131 = arith.constant 144 : index
      %get3A_132 = tpu.vector_load %arg12[%get3A_130, %get3A_131] {strides = array<i32>} : memref<80x256xf32, #tpu.memory_space<vmem>>, vector<16xf32>,
      %add3A_133 = arith.addf %get3A_129, %get3A_132 : vector<16xf32>
      %mul3A_134 = arith.mulf %get3A_123, %get3A_126 : vector<16xf32>
      %mul3A_135 = arith.mulf %add3A_133, %gather3A : vector<16xf32>
      %add3A_136 = arith.addf %mul3A_134, %mul3A_135 : vector<16xf32>
      %reduce_sum3A_137 = arith.constant true
      %reduce_sum3A_138 = vector.broadcast %reduce_sum3A_137 : i1 to vector<16xi1>
      %reduce_sum3A_139 = tpu.scan <sum>, %add3A_136 masked %reduce_sum3A_138 : vector<16xf32>, vector<16xi1> -> vector<16xf32>
      %reduce_sum3A_140 = vector.extract %reduce_sum3A_139[15] : f32 from vector<16xf32>
      %get3A_141 = arith.index_cast %mul3A_102 : i32 to index
      %get3A_142 = arith.constant 32 : index
      %get3A_143 = tpu.vector_load %arg10[%get3A_141, %get3A_142] {strides = array<i32>} : memref<80x256xf32, #tpu.memory_space<vmem>>, vector<16xf32>,
      %get3A_144 = arith.index_cast %mul3A_102 : i32 to index
      %get3A_145 = arith.constant 32 : index
      %get3A_146 = tpu.vector_load %arg12[%get3A_144, %get3A_145] {strides = array<i32>} : memref<80x256xf32, #tpu.memory_space<vmem>>, vector<16xf32>,
      %get3A_147 = arith.index_cast %mul3A_102 : i32 to index
      %get3A_148 = arith.constant 160 : index
      %get3A_149 = tpu.vector_load %arg10[%get3A_147, %get3A_148] {strides = array<i32>} : memref<80x256xf32, #tpu.memory_space<vmem>>, vector<16xf32>,
      %get3A_150 = arith.index_cast %mul3A_102 : i32 to index
      %get3A_151 = arith.constant 160 : index
      %get3A_152 = tpu.vector_load %arg12[%get3A_150, %get3A_151] {strides = array<i32>} : memref<80x256xf32, #tpu.memory_space<vmem>>, vector<16xf32>,
      %add3A_153 = arith.addf %get3A_149, %get3A_152 : vector<16xf32>
      %mul3A_154 = arith.mulf %get3A_143, %get3A_146 : vector<16xf32>
      %mul3A_155 = arith.mulf %add3A_153, %gather3A : vector<16xf32>
      %add3A_156 = arith.addf %mul3A_154, %mul3A_155 : vector<16xf32>
      %reduce_sum3A_157 = arith.constant true
      %reduce_sum3A_158 = vector.broadcast %reduce_sum3A_157 : i1 to vector<16xi1>
      %reduce_sum3A_159 = tpu.scan <sum>, %add3A_156 masked %reduce_sum3A_158 : vector<16xf32>, vector<16xi1> -> vector<16xf32>
      %reduce_sum3A_160 = vector.extract %reduce_sum3A_159[15] : f32 from vector<16xf32>
      %get3A_161 = arith.index_cast %mul3A_102 : i32 to index
      %get3A_162 = arith.constant 48 : index
      %get3A_163 = tpu.vector_load %arg10[%get3A_161, %get3A_162] {strides = array<i32>} : memref<80x256xf32, #tpu.memory_space<vmem>>, vector<16xf32>,
      %get3A_164 = arith.index_cast %mul3A_102 : i32 to index
      %get3A_165 = arith.constant 48 : index
      %get3A_166 = tpu.vector_load %arg12[%get3A_164, %get3A_165] {strides = array<i32>} : memref<80x256xf32, #tpu.memory_space<vmem>>, vector<16xf32>,
      %get3A_167 = arith.index_cast %mul3A_102 : i32 to index
      %get3A_168 = arith.constant 176 : index
      %get3A_169 = tpu.vector_load %arg10[%get3A_167, %get3A_168] {strides = array<i32>} : memref<80x256xf32, #tpu.memory_space<vmem>>, vector<16xf32>,
      %get3A_170 = arith.index_cast %mul3A_102 : i32 to index
      %get3A_171 = arith.constant 176 : index
      %get3A_172 = tpu.vector_load %arg12[%get3A_170, %get3A_171] {strides = array<i32>} : memref<80x256xf32, #tpu.memory_space<vmem>>, vector<16xf32>,
      %add3A_173 = arith.addf %get3A_169, %get3A_172 : vector<16xf32>
      %mul3A_174 = arith.mulf %get3A_163, %get3A_166 : vector<16xf32>
      %mul3A_175 = arith.mulf %add3A_173, %gather3A : vector<16xf32>
      %add3A_176 = arith.addf %mul3A_174, %mul3A_175 : vector<16xf32>
      %reduce_sum3A_177 = arith.constant true
      %reduce_sum3A_178 = vector.broadcast %reduce_sum3A_177 : i1 to vector<16xi1>
      %reduce_sum3A_179 = tpu.scan <sum>, %add3A_176 masked %reduce_sum3A_178 : vector<16xf32>, vector<16xi1> -> vector<16xf32>
      %reduce_sum3A_180 = vector.extract %reduce_sum3A_179[15] : f32 from vector<16xf32>
      %get3A_181 = arith.index_cast %mul3A_102 : i32 to index
      %get3A_182 = arith.constant 64 : index
      %get3A_183 = tpu.vector_load %arg10[%get3A_181, %get3A_182] {strides = array<i32>} : memref<80x256xf32, #tpu.memory_space<vmem>>, vector<16xf32>,
      %get3A_184 = arith.index_cast %mul3A_102 : i32 to index
      %get3A_185 = arith.constant 64 : index
      %get3A_186 = tpu.vector_load %arg12[%get3A_184, %get3A_185] {strides = array<i32>} : memref<80x256xf32, #tpu.memory_space<vmem>>, vector<16xf32>,
      %get3A_187 = arith.index_cast %mul3A_102 : i32 to index
      %get3A_188 = arith.constant 192 : index
      %get3A_189 = tpu.vector_load %arg10[%get3A_187, %get3A_188] {strides = array<i32>} : memref<80x256xf32, #tpu.memory_space<vmem>>, vector<16xf32>,
      %get3A_190 = arith.index_cast %mul3A_102 : i32 to index
      %get3A_191 = arith.constant 192 : index
      %get3A_192 = tpu.vector_load %arg12[%get3A_190, %get3A_191] {strides = array<i32>} : memref<80x256xf32, #tpu.memory_space<vmem>>, vector<16xf32>,
      %add3A_193 = arith.addf %get3A_189, %get3A_192 : vector<16xf32>
      %mul3A_194 = arith.mulf %get3A_183, %get3A_186 : vector<16xf32>
      %mul3A_195 = arith.mulf %add3A_193, %gather3A : vector<16xf32>
      %add3A_196 = arith.addf %mul3A_194, %mul3A_195 : vector<16xf32>
      %reduce_sum3A_197 = arith.constant true
      %reduce_sum3A_198 = vector.broadcast %reduce_sum3A_197 : i1 to vector<16xi1>
      %reduce_sum3A_199 = tpu.scan <sum>, %add3A_196 masked %reduce_sum3A_198 : vector<16xf32>, vector<16xi1> -> vector<16xf32>
      %reduce_sum3A_200 = vector.extract %reduce_sum3A_199[15] : f32 from vector<16xf32>
      %get3A_201 = arith.index_cast %mul3A_102 : i32 to index
      %get3A_202 = arith.constant 80 : index
      %get3A_203 = tpu.vector_load %arg10[%get3A_201, %get3A_202] {strides = array<i32>} : memref<80x256xf32, #tpu.memory_space<vmem>>, vector<16xf32>,
      %get3A_204 = arith.index_cast %mul3A_102 : i32 to index
      %get3A_205 = arith.constant 80 : index
      %get3A_206 = tpu.vector_load %arg12[%get3A_204, %get3A_205] {strides = array<i32>} : memref<80x256xf32, #tpu.memory_space<vmem>>, vector<16xf32>,
      %get3A_207 = arith.index_cast %mul3A_102 : i32 to index
      %get3A_208 = arith.constant 208 : index
      %get3A_209 = tpu.vector_load %arg10[%get3A_207, %get3A_208] {strides = array<i32>} : memref<80x256xf32, #tpu.memory_space<vmem>>, vector<16xf32>,
      %get3A_210 = arith.index_cast %mul3A_102 : i32 to index
      %get3A_211 = arith.constant 208 : index
      %get3A_212 = tpu.vector_load %arg12[%get3A_210, %get3A_211] {strides = array<i32>} : memref<80x256xf32, #tpu.memory_space<vmem>>, vector<16xf32>,
      %add3A_213 = arith.addf %get3A_209, %get3A_212 : vector<16xf32>
      %mul3A_214 = arith.mulf %get3A_203, %get3A_206 : vector<16xf32>
      %mul3A_215 = arith.mulf %add3A_213, %gather3A : vector<16xf32>
      %add3A_216 = arith.addf %mul3A_214, %mul3A_215 : vector<16xf32>
      %reduce_sum3A_217 = arith.constant true
      %reduce_sum3A_218 = vector.broadcast %reduce_sum3A_217 : i1 to vector<16xi1>
      %reduce_sum3A_219 = tpu.scan <sum>, %add3A_216 masked %reduce_sum3A_218 : vector<16xf32>, vector<16xi1> -> vector<16xf32>
      %reduce_sum3A_220 = vector.extract %reduce_sum3A_219[15] : f32 from vector<16xf32>
      %get3A_221 = arith.index_cast %mul3A_102 : i32 to index
      %get3A_222 = arith.constant 96 : index
      %get3A_223 = tpu.vector_load %arg10[%get3A_221, %get3A_222] {strides = array<i32>} : memref<80x256xf32, #tpu.memory_space<vmem>>, vector<16xf32>,
      %get3A_224 = arith.index_cast %mul3A_102 : i32 to index
      %get3A_225 = arith.constant 96 : index
      %get3A_226 = tpu.vector_load %arg12[%get3A_224, %get3A_225] {strides = array<i32>} : memref<80x256xf32, #tpu.memory_space<vmem>>, vector<16xf32>,
      %get3A_227 = arith.index_cast %mul3A_102 : i32 to index
      %get3A_228 = arith.constant 224 : index
      %get3A_229 = tpu.vector_load %arg10[%get3A_227, %get3A_228] {strides = array<i32>} : memref<80x256xf32, #tpu.memory_space<vmem>>, vector<16xf32>,
      %get3A_230 = arith.index_cast %mul3A_102 : i32 to index
      %get3A_231 = arith.constant 224 : index
      %get3A_232 = tpu.vector_load %arg12[%get3A_230, %get3A_231] {strides = array<i32>} : memref<80x256xf32, #tpu.memory_space<vmem>>, vector<16xf32>,
      %add3A_233 = arith.addf %get3A_229, %get3A_232 : vector<16xf32>
      %mul3A_234 = arith.mulf %get3A_223, %get3A_226 : vector<16xf32>
      %mul3A_235 = arith.mulf %add3A_233, %gather3A : vector<16xf32>
      %add3A_236 = arith.addf %mul3A_234, %mul3A_235 : vector<16xf32>
      %reduce_sum3A_237 = arith.constant true
      %reduce_sum3A_238 = vector.broadcast %reduce_sum3A_237 : i1 to vector<16xi1>
      %reduce_sum3A_239 = tpu.scan <sum>, %add3A_236 masked %reduce_sum3A_238 : vector<16xf32>, vector<16xi1> -> vector<16xf32>
      %reduce_sum3A_240 = vector.extract %reduce_sum3A_239[15] : f32 from vector<16xf32>
      %get3A_241 = arith.index_cast %mul3A_102 : i32 to index
      %get3A_242 = arith.constant 112 : index
      %get3A_243 = tpu.vector_load %arg10[%get3A_241, %get3A_242] {strides = array<i32>} : memref<80x256xf32, #tpu.memory_space<vmem>>, vector<16xf32>,
      %get3A_244 = arith.index_cast %mul3A_102 : i32 to index
      %get3A_245 = arith.constant 112 : index
      %get3A_246 = tpu.vector_load %arg12[%get3A_244, %get3A_245] {strides = array<i32>} : memref<80x256xf32, #tpu.memory_space<vmem>>, vector<16xf32>,
      %get3A_247 = arith.index_cast %mul3A_102 : i32 to index
      %get3A_248 = arith.constant 240 : index
      %get3A_249 = tpu.vector_load %arg10[%get3A_247, %get3A_248] {strides = array<i32>} : memref<80x256xf32, #tpu.memory_space<vmem>>, vector<16xf32>,
      %get3A_250 = arith.index_cast %mul3A_102 : i32 to index
      %get3A_251 = arith.constant 240 : index
      %get3A_252 = tpu.vector_load %arg12[%get3A_250, %get3A_251] {strides = array<i32>} : memref<80x256xf32, #tpu.memory_space<vmem>>, vector<16xf32>,
      %add3A_253 = arith.addf %get3A_249, %get3A_252 : vector<16xf32>
      %mul3A_254 = arith.mulf %get3A_243, %get3A_246 : vector<16xf32>
      %mul3A_255 = arith.mulf %add3A_253, %gather3A : vector<16xf32>
      %add3A_256 = arith.addf %mul3A_254, %mul3A_255 : vector<16xf32>
      %reduce_sum3A_257 = arith.constant true
      %reduce_sum3A_258 = vector.broadcast %reduce_sum3A_257 : i1 to vector<16xi1>
      %reduce_sum3A_259 = tpu.scan <sum>, %add3A_256 masked %reduce_sum3A_258 : vector<16xf32>, vector<16xi1> -> vector<16xf32>
      %reduce_sum3A_260 = vector.extract %reduce_sum3A_259[15] : f32 from vector<16xf32>
      %broadcast_in_dim3A_261 = arith.constant 0.000000e+00 : f32
      %broadcast_in_dim3A_262 = vector.broadcast %broadcast_in_dim3A_261 : f32 to vector<16xf32>
      %eq3A = arith.constant 0 : i32
      %eq3A_263 = vector.broadcast %eq3A : i32 to vector<16xi32>
      %eq3A_264 = arith.cmpi eq, %iota3A, %eq3A_263 : vector<16xi32>
      %jit3A = arith.constant 0.000000e+00 : f32
      %broadcast_in_dim3A_265 = vector.broadcast %reduce_sum3A_120 : f32 to vector<16xf32>
      %broadcast_in_dim3A_266 = vector.broadcast %jit3A : f32 to vector<16xf32>
      %select_n3A = arith.select %eq3A_264, %broadcast_in_dim3A_265, %broadcast_in_dim3A_266 : vector<16xi1>, vector<16xf32>
      %add3A_267 = arith.addf %broadcast_in_dim3A_262, %select_n3A : vector<16xf32>
      %eq3A_268 = arith.constant 1 : i32
      %eq3A_269 = vector.broadcast %eq3A_268 : i32 to vector<16xi32>
      %eq3A_270 = arith.cmpi eq, %iota3A, %eq3A_269 : vector<16xi32>
      %jit3A_271 = arith.constant 0.000000e+00 : f32
      %broadcast_in_dim3A_272 = vector.broadcast %reduce_sum3A_140 : f32 to vector<16xf32>
      %broadcast_in_dim3A_273 = vector.broadcast %jit3A_271 : f32 to vector<16xf32>
      %select_n3A_274 = arith.select %eq3A_270, %broadcast_in_dim3A_272, %broadcast_in_dim3A_273 : vector<16xi1>, vector<16xf32>
      %add3A_275 = arith.addf %add3A_267, %select_n3A_274 : vector<16xf32>
      %eq3A_276 = arith.constant 2 : i32
      %eq3A_277 = vector.broadcast %eq3A_276 : i32 to vector<16xi32>
      %eq3A_278 = arith.cmpi eq, %iota3A, %eq3A_277 : vector<16xi32>
      %jit3A_279 = arith.constant 0.000000e+00 : f32
      %broadcast_in_dim3A_280 = vector.broadcast %reduce_sum3A_160 : f32 to vector<16xf32>
      %broadcast_in_dim3A_281 = vector.broadcast %jit3A_279 : f32 to vector<16xf32>
      %select_n3A_282 = arith.select %eq3A_278, %broadcast_in_dim3A_280, %broadcast_in_dim3A_281 : vector<16xi1>, vector<16xf32>
      %add3A_283 = arith.addf %add3A_275, %select_n3A_282 : vector<16xf32>
      %eq3A_284 = arith.constant 3 : i32
      %eq3A_285 = vector.broadcast %eq3A_284 : i32 to vector<16xi32>
      %eq3A_286 = arith.cmpi eq, %iota3A, %eq3A_285 : vector<16xi32>
      %jit3A_287 = arith.constant 0.000000e+00 : f32
      %broadcast_in_dim3A_288 = vector.broadcast %reduce_sum3A_180 : f32 to vector<16xf32>
      %broadcast_in_dim3A_289 = vector.broadcast %jit3A_287 : f32 to vector<16xf32>
      %select_n3A_290 = arith.select %eq3A_286, %broadcast_in_dim3A_288, %broadcast_in_dim3A_289 : vector<16xi1>, vector<16xf32>
      %add3A_291 = arith.addf %add3A_283, %select_n3A_290 : vector<16xf32>
      %eq3A_292 = arith.constant 4 : i32
      %eq3A_293 = vector.broadcast %eq3A_292 : i32 to vector<16xi32>
      %eq3A_294 = arith.cmpi eq, %iota3A, %eq3A_293 : vector<16xi32>
      %jit3A_295 = arith.constant 0.000000e+00 : f32
      %broadcast_in_dim3A_296 = vector.broadcast %reduce_sum3A_200 : f32 to vector<16xf32>
      %broadcast_in_dim3A_297 = vector.broadcast %jit3A_295 : f32 to vector<16xf32>
      %select_n3A_298 = arith.select %eq3A_294, %broadcast_in_dim3A_296, %broadcast_in_dim3A_297 : vector<16xi1>, vector<16xf32>
      %add3A_299 = arith.addf %add3A_291, %select_n3A_298 : vector<16xf32>
      %eq3A_300 = arith.constant 5 : i32
      %eq3A_301 = vector.broadcast %eq3A_300 : i32 to vector<16xi32>
      %eq3A_302 = arith.cmpi eq, %iota3A, %eq3A_301 : vector<16xi32>
      %jit3A_303 = arith.constant 0.000000e+00 : f32
      %broadcast_in_dim3A_304 = vector.broadcast %reduce_sum3A_220 : f32 to vector<16xf32>
      %broadcast_in_dim3A_305 = vector.broadcast %jit3A_303 : f32 to vector<16xf32>
      %select_n3A_306 = arith.select %eq3A_302, %broadcast_in_dim3A_304, %broadcast_in_dim3A_305 : vector<16xi1>, vector<16xf32>
      %add3A_307 = arith.addf %add3A_299, %select_n3A_306 : vector<16xf32>
      %eq3A_308 = arith.constant 6 : i32
      %eq3A_309 = vector.broadcast %eq3A_308 : i32 to vector<16xi32>
      %eq3A_310 = arith.cmpi eq, %iota3A, %eq3A_309 : vector<16xi32>
      %jit3A_311 = arith.constant 0.000000e+00 : f32
      %broadcast_in_dim3A_312 = vector.broadcast %reduce_sum3A_240 : f32 to vector<16xf32>
      %broadcast_in_dim3A_313 = vector.broadcast %jit3A_311 : f32 to vector<16xf32>
      %select_n3A_314 = arith.select %eq3A_310, %broadcast_in_dim3A_312, %broadcast_in_dim3A_313 : vector<16xi1>, vector<16xf32>
      %add3A_315 = arith.addf %add3A_307, %select_n3A_314 : vector<16xf32>
      %eq3A_316 = arith.constant 7 : i32
      %eq3A_317 = vector.broadcast %eq3A_316 : i32 to vector<16xi32>
      %eq3A_318 = arith.cmpi eq, %iota3A, %eq3A_317 : vector<16xi32>
      %jit3A_319 = arith.constant 0.000000e+00 : f32
      %broadcast_in_dim3A_320 = vector.broadcast %reduce_sum3A_260 : f32 to vector<16xf32>
      %broadcast_in_dim3A_321 = vector.broadcast %jit3A_319 : f32 to vector<16xf32>
      %select_n3A_322 = arith.select %eq3A_318, %broadcast_in_dim3A_320, %broadcast_in_dim3A_321 : vector<16xi1>, vector<16xf32>
      %add3A_323 = arith.addf %add3A_315, %select_n3A_322 : vector<16xf32>
      %and3A = arith.constant 7 : i32
      %and3A_324 = vector.broadcast %and3A : i32 to vector<16xi32>
      %and3A_325 = arith.andi %iota3A, %and3A_324 : vector<16xi32>
      %gather3A_326 = tpu.vector_load_idx %arg16[%and3A_325, %broadcast_in_dim3A] : memref<8x80xf32, #tpu.memory_space<vmem>>[vector<16xi32>, vector<16xi32>], vector<16xf32>,
      %add3A_327 = arith.addf %add3A_323, %gather3A_326 : vector<16xf32>
      %mul3A_328 = arith.constant 2.500000e-01 : f32
      %mul3A_329 = vector.broadcast %mul3A_328 : f32 to vector<16xf32>
      %mul3A_330 = arith.mulf %add3A_327, %mul3A_329 : vector<16xf32>
      %exp3A = math.exp %mul3A_330 : vector<16xf32>
      %swap3A = arith.index_cast %mul3A_102 : i32 to index
      %swap3A_331 = arith.constant 0 : index
      %swap3A_332 = tpu.vector_load %arg18[%swap3A, %swap3A_331] {strides = array<i32>} : memref<80x16xf32, #tpu.memory_space<vmem>>, vector<16xf32>,
      tpu.vector_store %arg18[%swap3A, %swap3A_331], %exp3A {strides = array<i32>} : memref<80x16xf32, #tpu.memory_space<vmem>>, vector<16xf32>,
      %mul3A_333 = arith.constant 4 : i32
      %mul3A_334 = arith.muli %scan3A_99, %mul3A_333 : i32
      %add3A_335 = arith.constant 1 : i32
      %add3A_336 = arith.addi %mul3A_334, %add3A_335 : i32
      %broadcast_in_dim3A_337 = vector.broadcast %add3A_336 : i32 to vector<16xi32>
      %gather3A_338 = tpu.vector_load_idx %arg14[%iota3A, %broadcast_in_dim3A_337] : memref<16x80xf32, #tpu.memory_space<vmem>>[vector<16xi32>, vector<16xi32>], vector<16xf32>,
      %get3A_339 = arith.index_cast %add3A_336 : i32 to index
      %get3A_340 = arith.constant 0 : index
      %get3A_341 = tpu.vector_load %arg10[%get3A_339, %get3A_340] {strides = array<i32>} : memref<80x256xf32, #tpu.memory_space<vmem>>, vector<16xf32>,
      %get3A_342 = arith.index_cast %add3A_336 : i32 to index
      %get3A_343 = arith.constant 0 : index
      %get3A_344 = tpu.vector_load %arg12[%get3A_342, %get3A_343] {strides = array<i32>} : memref<80x256xf32, #tpu.memory_space<vmem>>, vector<16xf32>,
      %get3A_345 = arith.index_cast %add3A_336 : i32 to index
      %get3A_346 = arith.constant 128 : index
      %get3A_347 = tpu.vector_load %arg10[%get3A_345, %get3A_346] {strides = array<i32>} : memref<80x256xf32, #tpu.memory_space<vmem>>, vector<16xf32>,
      %get3A_348 = arith.index_cast %add3A_336 : i32 to index
      %get3A_349 = arith.constant 128 : index
      %get3A_350 = tpu.vector_load %arg12[%get3A_348, %get3A_349] {strides = array<i32>} : memref<80x256xf32, #tpu.memory_space<vmem>>, vector<16xf32>,
      %add3A_351 = arith.addf %get3A_347, %get3A_350 : vector<16xf32>
      %mul3A_352 = arith.mulf %get3A_341, %get3A_344 : vector<16xf32>
      %mul3A_353 = arith.mulf %add3A_351, %gather3A_338 : vector<16xf32>
      %add3A_354 = arith.addf %mul3A_352, %mul3A_353 : vector<16xf32>
      %reduce_sum3A_355 = arith.constant true
      %reduce_sum3A_356 = vector.broadcast %reduce_sum3A_355 : i1 to vector<16xi1>
      %reduce_sum3A_357 = tpu.scan <sum>, %add3A_354 masked %reduce_sum3A_356 : vector<16xf32>, vector<16xi1> -> vector<16xf32>
      %reduce_sum3A_358 = vector.extract %reduce_sum3A_357[15] : f32 from vector<16xf32>
      %get3A_359 = arith.index_cast %add3A_336 : i32 to index
      %get3A_360 = arith.constant 16 : index
      %get3A_361 = tpu.vector_load %arg10[%get3A_359, %get3A_360] {strides = array<i32>} : memref<80x256xf32, #tpu.memory_space<vmem>>, vector<16xf32>,
      %get3A_362 = arith.index_cast %add3A_336 : i32 to index
      %get3A_363 = arith.constant 16 : index
      %get3A_364 = tpu.vector_load %arg12[%get3A_362, %get3A_363] {strides = array<i32>} : memref<80x256xf32, #tpu.memory_space<vmem>>, vector<16xf32>,
      %get3A_365 = arith.index_cast %add3A_336 : i32 to index
      %get3A_366 = arith.constant 144 : index
      %get3A_367 = tpu.vector_load %arg10[%get3A_365, %get3A_366] {strides = array<i32>} : memref<80x256xf32, #tpu.memory_space<vmem>>, vector<16xf32>,
      %get3A_368 = arith.index_cast %add3A_336 : i32 to index
      %get3A_369 = arith.constant 144 : index
      %get3A_370 = tpu.vector_load %arg12[%get3A_368, %get3A_369] {strides = array<i32>} : memref<80x256xf32, #tpu.memory_space<vmem>>, vector<16xf32>,
      %add3A_371 = arith.addf %get3A_367, %get3A_370 : vector<16xf32>
      %mul3A_372 = arith.mulf %get3A_361, %get3A_364 : vector<16xf32>
      %mul3A_373 = arith.mulf %add3A_371, %gather3A_338 : vector<16xf32>
      %add3A_374 = arith.addf %mul3A_372, %mul3A_373 : vector<16xf32>
      %reduce_sum3A_375 = arith.constant true
      %reduce_sum3A_376 = vector.broadcast %reduce_sum3A_375 : i1 to vector<16xi1>
      %reduce_sum3A_377 = tpu.scan <sum>, %add3A_374 masked %reduce_sum3A_376 : vector<16xf32>, vector<16xi1> -> vector<16xf32>
      %reduce_sum3A_378 = vector.extract %reduce_sum3A_377[15] : f32 from vector<16xf32>
      %get3A_379 = arith.index_cast %add3A_336 : i32 to index
      %get3A_380 = arith.constant 32 : index
      %get3A_381 = tpu.vector_load %arg10[%get3A_379, %get3A_380] {strides = array<i32>} : memref<80x256xf32, #tpu.memory_space<vmem>>, vector<16xf32>,
      %get3A_382 = arith.index_cast %add3A_336 : i32 to index
      %get3A_383 = arith.constant 32 : index
      %get3A_384 = tpu.vector_load %arg12[%get3A_382, %get3A_383] {strides = array<i32>} : memref<80x256xf32, #tpu.memory_space<vmem>>, vector<16xf32>,
      %get3A_385 = arith.index_cast %add3A_336 : i32 to index
      %get3A_386 = arith.constant 160 : index
      %get3A_387 = tpu.vector_load %arg10[%get3A_385, %get3A_386] {strides = array<i32>} : memref<80x256xf32, #tpu.memory_space<vmem>>, vector<16xf32>,
      %get3A_388 = arith.index_cast %add3A_336 : i32 to index
      %get3A_389 = arith.constant 160 : index
      %get3A_390 = tpu.vector_load %arg12[%get3A_388, %get3A_389] {strides = array<i32>} : memref<80x256xf32, #tpu.memory_space<vmem>>, vector<16xf32>,
      %add3A_391 = arith.addf %get3A_387, %get3A_390 : vector<16xf32>
      %mul3A_392 = arith.mulf %get3A_381, %get3A_384 : vector<16xf32>
      %mul3A_393 = arith.mulf %add3A_391, %gather3A_338 : vector<16xf32>
      %add3A_394 = arith.addf %mul3A_392, %mul3A_393 : vector<16xf32>
      %reduce_sum3A_395 = arith.constant true
      %reduce_sum3A_396 = vector.broadcast %reduce_sum3A_395 : i1 to vector<16xi1>
      %reduce_sum3A_397 = tpu.scan <sum>, %add3A_394 masked %reduce_sum3A_396 : vector<16xf32>, vector<16xi1> -> vector<16xf32>
      %reduce_sum3A_398 = vector.extract %reduce_sum3A_397[15] : f32 from vector<16xf32>
      %get3A_399 = arith.index_cast %add3A_336 : i32 to index
      %get3A_400 = arith.constant 48 : index
      %get3A_401 = tpu.vector_load %arg10[%get3A_399, %get3A_400] {strides = array<i32>} : memref<80x256xf32, #tpu.memory_space<vmem>>, vector<16xf32>,
      %get3A_402 = arith.index_cast %add3A_336 : i32 to index
      %get3A_403 = arith.constant 48 : index
      %get3A_404 = tpu.vector_load %arg12[%get3A_402, %get3A_403] {strides = array<i32>} : memref<80x256xf32, #tpu.memory_space<vmem>>, vector<16xf32>,
      %get3A_405 = arith.index_cast %add3A_336 : i32 to index
      %get3A_406 = arith.constant 176 : index
      %get3A_407 = tpu.vector_load %arg10[%get3A_405, %get3A_406] {strides = array<i32>} : memref<80x256xf32, #tpu.memory_space<vmem>>, vector<16xf32>,
      %get3A_408 = arith.index_cast %add3A_336 : i32 to index
      %get3A_409 = arith.constant 176 : index
      %get3A_410 = tpu.vector_load %arg12[%get3A_408, %get3A_409] {strides = array<i32>} : memref<80x256xf32, #tpu.memory_space<vmem>>, vector<16xf32>,
      %add3A_411 = arith.addf %get3A_407, %get3A_410 : vector<16xf32>
      %mul3A_412 = arith.mulf %get3A_401, %get3A_404 : vector<16xf32>
      %mul3A_413 = arith.mulf %add3A_411, %gather3A_338 : vector<16xf32>
      %add3A_414 = arith.addf %mul3A_412, %mul3A_413 : vector<16xf32>
      %reduce_sum3A_415 = arith.constant true
      %reduce_sum3A_416 = vector.broadcast %reduce_sum3A_415 : i1 to vector<16xi1>
      %reduce_sum3A_417 = tpu.scan <sum>, %add3A_414 masked %reduce_sum3A_416 : vector<16xf32>, vector<16xi1> -> vector<16xf32>
      %reduce_sum3A_418 = vector.extract %reduce_sum3A_417[15] : f32 from vector<16xf32>
      %get3A_419 = arith.index_cast %add3A_336 : i32 to index
      %get3A_420 = arith.constant 64 : index
      %get3A_421 = tpu.vector_load %arg10[%get3A_419, %get3A_420] {strides = array<i32>} : memref<80x256xf32, #tpu.memory_space<vmem>>, vector<16xf32>,
      %get3A_422 = arith.index_cast %add3A_336 : i32 to index
      %get3A_423 = arith.constant 64 : index
      %get3A_424 = tpu.vector_load %arg12[%get3A_422, %get3A_423] {strides = array<i32>} : memref<80x256xf32, #tpu.memory_space<vmem>>, vector<16xf32>,
      %get3A_425 = arith.index_cast %add3A_336 : i32 to index
      %get3A_426 = arith.constant 192 : index
      %get3A_427 = tpu.vector_load %arg10[%get3A_425, %get3A_426] {strides = array<i32>} : memref<80x256xf32, #tpu.memory_space<vmem>>, vector<16xf32>,
      %get3A_428 = arith.index_cast %add3A_336 : i32 to index
      %get3A_429 = arith.constant 192 : index
      %get3A_430 = tpu.vector_load %arg12[%get3A_428, %get3A_429] {strides = array<i32>} : memref<80x256xf32, #tpu.memory_space<vmem>>, vector<16xf32>,
      %add3A_431 = arith.addf %get3A_427, %get3A_430 : vector<16xf32>
      %mul3A_432 = arith.mulf %get3A_421, %get3A_424 : vector<16xf32>
      %mul3A_433 = arith.mulf %add3A_431, %gather3A_338 : vector<16xf32>
      %add3A_434 = arith.addf %mul3A_432, %mul3A_433 : vector<16xf32>
      %reduce_sum3A_435 = arith.constant true
      %reduce_sum3A_436 = vector.broadcast %reduce_sum3A_435 : i1 to vector<16xi1>
      %reduce_sum3A_437 = tpu.scan <sum>, %add3A_434 masked %reduce_sum3A_436 : vector<16xf32>, vector<16xi1> -> vector<16xf32>
      %reduce_sum3A_438 = vector.extract %reduce_sum3A_437[15] : f32 from vector<16xf32>
      %get3A_439 = arith.index_cast %add3A_336 : i32 to index
      %get3A_440 = arith.constant 80 : index
      %get3A_441 = tpu.vector_load %arg10[%get3A_439, %get3A_440] {strides = array<i32>} : memref<80x256xf32, #tpu.memory_space<vmem>>, vector<16xf32>,
      %get3A_442 = arith.index_cast %add3A_336 : i32 to index
      %get3A_443 = arith.constant 80 : index
      %get3A_444 = tpu.vector_load %arg12[%get3A_442, %get3A_443] {strides = array<i32>} : memref<80x256xf32, #tpu.memory_space<vmem>>, vector<16xf32>,
      %get3A_445 = arith.index_cast %add3A_336 : i32 to index
      %get3A_446 = arith.constant 208 : index
      %get3A_447 = tpu.vector_load %arg10[%get3A_445, %get3A_446] {strides = array<i32>} : memref<80x256xf32, #tpu.memory_space<vmem>>, vector<16xf32>,
      %get3A_448 = arith.index_cast %add3A_336 : i32 to index
      %get3A_449 = arith.constant 208 : index
      %get3A_450 = tpu.vector_load %arg12[%get3A_448, %get3A_449] {strides = array<i32>} : memref<80x256xf32, #tpu.memory_space<vmem>>, vector<16xf32>,
      %add3A_451 = arith.addf %get3A_447, %get3A_450 : vector<16xf32>
      %mul3A_452 = arith.mulf %get3A_441, %get3A_444 : vector<16xf32>
      %mul3A_453 = arith.mulf %add3A_451, %gather3A_338 : vector<16xf32>
      %add3A_454 = arith.addf %mul3A_452, %mul3A_453 : vector<16xf32>
      %reduce_sum3A_455 = arith.constant true
      %reduce_sum3A_456 = vector.broadcast %reduce_sum3A_455 : i1 to vector<16xi1>
      %reduce_sum3A_457 = tpu.scan <sum>, %add3A_454 masked %reduce_sum3A_456 : vector<16xf32>, vector<16xi1> -> vector<16xf32>
      %reduce_sum3A_458 = vector.extract %reduce_sum3A_457[15] : f32 from vector<16xf32>
      %get3A_459 = arith.index_cast %add3A_336 : i32 to index
      %get3A_460 = arith.constant 96 : index
      %get3A_461 = tpu.vector_load %arg10[%get3A_459, %get3A_460] {strides = array<i32>} : memref<80x256xf32, #tpu.memory_space<vmem>>, vector<16xf32>,
      %get3A_462 = arith.index_cast %add3A_336 : i32 to index
      %get3A_463 = arith.constant 96 : index
      %get3A_464 = tpu.vector_load %arg12[%get3A_462, %get3A_463] {strides = array<i32>} : memref<80x256xf32, #tpu.memory_space<vmem>>, vector<16xf32>,
      %get3A_465 = arith.index_cast %add3A_336 : i32 to index
      %get3A_466 = arith.constant 224 : index
      %get3A_467 = tpu.vector_load %arg10[%get3A_465, %get3A_466] {strides = array<i32>} : memref<80x256xf32, #tpu.memory_space<vmem>>, vector<16xf32>,
      %get3A_468 = arith.index_cast %add3A_336 : i32 to index
      %get3A_469 = arith.constant 224 : index
      %get3A_470 = tpu.vector_load %arg12[%get3A_468, %get3A_469] {strides = array<i32>} : memref<80x256xf32, #tpu.memory_space<vmem>>, vector<16xf32>,
      %add3A_471 = arith.addf %get3A_467, %get3A_470 : vector<16xf32>
      %mul3A_472 = arith.mulf %get3A_461, %get3A_464 : vector<16xf32>
      %mul3A_473 = arith.mulf %add3A_471, %gather3A_338 : vector<16xf32>
      %add3A_474 = arith.addf %mul3A_472, %mul3A_473 : vector<16xf32>
      %reduce_sum3A_475 = arith.constant true
      %reduce_sum3A_476 = vector.broadcast %reduce_sum3A_475 : i1 to vector<16xi1>
      %reduce_sum3A_477 = tpu.scan <sum>, %add3A_474 masked %reduce_sum3A_476 : vector<16xf32>, vector<16xi1> -> vector<16xf32>
      %reduce_sum3A_478 = vector.extract %reduce_sum3A_477[15] : f32 from vector<16xf32>
      %get3A_479 = arith.index_cast %add3A_336 : i32 to index
      %get3A_480 = arith.constant 112 : index
      %get3A_481 = tpu.vector_load %arg10[%get3A_479, %get3A_480] {strides = array<i32>} : memref<80x256xf32, #tpu.memory_space<vmem>>, vector<16xf32>,
      %get3A_482 = arith.index_cast %add3A_336 : i32 to index
      %get3A_483 = arith.constant 112 : index
      %get3A_484 = tpu.vector_load %arg12[%get3A_482, %get3A_483] {strides = array<i32>} : memref<80x256xf32, #tpu.memory_space<vmem>>, vector<16xf32>,
      %get3A_485 = arith.index_cast %add3A_336 : i32 to index
      %get3A_486 = arith.constant 240 : index
      %get3A_487 = tpu.vector_load %arg10[%get3A_485, %get3A_486] {strides = array<i32>} : memref<80x256xf32, #tpu.memory_space<vmem>>, vector<16xf32>,
      %get3A_488 = arith.index_cast %add3A_336 : i32 to index
      %get3A_489 = arith.constant 240 : index
      %get3A_490 = tpu.vector_load %arg12[%get3A_488, %get3A_489] {strides = array<i32>} : memref<80x256xf32, #tpu.memory_space<vmem>>, vector<16xf32>,
      %add3A_491 = arith.addf %get3A_487, %get3A_490 : vector<16xf32>
      %mul3A_492 = arith.mulf %get3A_481, %get3A_484 : vector<16xf32>
      %mul3A_493 = arith.mulf %add3A_491, %gather3A_338 : vector<16xf32>
      %add3A_494 = arith.addf %mul3A_492, %mul3A_493 : vector<16xf32>
      %reduce_sum3A_495 = arith.constant true
      %reduce_sum3A_496 = vector.broadcast %reduce_sum3A_495 : i1 to vector<16xi1>
      %reduce_sum3A_497 = tpu.scan <sum>, %add3A_494 masked %reduce_sum3A_496 : vector<16xf32>, vector<16xi1> -> vector<16xf32>
      %reduce_sum3A_498 = vector.extract %reduce_sum3A_497[15] : f32 from vector<16xf32>
      %broadcast_in_dim3A_499 = arith.constant 0.000000e+00 : f32
      %broadcast_in_dim3A_500 = vector.broadcast %broadcast_in_dim3A_499 : f32 to vector<16xf32>
      %eq3A_501 = arith.constant 0 : i32
      %eq3A_502 = vector.broadcast %eq3A_501 : i32 to vector<16xi32>
      %eq3A_503 = arith.cmpi eq, %iota3A, %eq3A_502 : vector<16xi32>
      %jit3A_504 = arith.constant 0.000000e+00 : f32
      %broadcast_in_dim3A_505 = vector.broadcast %reduce_sum3A_358 : f32 to vector<16xf32>
      %broadcast_in_dim3A_506 = vector.broadcast %jit3A_504 : f32 to vector<16xf32>
      %select_n3A_507 = arith.select %eq3A_503, %broadcast_in_dim3A_505, %broadcast_in_dim3A_506 : vector<16xi1>, vector<16xf32>
      %add3A_508 = arith.addf %broadcast_in_dim3A_500, %select_n3A_507 : vector<16xf32>
      %eq3A_509 = arith.constant 1 : i32
      %eq3A_510 = vector.broadcast %eq3A_509 : i32 to vector<16xi32>
      %eq3A_511 = arith.cmpi eq, %iota3A, %eq3A_510 : vector<16xi32>
      %jit3A_512 = arith.constant 0.000000e+00 : f32
      %broadcast_in_dim3A_513 = vector.broadcast %reduce_sum3A_378 : f32 to vector<16xf32>
      %broadcast_in_dim3A_514 = vector.broadcast %jit3A_512 : f32 to vector<16xf32>
      %select_n3A_515 = arith.select %eq3A_511, %broadcast_in_dim3A_513, %broadcast_in_dim3A_514 : vector<16xi1>, vector<16xf32>
      %add3A_516 = arith.addf %add3A_508, %select_n3A_515 : vector<16xf32>
      %eq3A_517 = arith.constant 2 : i32
      %eq3A_518 = vector.broadcast %eq3A_517 : i32 to vector<16xi32>
      %eq3A_519 = arith.cmpi eq, %iota3A, %eq3A_518 : vector<16xi32>
      %jit3A_520 = arith.constant 0.000000e+00 : f32
      %broadcast_in_dim3A_521 = vector.broadcast %reduce_sum3A_398 : f32 to vector<16xf32>
      %broadcast_in_dim3A_522 = vector.broadcast %jit3A_520 : f32 to vector<16xf32>
      %select_n3A_523 = arith.select %eq3A_519, %broadcast_in_dim3A_521, %broadcast_in_dim3A_522 : vector<16xi1>, vector<16xf32>
      %add3A_524 = arith.addf %add3A_516, %select_n3A_523 : vector<16xf32>
      %eq3A_525 = arith.constant 3 : i32
      %eq3A_526 = vector.broadcast %eq3A_525 : i32 to vector<16xi32>
      %eq3A_527 = arith.cmpi eq, %iota3A, %eq3A_526 : vector<16xi32>
      %jit3A_528 = arith.constant 0.000000e+00 : f32
      %broadcast_in_dim3A_529 = vector.broadcast %reduce_sum3A_418 : f32 to vector<16xf32>
      %broadcast_in_dim3A_530 = vector.broadcast %jit3A_528 : f32 to vector<16xf32>
      %select_n3A_531 = arith.select %eq3A_527, %broadcast_in_dim3A_529, %broadcast_in_dim3A_530 : vector<16xi1>, vector<16xf32>
      %add3A_532 = arith.addf %add3A_524, %select_n3A_531 : vector<16xf32>
      %eq3A_533 = arith.constant 4 : i32
      %eq3A_534 = vector.broadcast %eq3A_533 : i32 to vector<16xi32>
      %eq3A_535 = arith.cmpi eq, %iota3A, %eq3A_534 : vector<16xi32>
      %jit3A_536 = arith.constant 0.000000e+00 : f32
      %broadcast_in_dim3A_537 = vector.broadcast %reduce_sum3A_438 : f32 to vector<16xf32>
      %broadcast_in_dim3A_538 = vector.broadcast %jit3A_536 : f32 to vector<16xf32>
      %select_n3A_539 = arith.select %eq3A_535, %broadcast_in_dim3A_537, %broadcast_in_dim3A_538 : vector<16xi1>, vector<16xf32>
      %add3A_540 = arith.addf %add3A_532, %select_n3A_539 : vector<16xf32>
      %eq3A_541 = arith.constant 5 : i32
      %eq3A_542 = vector.broadcast %eq3A_541 : i32 to vector<16xi32>
      %eq3A_543 = arith.cmpi eq, %iota3A, %eq3A_542 : vector<16xi32>
      %jit3A_544 = arith.constant 0.000000e+00 : f32
      %broadcast_in_dim3A_545 = vector.broadcast %reduce_sum3A_458 : f32 to vector<16xf32>
      %broadcast_in_dim3A_546 = vector.broadcast %jit3A_544 : f32 to vector<16xf32>
      %select_n3A_547 = arith.select %eq3A_543, %broadcast_in_dim3A_545, %broadcast_in_dim3A_546 : vector<16xi1>, vector<16xf32>
      %add3A_548 = arith.addf %add3A_540, %select_n3A_547 : vector<16xf32>
      %eq3A_549 = arith.constant 6 : i32
      %eq3A_550 = vector.broadcast %eq3A_549 : i32 to vector<16xi32>
      %eq3A_551 = arith.cmpi eq, %iota3A, %eq3A_550 : vector<16xi32>
      %jit3A_552 = arith.constant 0.000000e+00 : f32
      %broadcast_in_dim3A_553 = vector.broadcast %reduce_sum3A_478 : f32 to vector<16xf32>
      %broadcast_in_dim3A_554 = vector.broadcast %jit3A_552 : f32 to vector<16xf32>
      %select_n3A_555 = arith.select %eq3A_551, %broadcast_in_dim3A_553, %broadcast_in_dim3A_554 : vector<16xi1>, vector<16xf32>
      %add3A_556 = arith.addf %add3A_548, %select_n3A_555 : vector<16xf32>
      %eq3A_557 = arith.constant 7 : i32
      %eq3A_558 = vector.broadcast %eq3A_557 : i32 to vector<16xi32>
      %eq3A_559 = arith.cmpi eq, %iota3A, %eq3A_558 : vector<16xi32>
      %jit3A_560 = arith.constant 0.000000e+00 : f32
      %broadcast_in_dim3A_561 = vector.broadcast %reduce_sum3A_498 : f32 to vector<16xf32>
      %broadcast_in_dim3A_562 = vector.broadcast %jit3A_560 : f32 to vector<16xf32>
      %select_n3A_563 = arith.select %eq3A_559, %broadcast_in_dim3A_561, %broadcast_in_dim3A_562 : vector<16xi1>, vector<16xf32>
      %add3A_564 = arith.addf %add3A_556, %select_n3A_563 : vector<16xf32>
      %and3A_565 = arith.constant 7 : i32
      %and3A_566 = vector.broadcast %and3A_565 : i32 to vector<16xi32>
      %and3A_567 = arith.andi %iota3A, %and3A_566 : vector<16xi32>
      %gather3A_568 = tpu.vector_load_idx %arg16[%and3A_567, %broadcast_in_dim3A_337] : memref<8x80xf32, #tpu.memory_space<vmem>>[vector<16xi32>, vector<16xi32>], vector<16xf32>,
      %add3A_569 = arith.addf %add3A_564, %gather3A_568 : vector<16xf32>
      %mul3A_570 = arith.constant 2.500000e-01 : f32
      %mul3A_571 = vector.broadcast %mul3A_570 : f32 to vector<16xf32>
      %mul3A_572 = arith.mulf %add3A_569, %mul3A_571 : vector<16xf32>
      %exp3A_573 = math.exp %mul3A_572 : vector<16xf32>
      %swap3A_574 = arith.index_cast %add3A_336 : i32 to index
      %swap3A_575 = arith.constant 0 : index
      %swap3A_576 = tpu.vector_load %arg18[%swap3A_574, %swap3A_575] {strides = array<i32>} : memref<80x16xf32, #tpu.memory_space<vmem>>, vector<16xf32>,
      tpu.vector_store %arg18[%swap3A_574, %swap3A_575], %exp3A_573 {strides = array<i32>} : memref<80x16xf32, #tpu.memory_space<vmem>>, vector<16xf32>,
      %mul3A_577 = arith.constant 4 : i32
      %mul3A_578 = arith.muli %scan3A_99, %mul3A_577 : i32
      %add3A_579 = arith.constant 2 : i32
      %add3A_580 = arith.addi %mul3A_578, %add3A_579 : i32
      %broadcast_in_dim3A_581 = vector.broadcast %add3A_580 : i32 to vector<16xi32>
      %gather3A_582 = tpu.vector_load_idx %arg14[%iota3A, %broadcast_in_dim3A_581] : memref<16x80xf32, #tpu.memory_space<vmem>>[vector<16xi32>, vector<16xi32>], vector<16xf32>,
      %get3A_583 = arith.index_cast %add3A_580 : i32 to index
      %get3A_584 = arith.constant 0 : index
      %get3A_585 = tpu.vector_load %arg10[%get3A_583, %get3A_584] {strides = array<i32>} : memref<80x256xf32, #tpu.memory_space<vmem>>, vector<16xf32>,
      %get3A_586 = arith.index_cast %add3A_580 : i32 to index
      %get3A_587 = arith.constant 0 : index
      %get3A_588 = tpu.vector_load %arg12[%get3A_586, %get3A_587] {strides = array<i32>} : memref<80x256xf32, #tpu.memory_space<vmem>>, vector<16xf32>,
      %get3A_589 = arith.index_cast %add3A_580 : i32 to index
      %get3A_590 = arith.constant 128 : index
      %get3A_591 = tpu.vector_load %arg10[%get3A_589, %get3A_590] {strides = array<i32>} : memref<80x256xf32, #tpu.memory_space<vmem>>, vector<16xf32>,
      %get3A_592 = arith.index_cast %add3A_580 : i32 to index
      %get3A_593 = arith.constant 128 : index
      %get3A_594 = tpu.vector_load %arg12[%get3A_592, %get3A_593] {strides = array<i32>} : memref<80x256xf32, #tpu.memory_space<vmem>>, vector<16xf32>,
      %add3A_595 = arith.addf %get3A_591, %get3A_594 : vector<16xf32>
      %mul3A_596 = arith.mulf %get3A_585, %get3A_588 : vector<16xf32>
      %mul3A_597 = arith.mulf %add3A_595, %gather3A_582 : vector<16xf32>
      %add3A_598 = arith.addf %mul3A_596, %mul3A_597 : vector<16xf32>
      %reduce_sum3A_599 = arith.constant true
      %reduce_sum3A_600 = vector.broadcast %reduce_sum3A_599 : i1 to vector<16xi1>
      %reduce_sum3A_601 = tpu.scan <sum>, %add3A_598 masked %reduce_sum3A_600 : vector<16xf32>, vector<16xi1> -> vector<16xf32>
      %reduce_sum3A_602 = vector.extract %reduce_sum3A_601[15] : f32 from vector<16xf32>
      %get3A_603 = arith.index_cast %add3A_580 : i32 to index
      %get3A_604 = arith.constant 16 : index
      %get3A_605 = tpu.vector_load %arg10[%get3A_603, %get3A_604] {strides = array<i32>} : memref<80x256xf32, #tpu.memory_space<vmem>>, vector<16xf32>,
      %get3A_606 = arith.index_cast %add3A_580 : i32 to index
      %get3A_607 = arith.constant 16 : index
      %get3A_608 = tpu.vector_load %arg12[%get3A_606, %get3A_607] {strides = array<i32>} : memref<80x256xf32, #tpu.memory_space<vmem>>, vector<16xf32>,
      %get3A_609 = arith.index_cast %add3A_580 : i32 to index
      %get3A_610 = arith.constant 144 : index
      %get3A_611 = tpu.vector_load %arg10[%get3A_609, %get3A_610] {strides = array<i32>} : memref<80x256xf32, #tpu.memory_space<vmem>>, vector<16xf32>,
      %get3A_612 = arith.index_cast %add3A_580 : i32 to index
      %get3A_613 = arith.constant 144 : index
      %get3A_614 = tpu.vector_load %arg12[%get3A_612, %get3A_613] {strides = array<i32>} : memref<80x256xf32, #tpu.memory_space<vmem>>, vector<16xf32>,
      %add3A_615 = arith.addf %get3A_611, %get3A_614 : vector<16xf32>
      %mul3A_616 = arith.mulf %get3A_605, %get3A_608 : vector<16xf32>
      %mul3A_617 = arith.mulf %add3A_615, %gather3A_582 : vector<16xf32>
      %add3A_618 = arith.addf %mul3A_616, %mul3A_617 : vector<16xf32>
      %reduce_sum3A_619 = arith.constant true
      %reduce_sum3A_620 = vector.broadcast %reduce_sum3A_619 : i1 to vector<16xi1>
      %reduce_sum3A_621 = tpu.scan <sum>, %add3A_618 masked %reduce_sum3A_620 : vector<16xf32>, vector<16xi1> -> vector<16xf32>
      %reduce_sum3A_622 = vector.extract %reduce_sum3A_621[15] : f32 from vector<16xf32>
      %get3A_623 = arith.index_cast %add3A_580 : i32 to index
      %get3A_624 = arith.constant 32 : index
      %get3A_625 = tpu.vector_load %arg10[%get3A_623, %get3A_624] {strides = array<i32>} : memref<80x256xf32, #tpu.memory_space<vmem>>, vector<16xf32>,
      %get3A_626 = arith.index_cast %add3A_580 : i32 to index
      %get3A_627 = arith.constant 32 : index
      %get3A_628 = tpu.vector_load %arg12[%get3A_626, %get3A_627] {strides = array<i32>} : memref<80x256xf32, #tpu.memory_space<vmem>>, vector<16xf32>,
      %get3A_629 = arith.index_cast %add3A_580 : i32 to index
      %get3A_630 = arith.constant 160 : index
      %get3A_631 = tpu.vector_load %arg10[%get3A_629, %get3A_630] {strides = array<i32>} : memref<80x256xf32, #tpu.memory_space<vmem>>, vector<16xf32>,
      %get3A_632 = arith.index_cast %add3A_580 : i32 to index
      %get3A_633 = arith.constant 160 : index
      %get3A_634 = tpu.vector_load %arg12[%get3A_632, %get3A_633] {strides = array<i32>} : memref<80x256xf32, #tpu.memory_space<vmem>>, vector<16xf32>,
      %add3A_635 = arith.addf %get3A_631, %get3A_634 : vector<16xf32>
      %mul3A_636 = arith.mulf %get3A_625, %get3A_628 : vector<16xf32>
      %mul3A_637 = arith.mulf %add3A_635, %gather3A_582 : vector<16xf32>
      %add3A_638 = arith.addf %mul3A_636, %mul3A_637 : vector<16xf32>
      %reduce_sum3A_639 = arith.constant true
      %reduce_sum3A_640 = vector.broadcast %reduce_sum3A_639 : i1 to vector<16xi1>
      %reduce_sum3A_641 = tpu.scan <sum>, %add3A_638 masked %reduce_sum3A_640 : vector<16xf32>, vector<16xi1> -> vector<16xf32>
      %reduce_sum3A_642 = vector.extract %reduce_sum3A_641[15] : f32 from vector<16xf32>
      %get3A_643 = arith.index_cast %add3A_580 : i32 to index
      %get3A_644 = arith.constant 48 : index
      %get3A_645 = tpu.vector_load %arg10[%get3A_643, %get3A_644] {strides = array<i32>} : memref<80x256xf32, #tpu.memory_space<vmem>>, vector<16xf32>,
      %get3A_646 = arith.index_cast %add3A_580 : i32 to index
      %get3A_647 = arith.constant 48 : index
      %get3A_648 = tpu.vector_load %arg12[%get3A_646, %get3A_647] {strides = array<i32>} : memref<80x256xf32, #tpu.memory_space<vmem>>, vector<16xf32>,
      %get3A_649 = arith.index_cast %add3A_580 : i32 to index
      %get3A_650 = arith.constant 176 : index
      %get3A_651 = tpu.vector_load %arg10[%get3A_649, %get3A_650] {strides = array<i32>} : memref<80x256xf32, #tpu.memory_space<vmem>>, vector<16xf32>,
      %get3A_652 = arith.index_cast %add3A_580 : i32 to index
      %get3A_653 = arith.constant 176 : index
      %get3A_654 = tpu.vector_load %arg12[%get3A_652, %get3A_653] {strides = array<i32>} : memref<80x256xf32, #tpu.memory_space<vmem>>, vector<16xf32>,
      %add3A_655 = arith.addf %get3A_651, %get3A_654 : vector<16xf32>
      %mul3A_656 = arith.mulf %get3A_645, %get3A_648 : vector<16xf32>
      %mul3A_657 = arith.mulf %add3A_655, %gather3A_582 : vector<16xf32>
      %add3A_658 = arith.addf %mul3A_656, %mul3A_657 : vector<16xf32>
      %reduce_sum3A_659 = arith.constant true
      %reduce_sum3A_660 = vector.broadcast %reduce_sum3A_659 : i1 to vector<16xi1>
      %reduce_sum3A_661 = tpu.scan <sum>, %add3A_658 masked %reduce_sum3A_660 : vector<16xf32>, vector<16xi1> -> vector<16xf32>
      %reduce_sum3A_662 = vector.extract %reduce_sum3A_661[15] : f32 from vector<16xf32>
      %get3A_663 = arith.index_cast %add3A_580 : i32 to index
      %get3A_664 = arith.constant 64 : index
      %get3A_665 = tpu.vector_load %arg10[%get3A_663, %get3A_664] {strides = array<i32>} : memref<80x256xf32, #tpu.memory_space<vmem>>, vector<16xf32>,
      %get3A_666 = arith.index_cast %add3A_580 : i32 to index
      %get3A_667 = arith.constant 64 : index
      %get3A_668 = tpu.vector_load %arg12[%get3A_666, %get3A_667] {strides = array<i32>} : memref<80x256xf32, #tpu.memory_space<vmem>>, vector<16xf32>,
      %get3A_669 = arith.index_cast %add3A_580 : i32 to index
      %get3A_670 = arith.constant 192 : index
      %get3A_671 = tpu.vector_load %arg10[%get3A_669, %get3A_670] {strides = array<i32>} : memref<80x256xf32, #tpu.memory_space<vmem>>, vector<16xf32>,
      %get3A_672 = arith.index_cast %add3A_580 : i32 to index
      %get3A_673 = arith.constant 192 : index
      %get3A_674 = tpu.vector_load %arg12[%get3A_672, %get3A_673] {strides = array<i32>} : memref<80x256xf32, #tpu.memory_space<vmem>>, vector<16xf32>,
      %add3A_675 = arith.addf %get3A_671, %get3A_674 : vector<16xf32>
      %mul3A_676 = arith.mulf %get3A_665, %get3A_668 : vector<16xf32>
      %mul3A_677 = arith.mulf %add3A_675, %gather3A_582 : vector<16xf32>
      %add3A_678 = arith.addf %mul3A_676, %mul3A_677 : vector<16xf32>
      %reduce_sum3A_679 = arith.constant true
      %reduce_sum3A_680 = vector.broadcast %reduce_sum3A_679 : i1 to vector<16xi1>
      %reduce_sum3A_681 = tpu.scan <sum>, %add3A_678 masked %reduce_sum3A_680 : vector<16xf32>, vector<16xi1> -> vector<16xf32>
      %reduce_sum3A_682 = vector.extract %reduce_sum3A_681[15] : f32 from vector<16xf32>
      %get3A_683 = arith.index_cast %add3A_580 : i32 to index
      %get3A_684 = arith.constant 80 : index
      %get3A_685 = tpu.vector_load %arg10[%get3A_683, %get3A_684] {strides = array<i32>} : memref<80x256xf32, #tpu.memory_space<vmem>>, vector<16xf32>,
      %get3A_686 = arith.index_cast %add3A_580 : i32 to index
      %get3A_687 = arith.constant 80 : index
      %get3A_688 = tpu.vector_load %arg12[%get3A_686, %get3A_687] {strides = array<i32>} : memref<80x256xf32, #tpu.memory_space<vmem>>, vector<16xf32>,
      %get3A_689 = arith.index_cast %add3A_580 : i32 to index
      %get3A_690 = arith.constant 208 : index
      %get3A_691 = tpu.vector_load %arg10[%get3A_689, %get3A_690] {strides = array<i32>} : memref<80x256xf32, #tpu.memory_space<vmem>>, vector<16xf32>,
      %get3A_692 = arith.index_cast %add3A_580 : i32 to index
      %get3A_693 = arith.constant 208 : index
      %get3A_694 = tpu.vector_load %arg12[%get3A_692, %get3A_693] {strides = array<i32>} : memref<80x256xf32, #tpu.memory_space<vmem>>, vector<16xf32>,
      %add3A_695 = arith.addf %get3A_691, %get3A_694 : vector<16xf32>
      %mul3A_696 = arith.mulf %get3A_685, %get3A_688 : vector<16xf32>
      %mul3A_697 = arith.mulf %add3A_695, %gather3A_582 : vector<16xf32>
      %add3A_698 = arith.addf %mul3A_696, %mul3A_697 : vector<16xf32>
      %reduce_sum3A_699 = arith.constant true
      %reduce_sum3A_700 = vector.broadcast %reduce_sum3A_699 : i1 to vector<16xi1>
      %reduce_sum3A_701 = tpu.scan <sum>, %add3A_698 masked %reduce_sum3A_700 : vector<16xf32>, vector<16xi1> -> vector<16xf32>
      %reduce_sum3A_702 = vector.extract %reduce_sum3A_701[15] : f32 from vector<16xf32>
      %get3A_703 = arith.index_cast %add3A_580 : i32 to index
      %get3A_704 = arith.constant 96 : index
      %get3A_705 = tpu.vector_load %arg10[%get3A_703, %get3A_704] {strides = array<i32>} : memref<80x256xf32, #tpu.memory_space<vmem>>, vector<16xf32>,
      %get3A_706 = arith.index_cast %add3A_580 : i32 to index
      %get3A_707 = arith.constant 96 : index
      %get3A_708 = tpu.vector_load %arg12[%get3A_706, %get3A_707] {strides = array<i32>} : memref<80x256xf32, #tpu.memory_space<vmem>>, vector<16xf32>,
      %get3A_709 = arith.index_cast %add3A_580 : i32 to index
      %get3A_710 = arith.constant 224 : index
      %get3A_711 = tpu.vector_load %arg10[%get3A_709, %get3A_710] {strides = array<i32>} : memref<80x256xf32, #tpu.memory_space<vmem>>, vector<16xf32>,
      %get3A_712 = arith.index_cast %add3A_580 : i32 to index
      %get3A_713 = arith.constant 224 : index
      %get3A_714 = tpu.vector_load %arg12[%get3A_712, %get3A_713] {strides = array<i32>} : memref<80x256xf32, #tpu.memory_space<vmem>>, vector<16xf32>,
      %add3A_715 = arith.addf %get3A_711, %get3A_714 : vector<16xf32>
      %mul3A_716 = arith.mulf %get3A_705, %get3A_708 : vector<16xf32>
      %mul3A_717 = arith.mulf %add3A_715, %gather3A_582 : vector<16xf32>
      %add3A_718 = arith.addf %mul3A_716, %mul3A_717 : vector<16xf32>
      %reduce_sum3A_719 = arith.constant true
      %reduce_sum3A_720 = vector.broadcast %reduce_sum3A_719 : i1 to vector<16xi1>
      %reduce_sum3A_721 = tpu.scan <sum>, %add3A_718 masked %reduce_sum3A_720 : vector<16xf32>, vector<16xi1> -> vector<16xf32>
      %reduce_sum3A_722 = vector.extract %reduce_sum3A_721[15] : f32 from vector<16xf32>
      %get3A_723 = arith.index_cast %add3A_580 : i32 to index
      %get3A_724 = arith.constant 112 : index
      %get3A_725 = tpu.vector_load %arg10[%get3A_723, %get3A_724] {strides = array<i32>} : memref<80x256xf32, #tpu.memory_space<vmem>>, vector<16xf32>,
      %get3A_726 = arith.index_cast %add3A_580 : i32 to index
      %get3A_727 = arith.constant 112 : index
      %get3A_728 = tpu.vector_load %arg12[%get3A_726, %get3A_727] {strides = array<i32>} : memref<80x256xf32, #tpu.memory_space<vmem>>, vector<16xf32>,
      %get3A_729 = arith.index_cast %add3A_580 : i32 to index
      %get3A_730 = arith.constant 240 : index
      %get3A_731 = tpu.vector_load %arg10[%get3A_729, %get3A_730] {strides = array<i32>} : memref<80x256xf32, #tpu.memory_space<vmem>>, vector<16xf32>,
      %get3A_732 = arith.index_cast %add3A_580 : i32 to index
      %get3A_733 = arith.constant 240 : index
      %get3A_734 = tpu.vector_load %arg12[%get3A_732, %get3A_733] {strides = array<i32>} : memref<80x256xf32, #tpu.memory_space<vmem>>, vector<16xf32>,
      %add3A_735 = arith.addf %get3A_731, %get3A_734 : vector<16xf32>
      %mul3A_736 = arith.mulf %get3A_725, %get3A_728 : vector<16xf32>
      %mul3A_737 = arith.mulf %add3A_735, %gather3A_582 : vector<16xf32>
      %add3A_738 = arith.addf %mul3A_736, %mul3A_737 : vector<16xf32>
      %reduce_sum3A_739 = arith.constant true
      %reduce_sum3A_740 = vector.broadcast %reduce_sum3A_739 : i1 to vector<16xi1>
      %reduce_sum3A_741 = tpu.scan <sum>, %add3A_738 masked %reduce_sum3A_740 : vector<16xf32>, vector<16xi1> -> vector<16xf32>
      %reduce_sum3A_742 = vector.extract %reduce_sum3A_741[15] : f32 from vector<16xf32>
      %broadcast_in_dim3A_743 = arith.constant 0.000000e+00 : f32
      %broadcast_in_dim3A_744 = vector.broadcast %broadcast_in_dim3A_743 : f32 to vector<16xf32>
      %eq3A_745 = arith.constant 0 : i32
      %eq3A_746 = vector.broadcast %eq3A_745 : i32 to vector<16xi32>
      %eq3A_747 = arith.cmpi eq, %iota3A, %eq3A_746 : vector<16xi32>
      %jit3A_748 = arith.constant 0.000000e+00 : f32
      %broadcast_in_dim3A_749 = vector.broadcast %reduce_sum3A_602 : f32 to vector<16xf32>
      %broadcast_in_dim3A_750 = vector.broadcast %jit3A_748 : f32 to vector<16xf32>
      %select_n3A_751 = arith.select %eq3A_747, %broadcast_in_dim3A_749, %broadcast_in_dim3A_750 : vector<16xi1>, vector<16xf32>
      %add3A_752 = arith.addf %broadcast_in_dim3A_744, %select_n3A_751 : vector<16xf32>
      %eq3A_753 = arith.constant 1 : i32
      %eq3A_754 = vector.broadcast %eq3A_753 : i32 to vector<16xi32>
      %eq3A_755 = arith.cmpi eq, %iota3A, %eq3A_754 : vector<16xi32>
      %jit3A_756 = arith.constant 0.000000e+00 : f32
      %broadcast_in_dim3A_757 = vector.broadcast %reduce_sum3A_622 : f32 to vector<16xf32>
      %broadcast_in_dim3A_758 = vector.broadcast %jit3A_756 : f32 to vector<16xf32>
      %select_n3A_759 = arith.select %eq3A_755, %broadcast_in_dim3A_757, %broadcast_in_dim3A_758 : vector<16xi1>, vector<16xf32>
      %add3A_760 = arith.addf %add3A_752, %select_n3A_759 : vector<16xf32>
      %eq3A_761 = arith.constant 2 : i32
      %eq3A_762 = vector.broadcast %eq3A_761 : i32 to vector<16xi32>
      %eq3A_763 = arith.cmpi eq, %iota3A, %eq3A_762 : vector<16xi32>
      %jit3A_764 = arith.constant 0.000000e+00 : f32
      %broadcast_in_dim3A_765 = vector.broadcast %reduce_sum3A_642 : f32 to vector<16xf32>
      %broadcast_in_dim3A_766 = vector.broadcast %jit3A_764 : f32 to vector<16xf32>
      %select_n3A_767 = arith.select %eq3A_763, %broadcast_in_dim3A_765, %broadcast_in_dim3A_766 : vector<16xi1>, vector<16xf32>
      %add3A_768 = arith.addf %add3A_760, %select_n3A_767 : vector<16xf32>
      %eq3A_769 = arith.constant 3 : i32
      %eq3A_770 = vector.broadcast %eq3A_769 : i32 to vector<16xi32>
      %eq3A_771 = arith.cmpi eq, %iota3A, %eq3A_770 : vector<16xi32>
      %jit3A_772 = arith.constant 0.000000e+00 : f32
      %broadcast_in_dim3A_773 = vector.broadcast %reduce_sum3A_662 : f32 to vector<16xf32>
      %broadcast_in_dim3A_774 = vector.broadcast %jit3A_772 : f32 to vector<16xf32>
      %select_n3A_775 = arith.select %eq3A_771, %broadcast_in_dim3A_773, %broadcast_in_dim3A_774 : vector<16xi1>, vector<16xf32>
      %add3A_776 = arith.addf %add3A_768, %select_n3A_775 : vector<16xf32>
      %eq3A_777 = arith.constant 4 : i32
      %eq3A_778 = vector.broadcast %eq3A_777 : i32 to vector<16xi32>
      %eq3A_779 = arith.cmpi eq, %iota3A, %eq3A_778 : vector<16xi32>
      %jit3A_780 = arith.constant 0.000000e+00 : f32
      %broadcast_in_dim3A_781 = vector.broadcast %reduce_sum3A_682 : f32 to vector<16xf32>
      %broadcast_in_dim3A_782 = vector.broadcast %jit3A_780 : f32 to vector<16xf32>
      %select_n3A_783 = arith.select %eq3A_779, %broadcast_in_dim3A_781, %broadcast_in_dim3A_782 : vector<16xi1>, vector<16xf32>
      %add3A_784 = arith.addf %add3A_776, %select_n3A_783 : vector<16xf32>
      %eq3A_785 = arith.constant 5 : i32
      %eq3A_786 = vector.broadcast %eq3A_785 : i32 to vector<16xi32>
      %eq3A_787 = arith.cmpi eq, %iota3A, %eq3A_786 : vector<16xi32>
      %jit3A_788 = arith.constant 0.000000e+00 : f32
      %broadcast_in_dim3A_789 = vector.broadcast %reduce_sum3A_702 : f32 to vector<16xf32>
      %broadcast_in_dim3A_790 = vector.broadcast %jit3A_788 : f32 to vector<16xf32>
      %select_n3A_791 = arith.select %eq3A_787, %broadcast_in_dim3A_789, %broadcast_in_dim3A_790 : vector<16xi1>, vector<16xf32>
      %add3A_792 = arith.addf %add3A_784, %select_n3A_791 : vector<16xf32>
      %eq3A_793 = arith.constant 6 : i32
      %eq3A_794 = vector.broadcast %eq3A_793 : i32 to vector<16xi32>
      %eq3A_795 = arith.cmpi eq, %iota3A, %eq3A_794 : vector<16xi32>
      %jit3A_796 = arith.constant 0.000000e+00 : f32
      %broadcast_in_dim3A_797 = vector.broadcast %reduce_sum3A_722 : f32 to vector<16xf32>
      %broadcast_in_dim3A_798 = vector.broadcast %jit3A_796 : f32 to vector<16xf32>
      %select_n3A_799 = arith.select %eq3A_795, %broadcast_in_dim3A_797, %broadcast_in_dim3A_798 : vector<16xi1>, vector<16xf32>
      %add3A_800 = arith.addf %add3A_792, %select_n3A_799 : vector<16xf32>
      %eq3A_801 = arith.constant 7 : i32
      %eq3A_802 = vector.broadcast %eq3A_801 : i32 to vector<16xi32>
      %eq3A_803 = arith.cmpi eq, %iota3A, %eq3A_802 : vector<16xi32>
      %jit3A_804 = arith.constant 0.000000e+00 : f32
      %broadcast_in_dim3A_805 = vector.broadcast %reduce_sum3A_742 : f32 to vector<16xf32>
      %broadcast_in_dim3A_806 = vector.broadcast %jit3A_804 : f32 to vector<16xf32>
      %select_n3A_807 = arith.select %eq3A_803, %broadcast_in_dim3A_805, %broadcast_in_dim3A_806 : vector<16xi1>, vector<16xf32>
      %add3A_808 = arith.addf %add3A_800, %select_n3A_807 : vector<16xf32>
      %and3A_809 = arith.constant 7 : i32
      %and3A_810 = vector.broadcast %and3A_809 : i32 to vector<16xi32>
      %and3A_811 = arith.andi %iota3A, %and3A_810 : vector<16xi32>
      %gather3A_812 = tpu.vector_load_idx %arg16[%and3A_811, %broadcast_in_dim3A_581] : memref<8x80xf32, #tpu.memory_space<vmem>>[vector<16xi32>, vector<16xi32>], vector<16xf32>,
      %add3A_813 = arith.addf %add3A_808, %gather3A_812 : vector<16xf32>
      %mul3A_814 = arith.constant 2.500000e-01 : f32
      %mul3A_815 = vector.broadcast %mul3A_814 : f32 to vector<16xf32>
      %mul3A_816 = arith.mulf %add3A_813, %mul3A_815 : vector<16xf32>
      %exp3A_817 = math.exp %mul3A_816 : vector<16xf32>
      %swap3A_818 = arith.index_cast %add3A_580 : i32 to index
      %swap3A_819 = arith.constant 0 : index
      %swap3A_820 = tpu.vector_load %arg18[%swap3A_818, %swap3A_819] {strides = array<i32>} : memref<80x16xf32, #tpu.memory_space<vmem>>, vector<16xf32>,
      tpu.vector_store %arg18[%swap3A_818, %swap3A_819], %exp3A_817 {strides = array<i32>} : memref<80x16xf32, #tpu.memory_space<vmem>>, vector<16xf32>,
      %mul3A_821 = arith.constant 4 : i32
      %mul3A_822 = arith.muli %scan3A_99, %mul3A_821 : i32
      %add3A_823 = arith.constant 3 : i32
      %add3A_824 = arith.addi %mul3A_822, %add3A_823 : i32
      %broadcast_in_dim3A_825 = vector.broadcast %add3A_824 : i32 to vector<16xi32>
      %gather3A_826 = tpu.vector_load_idx %arg14[%iota3A, %broadcast_in_dim3A_825] : memref<16x80xf32, #tpu.memory_space<vmem>>[vector<16xi32>, vector<16xi32>], vector<16xf32>,
      %get3A_827 = arith.index_cast %add3A_824 : i32 to index
      %get3A_828 = arith.constant 0 : index
      %get3A_829 = tpu.vector_load %arg10[%get3A_827, %get3A_828] {strides = array<i32>} : memref<80x256xf32, #tpu.memory_space<vmem>>, vector<16xf32>,
      %get3A_830 = arith.index_cast %add3A_824 : i32 to index
      %get3A_831 = arith.constant 0 : index
      %get3A_832 = tpu.vector_load %arg12[%get3A_830, %get3A_831] {strides = array<i32>} : memref<80x256xf32, #tpu.memory_space<vmem>>, vector<16xf32>,
      %get3A_833 = arith.index_cast %add3A_824 : i32 to index
      %get3A_834 = arith.constant 128 : index
      %get3A_835 = tpu.vector_load %arg10[%get3A_833, %get3A_834] {strides = array<i32>} : memref<80x256xf32, #tpu.memory_space<vmem>>, vector<16xf32>,
      %get3A_836 = arith.index_cast %add3A_824 : i32 to index
      %get3A_837 = arith.constant 128 : index
      %get3A_838 = tpu.vector_load %arg12[%get3A_836, %get3A_837] {strides = array<i32>} : memref<80x256xf32, #tpu.memory_space<vmem>>, vector<16xf32>,
      %add3A_839 = arith.addf %get3A_835, %get3A_838 : vector<16xf32>
      %mul3A_840 = arith.mulf %get3A_829, %get3A_832 : vector<16xf32>
      %mul3A_841 = arith.mulf %add3A_839, %gather3A_826 : vector<16xf32>
      %add3A_842 = arith.addf %mul3A_840, %mul3A_841 : vector<16xf32>
      %reduce_sum3A_843 = arith.constant true
      %reduce_sum3A_844 = vector.broadcast %reduce_sum3A_843 : i1 to vector<16xi1>
      %reduce_sum3A_845 = tpu.scan <sum>, %add3A_842 masked %reduce_sum3A_844 : vector<16xf32>, vector<16xi1> -> vector<16xf32>
      %reduce_sum3A_846 = vector.extract %reduce_sum3A_845[15] : f32 from vector<16xf32>
      %get3A_847 = arith.index_cast %add3A_824 : i32 to index
      %get3A_848 = arith.constant 16 : index
      %get3A_849 = tpu.vector_load %arg10[%get3A_847, %get3A_848] {strides = array<i32>} : memref<80x256xf32, #tpu.memory_space<vmem>>, vector<16xf32>,
      %get3A_850 = arith.index_cast %add3A_824 : i32 to index
      %get3A_851 = arith.constant 16 : index
      %get3A_852 = tpu.vector_load %arg12[%get3A_850, %get3A_851] {strides = array<i32>} : memref<80x256xf32, #tpu.memory_space<vmem>>, vector<16xf32>,
      %get3A_853 = arith.index_cast %add3A_824 : i32 to index
      %get3A_854 = arith.constant 144 : index
      %get3A_855 = tpu.vector_load %arg10[%get3A_853, %get3A_854] {strides = array<i32>} : memref<80x256xf32, #tpu.memory_space<vmem>>, vector<16xf32>,
      %get3A_856 = arith.index_cast %add3A_824 : i32 to index
      %get3A_857 = arith.constant 144 : index
      %get3A_858 = tpu.vector_load %arg12[%get3A_856, %get3A_857] {strides = array<i32>} : memref<80x256xf32, #tpu.memory_space<vmem>>, vector<16xf32>,
      %add3A_859 = arith.addf %get3A_855, %get3A_858 : vector<16xf32>
      %mul3A_860 = arith.mulf %get3A_849, %get3A_852 : vector<16xf32>
      %mul3A_861 = arith.mulf %add3A_859, %gather3A_826 : vector<16xf32>
      %add3A_862 = arith.addf %mul3A_860, %mul3A_861 : vector<16xf32>
      %reduce_sum3A_863 = arith.constant true
      %reduce_sum3A_864 = vector.broadcast %reduce_sum3A_863 : i1 to vector<16xi1>
      %reduce_sum3A_865 = tpu.scan <sum>, %add3A_862 masked %reduce_sum3A_864 : vector<16xf32>, vector<16xi1> -> vector<16xf32>
      %reduce_sum3A_866 = vector.extract %reduce_sum3A_865[15] : f32 from vector<16xf32>
      %get3A_867 = arith.index_cast %add3A_824 : i32 to index
      %get3A_868 = arith.constant 32 : index
      %get3A_869 = tpu.vector_load %arg10[%get3A_867, %get3A_868] {strides = array<i32>} : memref<80x256xf32, #tpu.memory_space<vmem>>, vector<16xf32>,
      %get3A_870 = arith.index_cast %add3A_824 : i32 to index
      %get3A_871 = arith.constant 32 : index
      %get3A_872 = tpu.vector_load %arg12[%get3A_870, %get3A_871] {strides = array<i32>} : memref<80x256xf32, #tpu.memory_space<vmem>>, vector<16xf32>,
      %get3A_873 = arith.index_cast %add3A_824 : i32 to index
      %get3A_874 = arith.constant 160 : index
      %get3A_875 = tpu.vector_load %arg10[%get3A_873, %get3A_874] {strides = array<i32>} : memref<80x256xf32, #tpu.memory_space<vmem>>, vector<16xf32>,
      %get3A_876 = arith.index_cast %add3A_824 : i32 to index
      %get3A_877 = arith.constant 160 : index
      %get3A_878 = tpu.vector_load %arg12[%get3A_876, %get3A_877] {strides = array<i32>} : memref<80x256xf32, #tpu.memory_space<vmem>>, vector<16xf32>,
      %add3A_879 = arith.addf %get3A_875, %get3A_878 : vector<16xf32>
      %mul3A_880 = arith.mulf %get3A_869, %get3A_872 : vector<16xf32>
      %mul3A_881 = arith.mulf %add3A_879, %gather3A_826 : vector<16xf32>
      %add3A_882 = arith.addf %mul3A_880, %mul3A_881 : vector<16xf32>
      %reduce_sum3A_883 = arith.constant true
      %reduce_sum3A_884 = vector.broadcast %reduce_sum3A_883 : i1 to vector<16xi1>
      %reduce_sum3A_885 = tpu.scan <sum>, %add3A_882 masked %reduce_sum3A_884 : vector<16xf32>, vector<16xi1> -> vector<16xf32>
      %reduce_sum3A_886 = vector.extract %reduce_sum3A_885[15] : f32 from vector<16xf32>
      %get3A_887 = arith.index_cast %add3A_824 : i32 to index
      %get3A_888 = arith.constant 48 : index
      %get3A_889 = tpu.vector_load %arg10[%get3A_887, %get3A_888] {strides = array<i32>} : memref<80x256xf32, #tpu.memory_space<vmem>>, vector<16xf32>,
      %get3A_890 = arith.index_cast %add3A_824 : i32 to index
      %get3A_891 = arith.constant 48 : index
      %get3A_892 = tpu.vector_load %arg12[%get3A_890, %get3A_891] {strides = array<i32>} : memref<80x256xf32, #tpu.memory_space<vmem>>, vector<16xf32>,
      %get3A_893 = arith.index_cast %add3A_824 : i32 to index
      %get3A_894 = arith.constant 176 : index
      %get3A_895 = tpu.vector_load %arg10[%get3A_893, %get3A_894] {strides = array<i32>} : memref<80x256xf32, #tpu.memory_space<vmem>>, vector<16xf32>,
      %get3A_896 = arith.index_cast %add3A_824 : i32 to index
      %get3A_897 = arith.constant 176 : index
      %get3A_898 = tpu.vector_load %arg12[%get3A_896, %get3A_897] {strides = array<i32>} : memref<80x256xf32, #tpu.memory_space<vmem>>, vector<16xf32>,
      %add3A_899 = arith.addf %get3A_895, %get3A_898 : vector<16xf32>
      %mul3A_900 = arith.mulf %get3A_889, %get3A_892 : vector<16xf32>
      %mul3A_901 = arith.mulf %add3A_899, %gather3A_826 : vector<16xf32>
      %add3A_902 = arith.addf %mul3A_900, %mul3A_901 : vector<16xf32>
      %reduce_sum3A_903 = arith.constant true
      %reduce_sum3A_904 = vector.broadcast %reduce_sum3A_903 : i1 to vector<16xi1>
      %reduce_sum3A_905 = tpu.scan <sum>, %add3A_902 masked %reduce_sum3A_904 : vector<16xf32>, vector<16xi1> -> vector<16xf32>
      %reduce_sum3A_906 = vector.extract %reduce_sum3A_905[15] : f32 from vector<16xf32>
      %get3A_907 = arith.index_cast %add3A_824 : i32 to index
      %get3A_908 = arith.constant 64 : index
      %get3A_909 = tpu.vector_load %arg10[%get3A_907, %get3A_908] {strides = array<i32>} : memref<80x256xf32, #tpu.memory_space<vmem>>, vector<16xf32>,
      %get3A_910 = arith.index_cast %add3A_824 : i32 to index
      %get3A_911 = arith.constant 64 : index
      %get3A_912 = tpu.vector_load %arg12[%get3A_910, %get3A_911] {strides = array<i32>} : memref<80x256xf32, #tpu.memory_space<vmem>>, vector<16xf32>,
      %get3A_913 = arith.index_cast %add3A_824 : i32 to index
      %get3A_914 = arith.constant 192 : index
      %get3A_915 = tpu.vector_load %arg10[%get3A_913, %get3A_914] {strides = array<i32>} : memref<80x256xf32, #tpu.memory_space<vmem>>, vector<16xf32>,
      %get3A_916 = arith.index_cast %add3A_824 : i32 to index
      %get3A_917 = arith.constant 192 : index
      %get3A_918 = tpu.vector_load %arg12[%get3A_916, %get3A_917] {strides = array<i32>} : memref<80x256xf32, #tpu.memory_space<vmem>>, vector<16xf32>,
      %add3A_919 = arith.addf %get3A_915, %get3A_918 : vector<16xf32>
      %mul3A_920 = arith.mulf %get3A_909, %get3A_912 : vector<16xf32>
      %mul3A_921 = arith.mulf %add3A_919, %gather3A_826 : vector<16xf32>
      %add3A_922 = arith.addf %mul3A_920, %mul3A_921 : vector<16xf32>
      %reduce_sum3A_923 = arith.constant true
      %reduce_sum3A_924 = vector.broadcast %reduce_sum3A_923 : i1 to vector<16xi1>
      %reduce_sum3A_925 = tpu.scan <sum>, %add3A_922 masked %reduce_sum3A_924 : vector<16xf32>, vector<16xi1> -> vector<16xf32>
      %reduce_sum3A_926 = vector.extract %reduce_sum3A_925[15] : f32 from vector<16xf32>
      %get3A_927 = arith.index_cast %add3A_824 : i32 to index
      %get3A_928 = arith.constant 80 : index
      %get3A_929 = tpu.vector_load %arg10[%get3A_927, %get3A_928] {strides = array<i32>} : memref<80x256xf32, #tpu.memory_space<vmem>>, vector<16xf32>,
      %get3A_930 = arith.index_cast %add3A_824 : i32 to index
      %get3A_931 = arith.constant 80 : index
      %get3A_932 = tpu.vector_load %arg12[%get3A_930, %get3A_931] {strides = array<i32>} : memref<80x256xf32, #tpu.memory_space<vmem>>, vector<16xf32>,
      %get3A_933 = arith.index_cast %add3A_824 : i32 to index
      %get3A_934 = arith.constant 208 : index
      %get3A_935 = tpu.vector_load %arg10[%get3A_933, %get3A_934] {strides = array<i32>} : memref<80x256xf32, #tpu.memory_space<vmem>>, vector<16xf32>,
      %get3A_936 = arith.index_cast %add3A_824 : i32 to index
      %get3A_937 = arith.constant 208 : index
      %get3A_938 = tpu.vector_load %arg12[%get3A_936, %get3A_937] {strides = array<i32>} : memref<80x256xf32, #tpu.memory_space<vmem>>, vector<16xf32>,
      %add3A_939 = arith.addf %get3A_935, %get3A_938 : vector<16xf32>
      %mul3A_940 = arith.mulf %get3A_929, %get3A_932 : vector<16xf32>
      %mul3A_941 = arith.mulf %add3A_939, %gather3A_826 : vector<16xf32>
      %add3A_942 = arith.addf %mul3A_940, %mul3A_941 : vector<16xf32>
      %reduce_sum3A_943 = arith.constant true
      %reduce_sum3A_944 = vector.broadcast %reduce_sum3A_943 : i1 to vector<16xi1>
      %reduce_sum3A_945 = tpu.scan <sum>, %add3A_942 masked %reduce_sum3A_944 : vector<16xf32>, vector<16xi1> -> vector<16xf32>
      %reduce_sum3A_946 = vector.extract %reduce_sum3A_945[15] : f32 from vector<16xf32>
      %get3A_947 = arith.index_cast %add3A_824 : i32 to index
      %get3A_948 = arith.constant 96 : index
      %get3A_949 = tpu.vector_load %arg10[%get3A_947, %get3A_948] {strides = array<i32>} : memref<80x256xf32, #tpu.memory_space<vmem>>, vector<16xf32>,
      %get3A_950 = arith.index_cast %add3A_824 : i32 to index
      %get3A_951 = arith.constant 96 : index
      %get3A_952 = tpu.vector_load %arg12[%get3A_950, %get3A_951] {strides = array<i32>} : memref<80x256xf32, #tpu.memory_space<vmem>>, vector<16xf32>,
      %get3A_953 = arith.index_cast %add3A_824 : i32 to index
      %get3A_954 = arith.constant 224 : index
      %get3A_955 = tpu.vector_load %arg10[%get3A_953, %get3A_954] {strides = array<i32>} : memref<80x256xf32, #tpu.memory_space<vmem>>, vector<16xf32>,
      %get3A_956 = arith.index_cast %add3A_824 : i32 to index
      %get3A_957 = arith.constant 224 : index
      %get3A_958 = tpu.vector_load %arg12[%get3A_956, %get3A_957] {strides = array<i32>} : memref<80x256xf32, #tpu.memory_space<vmem>>, vector<16xf32>,
      %add3A_959 = arith.addf %get3A_955, %get3A_958 : vector<16xf32>
      %mul3A_960 = arith.mulf %get3A_949, %get3A_952 : vector<16xf32>
      %mul3A_961 = arith.mulf %add3A_959, %gather3A_826 : vector<16xf32>
      %add3A_962 = arith.addf %mul3A_960, %mul3A_961 : vector<16xf32>
      %reduce_sum3A_963 = arith.constant true
      %reduce_sum3A_964 = vector.broadcast %reduce_sum3A_963 : i1 to vector<16xi1>
      %reduce_sum3A_965 = tpu.scan <sum>, %add3A_962 masked %reduce_sum3A_964 : vector<16xf32>, vector<16xi1> -> vector<16xf32>
      %reduce_sum3A_966 = vector.extract %reduce_sum3A_965[15] : f32 from vector<16xf32>
      %get3A_967 = arith.index_cast %add3A_824 : i32 to index
      %get3A_968 = arith.constant 112 : index
      %get3A_969 = tpu.vector_load %arg10[%get3A_967, %get3A_968] {strides = array<i32>} : memref<80x256xf32, #tpu.memory_space<vmem>>, vector<16xf32>,
      %get3A_970 = arith.index_cast %add3A_824 : i32 to index
      %get3A_971 = arith.constant 112 : index
      %get3A_972 = tpu.vector_load %arg12[%get3A_970, %get3A_971] {strides = array<i32>} : memref<80x256xf32, #tpu.memory_space<vmem>>, vector<16xf32>,
      %get3A_973 = arith.index_cast %add3A_824 : i32 to index
      %get3A_974 = arith.constant 240 : index
      %get3A_975 = tpu.vector_load %arg10[%get3A_973, %get3A_974] {strides = array<i32>} : memref<80x256xf32, #tpu.memory_space<vmem>>, vector<16xf32>,
      %get3A_976 = arith.index_cast %add3A_824 : i32 to index
      %get3A_977 = arith.constant 240 : index
      %get3A_978 = tpu.vector_load %arg12[%get3A_976, %get3A_977] {strides = array<i32>} : memref<80x256xf32, #tpu.memory_space<vmem>>, vector<16xf32>,
      %add3A_979 = arith.addf %get3A_975, %get3A_978 : vector<16xf32>
      %mul3A_980 = arith.mulf %get3A_969, %get3A_972 : vector<16xf32>
      %mul3A_981 = arith.mulf %add3A_979, %gather3A_826 : vector<16xf32>
      %add3A_982 = arith.addf %mul3A_980, %mul3A_981 : vector<16xf32>
      %reduce_sum3A_983 = arith.constant true
      %reduce_sum3A_984 = vector.broadcast %reduce_sum3A_983 : i1 to vector<16xi1>
      %reduce_sum3A_985 = tpu.scan <sum>, %add3A_982 masked %reduce_sum3A_984 : vector<16xf32>, vector<16xi1> -> vector<16xf32>
      %reduce_sum3A_986 = vector.extract %reduce_sum3A_985[15] : f32 from vector<16xf32>
      %broadcast_in_dim3A_987 = arith.constant 0.000000e+00 : f32
      %broadcast_in_dim3A_988 = vector.broadcast %broadcast_in_dim3A_987 : f32 to vector<16xf32>
      %eq3A_989 = arith.constant 0 : i32
      %eq3A_990 = vector.broadcast %eq3A_989 : i32 to vector<16xi32>
      %eq3A_991 = arith.cmpi eq, %iota3A, %eq3A_990 : vector<16xi32>
      %jit3A_992 = arith.constant 0.000000e+00 : f32
      %broadcast_in_dim3A_993 = vector.broadcast %reduce_sum3A_846 : f32 to vector<16xf32>
      %broadcast_in_dim3A_994 = vector.broadcast %jit3A_992 : f32 to vector<16xf32>
      %select_n3A_995 = arith.select %eq3A_991, %broadcast_in_dim3A_993, %broadcast_in_dim3A_994 : vector<16xi1>, vector<16xf32>
      %add3A_996 = arith.addf %broadcast_in_dim3A_988, %select_n3A_995 : vector<16xf32>
      %eq3A_997 = arith.constant 1 : i32
      %eq3A_998 = vector.broadcast %eq3A_997 : i32 to vector<16xi32>
      %eq3A_999 = arith.cmpi eq, %iota3A, %eq3A_998 : vector<16xi32>
      %jit3A_1000 = arith.constant 0.000000e+00 : f32
      %broadcast_in_dim3A_1001 = vector.broadcast %reduce_sum3A_866 : f32 to vector<16xf32>
      %broadcast_in_dim3A_1002 = vector.broadcast %jit3A_1000 : f32 to vector<16xf32>
      %select_n3A_1003 = arith.select %eq3A_999, %broadcast_in_dim3A_1001, %broadcast_in_dim3A_1002 : vector<16xi1>, vector<16xf32>
      %add3A_1004 = arith.addf %add3A_996, %select_n3A_1003 : vector<16xf32>
      %eq3A_1005 = arith.constant 2 : i32
      %eq3A_1006 = vector.broadcast %eq3A_1005 : i32 to vector<16xi32>
      %eq3A_1007 = arith.cmpi eq, %iota3A, %eq3A_1006 : vector<16xi32>
      %jit3A_1008 = arith.constant 0.000000e+00 : f32
      %broadcast_in_dim3A_1009 = vector.broadcast %reduce_sum3A_886 : f32 to vector<16xf32>
      %broadcast_in_dim3A_1010 = vector.broadcast %jit3A_1008 : f32 to vector<16xf32>
      %select_n3A_1011 = arith.select %eq3A_1007, %broadcast_in_dim3A_1009, %broadcast_in_dim3A_1010 : vector<16xi1>, vector<16xf32>
      %add3A_1012 = arith.addf %add3A_1004, %select_n3A_1011 : vector<16xf32>
      %eq3A_1013 = arith.constant 3 : i32
      %eq3A_1014 = vector.broadcast %eq3A_1013 : i32 to vector<16xi32>
      %eq3A_1015 = arith.cmpi eq, %iota3A, %eq3A_1014 : vector<16xi32>
      %jit3A_1016 = arith.constant 0.000000e+00 : f32
      %broadcast_in_dim3A_1017 = vector.broadcast %reduce_sum3A_906 : f32 to vector<16xf32>
      %broadcast_in_dim3A_1018 = vector.broadcast %jit3A_1016 : f32 to vector<16xf32>
      %select_n3A_1019 = arith.select %eq3A_1015, %broadcast_in_dim3A_1017, %broadcast_in_dim3A_1018 : vector<16xi1>, vector<16xf32>
      %add3A_1020 = arith.addf %add3A_1012, %select_n3A_1019 : vector<16xf32>
      %eq3A_1021 = arith.constant 4 : i32
      %eq3A_1022 = vector.broadcast %eq3A_1021 : i32 to vector<16xi32>
      %eq3A_1023 = arith.cmpi eq, %iota3A, %eq3A_1022 : vector<16xi32>
      %jit3A_1024 = arith.constant 0.000000e+00 : f32
      %broadcast_in_dim3A_1025 = vector.broadcast %reduce_sum3A_926 : f32 to vector<16xf32>
      %broadcast_in_dim3A_1026 = vector.broadcast %jit3A_1024 : f32 to vector<16xf32>
      %select_n3A_1027 = arith.select %eq3A_1023, %broadcast_in_dim3A_1025, %broadcast_in_dim3A_1026 : vector<16xi1>, vector<16xf32>
      %add3A_1028 = arith.addf %add3A_1020, %select_n3A_1027 : vector<16xf32>
      %eq3A_1029 = arith.constant 5 : i32
      %eq3A_1030 = vector.broadcast %eq3A_1029 : i32 to vector<16xi32>
      %eq3A_1031 = arith.cmpi eq, %iota3A, %eq3A_1030 : vector<16xi32>
      %jit3A_1032 = arith.constant 0.000000e+00 : f32
      %broadcast_in_dim3A_1033 = vector.broadcast %reduce_sum3A_946 : f32 to vector<16xf32>
      %broadcast_in_dim3A_1034 = vector.broadcast %jit3A_1032 : f32 to vector<16xf32>
      %select_n3A_1035 = arith.select %eq3A_1031, %broadcast_in_dim3A_1033, %broadcast_in_dim3A_1034 : vector<16xi1>, vector<16xf32>
      %add3A_1036 = arith.addf %add3A_1028, %select_n3A_1035 : vector<16xf32>
      %eq3A_1037 = arith.constant 6 : i32
      %eq3A_1038 = vector.broadcast %eq3A_1037 : i32 to vector<16xi32>
      %eq3A_1039 = arith.cmpi eq, %iota3A, %eq3A_1038 : vector<16xi32>
      %jit3A_1040 = arith.constant 0.000000e+00 : f32
      %broadcast_in_dim3A_1041 = vector.broadcast %reduce_sum3A_966 : f32 to vector<16xf32>
      %broadcast_in_dim3A_1042 = vector.broadcast %jit3A_1040 : f32 to vector<16xf32>
      %select_n3A_1043 = arith.select %eq3A_1039, %broadcast_in_dim3A_1041, %broadcast_in_dim3A_1042 : vector<16xi1>, vector<16xf32>
      %add3A_1044 = arith.addf %add3A_1036, %select_n3A_1043 : vector<16xf32>
      %eq3A_1045 = arith.constant 7 : i32
      %eq3A_1046 = vector.broadcast %eq3A_1045 : i32 to vector<16xi32>
      %eq3A_1047 = arith.cmpi eq, %iota3A, %eq3A_1046 : vector<16xi32>
      %jit3A_1048 = arith.constant 0.000000e+00 : f32
      %broadcast_in_dim3A_1049 = vector.broadcast %reduce_sum3A_986 : f32 to vector<16xf32>
      %broadcast_in_dim3A_1050 = vector.broadcast %jit3A_1048 : f32 to vector<16xf32>
      %select_n3A_1051 = arith.select %eq3A_1047, %broadcast_in_dim3A_1049, %broadcast_in_dim3A_1050 : vector<16xi1>, vector<16xf32>
      %add3A_1052 = arith.addf %add3A_1044, %select_n3A_1051 : vector<16xf32>
      %and3A_1053 = arith.constant 7 : i32
      %and3A_1054 = vector.broadcast %and3A_1053 : i32 to vector<16xi32>
      %and3A_1055 = arith.andi %iota3A, %and3A_1054 : vector<16xi32>
      %gather3A_1056 = tpu.vector_load_idx %arg16[%and3A_1055, %broadcast_in_dim3A_825] : memref<8x80xf32, #tpu.memory_space<vmem>>[vector<16xi32>, vector<16xi32>], vector<16xf32>,
      %add3A_1057 = arith.addf %add3A_1052, %gather3A_1056 : vector<16xf32>
      %mul3A_1058 = arith.constant 2.500000e-01 : f32
      %mul3A_1059 = vector.broadcast %mul3A_1058 : f32 to vector<16xf32>
      %mul3A_1060 = arith.mulf %add3A_1057, %mul3A_1059 : vector<16xf32>
      %exp3A_1061 = math.exp %mul3A_1060 : vector<16xf32>
      %swap3A_1062 = arith.index_cast %add3A_824 : i32 to index
      %swap3A_1063 = arith.constant 0 : index
      %swap3A_1064 = tpu.vector_load %arg18[%swap3A_1062, %swap3A_1063] {strides = array<i32>} : memref<80x16xf32, #tpu.memory_space<vmem>>, vector<16xf32>,
      tpu.vector_store %arg18[%swap3A_1062, %swap3A_1063], %exp3A_1061 {strides = array<i32>} : memref<80x16xf32, #tpu.memory_space<vmem>>, vector<16xf32>,
      %scan3A_1065 = arith.constant 0 : i32
      scf.yield %scan3A_1065 : i32
    }
    %scan3A_80 = arith.constant 20 : i32
    %add3A_81 = arith.constant 9920 : i32
    %add3A_82 = arith.addi %mul3A_2, %add3A_81 : i32
    %dma_start3A_83 = arith.constant 0 : i32
    %dma_start3A_84 = tpu.memref_slice %arg7[%add3A_82, %dma_start3A_83] : memref<320000x16xf32, #tpu.memory_space<hbm>> -> memref<80x16xf32, #tpu.memory_space<hbm>>
    %dma_start3A_85 = arith.constant 0 : i32
    %dma_start3A_86 = tpu.memref_slice %arg7[%add3A_82, %dma_start3A_85] : memref<320000x16xf32, #tpu.memory_space<hbm>> -> memref<80x16xf32, #tpu.memory_space<hbm>>
    tpu.enqueue_dma source(%arg18 : memref<80x16xf32, #tpu.memory_space<vmem>>) target(%dma_start3A_86 : memref<80x16xf32, #tpu.memory_space<hbm>>) target_semaphore(%arg22 : memref<!tpu.dma_semaphore, #tpu.memory_space<semaphore_mem>>)
    %add3A_87 = arith.constant 9840 : i32
    %add3A_88 = arith.addi %mul3A_2, %add3A_87 : i32
    %dma_wait3A_89 = arith.constant 0 : i32
    %dma_wait3A_90 = tpu.memref_slice %arg7[%add3A_88, %dma_wait3A_89] : memref<320000x16xf32, #tpu.memory_space<hbm>> -> memref<80x16xf32, #tpu.memory_space<hbm>>
    %dma_wait3A_91 = arith.constant 0 : i32
    %dma_wait3A_92 = tpu.memref_slice %arg7[%add3A_88, %dma_wait3A_91] : memref<320000x16xf32, #tpu.memory_space<hbm>> -> memref<80x16xf32, #tpu.memory_space<hbm>>
    tpu.wait_dma2 semaphore(%arg23 : memref<!tpu.dma_semaphore, #tpu.memory_space<semaphore_mem>>) src(%arg19 : memref<80x16xf32, #tpu.memory_space<vmem>>) dst(%dma_wait3A_92 : memref<80x16xf32, #tpu.memory_space<hbm>>)
    %add3A_93 = arith.constant 9920 : i32
    %add3A_94 = arith.addi %mul3A_2, %add3A_93 : i32
    %dma_wait3A_95 = arith.constant 0 : i32
    %dma_wait3A_96 = tpu.memref_slice %arg7[%add3A_94, %dma_wait3A_95] : memref<320000x16xf32, #tpu.memory_space<hbm>> -> memref<80x16xf32, #tpu.memory_space<hbm>>
    %dma_wait3A_97 = arith.constant 0 : i32
    %dma_wait3A_98 = tpu.memref_slice %arg7[%add3A_94, %dma_wait3A_97] : memref<320000x16xf32, #tpu.memory_space<hbm>> -> memref<80x16xf32, #tpu.memory_space<hbm>>
    tpu.wait_dma2 semaphore(%arg22 : memref<!tpu.dma_semaphore, #tpu.memory_space<semaphore_mem>>) src(%arg18 : memref<80x16xf32, #tpu.memory_space<vmem>>) dst(%dma_wait3A_98 : memref<80x16xf32, #tpu.memory_space<hbm>>)
    return
  }
}

#map = affine_map<(d0, d1) -> (0, 0)>
#map1 = affine_map<(d0, d1) -> (0, 0, 0)>
module attributes {stable_mosaic.version = 14 : i64} {
  func.func @_sc2_body(%arg0: i32, %arg1: i32, %arg2: memref<10000x128xf32, #tpu.memory_space<hbm>>, %arg3: memref<320000x128xf32, #tpu.memory_space<hbm>>, %arg4: memref<320000x16xf32, #tpu.memory_space<hbm>>, %arg5: memref<2x320000xi32, #tpu.memory_space<hbm>>, %arg6: memref<2x10000x16xf32, #tpu.memory_space<hbm>>, %arg7: memref<2x10000x128xf32, #tpu.memory_space<hbm>>, %arg8: memref<10000xi32, #tpu.memory_space<vmem>>, %arg9: memref<40xi32, #tpu.memory_space<vmem>>, %arg10: memref<40xi32, #tpu.memory_space<vmem>>, %arg11: memref<40x16xf32, #tpu.memory_space<vmem>>, %arg12: memref<40x16xf32, #tpu.memory_space<vmem>>, %arg13: memref<40x128xf32, #tpu.memory_space<vmem>>, %arg14: memref<40x128xf32, #tpu.memory_space<vmem>>, %arg15: memref<40x128xf32, #tpu.memory_space<vmem>>, %arg16: memref<40x128xf32, #tpu.memory_space<vmem>>, %arg17: memref<10x128xf32, #tpu.memory_space<vmem>>, %arg18: memref<100x16xf32, #tpu.memory_space<vmem>>, %arg19: memref<10000x128xf32, #tpu.memory_space<vmem_shared>>, %arg20: memref<10000x16xf32, #tpu.memory_space<vmem_shared>>, %arg21: memref<!tpu.dma_semaphore, #tpu.memory_space<semaphore_mem>>, %arg22: memref<!tpu.dma_semaphore, #tpu.memory_space<semaphore_mem>>, %arg23: memref<!tpu.dma_semaphore, #tpu.memory_space<semaphore_mem>>, %arg24: memref<!tpu.dma_semaphore, #tpu.memory_space<semaphore_mem>>) attributes {dimension_semantics = [#tpu.dimension_semantics<core_parallel>, #tpu.dimension_semantics<subcore_parallel>], iteration_bounds = array<i64: 2, 16>, scalar_prefetch = 0 : i64, scratch_operands = 17 : i64, tpu.core_type = #tpu.core_type<sc_vector_subcore>, window_params = [{transform_indices = #map}, {transform_indices = #map}, {transform_indices = #map}, {transform_indices = #map}, {transform_indices = #map1}, {transform_indices = #map1}]} {
    %mul3A = arith.constant 16 : i32
    %mul3A_0 = arith.muli %arg0, %mul3A : i32
    %add3A = arith.addi %mul3A_0, %arg1 : i32
    %mul3A_1 = arith.constant 10000 : i32
    %mul3A_2 = arith.muli %add3A, %mul3A_1 : i32
    %iota3A = tpu.iota {dimensions = array<i32: 0>} : vector<16xi32>
    %run_scoped3A = arith.constant 1 : i32
    "tpu.region"() ({
      %run_scoped3A_71 = tpu.sem_alloc : memref<!tpu.dma_semaphore, #tpu.memory_space<semaphore_mem>>
      %dma_start3A_72 = tpu.memref_slice %arg5[%run_scoped3A, %mul3A_2] : memref<2x320000xi32, #tpu.memory_space<hbm>> -> memref<1x10000xi32, #tpu.memory_space<hbm>>
      %dma_start3A_73 = tpu.memref_squeeze %dma_start3A_72 : memref<1x10000xi32, #tpu.memory_space<hbm>> -> memref<10000xi32, #tpu.memory_space<hbm>>
      %dma_start3A_74 = tpu.memref_slice %arg5[%run_scoped3A, %mul3A_2] : memref<2x320000xi32, #tpu.memory_space<hbm>> -> memref<1x10000xi32, #tpu.memory_space<hbm>>
      %dma_start3A_75 = tpu.memref_squeeze %dma_start3A_74 : memref<1x10000xi32, #tpu.memory_space<hbm>> -> memref<10000xi32, #tpu.memory_space<hbm>>
      tpu.enqueue_dma source(%dma_start3A_75 : memref<10000xi32, #tpu.memory_space<hbm>>) target(%arg8 : memref<10000xi32, #tpu.memory_space<vmem>>) target_semaphore(%run_scoped3A_71 : memref<!tpu.dma_semaphore, #tpu.memory_space<semaphore_mem>>)
      %dma_wait3A = tpu.memref_slice %arg5[%run_scoped3A, %mul3A_2] : memref<2x320000xi32, #tpu.memory_space<hbm>> -> memref<1x10000xi32, #tpu.memory_space<hbm>>
      %dma_wait3A_76 = tpu.memref_squeeze %dma_wait3A : memref<1x10000xi32, #tpu.memory_space<hbm>> -> memref<10000xi32, #tpu.memory_space<hbm>>
      %dma_wait3A_77 = tpu.memref_slice %arg5[%run_scoped3A, %mul3A_2] : memref<2x320000xi32, #tpu.memory_space<hbm>> -> memref<1x10000xi32, #tpu.memory_space<hbm>>
      %dma_wait3A_78 = tpu.memref_squeeze %dma_wait3A_77 : memref<1x10000xi32, #tpu.memory_space<hbm>> -> memref<10000xi32, #tpu.memory_space<hbm>>
      tpu.wait_dma2 semaphore(%run_scoped3A_71 : memref<!tpu.dma_semaphore, #tpu.memory_space<semaphore_mem>>) src(%dma_wait3A_78 : memref<10000xi32, #tpu.memory_space<hbm>>) dst(%arg8 : memref<10000xi32, #tpu.memory_space<vmem>>)
      tpu.yield
    }) : () -> ()
    %broadcast_in_dim3A = arith.constant 0.000000e+00 : f32
    %broadcast_in_dim3A_3 = vector.broadcast %broadcast_in_dim3A : f32 to vector<16xf32>
    %scan3A = arith.constant 0 : i32
    %scan3A_4 = arith.constant 0 : i32
    %scan3A_5 = arith.constant 10 : i32
    %scan3A_6 = arith.addi %scan3A_4, %scan3A_5 : i32
    %scan3A_7 = arith.constant 1 : i32
    %scan3A_8 = scf.for %scan3A_71 = %scan3A_4 to %scan3A_6 step %scan3A_7 iter_args(%scan3A_72 = %scan3A) -> (i32)  : i32 {
      %swap3A = arith.index_cast %scan3A_71 : i32 to index
      %swap3A_73 = arith.constant 0 : index
      %swap3A_74 = tpu.vector_load %arg17[%swap3A, %swap3A_73] {strides = array<i32>} : memref<10x128xf32, #tpu.memory_space<vmem>>, vector<16xf32>,
      tpu.vector_store %arg17[%swap3A, %swap3A_73], %broadcast_in_dim3A_3 {strides = array<i32>} : memref<10x128xf32, #tpu.memory_space<vmem>>, vector<16xf32>,
      %swap3A_75 = arith.index_cast %scan3A_71 : i32 to index
      %swap3A_76 = arith.constant 16 : index
      %swap3A_77 = tpu.vector_load %arg17[%swap3A_75, %swap3A_76] {strides = array<i32>} : memref<10x128xf32, #tpu.memory_space<vmem>>, vector<16xf32>,
      tpu.vector_store %arg17[%swap3A_75, %swap3A_76], %broadcast_in_dim3A_3 {strides = array<i32>} : memref<10x128xf32, #tpu.memory_space<vmem>>, vector<16xf32>,
      %swap3A_78 = arith.index_cast %scan3A_71 : i32 to index
      %swap3A_79 = arith.constant 32 : index
      %swap3A_80 = tpu.vector_load %arg17[%swap3A_78, %swap3A_79] {strides = array<i32>} : memref<10x128xf32, #tpu.memory_space<vmem>>, vector<16xf32>,
      tpu.vector_store %arg17[%swap3A_78, %swap3A_79], %broadcast_in_dim3A_3 {strides = array<i32>} : memref<10x128xf32, #tpu.memory_space<vmem>>, vector<16xf32>,
      %swap3A_81 = arith.index_cast %scan3A_71 : i32 to index
      %swap3A_82 = arith.constant 48 : index
      %swap3A_83 = tpu.vector_load %arg17[%swap3A_81, %swap3A_82] {strides = array<i32>} : memref<10x128xf32, #tpu.memory_space<vmem>>, vector<16xf32>,
      tpu.vector_store %arg17[%swap3A_81, %swap3A_82], %broadcast_in_dim3A_3 {strides = array<i32>} : memref<10x128xf32, #tpu.memory_space<vmem>>, vector<16xf32>,
      %swap3A_84 = arith.index_cast %scan3A_71 : i32 to index
      %swap3A_85 = arith.constant 64 : index
      %swap3A_86 = tpu.vector_load %arg17[%swap3A_84, %swap3A_85] {strides = array<i32>} : memref<10x128xf32, #tpu.memory_space<vmem>>, vector<16xf32>,
      tpu.vector_store %arg17[%swap3A_84, %swap3A_85], %broadcast_in_dim3A_3 {strides = array<i32>} : memref<10x128xf32, #tpu.memory_space<vmem>>, vector<16xf32>,
      %swap3A_87 = arith.index_cast %scan3A_71 : i32 to index
      %swap3A_88 = arith.constant 80 : index
      %swap3A_89 = tpu.vector_load %arg17[%swap3A_87, %swap3A_88] {strides = array<i32>} : memref<10x128xf32, #tpu.memory_space<vmem>>, vector<16xf32>,
      tpu.vector_store %arg17[%swap3A_87, %swap3A_88], %broadcast_in_dim3A_3 {strides = array<i32>} : memref<10x128xf32, #tpu.memory_space<vmem>>, vector<16xf32>,
      %swap3A_90 = arith.index_cast %scan3A_71 : i32 to index
      %swap3A_91 = arith.constant 96 : index
      %swap3A_92 = tpu.vector_load %arg17[%swap3A_90, %swap3A_91] {strides = array<i32>} : memref<10x128xf32, #tpu.memory_space<vmem>>, vector<16xf32>,
      tpu.vector_store %arg17[%swap3A_90, %swap3A_91], %broadcast_in_dim3A_3 {strides = array<i32>} : memref<10x128xf32, #tpu.memory_space<vmem>>, vector<16xf32>,
      %swap3A_93 = arith.index_cast %scan3A_71 : i32 to index
      %swap3A_94 = arith.constant 112 : index
      %swap3A_95 = tpu.vector_load %arg17[%swap3A_93, %swap3A_94] {strides = array<i32>} : memref<10x128xf32, #tpu.memory_space<vmem>>, vector<16xf32>,
      tpu.vector_store %arg17[%swap3A_93, %swap3A_94], %broadcast_in_dim3A_3 {strides = array<i32>} : memref<10x128xf32, #tpu.memory_space<vmem>>, vector<16xf32>,
      %scan3A_96 = arith.constant 0 : i32
      scf.yield %scan3A_96 : i32
    }
    %scan3A_9 = arith.constant 10 : i32
    %scan3A_10 = arith.constant 0 : i32
    %scan3A_11 = arith.constant 0 : i32
    %scan3A_12 = arith.constant 100 : i32
    %scan3A_13 = arith.addi %scan3A_11, %scan3A_12 : i32
    %scan3A_14 = arith.constant 1 : i32
    %scan3A_15 = scf.for %scan3A_71 = %scan3A_11 to %scan3A_13 step %scan3A_14 iter_args(%scan3A_72 = %scan3A_10) -> (i32)  : i32 {
      %swap3A = arith.index_cast %scan3A_71 : i32 to index
      %swap3A_73 = arith.constant 0 : index
      %swap3A_74 = tpu.vector_load %arg18[%swap3A, %swap3A_73] {strides = array<i32>} : memref<100x16xf32, #tpu.memory_space<vmem>>, vector<16xf32>,
      tpu.vector_store %arg18[%swap3A, %swap3A_73], %broadcast_in_dim3A_3 {strides = array<i32>} : memref<100x16xf32, #tpu.memory_space<vmem>>, vector<16xf32>,
      %scan3A_75 = arith.constant 0 : i32
      scf.yield %scan3A_75 : i32
    }
    %scan3A_16 = arith.constant 100 : i32
    %lt3A = arith.constant 10 : i32
    %lt3A_17 = arith.cmpi slt, %arg1, %lt3A : i32
    %convert_element_type3A = arith.extui %lt3A_17 : i1 to i32
    %cond3A = arith.constant 0 : i32
    %cond3A_18 = arith.cmpi ne, %convert_element_type3A, %cond3A : i32
    scf.if %cond3A_18 {
      %scan3A_71 = arith.constant 0 : i32
      %scan3A_72 = arith.constant 0 : i32
      %scan3A_73 = arith.constant 100 : i32
      %scan3A_74 = arith.addi %scan3A_72, %scan3A_73 : i32
      %scan3A_75 = arith.constant 1 : i32
      %scan3A_76 = scf.for %scan3A_85 = %scan3A_72 to %scan3A_74 step %scan3A_75 iter_args(%scan3A_86 = %scan3A_71) -> (i32)  : i32 {
        %mul3A_87 = arith.constant 1000 : i32
        %mul3A_88 = arith.muli %arg1, %mul3A_87 : i32
        %mul3A_89 = arith.constant 10 : i32
        %mul3A_90 = arith.muli %scan3A_85, %mul3A_89 : i32
        %add3A_91 = arith.addi %mul3A_88, %mul3A_90 : i32
        "tpu.region"() ({
          %run_scoped3A_93 = tpu.sem_alloc : memref<!tpu.dma_semaphore, #tpu.memory_space<semaphore_mem>>
          %dma_start3A_94 = arith.constant 0 : i32
          %dma_start3A_95 = tpu.memref_slice %arg19[%add3A_91, %dma_start3A_94] : memref<10000x128xf32, #tpu.memory_space<vmem_shared>> -> memref<10x128xf32, #tpu.memory_space<vmem_shared>>
          %dma_start3A_96 = arith.constant 0 : i32
          %dma_start3A_97 = tpu.memref_slice %arg19[%add3A_91, %dma_start3A_96] : memref<10000x128xf32, #tpu.memory_space<vmem_shared>> -> memref<10x128xf32, #tpu.memory_space<vmem_shared>>
          tpu.enqueue_dma source(%arg17 : memref<10x128xf32, #tpu.memory_space<vmem>>) target(%dma_start3A_97 : memref<10x128xf32, #tpu.memory_space<vmem_shared>>) target_semaphore(%run_scoped3A_93 : memref<!tpu.dma_semaphore, #tpu.memory_space<semaphore_mem>>)
          %dma_wait3A = arith.constant 0 : i32
          %dma_wait3A_98 = tpu.memref_slice %arg19[%add3A_91, %dma_wait3A] : memref<10000x128xf32, #tpu.memory_space<vmem_shared>> -> memref<10x128xf32, #tpu.memory_space<vmem_shared>>
          %dma_wait3A_99 = arith.constant 0 : i32
          %dma_wait3A_100 = tpu.memref_slice %arg19[%add3A_91, %dma_wait3A_99] : memref<10000x128xf32, #tpu.memory_space<vmem_shared>> -> memref<10x128xf32, #tpu.memory_space<vmem_shared>>
          tpu.wait_dma2 semaphore(%run_scoped3A_93 : memref<!tpu.dma_semaphore, #tpu.memory_space<semaphore_mem>>) src(%arg17 : memref<10x128xf32, #tpu.memory_space<vmem>>) dst(%dma_wait3A_100 : memref<10x128xf32, #tpu.memory_space<vmem_shared>>)
          tpu.yield
        }) : () -> ()
        %scan3A_92 = arith.constant 0 : i32
        scf.yield %scan3A_92 : i32
      }
      %scan3A_77 = arith.constant 100 : i32
      %scan3A_78 = arith.constant 0 : i32
      %scan3A_79 = arith.constant 0 : i32
      %scan3A_80 = arith.constant 10 : i32
      %scan3A_81 = arith.addi %scan3A_79, %scan3A_80 : i32
      %scan3A_82 = arith.constant 1 : i32
      %scan3A_83 = scf.for %scan3A_85 = %scan3A_79 to %scan3A_81 step %scan3A_82 iter_args(%scan3A_86 = %scan3A_78) -> (i32)  : i32 {
        %mul3A_87 = arith.constant 1000 : i32
        %mul3A_88 = arith.muli %arg1, %mul3A_87 : i32
        %mul3A_89 = arith.constant 100 : i32
        %mul3A_90 = arith.muli %scan3A_85, %mul3A_89 : i32
        %add3A_91 = arith.addi %mul3A_88, %mul3A_90 : i32
        "tpu.region"() ({
          %run_scoped3A_93 = tpu.sem_alloc : memref<!tpu.dma_semaphore, #tpu.memory_space<semaphore_mem>>
          %dma_start3A_94 = arith.constant 0 : i32
          %dma_start3A_95 = tpu.memref_slice %arg20[%add3A_91, %dma_start3A_94] : memref<10000x16xf32, #tpu.memory_space<vmem_shared>> -> memref<100x16xf32, #tpu.memory_space<vmem_shared>>
          %dma_start3A_96 = arith.constant 0 : i32
          %dma_start3A_97 = tpu.memref_slice %arg20[%add3A_91, %dma_start3A_96] : memref<10000x16xf32, #tpu.memory_space<vmem_shared>> -> memref<100x16xf32, #tpu.memory_space<vmem_shared>>
          tpu.enqueue_dma source(%arg18 : memref<100x16xf32, #tpu.memory_space<vmem>>) target(%dma_start3A_97 : memref<100x16xf32, #tpu.memory_space<vmem_shared>>) target_semaphore(%run_scoped3A_93 : memref<!tpu.dma_semaphore, #tpu.memory_space<semaphore_mem>>)
          %dma_wait3A = arith.constant 0 : i32
          %dma_wait3A_98 = tpu.memref_slice %arg20[%add3A_91, %dma_wait3A] : memref<10000x16xf32, #tpu.memory_space<vmem_shared>> -> memref<100x16xf32, #tpu.memory_space<vmem_shared>>
          %dma_wait3A_99 = arith.constant 0 : i32
          %dma_wait3A_100 = tpu.memref_slice %arg20[%add3A_91, %dma_wait3A_99] : memref<10000x16xf32, #tpu.memory_space<vmem_shared>> -> memref<100x16xf32, #tpu.memory_space<vmem_shared>>
          tpu.wait_dma2 semaphore(%run_scoped3A_93 : memref<!tpu.dma_semaphore, #tpu.memory_space<semaphore_mem>>) src(%arg18 : memref<100x16xf32, #tpu.memory_space<vmem>>) dst(%dma_wait3A_100 : memref<100x16xf32, #tpu.memory_space<vmem_shared>>)
          tpu.yield
        }) : () -> ()
        %scan3A_92 = arith.constant 0 : i32
        scf.yield %scan3A_92 : i32
      }
      %scan3A_84 = arith.constant 10 : i32
    } else {
    }
    %barrier3A = arith.constant 0 : index
    tpu.barrier barrier_id(%barrier3A)
    %add3A_19 = arith.constant 0 : i32
    %add3A_20 = arith.addi %mul3A_2, %add3A_19 : i32
    %dma_start3A = arith.constant 0 : i32
    %dma_start3A_21 = tpu.memref_slice %arg5[%dma_start3A, %add3A_20] : memref<2x320000xi32, #tpu.memory_space<hbm>> -> memref<1x40xi32, #tpu.memory_space<hbm>>
    %dma_start3A_22 = tpu.memref_squeeze %dma_start3A_21 : memref<1x40xi32, #tpu.memory_space<hbm>> -> memref<40xi32, #tpu.memory_space<hbm>>
    %dma_start3A_23 = tpu.memref_slice %arg5[%dma_start3A, %add3A_20] : memref<2x320000xi32, #tpu.memory_space<hbm>> -> memref<1x40xi32, #tpu.memory_space<hbm>>
    %dma_start3A_24 = tpu.memref_squeeze %dma_start3A_23 : memref<1x40xi32, #tpu.memory_space<hbm>> -> memref<40xi32, #tpu.memory_space<hbm>>
    tpu.enqueue_dma source(%dma_start3A_24 : memref<40xi32, #tpu.memory_space<hbm>>) target(%arg9 : memref<40xi32, #tpu.memory_space<vmem>>) target_semaphore(%arg21 : memref<!tpu.dma_semaphore, #tpu.memory_space<semaphore_mem>>)
    %dma_start3A_25 = arith.constant 0 : i32
    %dma_start3A_26 = tpu.memref_slice %arg4[%add3A_20, %dma_start3A_25] : memref<320000x16xf32, #tpu.memory_space<hbm>> -> memref<40x16xf32, #tpu.memory_space<hbm>>
    %dma_start3A_27 = arith.constant 0 : i32
    %dma_start3A_28 = tpu.memref_slice %arg4[%add3A_20, %dma_start3A_27] : memref<320000x16xf32, #tpu.memory_space<hbm>> -> memref<40x16xf32, #tpu.memory_space<hbm>>
    tpu.enqueue_dma source(%dma_start3A_28 : memref<40x16xf32, #tpu.memory_space<hbm>>) target(%arg11 : memref<40x16xf32, #tpu.memory_space<vmem>>) target_semaphore(%arg21 : memref<!tpu.dma_semaphore, #tpu.memory_space<semaphore_mem>>)
    %dma_start3A_29 = arith.constant 0 : i32
    %dma_start3A_30 = tpu.memref_slice %arg3[%add3A_20, %dma_start3A_29] : memref<320000x128xf32, #tpu.memory_space<hbm>> -> memref<40x128xf32, #tpu.memory_space<hbm>>
    %dma_start3A_31 = arith.constant 0 : i32
    %dma_start3A_32 = tpu.memref_slice %arg3[%add3A_20, %dma_start3A_31] : memref<320000x128xf32, #tpu.memory_space<hbm>> -> memref<40x128xf32, #tpu.memory_space<hbm>>
    tpu.enqueue_dma source(%dma_start3A_32 : memref<40x128xf32, #tpu.memory_space<hbm>>) target(%arg13 : memref<40x128xf32, #tpu.memory_space<vmem>>) target_semaphore(%arg21 : memref<!tpu.dma_semaphore, #tpu.memory_space<semaphore_mem>>)
    %dma_start3A_33 = arith.constant 0 : i32
    %dma_start3A_34 = tpu.memref_slice %arg8[%dma_start3A_33] : memref<10000xi32, #tpu.memory_space<vmem>> -> memref<40xi32, #tpu.memory_space<vmem>>
    %dma_start3A_35 = arith.constant 0 : i32
    %dma_start3A_36 = arith.constant 0 : i32
    %dma_start3A_37 = tpu.memref_slice %arg2[%dma_start3A_35, %dma_start3A_36] : memref<10000x128xf32, #tpu.memory_space<hbm>> -> memref<10000x128xf32, #tpu.memory_space<hbm>>
    tpu.enqueue_indirect_dma source(%dma_start3A_37 : memref<10000x128xf32, #tpu.memory_space<hbm>>) target(%arg15 : memref<40x128xf32, #tpu.memory_space<vmem>>) offsets(%dma_start3A_34 : memref<40xi32, #tpu.memory_space<vmem>>) semaphore(%arg21 : memref<!tpu.dma_semaphore, #tpu.memory_space<semaphore_mem>>)
    %add3A_38 = arith.constant 40 : i32
    %add3A_39 = arith.addi %mul3A_2, %add3A_38 : i32
    %dma_start3A_40 = arith.constant 0 : i32
    %dma_start3A_41 = tpu.memref_slice %arg5[%dma_start3A_40, %add3A_39] : memref<2x320000xi32, #tpu.memory_space<hbm>> -> memref<1x40xi32, #tpu.memory_space<hbm>>
    %dma_start3A_42 = tpu.memref_squeeze %dma_start3A_41 : memref<1x40xi32, #tpu.memory_space<hbm>> -> memref<40xi32, #tpu.memory_space<hbm>>
    %dma_start3A_43 = tpu.memref_slice %arg5[%dma_start3A_40, %add3A_39] : memref<2x320000xi32, #tpu.memory_space<hbm>> -> memref<1x40xi32, #tpu.memory_space<hbm>>
    %dma_start3A_44 = tpu.memref_squeeze %dma_start3A_43 : memref<1x40xi32, #tpu.memory_space<hbm>> -> memref<40xi32, #tpu.memory_space<hbm>>
    tpu.enqueue_dma source(%dma_start3A_44 : memref<40xi32, #tpu.memory_space<hbm>>) target(%arg10 : memref<40xi32, #tpu.memory_space<vmem>>) target_semaphore(%arg22 : memref<!tpu.dma_semaphore, #tpu.memory_space<semaphore_mem>>)
    %dma_start3A_45 = arith.constant 0 : i32
    %dma_start3A_46 = tpu.memref_slice %arg4[%add3A_39, %dma_start3A_45] : memref<320000x16xf32, #tpu.memory_space<hbm>> -> memref<40x16xf32, #tpu.memory_space<hbm>>
    %dma_start3A_47 = arith.constant 0 : i32
    %dma_start3A_48 = tpu.memref_slice %arg4[%add3A_39, %dma_start3A_47] : memref<320000x16xf32, #tpu.memory_space<hbm>> -> memref<40x16xf32, #tpu.memory_space<hbm>>
    tpu.enqueue_dma source(%dma_start3A_48 : memref<40x16xf32, #tpu.memory_space<hbm>>) target(%arg12 : memref<40x16xf32, #tpu.memory_space<vmem>>) target_semaphore(%arg22 : memref<!tpu.dma_semaphore, #tpu.memory_space<semaphore_mem>>)
    %dma_start3A_49 = arith.constant 0 : i32
    %dma_start3A_50 = tpu.memref_slice %arg3[%add3A_39, %dma_start3A_49] : memref<320000x128xf32, #tpu.memory_space<hbm>> -> memref<40x128xf32, #tpu.memory_space<hbm>>
    %dma_start3A_51 = arith.constant 0 : i32
    %dma_start3A_52 = tpu.memref_slice %arg3[%add3A_39, %dma_start3A_51] : memref<320000x128xf32, #tpu.memory_space<hbm>> -> memref<40x128xf32, #tpu.memory_space<hbm>>
    tpu.enqueue_dma source(%dma_start3A_52 : memref<40x128xf32, #tpu.memory_space<hbm>>) target(%arg14 : memref<40x128xf32, #tpu.memory_space<vmem>>) target_semaphore(%arg22 : memref<!tpu.dma_semaphore, #tpu.memory_space<semaphore_mem>>)
    %dma_start3A_53 = arith.constant 40 : i32
    %dma_start3A_54 = tpu.memref_slice %arg8[%dma_start3A_53] : memref<10000xi32, #tpu.memory_space<vmem>> -> memref<40xi32, #tpu.memory_space<vmem>>
    %dma_start3A_55 = arith.constant 0 : i32
    %dma_start3A_56 = arith.constant 0 : i32
    %dma_start3A_57 = tpu.memref_slice %arg2[%dma_start3A_55, %dma_start3A_56] : memref<10000x128xf32, #tpu.memory_space<hbm>> -> memref<10000x128xf32, #tpu.memory_space<hbm>>
    tpu.enqueue_indirect_dma source(%dma_start3A_57 : memref<10000x128xf32, #tpu.memory_space<hbm>>) target(%arg16 : memref<40x128xf32, #tpu.memory_space<vmem>>) offsets(%dma_start3A_54 : memref<40xi32, #tpu.memory_space<vmem>>) semaphore(%arg22 : memref<!tpu.dma_semaphore, #tpu.memory_space<semaphore_mem>>)
    %scan3A_58 = arith.constant 0 : i32
    %scan3A_59 = arith.constant 0 : i32
    %scan3A_60 = arith.constant 125 : i32
    %scan3A_61 = arith.addi %scan3A_59, %scan3A_60 : i32
    %scan3A_62 = arith.constant 1 : i32
    %scan3A_63 = scf.for %scan3A_71 = %scan3A_59 to %scan3A_61 step %scan3A_62 iter_args(%scan3A_72 = %scan3A_58) -> (i32)  : i32 {
      %mul3A_73 = arith.constant 2 : i32
      %mul3A_74 = arith.muli %scan3A_71, %mul3A_73 : i32
      %add3A_75 = arith.constant 0 : i32
      %add3A_76 = arith.addi %mul3A_74, %add3A_75 : i32
      %mul3A_77 = arith.constant 40 : i32
      %mul3A_78 = arith.muli %add3A_76, %mul3A_77 : i32
      %add3A_79 = arith.addi %mul3A_2, %mul3A_78 : i32
      %mul3A_80 = arith.constant 40 : i32
      %mul3A_81 = arith.muli %add3A_76, %mul3A_80 : i32
      %dma_wait3A = arith.constant 0 : i32
      %dma_wait3A_82 = tpu.memref_slice %arg5[%dma_wait3A, %add3A_79] : memref<2x320000xi32, #tpu.memory_space<hbm>> -> memref<1x40xi32, #tpu.memory_space<hbm>>
      %dma_wait3A_83 = tpu.memref_squeeze %dma_wait3A_82 : memref<1x40xi32, #tpu.memory_space<hbm>> -> memref<40xi32, #tpu.memory_space<hbm>>
      %dma_wait3A_84 = tpu.memref_slice %arg5[%dma_wait3A, %add3A_79] : memref<2x320000xi32, #tpu.memory_space<hbm>> -> memref<1x40xi32, #tpu.memory_space<hbm>>
      %dma_wait3A_85 = tpu.memref_squeeze %dma_wait3A_84 : memref<1x40xi32, #tpu.memory_space<hbm>> -> memref<40xi32, #tpu.memory_space<hbm>>
      tpu.wait_dma2 semaphore(%arg21 : memref<!tpu.dma_semaphore, #tpu.memory_space<semaphore_mem>>) src(%dma_wait3A_85 : memref<40xi32, #tpu.memory_space<hbm>>) dst(%arg9 : memref<40xi32, #tpu.memory_space<vmem>>)
      %dma_wait3A_86 = arith.constant 0 : i32
      %dma_wait3A_87 = tpu.memref_slice %arg4[%add3A_79, %dma_wait3A_86] : memref<320000x16xf32, #tpu.memory_space<hbm>> -> memref<40x16xf32, #tpu.memory_space<hbm>>
      %dma_wait3A_88 = arith.constant 0 : i32
      %dma_wait3A_89 = tpu.memref_slice %arg4[%add3A_79, %dma_wait3A_88] : memref<320000x16xf32, #tpu.memory_space<hbm>> -> memref<40x16xf32, #tpu.memory_space<hbm>>
      tpu.wait_dma2 semaphore(%arg21 : memref<!tpu.dma_semaphore, #tpu.memory_space<semaphore_mem>>) src(%dma_wait3A_89 : memref<40x16xf32, #tpu.memory_space<hbm>>) dst(%arg11 : memref<40x16xf32, #tpu.memory_space<vmem>>)
      %dma_wait3A_90 = arith.constant 0 : i32
      %dma_wait3A_91 = tpu.memref_slice %arg3[%add3A_79, %dma_wait3A_90] : memref<320000x128xf32, #tpu.memory_space<hbm>> -> memref<40x128xf32, #tpu.memory_space<hbm>>
      %dma_wait3A_92 = arith.constant 0 : i32
      %dma_wait3A_93 = tpu.memref_slice %arg3[%add3A_79, %dma_wait3A_92] : memref<320000x128xf32, #tpu.memory_space<hbm>> -> memref<40x128xf32, #tpu.memory_space<hbm>>
      tpu.wait_dma2 semaphore(%arg21 : memref<!tpu.dma_semaphore, #tpu.memory_space<semaphore_mem>>) src(%dma_wait3A_93 : memref<40x128xf32, #tpu.memory_space<hbm>>) dst(%arg13 : memref<40x128xf32, #tpu.memory_space<vmem>>)
      %dma_wait3A_94 = tpu.memref_slice %arg8[%mul3A_81] : memref<10000xi32, #tpu.memory_space<vmem>> -> memref<40xi32, #tpu.memory_space<vmem>>
      %dma_wait3A_95 = arith.constant 0 : i32
      %dma_wait3A_96 = arith.constant 0 : i32
      %dma_wait3A_97 = tpu.memref_slice %arg2[%dma_wait3A_95, %dma_wait3A_96] : memref<10000x128xf32, #tpu.memory_space<hbm>> -> memref<10000x128xf32, #tpu.memory_space<hbm>>
      tpu.wait_indirect_dma semaphore(%arg21 : memref<!tpu.dma_semaphore, #tpu.memory_space<semaphore_mem>>) src(%dma_wait3A_97 : memref<10000x128xf32, #tpu.memory_space<hbm>>) dst(%arg15 : memref<40x128xf32, #tpu.memory_space<vmem>>)
      %scan3A_98 = arith.constant 0 : i32
      %scan3A_99 = arith.constant 0 : i32
      %scan3A_100 = arith.constant 40 : i32
      %scan3A_101 = arith.addi %scan3A_99, %scan3A_100 : i32
      %scan3A_102 = arith.constant 1 : i32
      %scan3A_103 = scf.for %scan3A_171 = %scan3A_99 to %scan3A_101 step %scan3A_102 iter_args(%scan3A_172 = %scan3A_98) -> (i32)  : i32 {
        %get3A = arith.index_cast %scan3A_171 : i32 to index
        %get3A_173 = arith.constant 0 : index
        %get3A_174 = tpu.vector_load %arg11[%get3A, %get3A_173] {strides = array<i32>} : memref<40x16xf32, #tpu.memory_space<vmem>>, vector<16xf32>,
        %slice3A = vector.extract_strided_slice %get3A_174 {offsets = [0], sizes = [1], strides = [1]} : vector<16xf32> to vector<1xf32>
        %squeeze3A = vector.extract %slice3A[0] : f32 from vector<1xf32>
        %get3A_175 = arith.index_cast %scan3A_171 : i32 to index
        %get3A_176 = arith.constant 0 : index
        %get3A_177 = tpu.vector_load %arg13[%get3A_175, %get3A_176] {strides = array<i32>} : memref<40x128xf32, #tpu.memory_space<vmem>>, vector<16xf32>,
        %get3A_178 = arith.index_cast %scan3A_171 : i32 to index
        %get3A_179 = arith.constant 0 : index
        %get3A_180 = tpu.vector_load %arg15[%get3A_178, %get3A_179] {strides = array<i32>} : memref<40x128xf32, #tpu.memory_space<vmem>>, vector<16xf32>,
        %add3A_181 = arith.addf %get3A_177, %get3A_180 : vector<16xf32>
        %mul3A_182 = vector.broadcast %squeeze3A : f32 to vector<16xf32>
        %mul3A_183 = arith.mulf %mul3A_182, %add3A_181 : vector<16xf32>
        %swap3A = arith.index_cast %scan3A_171 : i32 to index
        %swap3A_184 = arith.constant 0 : index
        %swap3A_185 = tpu.vector_load %arg13[%swap3A, %swap3A_184] {strides = array<i32>} : memref<40x128xf32, #tpu.memory_space<vmem>>, vector<16xf32>,
        tpu.vector_store %arg13[%swap3A, %swap3A_184], %mul3A_183 {strides = array<i32>} : memref<40x128xf32, #tpu.memory_space<vmem>>, vector<16xf32>,
        %slice3A_186 = vector.extract_strided_slice %get3A_174 {offsets = [1], sizes = [1], strides = [1]} : vector<16xf32> to vector<1xf32>
        %squeeze3A_187 = vector.extract %slice3A_186[0] : f32 from vector<1xf32>
        %get3A_188 = arith.index_cast %scan3A_171 : i32 to index
        %get3A_189 = arith.constant 16 : index
        %get3A_190 = tpu.vector_load %arg13[%get3A_188, %get3A_189] {strides = array<i32>} : memref<40x128xf32, #tpu.memory_space<vmem>>, vector<16xf32>,
        %get3A_191 = arith.index_cast %scan3A_171 : i32 to index
        %get3A_192 = arith.constant 16 : index
        %get3A_193 = tpu.vector_load %arg15[%get3A_191, %get3A_192] {strides = array<i32>} : memref<40x128xf32, #tpu.memory_space<vmem>>, vector<16xf32>,
        %add3A_194 = arith.addf %get3A_190, %get3A_193 : vector<16xf32>
        %mul3A_195 = vector.broadcast %squeeze3A_187 : f32 to vector<16xf32>
        %mul3A_196 = arith.mulf %mul3A_195, %add3A_194 : vector<16xf32>
        %swap3A_197 = arith.index_cast %scan3A_171 : i32 to index
        %swap3A_198 = arith.constant 16 : index
        %swap3A_199 = tpu.vector_load %arg13[%swap3A_197, %swap3A_198] {strides = array<i32>} : memref<40x128xf32, #tpu.memory_space<vmem>>, vector<16xf32>,
        tpu.vector_store %arg13[%swap3A_197, %swap3A_198], %mul3A_196 {strides = array<i32>} : memref<40x128xf32, #tpu.memory_space<vmem>>, vector<16xf32>,
        %slice3A_200 = vector.extract_strided_slice %get3A_174 {offsets = [2], sizes = [1], strides = [1]} : vector<16xf32> to vector<1xf32>
        %squeeze3A_201 = vector.extract %slice3A_200[0] : f32 from vector<1xf32>
        %get3A_202 = arith.index_cast %scan3A_171 : i32 to index
        %get3A_203 = arith.constant 32 : index
        %get3A_204 = tpu.vector_load %arg13[%get3A_202, %get3A_203] {strides = array<i32>} : memref<40x128xf32, #tpu.memory_space<vmem>>, vector<16xf32>,
        %get3A_205 = arith.index_cast %scan3A_171 : i32 to index
        %get3A_206 = arith.constant 32 : index
        %get3A_207 = tpu.vector_load %arg15[%get3A_205, %get3A_206] {strides = array<i32>} : memref<40x128xf32, #tpu.memory_space<vmem>>, vector<16xf32>,
        %add3A_208 = arith.addf %get3A_204, %get3A_207 : vector<16xf32>
        %mul3A_209 = vector.broadcast %squeeze3A_201 : f32 to vector<16xf32>
        %mul3A_210 = arith.mulf %mul3A_209, %add3A_208 : vector<16xf32>
        %swap3A_211 = arith.index_cast %scan3A_171 : i32 to index
        %swap3A_212 = arith.constant 32 : index
        %swap3A_213 = tpu.vector_load %arg13[%swap3A_211, %swap3A_212] {strides = array<i32>} : memref<40x128xf32, #tpu.memory_space<vmem>>, vector<16xf32>,
        tpu.vector_store %arg13[%swap3A_211, %swap3A_212], %mul3A_210 {strides = array<i32>} : memref<40x128xf32, #tpu.memory_space<vmem>>, vector<16xf32>,
        %slice3A_214 = vector.extract_strided_slice %get3A_174 {offsets = [3], sizes = [1], strides = [1]} : vector<16xf32> to vector<1xf32>
        %squeeze3A_215 = vector.extract %slice3A_214[0] : f32 from vector<1xf32>
        %get3A_216 = arith.index_cast %scan3A_171 : i32 to index
        %get3A_217 = arith.constant 48 : index
        %get3A_218 = tpu.vector_load %arg13[%get3A_216, %get3A_217] {strides = array<i32>} : memref<40x128xf32, #tpu.memory_space<vmem>>, vector<16xf32>,
        %get3A_219 = arith.index_cast %scan3A_171 : i32 to index
        %get3A_220 = arith.constant 48 : index
        %get3A_221 = tpu.vector_load %arg15[%get3A_219, %get3A_220] {strides = array<i32>} : memref<40x128xf32, #tpu.memory_space<vmem>>, vector<16xf32>,
        %add3A_222 = arith.addf %get3A_218, %get3A_221 : vector<16xf32>
        %mul3A_223 = vector.broadcast %squeeze3A_215 : f32 to vector<16xf32>
        %mul3A_224 = arith.mulf %mul3A_223, %add3A_222 : vector<16xf32>
        %swap3A_225 = arith.index_cast %scan3A_171 : i32 to index
        %swap3A_226 = arith.constant 48 : index
        %swap3A_227 = tpu.vector_load %arg13[%swap3A_225, %swap3A_226] {strides = array<i32>} : memref<40x128xf32, #tpu.memory_space<vmem>>, vector<16xf32>,
        tpu.vector_store %arg13[%swap3A_225, %swap3A_226], %mul3A_224 {strides = array<i32>} : memref<40x128xf32, #tpu.memory_space<vmem>>, vector<16xf32>,
        %slice3A_228 = vector.extract_strided_slice %get3A_174 {offsets = [4], sizes = [1], strides = [1]} : vector<16xf32> to vector<1xf32>
        %squeeze3A_229 = vector.extract %slice3A_228[0] : f32 from vector<1xf32>
        %get3A_230 = arith.index_cast %scan3A_171 : i32 to index
        %get3A_231 = arith.constant 64 : index
        %get3A_232 = tpu.vector_load %arg13[%get3A_230, %get3A_231] {strides = array<i32>} : memref<40x128xf32, #tpu.memory_space<vmem>>, vector<16xf32>,
        %get3A_233 = arith.index_cast %scan3A_171 : i32 to index
        %get3A_234 = arith.constant 64 : index
        %get3A_235 = tpu.vector_load %arg15[%get3A_233, %get3A_234] {strides = array<i32>} : memref<40x128xf32, #tpu.memory_space<vmem>>, vector<16xf32>,
        %add3A_236 = arith.addf %get3A_232, %get3A_235 : vector<16xf32>
        %mul3A_237 = vector.broadcast %squeeze3A_229 : f32 to vector<16xf32>
        %mul3A_238 = arith.mulf %mul3A_237, %add3A_236 : vector<16xf32>
        %swap3A_239 = arith.index_cast %scan3A_171 : i32 to index
        %swap3A_240 = arith.constant 64 : index
        %swap3A_241 = tpu.vector_load %arg13[%swap3A_239, %swap3A_240] {strides = array<i32>} : memref<40x128xf32, #tpu.memory_space<vmem>>, vector<16xf32>,
        tpu.vector_store %arg13[%swap3A_239, %swap3A_240], %mul3A_238 {strides = array<i32>} : memref<40x128xf32, #tpu.memory_space<vmem>>, vector<16xf32>,
        %slice3A_242 = vector.extract_strided_slice %get3A_174 {offsets = [5], sizes = [1], strides = [1]} : vector<16xf32> to vector<1xf32>
        %squeeze3A_243 = vector.extract %slice3A_242[0] : f32 from vector<1xf32>
        %get3A_244 = arith.index_cast %scan3A_171 : i32 to index
        %get3A_245 = arith.constant 80 : index
        %get3A_246 = tpu.vector_load %arg13[%get3A_244, %get3A_245] {strides = array<i32>} : memref<40x128xf32, #tpu.memory_space<vmem>>, vector<16xf32>,
        %get3A_247 = arith.index_cast %scan3A_171 : i32 to index
        %get3A_248 = arith.constant 80 : index
        %get3A_249 = tpu.vector_load %arg15[%get3A_247, %get3A_248] {strides = array<i32>} : memref<40x128xf32, #tpu.memory_space<vmem>>, vector<16xf32>,
        %add3A_250 = arith.addf %get3A_246, %get3A_249 : vector<16xf32>
        %mul3A_251 = vector.broadcast %squeeze3A_243 : f32 to vector<16xf32>
        %mul3A_252 = arith.mulf %mul3A_251, %add3A_250 : vector<16xf32>
        %swap3A_253 = arith.index_cast %scan3A_171 : i32 to index
        %swap3A_254 = arith.constant 80 : index
        %swap3A_255 = tpu.vector_load %arg13[%swap3A_253, %swap3A_254] {strides = array<i32>} : memref<40x128xf32, #tpu.memory_space<vmem>>, vector<16xf32>,
        tpu.vector_store %arg13[%swap3A_253, %swap3A_254], %mul3A_252 {strides = array<i32>} : memref<40x128xf32, #tpu.memory_space<vmem>>, vector<16xf32>,
        %slice3A_256 = vector.extract_strided_slice %get3A_174 {offsets = [6], sizes = [1], strides = [1]} : vector<16xf32> to vector<1xf32>
        %squeeze3A_257 = vector.extract %slice3A_256[0] : f32 from vector<1xf32>
        %get3A_258 = arith.index_cast %scan3A_171 : i32 to index
        %get3A_259 = arith.constant 96 : index
        %get3A_260 = tpu.vector_load %arg13[%get3A_258, %get3A_259] {strides = array<i32>} : memref<40x128xf32, #tpu.memory_space<vmem>>, vector<16xf32>,
        %get3A_261 = arith.index_cast %scan3A_171 : i32 to index
        %get3A_262 = arith.constant 96 : index
        %get3A_263 = tpu.vector_load %arg15[%get3A_261, %get3A_262] {strides = array<i32>} : memref<40x128xf32, #tpu.memory_space<vmem>>, vector<16xf32>,
        %add3A_264 = arith.addf %get3A_260, %get3A_263 : vector<16xf32>
        %mul3A_265 = vector.broadcast %squeeze3A_257 : f32 to vector<16xf32>
        %mul3A_266 = arith.mulf %mul3A_265, %add3A_264 : vector<16xf32>
        %swap3A_267 = arith.index_cast %scan3A_171 : i32 to index
        %swap3A_268 = arith.constant 96 : index
        %swap3A_269 = tpu.vector_load %arg13[%swap3A_267, %swap3A_268] {strides = array<i32>} : memref<40x128xf32, #tpu.memory_space<vmem>>, vector<16xf32>,
        tpu.vector_store %arg13[%swap3A_267, %swap3A_268], %mul3A_266 {strides = array<i32>} : memref<40x128xf32, #tpu.memory_space<vmem>>, vector<16xf32>,
        %slice3A_270 = vector.extract_strided_slice %get3A_174 {offsets = [7], sizes = [1], strides = [1]} : vector<16xf32> to vector<1xf32>
        %squeeze3A_271 = vector.extract %slice3A_270[0] : f32 from vector<1xf32>
        %get3A_272 = arith.index_cast %scan3A_171 : i32 to index
        %get3A_273 = arith.constant 112 : index
        %get3A_274 = tpu.vector_load %arg13[%get3A_272, %get3A_273] {strides = array<i32>} : memref<40x128xf32, #tpu.memory_space<vmem>>, vector<16xf32>,
        %get3A_275 = arith.index_cast %scan3A_171 : i32 to index
        %get3A_276 = arith.constant 112 : index
        %get3A_277 = tpu.vector_load %arg15[%get3A_275, %get3A_276] {strides = array<i32>} : memref<40x128xf32, #tpu.memory_space<vmem>>, vector<16xf32>,
        %add3A_278 = arith.addf %get3A_274, %get3A_277 : vector<16xf32>
        %mul3A_279 = vector.broadcast %squeeze3A_271 : f32 to vector<16xf32>
        %mul3A_280 = arith.mulf %mul3A_279, %add3A_278 : vector<16xf32>
        %swap3A_281 = arith.index_cast %scan3A_171 : i32 to index
        %swap3A_282 = arith.constant 112 : index
        %swap3A_283 = tpu.vector_load %arg13[%swap3A_281, %swap3A_282] {strides = array<i32>} : memref<40x128xf32, #tpu.memory_space<vmem>>, vector<16xf32>,
        tpu.vector_store %arg13[%swap3A_281, %swap3A_282], %mul3A_280 {strides = array<i32>} : memref<40x128xf32, #tpu.memory_space<vmem>>, vector<16xf32>,
        %scan3A_284 = arith.constant 0 : i32
        scf.yield %scan3A_284 : i32
      }
      %scan3A_104 = arith.constant 40 : i32
      %dma_start3A_105 = arith.constant 0 : i32
      %dma_start3A_106 = arith.constant 0 : i32
      %dma_start3A_107 = tpu.memref_slice %arg19[%dma_start3A_105, %dma_start3A_106] : memref<10000x128xf32, #tpu.memory_space<vmem_shared>> -> memref<10000x128xf32, #tpu.memory_space<vmem_shared>>
      tpu.enqueue_indirect_dma source(%arg13 : memref<40x128xf32, #tpu.memory_space<vmem>>) target(%dma_start3A_107 : memref<10000x128xf32, #tpu.memory_space<vmem_shared>>) offsets(%arg9 : memref<40xi32, #tpu.memory_space<vmem>>) semaphore(%arg23 : memref<!tpu.dma_semaphore, #tpu.memory_space<semaphore_mem>>) {add = true}
      %dma_start3A_108 = arith.constant 0 : i32
      %dma_start3A_109 = arith.constant 0 : i32
      %dma_start3A_110 = tpu.memref_slice %arg20[%dma_start3A_108, %dma_start3A_109] : memref<10000x16xf32, #tpu.memory_space<vmem_shared>> -> memref<10000x16xf32, #tpu.memory_space<vmem_shared>>
      tpu.enqueue_indirect_dma source(%arg11 : memref<40x16xf32, #tpu.memory_space<vmem>>) target(%dma_start3A_110 : memref<10000x16xf32, #tpu.memory_space<vmem_shared>>) offsets(%arg9 : memref<40xi32, #tpu.memory_space<vmem>>) semaphore(%arg23 : memref<!tpu.dma_semaphore, #tpu.memory_space<semaphore_mem>>) {add = true}
      %dma_wait3A_111 = arith.constant 0 : i32
      %dma_wait3A_112 = arith.constant 0 : i32
      %dma_wait3A_113 = tpu.memref_slice %arg19[%dma_wait3A_111, %dma_wait3A_112] : memref<10000x128xf32, #tpu.memory_space<vmem_shared>> -> memref<10000x128xf32, #tpu.memory_space<vmem_shared>>
      tpu.wait_indirect_dma semaphore(%arg23 : memref<!tpu.dma_semaphore, #tpu.memory_space<semaphore_mem>>) src(%arg13 : memref<40x128xf32, #tpu.memory_space<vmem>>) dst(%dma_wait3A_113 : memref<10000x128xf32, #tpu.memory_space<vmem_shared>>)
      %dma_wait3A_114 = arith.constant 0 : i32
      %dma_wait3A_115 = arith.constant 0 : i32
      %dma_wait3A_116 = tpu.memref_slice %arg20[%dma_wait3A_114, %dma_wait3A_115] : memref<10000x16xf32, #tpu.memory_space<vmem_shared>> -> memref<10000x16xf32, #tpu.memory_space<vmem_shared>>
      tpu.wait_indirect_dma semaphore(%arg23 : memref<!tpu.dma_semaphore, #tpu.memory_space<semaphore_mem>>) src(%arg11 : memref<40x16xf32, #tpu.memory_space<vmem>>) dst(%dma_wait3A_116 : memref<10000x16xf32, #tpu.memory_space<vmem_shared>>)
      %lt3A_117 = arith.constant 248 : i32
      %lt3A_118 = arith.cmpi slt, %add3A_76, %lt3A_117 : i32
      %convert_element_type3A_119 = arith.extui %lt3A_118 : i1 to i32
      %cond3A_120 = arith.constant 0 : i32
      %cond3A_121 = arith.cmpi ne, %convert_element_type3A_119, %cond3A_120 : i32
      scf.if %cond3A_121 {
        %add3A_171 = arith.constant 2 : i32
        %add3A_172 = arith.addi %add3A_76, %add3A_171 : i32
        %mul3A_173 = arith.constant 40 : i32
        %mul3A_174 = arith.muli %add3A_172, %mul3A_173 : i32
        %add3A_175 = arith.addi %mul3A_2, %mul3A_174 : i32
        %mul3A_176 = arith.constant 40 : i32
        %mul3A_177 = arith.muli %add3A_172, %mul3A_176 : i32
        %dma_start3A_178 = arith.constant 0 : i32
        %dma_start3A_179 = tpu.memref_slice %arg5[%dma_start3A_178, %add3A_175] : memref<2x320000xi32, #tpu.memory_space<hbm>> -> memref<1x40xi32, #tpu.memory_space<hbm>>
        %dma_start3A_180 = tpu.memref_squeeze %dma_start3A_179 : memref<1x40xi32, #tpu.memory_space<hbm>> -> memref<40xi32, #tpu.memory_space<hbm>>
        %dma_start3A_181 = tpu.memref_slice %arg5[%dma_start3A_178, %add3A_175] : memref<2x320000xi32, #tpu.memory_space<hbm>> -> memref<1x40xi32, #tpu.memory_space<hbm>>
        %dma_start3A_182 = tpu.memref_squeeze %dma_start3A_181 : memref<1x40xi32, #tpu.memory_space<hbm>> -> memref<40xi32, #tpu.memory_space<hbm>>
        tpu.enqueue_dma source(%dma_start3A_182 : memref<40xi32, #tpu.memory_space<hbm>>) target(%arg9 : memref<40xi32, #tpu.memory_space<vmem>>) target_semaphore(%arg21 : memref<!tpu.dma_semaphore, #tpu.memory_space<semaphore_mem>>)
        %dma_start3A_183 = arith.constant 0 : i32
        %dma_start3A_184 = tpu.memref_slice %arg4[%add3A_175, %dma_start3A_183] : memref<320000x16xf32, #tpu.memory_space<hbm>> -> memref<40x16xf32, #tpu.memory_space<hbm>>
        %dma_start3A_185 = arith.constant 0 : i32
        %dma_start3A_186 = tpu.memref_slice %arg4[%add3A_175, %dma_start3A_185] : memref<320000x16xf32, #tpu.memory_space<hbm>> -> memref<40x16xf32, #tpu.memory_space<hbm>>
        tpu.enqueue_dma source(%dma_start3A_186 : memref<40x16xf32, #tpu.memory_space<hbm>>) target(%arg11 : memref<40x16xf32, #tpu.memory_space<vmem>>) target_semaphore(%arg21 : memref<!tpu.dma_semaphore, #tpu.memory_space<semaphore_mem>>)
        %dma_start3A_187 = arith.constant 0 : i32
        %dma_start3A_188 = tpu.memref_slice %arg3[%add3A_175, %dma_start3A_187] : memref<320000x128xf32, #tpu.memory_space<hbm>> -> memref<40x128xf32, #tpu.memory_space<hbm>>
        %dma_start3A_189 = arith.constant 0 : i32
        %dma_start3A_190 = tpu.memref_slice %arg3[%add3A_175, %dma_start3A_189] : memref<320000x128xf32, #tpu.memory_space<hbm>> -> memref<40x128xf32, #tpu.memory_space<hbm>>
        tpu.enqueue_dma source(%dma_start3A_190 : memref<40x128xf32, #tpu.memory_space<hbm>>) target(%arg13 : memref<40x128xf32, #tpu.memory_space<vmem>>) target_semaphore(%arg21 : memref<!tpu.dma_semaphore, #tpu.memory_space<semaphore_mem>>)
        %dma_start3A_191 = tpu.memref_slice %arg8[%mul3A_177] : memref<10000xi32, #tpu.memory_space<vmem>> -> memref<40xi32, #tpu.memory_space<vmem>>
        %dma_start3A_192 = arith.constant 0 : i32
        %dma_start3A_193 = arith.constant 0 : i32
        %dma_start3A_194 = tpu.memref_slice %arg2[%dma_start3A_192, %dma_start3A_193] : memref<10000x128xf32, #tpu.memory_space<hbm>> -> memref<10000x128xf32, #tpu.memory_space<hbm>>
        tpu.enqueue_indirect_dma source(%dma_start3A_194 : memref<10000x128xf32, #tpu.memory_space<hbm>>) target(%arg15 : memref<40x128xf32, #tpu.memory_space<vmem>>) offsets(%dma_start3A_191 : memref<40xi32, #tpu.memory_space<vmem>>) semaphore(%arg21 : memref<!tpu.dma_semaphore, #tpu.memory_space<semaphore_mem>>)
      } else {
      }
      %add3A_122 = arith.constant 1 : i32
      %add3A_123 = arith.addi %mul3A_74, %add3A_122 : i32
      %mul3A_124 = arith.constant 40 : i32
      %mul3A_125 = arith.muli %add3A_123, %mul3A_124 : i32
      %add3A_126 = arith.addi %mul3A_2, %mul3A_125 : i32
      %mul3A_127 = arith.constant 40 : i32
      %mul3A_128 = arith.muli %add3A_123, %mul3A_127 : i32
      %dma_wait3A_129 = arith.constant 0 : i32
      %dma_wait3A_130 = tpu.memref_slice %arg5[%dma_wait3A_129, %add3A_126] : memref<2x320000xi32, #tpu.memory_space<hbm>> -> memref<1x40xi32, #tpu.memory_space<hbm>>
      %dma_wait3A_131 = tpu.memref_squeeze %dma_wait3A_130 : memref<1x40xi32, #tpu.memory_space<hbm>> -> memref<40xi32, #tpu.memory_space<hbm>>
      %dma_wait3A_132 = tpu.memref_slice %arg5[%dma_wait3A_129, %add3A_126] : memref<2x320000xi32, #tpu.memory_space<hbm>> -> memref<1x40xi32, #tpu.memory_space<hbm>>
      %dma_wait3A_133 = tpu.memref_squeeze %dma_wait3A_132 : memref<1x40xi32, #tpu.memory_space<hbm>> -> memref<40xi32, #tpu.memory_space<hbm>>
      tpu.wait_dma2 semaphore(%arg22 : memref<!tpu.dma_semaphore, #tpu.memory_space<semaphore_mem>>) src(%dma_wait3A_133 : memref<40xi32, #tpu.memory_space<hbm>>) dst(%arg10 : memref<40xi32, #tpu.memory_space<vmem>>)
      %dma_wait3A_134 = arith.constant 0 : i32
      %dma_wait3A_135 = tpu.memref_slice %arg4[%add3A_126, %dma_wait3A_134] : memref<320000x16xf32, #tpu.memory_space<hbm>> -> memref<40x16xf32, #tpu.memory_space<hbm>>
      %dma_wait3A_136 = arith.constant 0 : i32
      %dma_wait3A_137 = tpu.memref_slice %arg4[%add3A_126, %dma_wait3A_136] : memref<320000x16xf32, #tpu.memory_space<hbm>> -> memref<40x16xf32, #tpu.memory_space<hbm>>
      tpu.wait_dma2 semaphore(%arg22 : memref<!tpu.dma_semaphore, #tpu.memory_space<semaphore_mem>>) src(%dma_wait3A_137 : memref<40x16xf32, #tpu.memory_space<hbm>>) dst(%arg12 : memref<40x16xf32, #tpu.memory_space<vmem>>)
      %dma_wait3A_138 = arith.constant 0 : i32
      %dma_wait3A_139 = tpu.memref_slice %arg3[%add3A_126, %dma_wait3A_138] : memref<320000x128xf32, #tpu.memory_space<hbm>> -> memref<40x128xf32, #tpu.memory_space<hbm>>
      %dma_wait3A_140 = arith.constant 0 : i32
      %dma_wait3A_141 = tpu.memref_slice %arg3[%add3A_126, %dma_wait3A_140] : memref<320000x128xf32, #tpu.memory_space<hbm>> -> memref<40x128xf32, #tpu.memory_space<hbm>>
      tpu.wait_dma2 semaphore(%arg22 : memref<!tpu.dma_semaphore, #tpu.memory_space<semaphore_mem>>) src(%dma_wait3A_141 : memref<40x128xf32, #tpu.memory_space<hbm>>) dst(%arg14 : memref<40x128xf32, #tpu.memory_space<vmem>>)
      %dma_wait3A_142 = tpu.memref_slice %arg8[%mul3A_128] : memref<10000xi32, #tpu.memory_space<vmem>> -> memref<40xi32, #tpu.memory_space<vmem>>
      %dma_wait3A_143 = arith.constant 0 : i32
      %dma_wait3A_144 = arith.constant 0 : i32
      %dma_wait3A_145 = tpu.memref_slice %arg2[%dma_wait3A_143, %dma_wait3A_144] : memref<10000x128xf32, #tpu.memory_space<hbm>> -> memref<10000x128xf32, #tpu.memory_space<hbm>>
      tpu.wait_indirect_dma semaphore(%arg22 : memref<!tpu.dma_semaphore, #tpu.memory_space<semaphore_mem>>) src(%dma_wait3A_145 : memref<10000x128xf32, #tpu.memory_space<hbm>>) dst(%arg16 : memref<40x128xf32, #tpu.memory_space<vmem>>)
      %scan3A_146 = arith.constant 0 : i32
      %scan3A_147 = arith.constant 0 : i32
      %scan3A_148 = arith.constant 40 : i32
      %scan3A_149 = arith.addi %scan3A_147, %scan3A_148 : i32
      %scan3A_150 = arith.constant 1 : i32
      %scan3A_151 = scf.for %scan3A_171 = %scan3A_147 to %scan3A_149 step %scan3A_150 iter_args(%scan3A_172 = %scan3A_146) -> (i32)  : i32 {
        %get3A = arith.index_cast %scan3A_171 : i32 to index
        %get3A_173 = arith.constant 0 : index
        %get3A_174 = tpu.vector_load %arg12[%get3A, %get3A_173] {strides = array<i32>} : memref<40x16xf32, #tpu.memory_space<vmem>>, vector<16xf32>,
        %slice3A = vector.extract_strided_slice %get3A_174 {offsets = [0], sizes = [1], strides = [1]} : vector<16xf32> to vector<1xf32>
        %squeeze3A = vector.extract %slice3A[0] : f32 from vector<1xf32>
        %get3A_175 = arith.index_cast %scan3A_171 : i32 to index
        %get3A_176 = arith.constant 0 : index
        %get3A_177 = tpu.vector_load %arg14[%get3A_175, %get3A_176] {strides = array<i32>} : memref<40x128xf32, #tpu.memory_space<vmem>>, vector<16xf32>,
        %get3A_178 = arith.index_cast %scan3A_171 : i32 to index
        %get3A_179 = arith.constant 0 : index
        %get3A_180 = tpu.vector_load %arg16[%get3A_178, %get3A_179] {strides = array<i32>} : memref<40x128xf32, #tpu.memory_space<vmem>>, vector<16xf32>,
        %add3A_181 = arith.addf %get3A_177, %get3A_180 : vector<16xf32>
        %mul3A_182 = vector.broadcast %squeeze3A : f32 to vector<16xf32>
        %mul3A_183 = arith.mulf %mul3A_182, %add3A_181 : vector<16xf32>
        %swap3A = arith.index_cast %scan3A_171 : i32 to index
        %swap3A_184 = arith.constant 0 : index
        %swap3A_185 = tpu.vector_load %arg14[%swap3A, %swap3A_184] {strides = array<i32>} : memref<40x128xf32, #tpu.memory_space<vmem>>, vector<16xf32>,
        tpu.vector_store %arg14[%swap3A, %swap3A_184], %mul3A_183 {strides = array<i32>} : memref<40x128xf32, #tpu.memory_space<vmem>>, vector<16xf32>,
        %slice3A_186 = vector.extract_strided_slice %get3A_174 {offsets = [1], sizes = [1], strides = [1]} : vector<16xf32> to vector<1xf32>
        %squeeze3A_187 = vector.extract %slice3A_186[0] : f32 from vector<1xf32>
        %get3A_188 = arith.index_cast %scan3A_171 : i32 to index
        %get3A_189 = arith.constant 16 : index
        %get3A_190 = tpu.vector_load %arg14[%get3A_188, %get3A_189] {strides = array<i32>} : memref<40x128xf32, #tpu.memory_space<vmem>>, vector<16xf32>,
        %get3A_191 = arith.index_cast %scan3A_171 : i32 to index
        %get3A_192 = arith.constant 16 : index
        %get3A_193 = tpu.vector_load %arg16[%get3A_191, %get3A_192] {strides = array<i32>} : memref<40x128xf32, #tpu.memory_space<vmem>>, vector<16xf32>,
        %add3A_194 = arith.addf %get3A_190, %get3A_193 : vector<16xf32>
        %mul3A_195 = vector.broadcast %squeeze3A_187 : f32 to vector<16xf32>
        %mul3A_196 = arith.mulf %mul3A_195, %add3A_194 : vector<16xf32>
        %swap3A_197 = arith.index_cast %scan3A_171 : i32 to index
        %swap3A_198 = arith.constant 16 : index
        %swap3A_199 = tpu.vector_load %arg14[%swap3A_197, %swap3A_198] {strides = array<i32>} : memref<40x128xf32, #tpu.memory_space<vmem>>, vector<16xf32>,
        tpu.vector_store %arg14[%swap3A_197, %swap3A_198], %mul3A_196 {strides = array<i32>} : memref<40x128xf32, #tpu.memory_space<vmem>>, vector<16xf32>,
        %slice3A_200 = vector.extract_strided_slice %get3A_174 {offsets = [2], sizes = [1], strides = [1]} : vector<16xf32> to vector<1xf32>
        %squeeze3A_201 = vector.extract %slice3A_200[0] : f32 from vector<1xf32>
        %get3A_202 = arith.index_cast %scan3A_171 : i32 to index
        %get3A_203 = arith.constant 32 : index
        %get3A_204 = tpu.vector_load %arg14[%get3A_202, %get3A_203] {strides = array<i32>} : memref<40x128xf32, #tpu.memory_space<vmem>>, vector<16xf32>,
        %get3A_205 = arith.index_cast %scan3A_171 : i32 to index
        %get3A_206 = arith.constant 32 : index
        %get3A_207 = tpu.vector_load %arg16[%get3A_205, %get3A_206] {strides = array<i32>} : memref<40x128xf32, #tpu.memory_space<vmem>>, vector<16xf32>,
        %add3A_208 = arith.addf %get3A_204, %get3A_207 : vector<16xf32>
        %mul3A_209 = vector.broadcast %squeeze3A_201 : f32 to vector<16xf32>
        %mul3A_210 = arith.mulf %mul3A_209, %add3A_208 : vector<16xf32>
        %swap3A_211 = arith.index_cast %scan3A_171 : i32 to index
        %swap3A_212 = arith.constant 32 : index
        %swap3A_213 = tpu.vector_load %arg14[%swap3A_211, %swap3A_212] {strides = array<i32>} : memref<40x128xf32, #tpu.memory_space<vmem>>, vector<16xf32>,
        tpu.vector_store %arg14[%swap3A_211, %swap3A_212], %mul3A_210 {strides = array<i32>} : memref<40x128xf32, #tpu.memory_space<vmem>>, vector<16xf32>,
        %slice3A_214 = vector.extract_strided_slice %get3A_174 {offsets = [3], sizes = [1], strides = [1]} : vector<16xf32> to vector<1xf32>
        %squeeze3A_215 = vector.extract %slice3A_214[0] : f32 from vector<1xf32>
        %get3A_216 = arith.index_cast %scan3A_171 : i32 to index
        %get3A_217 = arith.constant 48 : index
        %get3A_218 = tpu.vector_load %arg14[%get3A_216, %get3A_217] {strides = array<i32>} : memref<40x128xf32, #tpu.memory_space<vmem>>, vector<16xf32>,
        %get3A_219 = arith.index_cast %scan3A_171 : i32 to index
        %get3A_220 = arith.constant 48 : index
        %get3A_221 = tpu.vector_load %arg16[%get3A_219, %get3A_220] {strides = array<i32>} : memref<40x128xf32, #tpu.memory_space<vmem>>, vector<16xf32>,
        %add3A_222 = arith.addf %get3A_218, %get3A_221 : vector<16xf32>
        %mul3A_223 = vector.broadcast %squeeze3A_215 : f32 to vector<16xf32>
        %mul3A_224 = arith.mulf %mul3A_223, %add3A_222 : vector<16xf32>
        %swap3A_225 = arith.index_cast %scan3A_171 : i32 to index
        %swap3A_226 = arith.constant 48 : index
        %swap3A_227 = tpu.vector_load %arg14[%swap3A_225, %swap3A_226] {strides = array<i32>} : memref<40x128xf32, #tpu.memory_space<vmem>>, vector<16xf32>,
        tpu.vector_store %arg14[%swap3A_225, %swap3A_226], %mul3A_224 {strides = array<i32>} : memref<40x128xf32, #tpu.memory_space<vmem>>, vector<16xf32>,
        %slice3A_228 = vector.extract_strided_slice %get3A_174 {offsets = [4], sizes = [1], strides = [1]} : vector<16xf32> to vector<1xf32>
        %squeeze3A_229 = vector.extract %slice3A_228[0] : f32 from vector<1xf32>
        %get3A_230 = arith.index_cast %scan3A_171 : i32 to index
        %get3A_231 = arith.constant 64 : index
        %get3A_232 = tpu.vector_load %arg14[%get3A_230, %get3A_231] {strides = array<i32>} : memref<40x128xf32, #tpu.memory_space<vmem>>, vector<16xf32>,
        %get3A_233 = arith.index_cast %scan3A_171 : i32 to index
        %get3A_234 = arith.constant 64 : index
        %get3A_235 = tpu.vector_load %arg16[%get3A_233, %get3A_234] {strides = array<i32>} : memref<40x128xf32, #tpu.memory_space<vmem>>, vector<16xf32>,
        %add3A_236 = arith.addf %get3A_232, %get3A_235 : vector<16xf32>
        %mul3A_237 = vector.broadcast %squeeze3A_229 : f32 to vector<16xf32>
        %mul3A_238 = arith.mulf %mul3A_237, %add3A_236 : vector<16xf32>
        %swap3A_239 = arith.index_cast %scan3A_171 : i32 to index
        %swap3A_240 = arith.constant 64 : index
        %swap3A_241 = tpu.vector_load %arg14[%swap3A_239, %swap3A_240] {strides = array<i32>} : memref<40x128xf32, #tpu.memory_space<vmem>>, vector<16xf32>,
        tpu.vector_store %arg14[%swap3A_239, %swap3A_240], %mul3A_238 {strides = array<i32>} : memref<40x128xf32, #tpu.memory_space<vmem>>, vector<16xf32>,
        %slice3A_242 = vector.extract_strided_slice %get3A_174 {offsets = [5], sizes = [1], strides = [1]} : vector<16xf32> to vector<1xf32>
        %squeeze3A_243 = vector.extract %slice3A_242[0] : f32 from vector<1xf32>
        %get3A_244 = arith.index_cast %scan3A_171 : i32 to index
        %get3A_245 = arith.constant 80 : index
        %get3A_246 = tpu.vector_load %arg14[%get3A_244, %get3A_245] {strides = array<i32>} : memref<40x128xf32, #tpu.memory_space<vmem>>, vector<16xf32>,
        %get3A_247 = arith.index_cast %scan3A_171 : i32 to index
        %get3A_248 = arith.constant 80 : index
        %get3A_249 = tpu.vector_load %arg16[%get3A_247, %get3A_248] {strides = array<i32>} : memref<40x128xf32, #tpu.memory_space<vmem>>, vector<16xf32>,
        %add3A_250 = arith.addf %get3A_246, %get3A_249 : vector<16xf32>
        %mul3A_251 = vector.broadcast %squeeze3A_243 : f32 to vector<16xf32>
        %mul3A_252 = arith.mulf %mul3A_251, %add3A_250 : vector<16xf32>
        %swap3A_253 = arith.index_cast %scan3A_171 : i32 to index
        %swap3A_254 = arith.constant 80 : index
        %swap3A_255 = tpu.vector_load %arg14[%swap3A_253, %swap3A_254] {strides = array<i32>} : memref<40x128xf32, #tpu.memory_space<vmem>>, vector<16xf32>,
        tpu.vector_store %arg14[%swap3A_253, %swap3A_254], %mul3A_252 {strides = array<i32>} : memref<40x128xf32, #tpu.memory_space<vmem>>, vector<16xf32>,
        %slice3A_256 = vector.extract_strided_slice %get3A_174 {offsets = [6], sizes = [1], strides = [1]} : vector<16xf32> to vector<1xf32>
        %squeeze3A_257 = vector.extract %slice3A_256[0] : f32 from vector<1xf32>
        %get3A_258 = arith.index_cast %scan3A_171 : i32 to index
        %get3A_259 = arith.constant 96 : index
        %get3A_260 = tpu.vector_load %arg14[%get3A_258, %get3A_259] {strides = array<i32>} : memref<40x128xf32, #tpu.memory_space<vmem>>, vector<16xf32>,
        %get3A_261 = arith.index_cast %scan3A_171 : i32 to index
        %get3A_262 = arith.constant 96 : index
        %get3A_263 = tpu.vector_load %arg16[%get3A_261, %get3A_262] {strides = array<i32>} : memref<40x128xf32, #tpu.memory_space<vmem>>, vector<16xf32>,
        %add3A_264 = arith.addf %get3A_260, %get3A_263 : vector<16xf32>
        %mul3A_265 = vector.broadcast %squeeze3A_257 : f32 to vector<16xf32>
        %mul3A_266 = arith.mulf %mul3A_265, %add3A_264 : vector<16xf32>
        %swap3A_267 = arith.index_cast %scan3A_171 : i32 to index
        %swap3A_268 = arith.constant 96 : index
        %swap3A_269 = tpu.vector_load %arg14[%swap3A_267, %swap3A_268] {strides = array<i32>} : memref<40x128xf32, #tpu.memory_space<vmem>>, vector<16xf32>,
        tpu.vector_store %arg14[%swap3A_267, %swap3A_268], %mul3A_266 {strides = array<i32>} : memref<40x128xf32, #tpu.memory_space<vmem>>, vector<16xf32>,
        %slice3A_270 = vector.extract_strided_slice %get3A_174 {offsets = [7], sizes = [1], strides = [1]} : vector<16xf32> to vector<1xf32>
        %squeeze3A_271 = vector.extract %slice3A_270[0] : f32 from vector<1xf32>
        %get3A_272 = arith.index_cast %scan3A_171 : i32 to index
        %get3A_273 = arith.constant 112 : index
        %get3A_274 = tpu.vector_load %arg14[%get3A_272, %get3A_273] {strides = array<i32>} : memref<40x128xf32, #tpu.memory_space<vmem>>, vector<16xf32>,
        %get3A_275 = arith.index_cast %scan3A_171 : i32 to index
        %get3A_276 = arith.constant 112 : index
        %get3A_277 = tpu.vector_load %arg16[%get3A_275, %get3A_276] {strides = array<i32>} : memref<40x128xf32, #tpu.memory_space<vmem>>, vector<16xf32>,
        %add3A_278 = arith.addf %get3A_274, %get3A_277 : vector<16xf32>
        %mul3A_279 = vector.broadcast %squeeze3A_271 : f32 to vector<16xf32>
        %mul3A_280 = arith.mulf %mul3A_279, %add3A_278 : vector<16xf32>
        %swap3A_281 = arith.index_cast %scan3A_171 : i32 to index
        %swap3A_282 = arith.constant 112 : index
        %swap3A_283 = tpu.vector_load %arg14[%swap3A_281, %swap3A_282] {strides = array<i32>} : memref<40x128xf32, #tpu.memory_space<vmem>>, vector<16xf32>,
        tpu.vector_store %arg14[%swap3A_281, %swap3A_282], %mul3A_280 {strides = array<i32>} : memref<40x128xf32, #tpu.memory_space<vmem>>, vector<16xf32>,
        %scan3A_284 = arith.constant 0 : i32
        scf.yield %scan3A_284 : i32
      }
      %scan3A_152 = arith.constant 40 : i32
      %dma_start3A_153 = arith.constant 0 : i32
      %dma_start3A_154 = arith.constant 0 : i32
      %dma_start3A_155 = tpu.memref_slice %arg19[%dma_start3A_153, %dma_start3A_154] : memref<10000x128xf32, #tpu.memory_space<vmem_shared>> -> memref<10000x128xf32, #tpu.memory_space<vmem_shared>>
      tpu.enqueue_indirect_dma source(%arg14 : memref<40x128xf32, #tpu.memory_space<vmem>>) target(%dma_start3A_155 : memref<10000x128xf32, #tpu.memory_space<vmem_shared>>) offsets(%arg10 : memref<40xi32, #tpu.memory_space<vmem>>) semaphore(%arg24 : memref<!tpu.dma_semaphore, #tpu.memory_space<semaphore_mem>>) {add = true}
      %dma_start3A_156 = arith.constant 0 : i32
      %dma_start3A_157 = arith.constant 0 : i32
      %dma_start3A_158 = tpu.memref_slice %arg20[%dma_start3A_156, %dma_start3A_157] : memref<10000x16xf32, #tpu.memory_space<vmem_shared>> -> memref<10000x16xf32, #tpu.memory_space<vmem_shared>>
      tpu.enqueue_indirect_dma source(%arg12 : memref<40x16xf32, #tpu.memory_space<vmem>>) target(%dma_start3A_158 : memref<10000x16xf32, #tpu.memory_space<vmem_shared>>) offsets(%arg10 : memref<40xi32, #tpu.memory_space<vmem>>) semaphore(%arg24 : memref<!tpu.dma_semaphore, #tpu.memory_space<semaphore_mem>>) {add = true}
      %dma_wait3A_159 = arith.constant 0 : i32
      %dma_wait3A_160 = arith.constant 0 : i32
      %dma_wait3A_161 = tpu.memref_slice %arg19[%dma_wait3A_159, %dma_wait3A_160] : memref<10000x128xf32, #tpu.memory_space<vmem_shared>> -> memref<10000x128xf32, #tpu.memory_space<vmem_shared>>
      tpu.wait_indirect_dma semaphore(%arg24 : memref<!tpu.dma_semaphore, #tpu.memory_space<semaphore_mem>>) src(%arg14 : memref<40x128xf32, #tpu.memory_space<vmem>>) dst(%dma_wait3A_161 : memref<10000x128xf32, #tpu.memory_space<vmem_shared>>)
      %dma_wait3A_162 = arith.constant 0 : i32
      %dma_wait3A_163 = arith.constant 0 : i32
      %dma_wait3A_164 = tpu.memref_slice %arg20[%dma_wait3A_162, %dma_wait3A_163] : memref<10000x16xf32, #tpu.memory_space<vmem_shared>> -> memref<10000x16xf32, #tpu.memory_space<vmem_shared>>
      tpu.wait_indirect_dma semaphore(%arg24 : memref<!tpu.dma_semaphore, #tpu.memory_space<semaphore_mem>>) src(%arg12 : memref<40x16xf32, #tpu.memory_space<vmem>>) dst(%dma_wait3A_164 : memref<10000x16xf32, #tpu.memory_space<vmem_shared>>)
      %lt3A_165 = arith.constant 248 : i32
      %lt3A_166 = arith.cmpi slt, %add3A_123, %lt3A_165 : i32
      %convert_element_type3A_167 = arith.extui %lt3A_166 : i1 to i32
      %cond3A_168 = arith.constant 0 : i32
      %cond3A_169 = arith.cmpi ne, %convert_element_type3A_167, %cond3A_168 : i32
      scf.if %cond3A_169 {
        %add3A_171 = arith.constant 2 : i32
        %add3A_172 = arith.addi %add3A_123, %add3A_171 : i32
        %mul3A_173 = arith.constant 40 : i32
        %mul3A_174 = arith.muli %add3A_172, %mul3A_173 : i32
        %add3A_175 = arith.addi %mul3A_2, %mul3A_174 : i32
        %mul3A_176 = arith.constant 40 : i32
        %mul3A_177 = arith.muli %add3A_172, %mul3A_176 : i32
        %dma_start3A_178 = arith.constant 0 : i32
        %dma_start3A_179 = tpu.memref_slice %arg5[%dma_start3A_178, %add3A_175] : memref<2x320000xi32, #tpu.memory_space<hbm>> -> memref<1x40xi32, #tpu.memory_space<hbm>>
        %dma_start3A_180 = tpu.memref_squeeze %dma_start3A_179 : memref<1x40xi32, #tpu.memory_space<hbm>> -> memref<40xi32, #tpu.memory_space<hbm>>
        %dma_start3A_181 = tpu.memref_slice %arg5[%dma_start3A_178, %add3A_175] : memref<2x320000xi32, #tpu.memory_space<hbm>> -> memref<1x40xi32, #tpu.memory_space<hbm>>
        %dma_start3A_182 = tpu.memref_squeeze %dma_start3A_181 : memref<1x40xi32, #tpu.memory_space<hbm>> -> memref<40xi32, #tpu.memory_space<hbm>>
        tpu.enqueue_dma source(%dma_start3A_182 : memref<40xi32, #tpu.memory_space<hbm>>) target(%arg10 : memref<40xi32, #tpu.memory_space<vmem>>) target_semaphore(%arg22 : memref<!tpu.dma_semaphore, #tpu.memory_space<semaphore_mem>>)
        %dma_start3A_183 = arith.constant 0 : i32
        %dma_start3A_184 = tpu.memref_slice %arg4[%add3A_175, %dma_start3A_183] : memref<320000x16xf32, #tpu.memory_space<hbm>> -> memref<40x16xf32, #tpu.memory_space<hbm>>
        %dma_start3A_185 = arith.constant 0 : i32
        %dma_start3A_186 = tpu.memref_slice %arg4[%add3A_175, %dma_start3A_185] : memref<320000x16xf32, #tpu.memory_space<hbm>> -> memref<40x16xf32, #tpu.memory_space<hbm>>
        tpu.enqueue_dma source(%dma_start3A_186 : memref<40x16xf32, #tpu.memory_space<hbm>>) target(%arg12 : memref<40x16xf32, #tpu.memory_space<vmem>>) target_semaphore(%arg22 : memref<!tpu.dma_semaphore, #tpu.memory_space<semaphore_mem>>)
        %dma_start3A_187 = arith.constant 0 : i32
        %dma_start3A_188 = tpu.memref_slice %arg3[%add3A_175, %dma_start3A_187] : memref<320000x128xf32, #tpu.memory_space<hbm>> -> memref<40x128xf32, #tpu.memory_space<hbm>>
        %dma_start3A_189 = arith.constant 0 : i32
        %dma_start3A_190 = tpu.memref_slice %arg3[%add3A_175, %dma_start3A_189] : memref<320000x128xf32, #tpu.memory_space<hbm>> -> memref<40x128xf32, #tpu.memory_space<hbm>>
        tpu.enqueue_dma source(%dma_start3A_190 : memref<40x128xf32, #tpu.memory_space<hbm>>) target(%arg14 : memref<40x128xf32, #tpu.memory_space<vmem>>) target_semaphore(%arg22 : memref<!tpu.dma_semaphore, #tpu.memory_space<semaphore_mem>>)
        %dma_start3A_191 = tpu.memref_slice %arg8[%mul3A_177] : memref<10000xi32, #tpu.memory_space<vmem>> -> memref<40xi32, #tpu.memory_space<vmem>>
        %dma_start3A_192 = arith.constant 0 : i32
        %dma_start3A_193 = arith.constant 0 : i32
        %dma_start3A_194 = tpu.memref_slice %arg2[%dma_start3A_192, %dma_start3A_193] : memref<10000x128xf32, #tpu.memory_space<hbm>> -> memref<10000x128xf32, #tpu.memory_space<hbm>>
        tpu.enqueue_indirect_dma source(%dma_start3A_194 : memref<10000x128xf32, #tpu.memory_space<hbm>>) target(%arg16 : memref<40x128xf32, #tpu.memory_space<vmem>>) offsets(%dma_start3A_191 : memref<40xi32, #tpu.memory_space<vmem>>) semaphore(%arg22 : memref<!tpu.dma_semaphore, #tpu.memory_space<semaphore_mem>>)
      } else {
      }
      %scan3A_170 = arith.constant 0 : i32
      scf.yield %scan3A_170 : i32
    }
    %scan3A_64 = arith.constant 125 : i32
    %barrier3A_65 = arith.constant 0 : index
    tpu.barrier barrier_id(%barrier3A_65)
    %lt3A_66 = arith.constant 10 : i32
    %lt3A_67 = arith.cmpi slt, %arg1, %lt3A_66 : i32
    %convert_element_type3A_68 = arith.extui %lt3A_67 : i1 to i32
    %cond3A_69 = arith.constant 0 : i32
    %cond3A_70 = arith.cmpi ne, %convert_element_type3A_68, %cond3A_69 : i32
    scf.if %cond3A_70 {
      %mul3A_71 = arith.constant 1000 : i32
      %mul3A_72 = arith.muli %arg1, %mul3A_71 : i32
      %mul3A_73 = arith.constant 1000 : i32
      %mul3A_74 = arith.muli %arg1, %mul3A_73 : i32
      "tpu.region"() ({
        %run_scoped3A_79 = tpu.sem_alloc : memref<!tpu.dma_semaphore, #tpu.memory_space<semaphore_mem>>
        %dma_start3A_80 = arith.constant 0 : i32
        %dma_start3A_81 = tpu.memref_slice %arg7[%arg0, %mul3A_74, %dma_start3A_80] : memref<2x10000x128xf32, #tpu.memory_space<hbm>> -> memref<1x1000x128xf32, #tpu.memory_space<hbm>>
        %dma_start3A_82 = tpu.memref_squeeze %dma_start3A_81 : memref<1x1000x128xf32, #tpu.memory_space<hbm>> -> memref<1000x128xf32, #tpu.memory_space<hbm>>
        %dma_start3A_83 = arith.constant 0 : i32
        %dma_start3A_84 = tpu.memref_slice %arg19[%mul3A_72, %dma_start3A_83] : memref<10000x128xf32, #tpu.memory_space<vmem_shared>> -> memref<1000x128xf32, #tpu.memory_space<vmem_shared>>
        tpu.enqueue_dma source(%dma_start3A_84 : memref<1000x128xf32, #tpu.memory_space<vmem_shared>>) target(%dma_start3A_82 : memref<1000x128xf32, #tpu.memory_space<hbm>>) target_semaphore(%run_scoped3A_79 : memref<!tpu.dma_semaphore, #tpu.memory_space<semaphore_mem>>)
        %dma_wait3A = arith.constant 0 : i32
        %dma_wait3A_85 = tpu.memref_slice %arg7[%arg0, %mul3A_74, %dma_wait3A] : memref<2x10000x128xf32, #tpu.memory_space<hbm>> -> memref<1x1000x128xf32, #tpu.memory_space<hbm>>
        %dma_wait3A_86 = tpu.memref_squeeze %dma_wait3A_85 : memref<1x1000x128xf32, #tpu.memory_space<hbm>> -> memref<1000x128xf32, #tpu.memory_space<hbm>>
        %dma_wait3A_87 = arith.constant 0 : i32
        %dma_wait3A_88 = tpu.memref_slice %arg19[%mul3A_72, %dma_wait3A_87] : memref<10000x128xf32, #tpu.memory_space<vmem_shared>> -> memref<1000x128xf32, #tpu.memory_space<vmem_shared>>
        tpu.wait_dma2 semaphore(%run_scoped3A_79 : memref<!tpu.dma_semaphore, #tpu.memory_space<semaphore_mem>>) src(%dma_wait3A_88 : memref<1000x128xf32, #tpu.memory_space<vmem_shared>>) dst(%dma_wait3A_86 : memref<1000x128xf32, #tpu.memory_space<hbm>>)
        tpu.yield
      }) : () -> ()
      %mul3A_75 = arith.constant 1000 : i32
      %mul3A_76 = arith.muli %arg1, %mul3A_75 : i32
      %mul3A_77 = arith.constant 1000 : i32
      %mul3A_78 = arith.muli %arg1, %mul3A_77 : i32
      "tpu.region"() ({
        %run_scoped3A_79 = tpu.sem_alloc : memref<!tpu.dma_semaphore, #tpu.memory_space<semaphore_mem>>
        %dma_start3A_80 = arith.constant 0 : i32
        %dma_start3A_81 = tpu.memref_slice %arg6[%arg0, %mul3A_78, %dma_start3A_80] : memref<2x10000x16xf32, #tpu.memory_space<hbm>> -> memref<1x1000x16xf32, #tpu.memory_space<hbm>>
        %dma_start3A_82 = tpu.memref_squeeze %dma_start3A_81 : memref<1x1000x16xf32, #tpu.memory_space<hbm>> -> memref<1000x16xf32, #tpu.memory_space<hbm>>
        %dma_start3A_83 = arith.constant 0 : i32
        %dma_start3A_84 = tpu.memref_slice %arg20[%mul3A_76, %dma_start3A_83] : memref<10000x16xf32, #tpu.memory_space<vmem_shared>> -> memref<1000x16xf32, #tpu.memory_space<vmem_shared>>
        tpu.enqueue_dma source(%dma_start3A_84 : memref<1000x16xf32, #tpu.memory_space<vmem_shared>>) target(%dma_start3A_82 : memref<1000x16xf32, #tpu.memory_space<hbm>>) target_semaphore(%run_scoped3A_79 : memref<!tpu.dma_semaphore, #tpu.memory_space<semaphore_mem>>)
        %dma_wait3A = arith.constant 0 : i32
        %dma_wait3A_85 = tpu.memref_slice %arg6[%arg0, %mul3A_78, %dma_wait3A] : memref<2x10000x16xf32, #tpu.memory_space<hbm>> -> memref<1x1000x16xf32, #tpu.memory_space<hbm>>
        %dma_wait3A_86 = tpu.memref_squeeze %dma_wait3A_85 : memref<1x1000x16xf32, #tpu.memory_space<hbm>> -> memref<1000x16xf32, #tpu.memory_space<hbm>>
        %dma_wait3A_87 = arith.constant 0 : i32
        %dma_wait3A_88 = tpu.memref_slice %arg20[%mul3A_76, %dma_wait3A_87] : memref<10000x16xf32, #tpu.memory_space<vmem_shared>> -> memref<1000x16xf32, #tpu.memory_space<vmem_shared>>
        tpu.wait_dma2 semaphore(%run_scoped3A_79 : memref<!tpu.dma_semaphore, #tpu.memory_space<semaphore_mem>>) src(%dma_wait3A_88 : memref<1000x16xf32, #tpu.memory_space<vmem_shared>>) dst(%dma_wait3A_86 : memref<1000x16xf32, #tpu.memory_space<hbm>>)
        tpu.yield
      }) : () -> ()
    } else {
    }
    return
  }
}

module attributes {stable_mosaic.version = 14 : i64} {
  func.func @_tables_body(%arg0: i32, %arg1: memref<1000x128xf32, #tpu.memory_space<vmem>>, %arg2: memref<128x128xf32, #tpu.memory_space<vmem>>, %arg3: memref<128x128xf32, #tpu.memory_space<vmem>>, %arg4: memref<128x128xf32, #tpu.memory_space<vmem>>, %arg5: memref<128x128xf32, #tpu.memory_space<vmem>>, %arg6: memref<128x128xf32, #tpu.memory_space<vmem>>, %arg7: memref<1x128xf32, #tpu.memory_space<vmem>>, %arg8: memref<1x128xf32, #tpu.memory_space<vmem>>, %arg9: memref<1x128xf32, #tpu.memory_space<vmem>>, %arg10: memref<1000x256xf32, #tpu.memory_space<vmem>>, %arg11: memref<1000x256xf32, #tpu.memory_space<vmem>>, %arg12: memref<1000x128xf32, #tpu.memory_space<vmem>>) attributes {dimension_semantics = [#tpu.dimension_semantics<arbitrary>], iteration_bounds = array<i64: 10>, scalar_prefetch = 0 : i64, scratch_operands = 0 : i64, tpu.core_type = #tpu.core_type<tc>, window_params = [{transform_indices = @transform_0, window_bounds = array<i64: 1000, 128>}, {pipeline_mode = #tpu.pipeline_mode<synchronous>, transform_indices = @transform_1, window_bounds = array<i64: 128, 128>}, {pipeline_mode = #tpu.pipeline_mode<synchronous>, transform_indices = @transform_2, window_bounds = array<i64: 128, 128>}, {pipeline_mode = #tpu.pipeline_mode<synchronous>, transform_indices = @transform_3, window_bounds = array<i64: 128, 128>}, {pipeline_mode = #tpu.pipeline_mode<synchronous>, transform_indices = @transform_4, window_bounds = array<i64: 128, 128>}, {pipeline_mode = #tpu.pipeline_mode<synchronous>, transform_indices = @transform_5, window_bounds = array<i64: 128, 128>}, {pipeline_mode = #tpu.pipeline_mode<synchronous>, transform_indices = @transform_6, window_bounds = array<i64: 1, 128>}, {pipeline_mode = #tpu.pipeline_mode<synchronous>, transform_indices = @transform_7, window_bounds = array<i64: 1, 128>}, {pipeline_mode = #tpu.pipeline_mode<synchronous>, transform_indices = @transform_8, window_bounds = array<i64: 1, 128>}, {transform_indices = @transform_9, window_bounds = array<i64: 1000, 256>}, {transform_indices = @transform_10, window_bounds = array<i64: 1000, 256>}, {transform_indices = @transform_11, window_bounds = array<i64: 1000, 128>}]} {
    %get3A = arith.constant 0 : index
    %get3A_0 = arith.constant 0 : index
    %get3A_1 = vector.load %arg1[%get3A, %get3A_0] : memref<1000x128xf32, #tpu.memory_space<vmem>>, vector<1000x128xf32>
    %get3A_2 = arith.constant 0 : index
    %get3A_3 = arith.constant 0 : index
    %get3A_4 = vector.load %arg2[%get3A_2, %get3A_3] : memref<128x128xf32, #tpu.memory_space<vmem>>, vector<128x128xf32>
    %dot_general3A = arith.constant dense<0.000000e+00> : vector<1000x128xf32>
    %dot_general3A_5 = tpu.matmul %get3A_1, %get3A_4, %dot_general3A {dimension_numbers = #tpu.dot_dimension_numbers<[1], [1], [0], [0], [0, 0, 1, 0], [], []>, transpose_lhs_hint = false} : vector<1000x128xf32>, vector<128x128xf32>, vector<1000x128xf32> -> vector<1000x128xf32>
    %get3A_6 = arith.constant 0 : index
    %get3A_7 = arith.constant 0 : index
    %get3A_8 = vector.load %arg7[%get3A_6, %get3A_7] : memref<1x128xf32, #tpu.memory_space<vmem>>, vector<1x128xf32>
    %add3A = vector.broadcast %get3A_8 : vector<1x128xf32> to vector<1000x128xf32>
    %add3A_9 = arith.addf %dot_general3A_5, %add3A : vector<1000x128xf32>
    %get3A_10 = arith.constant 0 : index
    %get3A_11 = arith.constant 0 : index
    %get3A_12 = vector.load %arg3[%get3A_10, %get3A_11] : memref<128x128xf32, #tpu.memory_space<vmem>>, vector<128x128xf32>
    %dot_general3A_13 = arith.constant dense<0.000000e+00> : vector<1000x128xf32>
    %dot_general3A_14 = tpu.matmul %get3A_1, %get3A_12, %dot_general3A_13 {dimension_numbers = #tpu.dot_dimension_numbers<[1], [1], [0], [0], [0, 0, 1, 0], [], []>, transpose_lhs_hint = false} : vector<1000x128xf32>, vector<128x128xf32>, vector<1000x128xf32> -> vector<1000x128xf32>
    %get3A_15 = arith.constant 0 : index
    %get3A_16 = arith.constant 0 : index
    %get3A_17 = vector.load %arg8[%get3A_15, %get3A_16] : memref<1x128xf32, #tpu.memory_space<vmem>>, vector<1x128xf32>
    %add3A_18 = vector.broadcast %get3A_17 : vector<1x128xf32> to vector<1000x128xf32>
    %add3A_19 = arith.addf %dot_general3A_14, %add3A_18 : vector<1000x128xf32>
    %get3A_20 = arith.constant 0 : index
    %get3A_21 = arith.constant 0 : index
    %get3A_22 = vector.load %arg4[%get3A_20, %get3A_21] : memref<128x128xf32, #tpu.memory_space<vmem>>, vector<128x128xf32>
    %dot_general3A_23 = arith.constant dense<0.000000e+00> : vector<1000x128xf32>
    %dot_general3A_24 = tpu.matmul %get3A_1, %get3A_22, %dot_general3A_23 {dimension_numbers = #tpu.dot_dimension_numbers<[1], [1], [0], [0], [0, 0, 1, 0], [], []>, transpose_lhs_hint = false} : vector<1000x128xf32>, vector<128x128xf32>, vector<1000x128xf32> -> vector<1000x128xf32>
    %get3A_25 = arith.constant 0 : index
    %get3A_26 = arith.constant 0 : index
    %get3A_27 = vector.load %arg9[%get3A_25, %get3A_26] : memref<1x128xf32, #tpu.memory_space<vmem>>, vector<1x128xf32>
    %add3A_28 = vector.broadcast %get3A_27 : vector<1x128xf32> to vector<1000x128xf32>
    %add3A_29 = arith.addf %dot_general3A_24, %add3A_28 : vector<1000x128xf32>
    %get3A_30 = arith.constant 0 : index
    %get3A_31 = arith.constant 0 : index
    %get3A_32 = vector.load %arg5[%get3A_30, %get3A_31] : memref<128x128xf32, #tpu.memory_space<vmem>>, vector<128x128xf32>
    %dot_general3A_33 = arith.constant dense<0.000000e+00> : vector<1000x128xf32>
    %dot_general3A_34 = tpu.matmul %add3A_9, %get3A_32, %dot_general3A_33 {dimension_numbers = #tpu.dot_dimension_numbers<[1], [0], [0], [1], [0, 0, 1, 1], [], []>, transpose_lhs_hint = false} : vector<1000x128xf32>, vector<128x128xf32>, vector<1000x128xf32> -> vector<1000x128xf32>
    %get3A_35 = arith.constant 0 : index
    %get3A_36 = arith.constant 0 : index
    %get3A_37 = vector.load %arg6[%get3A_35, %get3A_36] : memref<128x128xf32, #tpu.memory_space<vmem>>, vector<128x128xf32>
    %dot_general3A_38 = arith.constant dense<0.000000e+00> : vector<1000x128xf32>
    %dot_general3A_39 = tpu.matmul %add3A_19, %get3A_37, %dot_general3A_38 {dimension_numbers = #tpu.dot_dimension_numbers<[1], [0], [0], [1], [0, 0, 1, 1], [], []>, transpose_lhs_hint = false} : vector<1000x128xf32>, vector<128x128xf32>, vector<1000x128xf32> -> vector<1000x128xf32>
    %swap3A = arith.constant 0 : index
    %swap3A_40 = arith.constant 0 : index
    %swap3A_41 = vector.load %arg10[%swap3A, %swap3A_40] : memref<1000x256xf32, #tpu.memory_space<vmem>>, vector<1000x128xf32>
    tpu.vector_store %arg10[%swap3A, %swap3A_40], %add3A_9 {strides = array<i32>} : memref<1000x256xf32, #tpu.memory_space<vmem>>, vector<1000x128xf32>,
    %swap3A_42 = arith.constant 0 : index
    %swap3A_43 = arith.constant 128 : index
    %swap3A_44 = vector.load %arg10[%swap3A_42, %swap3A_43] : memref<1000x256xf32, #tpu.memory_space<vmem>>, vector<1000x128xf32>
    tpu.vector_store %arg10[%swap3A_42, %swap3A_43], %dot_general3A_34 {strides = array<i32>} : memref<1000x256xf32, #tpu.memory_space<vmem>>, vector<1000x128xf32>,
    %swap3A_45 = arith.constant 0 : index
    %swap3A_46 = arith.constant 0 : index
    %swap3A_47 = vector.load %arg11[%swap3A_45, %swap3A_46] : memref<1000x256xf32, #tpu.memory_space<vmem>>, vector<1000x128xf32>
    tpu.vector_store %arg11[%swap3A_45, %swap3A_46], %add3A_19 {strides = array<i32>} : memref<1000x256xf32, #tpu.memory_space<vmem>>, vector<1000x128xf32>,
    %swap3A_48 = arith.constant 0 : index
    %swap3A_49 = arith.constant 128 : index
    %swap3A_50 = vector.load %arg11[%swap3A_48, %swap3A_49] : memref<1000x256xf32, #tpu.memory_space<vmem>>, vector<1000x128xf32>
    tpu.vector_store %arg11[%swap3A_48, %swap3A_49], %dot_general3A_39 {strides = array<i32>} : memref<1000x256xf32, #tpu.memory_space<vmem>>, vector<1000x128xf32>,
    %swap3A_51 = arith.constant 0 : index
    %swap3A_52 = arith.constant 0 : index
    %swap3A_53 = vector.load %arg12[%swap3A_51, %swap3A_52] : memref<1000x128xf32, #tpu.memory_space<vmem>>, vector<1000x128xf32>
    tpu.vector_store %arg12[%swap3A_51, %swap3A_52], %add3A_29 {strides = array<i32>} : memref<1000x128xf32, #tpu.memory_space<vmem>>, vector<1000x128xf32>,
    return
  }
  func.func @transform_0(%arg0: i32) -> (i32, i32) {
    %c0_i32 = arith.constant 0 : i32
    %c0_i32_0 = arith.constant 0 : i32
    return %arg0, %c0_i32 : i32, i32
  }
  func.func @transform_1(%arg0: i32) -> (i32, i32) {
    %c0_i32 = arith.constant 0 : i32
    %c0_i32_0 = arith.constant 0 : i32
    %c0_i32_1 = arith.constant 0 : i32
    return %c0_i32, %c0_i32_0 : i32, i32
  }
  func.func @transform_2(%arg0: i32) -> (i32, i32) {
    %c0_i32 = arith.constant 0 : i32
    %c0_i32_0 = arith.constant 0 : i32
    %c0_i32_1 = arith.constant 0 : i32
    return %c0_i32, %c0_i32_0 : i32, i32
  }
  func.func @transform_3(%arg0: i32) -> (i32, i32) {
    %c0_i32 = arith.constant 0 : i32
    %c0_i32_0 = arith.constant 0 : i32
    %c0_i32_1 = arith.constant 0 : i32
    return %c0_i32, %c0_i32_0 : i32, i32
  }
  func.func @transform_4(%arg0: i32) -> (i32, i32) {
    %c0_i32 = arith.constant 0 : i32
    %c0_i32_0 = arith.constant 0 : i32
    %c0_i32_1 = arith.constant 0 : i32
    return %c0_i32, %c0_i32_0 : i32, i32
  }
  func.func @transform_5(%arg0: i32) -> (i32, i32) {
    %c0_i32 = arith.constant 0 : i32
    %c0_i32_0 = arith.constant 0 : i32
    %c0_i32_1 = arith.constant 0 : i32
    return %c0_i32, %c0_i32_0 : i32, i32
  }
  func.func @transform_6(%arg0: i32) -> (i32, i32) {
    %c0_i32 = arith.constant 0 : i32
    %c0_i32_0 = arith.constant 0 : i32
    %c0_i32_1 = arith.constant 0 : i32
    return %c0_i32, %c0_i32_0 : i32, i32
  }
  func.func @transform_7(%arg0: i32) -> (i32, i32) {
    %c0_i32 = arith.constant 0 : i32
    %c0_i32_0 = arith.constant 0 : i32
    %c0_i32_1 = arith.constant 0 : i32
    return %c0_i32, %c0_i32_0 : i32, i32
  }
  func.func @transform_8(%arg0: i32) -> (i32, i32) {
    %c0_i32 = arith.constant 0 : i32
    %c0_i32_0 = arith.constant 0 : i32
    %c0_i32_1 = arith.constant 0 : i32
    return %c0_i32, %c0_i32_0 : i32, i32
  }
  func.func @transform_9(%arg0: i32) -> (i32, i32) {
    %c0_i32 = arith.constant 0 : i32
    %c0_i32_0 = arith.constant 0 : i32
    return %arg0, %c0_i32 : i32, i32
  }
  func.func @transform_10(%arg0: i32) -> (i32, i32) {
    %c0_i32 = arith.constant 0 : i32
    %c0_i32_0 = arith.constant 0 : i32
    return %arg0, %c0_i32 : i32, i32
  }
  func.func @transform_11(%arg0: i32) -> (i32, i32) {
    %c0_i32 = arith.constant 0 : i32
    %c0_i32_0 = arith.constant 0 : i32
    return %arg0, %c0_i32 : i32, i32
  }
}

module attributes {stable_mosaic.version = 14 : i64} {
  func.func @_t1_body(%arg0: i32, %arg1: memref<2560x16xf32, #tpu.memory_space<vmem>>, %arg2: memref<128x16xf32, #tpu.memory_space<vmem>>, %arg3: memref<128x16xf32, #tpu.memory_space<vmem>>, %arg4: memref<128x16xf32, #tpu.memory_space<vmem>>, %arg5: memref<128x8xf32, #tpu.memory_space<vmem>>, %arg6: memref<16x16xf32, #tpu.memory_space<vmem>>, %arg7: memref<8x2560xf32, #tpu.memory_space<vmem>>, %arg8: memref<16x2560xf32, #tpu.memory_space<vmem>>, %arg9: memref<2560x128xf32, #tpu.memory_space<vmem>>) attributes {dimension_semantics = [#tpu.dimension_semantics<arbitrary>], iteration_bounds = array<i64: 125>, scalar_prefetch = 0 : i64, scratch_operands = 0 : i64, tpu.core_type = #tpu.core_type<tc>, window_params = [{transform_indices = @transform_0, window_bounds = array<i64: 2560, 16>}, {pipeline_mode = #tpu.pipeline_mode<synchronous>, transform_indices = @transform_1, window_bounds = array<i64: 128, 16>}, {pipeline_mode = #tpu.pipeline_mode<synchronous>, transform_indices = @transform_2, window_bounds = array<i64: 128, 16>}, {pipeline_mode = #tpu.pipeline_mode<synchronous>, transform_indices = @transform_3, window_bounds = array<i64: 128, 16>}, {pipeline_mode = #tpu.pipeline_mode<synchronous>, transform_indices = @transform_4, window_bounds = array<i64: 128, 8>}, {pipeline_mode = #tpu.pipeline_mode<synchronous>, transform_indices = @transform_5, window_bounds = array<i64: 16, 16>}, {transform_indices = @transform_6, window_bounds = array<i64: 8, 2560>}, {transform_indices = @transform_7, window_bounds = array<i64: 16, 2560>}, {transform_indices = @transform_8, window_bounds = array<i64: 2560, 128>}]} {
    %get3A = arith.constant 0 : index
    %get3A_0 = arith.constant 0 : index
    %get3A_1 = vector.load %arg1[%get3A, %get3A_0] : memref<2560x16xf32, #tpu.memory_space<vmem>>, vector<2560x16xf32>
    %get3A_2 = arith.constant 0 : index
    %get3A_3 = arith.constant 0 : index
    %get3A_4 = vector.load %arg2[%get3A_2, %get3A_3] : memref<128x16xf32, #tpu.memory_space<vmem>>, vector<128x16xf32>
    %dot_general3A = arith.constant dense<0.000000e+00> : vector<2560x128xf32>
    %dot_general3A_5 = tpu.matmul %get3A_1, %get3A_4, %dot_general3A {dimension_numbers = #tpu.dot_dimension_numbers<[1], [1], [0], [0], [0, 0, 1, 0], [], []>, transpose_lhs_hint = false} : vector<2560x16xf32>, vector<128x16xf32>, vector<2560x128xf32> -> vector<2560x128xf32>
    %get3A_6 = arith.constant 0 : index
    %get3A_7 = arith.constant 0 : index
    %get3A_8 = vector.load %arg3[%get3A_6, %get3A_7] : memref<128x16xf32, #tpu.memory_space<vmem>>, vector<128x16xf32>
    %dot_general3A_9 = arith.constant dense<0.000000e+00> : vector<2560x128xf32>
    %dot_general3A_10 = tpu.matmul %get3A_1, %get3A_8, %dot_general3A_9 {dimension_numbers = #tpu.dot_dimension_numbers<[1], [1], [0], [0], [0, 0, 1, 0], [], []>, transpose_lhs_hint = false} : vector<2560x16xf32>, vector<128x16xf32>, vector<2560x128xf32> -> vector<2560x128xf32>
    %get3A_11 = arith.constant 0 : index
    %get3A_12 = arith.constant 0 : index
    %get3A_13 = vector.load %arg5[%get3A_11, %get3A_12] : memref<128x8xf32, #tpu.memory_space<vmem>>, vector<128x8xf32>
    %mul3A = arith.mulf %dot_general3A_5, %dot_general3A_10 : vector<2560x128xf32>
    %dot_general3A_14 = arith.constant dense<0.000000e+00> : vector<8x2560xf32>
    %dot_general3A_15 = tpu.matmul %get3A_13, %mul3A, %dot_general3A_14 {dimension_numbers = #tpu.dot_dimension_numbers<[0], [1], [1], [0], [0, 1, 1, 0], [], []>, transpose_lhs_hint = false} : vector<128x8xf32>, vector<2560x128xf32>, vector<8x2560xf32> -> vector<8x2560xf32>
    %swap3A = arith.constant 0 : index
    %swap3A_16 = arith.constant 0 : index
    %swap3A_17 = vector.load %arg7[%swap3A, %swap3A_16] : memref<8x2560xf32, #tpu.memory_space<vmem>>, vector<8x2560xf32>
    tpu.vector_store %arg7[%swap3A, %swap3A_16], %dot_general3A_15 {strides = array<i32>} : memref<8x2560xf32, #tpu.memory_space<vmem>>, vector<8x2560xf32>,
    %get3A_18 = arith.constant 0 : index
    %get3A_19 = arith.constant 0 : index
    %get3A_20 = vector.load %arg6[%get3A_18, %get3A_19] : memref<16x16xf32, #tpu.memory_space<vmem>>, vector<16x16xf32>
    %dot_general3A_21 = arith.constant dense<0.000000e+00> : vector<16x2560xf32>
    %dot_general3A_22 = tpu.matmul %get3A_20, %get3A_1, %dot_general3A_21 {dimension_numbers = #tpu.dot_dimension_numbers<[1], [1], [0], [0], [0, 0, 1, 0], [], []>, transpose_lhs_hint = false} : vector<16x16xf32>, vector<2560x16xf32>, vector<16x2560xf32> -> vector<16x2560xf32>
    %swap3A_23 = arith.constant 0 : index
    %swap3A_24 = arith.constant 0 : index
    %swap3A_25 = vector.load %arg8[%swap3A_23, %swap3A_24] : memref<16x2560xf32, #tpu.memory_space<vmem>>, vector<16x2560xf32>
    tpu.vector_store %arg8[%swap3A_23, %swap3A_24], %dot_general3A_22 {strides = array<i32>} : memref<16x2560xf32, #tpu.memory_space<vmem>>, vector<16x2560xf32>,
    %get3A_26 = arith.constant 0 : index
    %get3A_27 = arith.constant 0 : index
    %get3A_28 = vector.load %arg4[%get3A_26, %get3A_27] : memref<128x16xf32, #tpu.memory_space<vmem>>, vector<128x16xf32>
    %dot_general3A_29 = arith.constant dense<0.000000e+00> : vector<2560x128xf32>
    %dot_general3A_30 = tpu.matmul %get3A_1, %get3A_28, %dot_general3A_29 {dimension_numbers = #tpu.dot_dimension_numbers<[1], [1], [0], [0], [0, 0, 1, 0], [], []>, transpose_lhs_hint = false} : vector<2560x16xf32>, vector<128x16xf32>, vector<2560x128xf32> -> vector<2560x128xf32>
    %swap3A_31 = arith.constant 0 : index
    %swap3A_32 = arith.constant 0 : index
    %swap3A_33 = vector.load %arg9[%swap3A_31, %swap3A_32] : memref<2560x128xf32, #tpu.memory_space<vmem>>, vector<2560x128xf32>
    tpu.vector_store %arg9[%swap3A_31, %swap3A_32], %dot_general3A_30 {strides = array<i32>} : memref<2560x128xf32, #tpu.memory_space<vmem>>, vector<2560x128xf32>,
    return
  }
  func.func @transform_0(%arg0: i32) -> (i32, i32) {
    %c0_i32 = arith.constant 0 : i32
    %c0_i32_0 = arith.constant 0 : i32
    return %arg0, %c0_i32 : i32, i32
  }
  func.func @transform_1(%arg0: i32) -> (i32, i32) {
    %c0_i32 = arith.constant 0 : i32
    %c0_i32_0 = arith.constant 0 : i32
    %c0_i32_1 = arith.constant 0 : i32
    return %c0_i32, %c0_i32_0 : i32, i32
  }
  func.func @transform_2(%arg0: i32) -> (i32, i32) {
    %c0_i32 = arith.constant 0 : i32
    %c0_i32_0 = arith.constant 0 : i32
    %c0_i32_1 = arith.constant 0 : i32
    return %c0_i32, %c0_i32_0 : i32, i32
  }
  func.func @transform_3(%arg0: i32) -> (i32, i32) {
    %c0_i32 = arith.constant 0 : i32
    %c0_i32_0 = arith.constant 0 : i32
    %c0_i32_1 = arith.constant 0 : i32
    return %c0_i32, %c0_i32_0 : i32, i32
  }
  func.func @transform_4(%arg0: i32) -> (i32, i32) {
    %c0_i32 = arith.constant 0 : i32
    %c0_i32_0 = arith.constant 0 : i32
    %c0_i32_1 = arith.constant 0 : i32
    return %c0_i32, %c0_i32_0 : i32, i32
  }
  func.func @transform_5(%arg0: i32) -> (i32, i32) {
    %c0_i32 = arith.constant 0 : i32
    %c0_i32_0 = arith.constant 0 : i32
    %c0_i32_1 = arith.constant 0 : i32
    return %c0_i32, %c0_i32_0 : i32, i32
  }
  func.func @transform_6(%arg0: i32) -> (i32, i32) {
    %c0_i32 = arith.constant 0 : i32
    %c0_i32_0 = arith.constant 0 : i32
    return %c0_i32, %arg0 : i32, i32
  }
  func.func @transform_7(%arg0: i32) -> (i32, i32) {
    %c0_i32 = arith.constant 0 : i32
    %c0_i32_0 = arith.constant 0 : i32
    return %c0_i32, %arg0 : i32, i32
  }
  func.func @transform_8(%arg0: i32) -> (i32, i32) {
    %c0_i32 = arith.constant 0 : i32
    %c0_i32_0 = arith.constant 0 : i32
    return %arg0, %c0_i32 : i32, i32
  }
}

module attributes {stable_mosaic.version = 14 : i64} {
  func.func @_combine_body(%arg0: i32, %arg1: memref<2x1000x128xf32, #tpu.memory_space<vmem>>, %arg2: memref<2x1000x16xf32, #tpu.memory_space<vmem>>, %arg3: memref<8x128xf32, #tpu.memory_space<vmem>>, %arg4: memref<128x128xf32, #tpu.memory_space<vmem>>, %arg5: memref<1x128xf32, #tpu.memory_space<vmem>>, %arg6: memref<1000x128xf32, #tpu.memory_space<vmem>>) attributes {dimension_semantics = [#tpu.dimension_semantics<arbitrary>], iteration_bounds = array<i64: 10>, scalar_prefetch = 0 : i64, scratch_operands = 0 : i64, tpu.core_type = #tpu.core_type<tc>, window_params = [{transform_indices = @transform_0, window_bounds = array<i64: 2, 1000, 128>}, {transform_indices = @transform_1, window_bounds = array<i64: 2, 1000, 16>}, {pipeline_mode = #tpu.pipeline_mode<synchronous>, transform_indices = @transform_2, window_bounds = array<i64: 8, 128>}, {pipeline_mode = #tpu.pipeline_mode<synchronous>, transform_indices = @transform_3, window_bounds = array<i64: 128, 128>}, {pipeline_mode = #tpu.pipeline_mode<synchronous>, transform_indices = @transform_4, window_bounds = array<i64: 1, 128>}, {transform_indices = @transform_5, window_bounds = array<i64: 1000, 128>}]} {
    %get3A = arith.constant 0 : index
    %get3A_0 = arith.constant 0 : index
    %get3A_1 = arith.constant 0 : index
    %get3A_2 = vector.load %arg1[%get3A, %get3A_0, %get3A_1] : memref<2x1000x128xf32, #tpu.memory_space<vmem>>, vector<1x1000x128xf32>
    %get3A_3 = vector.shape_cast %get3A_2 : vector<1x1000x128xf32> to vector<1000x128xf32>
    %get3A_4 = arith.constant 1 : index
    %get3A_5 = arith.constant 0 : index
    %get3A_6 = arith.constant 0 : index
    %get3A_7 = vector.load %arg1[%get3A_4, %get3A_5, %get3A_6] : memref<2x1000x128xf32, #tpu.memory_space<vmem>>, vector<1x1000x128xf32>
    %get3A_8 = vector.shape_cast %get3A_7 : vector<1x1000x128xf32> to vector<1000x128xf32>
    %add3A = arith.addf %get3A_3, %get3A_8 : vector<1000x128xf32>
    %get3A_9 = arith.constant 0 : index
    %get3A_10 = arith.constant 0 : index
    %get3A_11 = arith.constant 0 : index
    %get3A_12 = vector.load %arg2[%get3A_9, %get3A_10, %get3A_11] : memref<2x1000x16xf32, #tpu.memory_space<vmem>>, vector<1x1000x16xf32>
    %get3A_13 = vector.shape_cast %get3A_12 : vector<1x1000x16xf32> to vector<1000x16xf32>
    %get3A_14 = arith.constant 1 : index
    %get3A_15 = arith.constant 0 : index
    %get3A_16 = arith.constant 0 : index
    %get3A_17 = vector.load %arg2[%get3A_14, %get3A_15, %get3A_16] : memref<2x1000x16xf32, #tpu.memory_space<vmem>>, vector<1x1000x16xf32>
    %get3A_18 = vector.shape_cast %get3A_17 : vector<1x1000x16xf32> to vector<1000x16xf32>
    %add3A_19 = arith.addf %get3A_13, %get3A_18 : vector<1000x16xf32>
    %slice3A = vector.extract_strided_slice %add3A_19 {offsets = [0, 0], sizes = [1000, 8], strides = [1, 1]} : vector<1000x16xf32> to vector<1000x8xf32>
    %add3A_20 = arith.constant 1.000000e-16 : f32
    %add3A_21 = vector.broadcast %add3A_20 : f32 to vector<1000x8xf32>
    %add3A_22 = arith.addf %slice3A, %add3A_21 : vector<1000x8xf32>
    %div3A = arith.constant 1.000000e+00 : f32
    %div3A_23 = vector.broadcast %div3A : f32 to vector<1000x8xf32>
    %div3A_24 = arith.divf %div3A_23, %add3A_22 : vector<1000x8xf32>
    %get3A_25 = arith.constant 0 : index
    %get3A_26 = arith.constant 0 : index
    %get3A_27 = vector.load %arg3[%get3A_25, %get3A_26] : memref<8x128xf32, #tpu.memory_space<vmem>>, vector<8x128xf32>
    %dot_general3A = arith.constant dense<0.000000e+00> : vector<1000x128xf32>
    %dot_general3A_28 = tpu.matmul %div3A_24, %get3A_27, %dot_general3A {dimension_numbers = #tpu.dot_dimension_numbers<[1], [0], [0], [1], [0, 0, 1, 1], [], []>, transpose_lhs_hint = false} : vector<1000x8xf32>, vector<8x128xf32>, vector<1000x128xf32> -> vector<1000x128xf32>
    %mul3A = arith.mulf %add3A, %dot_general3A_28 : vector<1000x128xf32>
    %get3A_29 = arith.constant 0 : index
    %get3A_30 = arith.constant 0 : index
    %get3A_31 = vector.load %arg4[%get3A_29, %get3A_30] : memref<128x128xf32, #tpu.memory_space<vmem>>, vector<128x128xf32>
    %dot_general3A_32 = arith.constant dense<0.000000e+00> : vector<1000x128xf32>
    %dot_general3A_33 = tpu.matmul %mul3A, %get3A_31, %dot_general3A_32 {dimension_numbers = #tpu.dot_dimension_numbers<[1], [1], [0], [0], [0, 0, 1, 0], [], []>, transpose_lhs_hint = false} : vector<1000x128xf32>, vector<128x128xf32>, vector<1000x128xf32> -> vector<1000x128xf32>
    %get3A_34 = arith.constant 0 : index
    %get3A_35 = arith.constant 0 : index
    %get3A_36 = vector.load %arg5[%get3A_34, %get3A_35] : memref<1x128xf32, #tpu.memory_space<vmem>>, vector<1x128xf32>
    %add3A_37 = vector.broadcast %get3A_36 : vector<1x128xf32> to vector<1000x128xf32>
    %add3A_38 = arith.addf %dot_general3A_33, %add3A_37 : vector<1000x128xf32>
    %swap3A = arith.constant 0 : index
    %swap3A_39 = arith.constant 0 : index
    %swap3A_40 = vector.load %arg6[%swap3A, %swap3A_39] : memref<1000x128xf32, #tpu.memory_space<vmem>>, vector<1000x128xf32>
    tpu.vector_store %arg6[%swap3A, %swap3A_39], %add3A_38 {strides = array<i32>} : memref<1000x128xf32, #tpu.memory_space<vmem>>, vector<1000x128xf32>,
    return
  }
  func.func @transform_0(%arg0: i32) -> (i32, i32, i32) {
    %c0_i32 = arith.constant 0 : i32
    %c0_i32_0 = arith.constant 0 : i32
    %c0_i32_1 = arith.constant 0 : i32
    return %c0_i32, %arg0, %c0_i32_0 : i32, i32, i32
  }
  func.func @transform_1(%arg0: i32) -> (i32, i32, i32) {
    %c0_i32 = arith.constant 0 : i32
    %c0_i32_0 = arith.constant 0 : i32
    %c0_i32_1 = arith.constant 0 : i32
    return %c0_i32, %arg0, %c0_i32_0 : i32, i32, i32
  }
  func.func @transform_2(%arg0: i32) -> (i32, i32) {
    %c0_i32 = arith.constant 0 : i32
    %c0_i32_0 = arith.constant 0 : i32
    %c0_i32_1 = arith.constant 0 : i32
    return %c0_i32, %c0_i32_0 : i32, i32
  }
  func.func @transform_3(%arg0: i32) -> (i32, i32) {
    %c0_i32 = arith.constant 0 : i32
    %c0_i32_0 = arith.constant 0 : i32
    %c0_i32_1 = arith.constant 0 : i32
    return %c0_i32, %c0_i32_0 : i32, i32
  }
  func.func @transform_4(%arg0: i32) -> (i32, i32) {
    %c0_i32 = arith.constant 0 : i32
    %c0_i32_0 = arith.constant 0 : i32
    %c0_i32_1 = arith.constant 0 : i32
    return %c0_i32, %c0_i32_0 : i32, i32
  }
  func.func @transform_5(%arg0: i32) -> (i32, i32) {
    %c0_i32 = arith.constant 0 : i32
    %c0_i32_0 = arith.constant 0 : i32
    return %arg0, %c0_i32 : i32, i32
  }
}

</mosaic_0001>

<sc_bundles>
// kernel: kernel.10.cloned.1.call-start
scs
__scs_entry_jumppad:
0x0: {  	(pc) =	sbr.rel $0x88, $3  }
0x1: {  	(tag) =	ssettag $0x0;
	lr =	simm.s32 $0x1  }
0x2: {  	[smem:$0x3F90] =	sst lr;
	_ =	strace $0xD0000000  }
0x3: {  	_ = 	snop  }
0x4: {  	_ = 	snop  }
0x5: {  	_ = 	snop  }
0x6: {  	_ = 	snop  }
0x7: {  	_ = 	snop  }
__scs_overlays_trampoline_lowered:
0x8: {  	[smem:$0x3F9F] =	sst s0  }
0x9: {  	[smem:$0x3FA0] =	sst s1  }
0xa: {  	[smem:$0x3FA1] =	sst s2  }
0xb: {  	[smem:$0x3FA2] =	sst s3  }
0xc: {  	[smem:$0x3FA3] =	sst s4  }
0xd: {  	[smem:$0x3FA4] =	sst s5  }
0xe: {  	[smem:$0x3FA5] =	sst s6  }
0xf: {  	[smem:$0x3FA6] =	sst s7  }
0x10: {  	[smem:$0x3FA7] =	sst s8  }
0x11: {  	[smem:$0x3FA8] =	sst s9;
	s0 =	simm.s32 @!p0 $0x0  }
0x12: {  	s1 =	sld [smem:$0x3F8E];
	s0 =	simm.s32 @p0 $0x1  }
0x13: {  	[smem:$0x3FA9] =	sst s0;
	s0 =	simm.s32 @!p1 $0x0  }
0x14: {  	s2 =	sld [smem:$0x3F8D];
	s0 =	simm.s32 @p1 $0x1  }
0x15: {  	[smem:$0x3FAA] =	sst s0;
	s0 =	simm.s32 @!p2 $0x0  }
0x16: {  	s3 =	sld [smem:$0x3FDB];
	s0 =	simm.s32 @p2 $0x1  }
0x17: {  	s4 =	simm.s32 $0x1BF5;
	[smem:$0x3FAC] =	sst s0  }
0x18: {  	s0 =	sld [smem:$0x3F8F];
	_ =	swait.ge [sflag:s4], $0x0  }
0x19: {  	s7 =	sld [smem:$0x3F90]  }
0x1a: {  	s8 =	sadd.s32 $0xFFFFE003, lr  }
0x1b: {  	s9 =	sadd.s32 $0xFFFFFEF7, lr;
	s5 =	simm.s32 $0xFFFFFFFF;
	p2 =	slt.u32 s8, $0xFFFFF086  }
0x1c: {  	p1 =	slt.u32 s9, $0xF7A;
	s5 =	simm.s32 @!p2 $0x0  }
0x1d: {  	s5 =	simm.s32 @p1 $0x1;
	p0 =	seq.s32 s7, s2  }
0x1e: {  	s7 =	smul.u32 @!p0 $0xF7A, s2;
	p2 =	seq.s32 @!p0 s5, $0x0  }
0x1f: {  	s9 =	smul.u32 $0xF7A, s1;
	s8 =	simm.s32 @!p0 $0x1BF5;
	p2 =	por !p2, p0  }
0x20: {  	[sflag:s8] =	ssyncset.s32 @!p0 $0xFFFFF086;
	s6 =	sadd.s32 @!p0 s3, s7;
	s7 =	simm.s32 @!p0 $0x108  }
0x21: {  	s3 =	sadd.s32 s3, s9;
	s6 =	sadd.s32 @!p0 $0x88, s6;
	s7 =	simm.s32 @p2 $0x1082  }
0x22: {  	[simem:s7], [sflag:s8] =	dma.local @!p0 [hbm:s6], $0xF7A  }
0x23: {  	s9 =	sor.u32 $0xD0000000, s2;
	s6 =	simm.s32 $0x108;
	_ =	swait.ge @!p0 [sflag:s8], $0x0  }
0x24: {  	s3 =	sadd.s32 $0x88, s3;
	s6 =	simm.s32 @!p1 $0x1082;
	[sflag:s4] =	ssyncset.s32 $0xFFFFF086  }
0x25: {  	[simem:s6], [sflag:s4] =	dma.local [hbm:s3], $0xF7A  }
0x26: {  	[smem:$0x3F90] =	sst s1;
	(tag) =	ssettag s2;
	_ =	strace s9  }
0x27: {  	s1 =	sld [smem:$0x3FA0]  }
0x28: {  	s2 =	sld [smem:$0x3FA1]  }
0x29: {  	s4 =	sld [smem:$0x3FA3]  }
0x2a: {  	p0 =	seq.s32 s5, $0x0;
	s5 =	sld [smem:$0x3FA4]  }
0x2b: {  	s6 =	sld [smem:$0x3FA5]  }
0x2c: {  	s7 =	sld [smem:$0x3FA6]  }
0x2d: {  	s3 =	simm.s32 $0x108;
	s8 =	sld [smem:$0x3FA7]  }
0x2e: {  	s3 =	simm.s32 @!p0 $0x1082;
	s9 =	sld [smem:$0x3FA8]  }
0x2f: {  	lr =	sadd.s32 s0, s3;
	s0 =	sld [smem:$0x3F9F]  }
0x30: {  	s3 =	sld [smem:$0x3FA2]  }
0x31: {  	[smem:$0x3FAB] =	sst s10  }
0x32: {  	s10 =	sld [smem:$0x3FA9];
	_ =	sdelay $0x3  }
0x33: {  	p0 =	seq.s32 s10, $0x1;
	s10 =	sld [smem:$0x3FAB];
	_ =	sdelay $0x3  }
0x34: {  	[smem:$0x3FAB] =	sst s10  }
0x35: {  	s10 =	sld [smem:$0x3FAA];
	_ =	sdelay $0x3  }
0x36: {  	p1 =	seq.s32 s10, $0x1;
	s10 =	sld [smem:$0x3FAB];
	_ =	sdelay $0x3  }
0x37: {  	[smem:$0x3FAB] =	sst s10  }
0x38: {  	s10 =	sld [smem:$0x3FAC]  }
0x39: {  	_ = 	snop;
	(pc) =	sbr.ind lr, $3  }
0x3a: {  	_ = 	snop  }
0x3b: {  	_ = 	snop  }
0x3c: {  	p2 =	seq.s32 s10, $0x1;
	s10 =	sld [smem:$0x3FAB]  }
0x3d: {  	_ =	shalt  }
0x3e: {  	_ =	shalt  }
0x3f: {  	_ =	shalt  }
0x40: {  	_ =	shalt  }
0x41: {  	_ =	shalt  }
0x42: {  	_ =	shalt  }
0x43: {  	_ =	shalt  }
0x44: {  	_ =	shalt  }
0x45: {  	_ =	shalt  }
0x46: {  	_ =	shalt  }
0x47: {  	_ =	shalt  }
0x48: {  	_ =	shalt  }
0x49: {  	_ =	shalt  }
0x4a: {  	_ =	shalt  }
0x4b: {  	_ =	shalt  }
0x4c: {  	_ =	shalt  }
0x4d: {  	_ =	shalt  }
0x4e: {  	_ =	shalt  }
0x4f: {  	_ =	shalt  }
0x50: {  	_ =	shalt  }
0x51: {  	_ =	shalt  }
0x52: {  	_ =	shalt  }
0x53: {  	_ =	shalt  }
0x54: {  	_ =	shalt  }
0x55: {  	_ =	shalt  }
0x56: {  	_ =	shalt  }
0x57: {  	_ =	shalt  }
0x58: {  	_ =	shalt  }
0x59: {  	_ =	shalt  }
0x5a: {  	_ =	shalt  }
0x5b: {  	_ =	shalt  }
0x5c: {  	_ =	shalt  }
0x5d: {  	_ =	shalt  }
0x5e: {  	_ =	shalt  }
0x5f: {  	_ =	shalt  }
0x60: {  	_ =	shalt  }
0x61: {  	_ =	shalt  }
0x62: {  	_ =	shalt  }
0x63: {  	_ =	shalt  }
0x64: {  	_ =	shalt  }
0x65: {  	_ =	shalt  }
0x66: {  	_ =	shalt  }
0x67: {  	_ =	shalt  }
0x68: {  	_ =	shalt  }
0x69: {  	_ =	shalt  }
0x6a: {  	_ =	shalt  }
0x6b: {  	_ =	shalt  }
0x6c: {  	_ =	shalt  }
0x6d: {  	_ =	shalt  }
0x6e: {  	_ =	shalt  }
0x6f: {  	_ =	shalt  }
0x70: {  	_ =	shalt  }
0x71: {  	_ =	shalt  }
0x72: {  	_ =	shalt  }
0x73: {  	_ =	shalt  }
0x74: {  	_ =	shalt  }
0x75: {  	_ =	shalt  }
0x76: {  	_ =	shalt  }
0x77: {  	_ =	shalt  }
0x78: {  	_ =	shalt  }
0x79: {  	_ =	shalt  }
0x7a: {  	_ =	shalt  }
0x7b: {  	_ =	shalt  }
0x7c: {  	_ =	shalt  }
0x7d: {  	_ =	shalt  }
0x7e: {  	_ =	shalt  }
0x7f: {  	_ =	shalt  }
0x80: {  	_ =	shalt  }
0x81: {  	_ =	shalt  }
0x82: {  	_ =	shalt  }
0x83: {  	_ =	shalt  }
0x84: {  	_ =	shalt  }
0x85: {  	_ =	shalt  }
0x86: {  	_ =	shalt  }
0x87: {  	_ =	shalt  }
.Lfunc_end0:
.L_simem_size_0:
called_computation.1_lowered:
.L_overlay_start_0:
0x88: {  	s2 =	sld [smem:$0x3FD9]  }
0x89: {  	s3 =	sld [smem:$0x3FFE];
	_ =	sdelay $0x1  }
0x8a: {  	s1 =	srdreg.scid  }
0x8b: {  	s0 =	sand.u32 $0x1, s1  }
0x8c: {  	s17 =	sshll.u32 s0, $0xA;
	s2 =	sadd.s32 s3, s2  }
0x8d: {  	s2 =	sadd.s32 s2, s17  }
0x8e: {  	[smem:$0x3FB7] =	sst s2  }
0x8f: {  	_ = 	snop  }
0x90: {  	s2 =	sld [smem:$0x3FD0];
	(tm) =	ssettm $0x1  }
0x91: {  	s18 =	sld [smem:$0x3FFB];
	_ =	sdelay $0x3  }
0x92: {  	_ =	strace s18  }
0x93: {  	s3 =	sld [smem:$0x3FFC];
	_ =	sdelay $0x3  }
0x94: {  	_ =	strace s3  }
0x95: {  	s3 =	sld [smem:$0x3FFD];
	_ =	sdelay $0x3  }
0x96: {  	_ =	strace s3  }
0x97: {  	_ =	strace $0x8FFFFFFF  }
0x98: {  	s19 =	sld [smem:$0x3FDB];
	_ =	sdelay $0x1  }
0x99: {  	s4 =	simm.s32 $_scs_section_size  }
0x9a: {  	s5 =	simm.s32 $_size__tile_overlayer_lowered;
	s6 =	simm.s32 $_tile_overlayer_lowered  }
0x9b: {  	s22 =	simm.s32 $0x1BFF;
	s21 =	sshll.u32 s6, $0x1;
	s3 =	sadd.s32 s4, s19  }
0x9c: {  	s7 =	simm.s32 $0x0;
	s20 =	sshll.u32 s5, $0x1;
	s5 =	sadd.s32 s21, s3  }
0x9d: {  	[timem:s7], [sflag:s22] =	dma.local [hbm:s5], s20  }
0x9e: {  	_ =	swait.ge [sflag:s22], s20  }
0x9f: {  	s4 =	ssub.s32 $0x0, s20;
	[sflag:s22] =	ssyncset.done $0x0  }
0xa0: {  	[sflag:s22] =	ssyncadd.s32 s4;
	_ =	sdelay $0x1  }
0xa1: {  	s23 =	simm.s32 $0x1B8B  }
0xa2: {  	_ =	swait.ge [sflag:s23], $0x1  }
0xa3: {  	[sflag:s23] =	ssyncset.done $0x0  }
0xa4: {  	s25 =	simm.s32 $0x1B8E;
	s24 =	sld [smem:$0x3FFE];
	[sflag:s23] =	ssyncadd.s32 $0xFFFFFFFF  }
0xa5: {  	s26 =	simm.s32 $execute0_lowered;
	[smem:$0x3FD2] =	sst s25  }
0xa6: {  	s5 =	sshll.u32 s26, $0x1;
	_ =	strace $0x80000049;
	[dreg:$0x1] =	wrdreg $0xFFFFFFFF  }
0xa7: {  	s28 =	simm.s32 $_size_execute0_lowered;
	s3 =	sadd.s32 s3, s5;
	[dreg:$0x0] =	wrdreg $0x0  }
0xa8: {  	s5 =	sshll.u32 s28, $0x1;
	[dreg:$0x2] =	wrdreg s3  }
0xa9: {  	[dreg:$0x3] =	wrdreg s5  }
0xaa: {  	[dreg:$0x4] =	wrdreg $0xC0  }
0xab: {  	_ =	task [dreg:s7], $0x5FFFF  }
0xac: {  	[dreg:$0x1] =	wrdreg $0xFFFFFFFF  }
0xad: {  	[dreg:$0x0] =	wrdreg $0x60  }
0xae: {  	[dreg:$0x2] =	wrdreg s2  }
0xaf: {  	[dreg:$0x3] =	wrdreg s24  }
0xb0: {  	[dreg:$0x4] =	wrdreg $0x87A00  }
0xb1: {  	[dreg:$0x5] =	wrdreg $0x1C0200  }
0xb2: {  	[dreg:$0x6] =	wrdreg $0x9  }
0xb3: {  	_ =	task.clear_ibuf [dreg:s7], $0x7FFFF;
	_ =	strace $0x90000049  }
0xb4: {  	s29 =	simm.s32 $0x9;
	_ =	strace $0x8000004B  }
0xb5: {  	_ =	swait.ge [sflag:s29], $0x1  }
0xb6: {  	[sflag:s29] =	ssyncadd.s32 $0xFFFFFFFF  }
0xb7: {  	_ =	strace $0x9000004B  }
0xb8: {  	_ =	sfence  }
0xb9: {  	s30 =	sld [smem:$0x0];
	_ =	sdelay $0x2  }
0xba: {  	s31 =	sshll.u32 s1, $0xD;
	s1 =	sshrl.u32 s1, $0x2  }
0xbb: {  	s3 =	sand.u32 $0x4000, s31;
	s1 =	sadd.s32 s1, s30  }
0xbc: {  	s0 =	sor.u32 s3, s0;
	s1 =	sshll.u32 s1, $0x11  }
0xbd: {  	s0 =	sor.u32 s1, s0  }
0xbe: {  	s0 =	sadd.s32 $0x8F2B, s0  }
0xbf: {  	[sflag:s0] =	ssyncadd.remote.s32 $0x1  }
0xc0: {  	_ =	sfence.sel $0xFFFF  }
0xc1: {  	[dreg:$0x0] =	wrdreg $0xFFFFFFFF;
	(pc) =	sbr.abs _section_cstart, $3  }
0xc2: {  	[dreg:$0x1] =	wrdreg $0xFFFFFFFF  }
0xc3: {  	_ =	task.clear_ibuf [dreg:s7], $0x2FFFF;
	_ =	strace $0x9FFFFFFF  }
0xc4: {  	(tm) =	ssettm $0x7FFFFFFF  }
0xc5: {  	_ =	shalt  }
tec
execute0_lowered:
.L_overlay_start_1:
0x0: {  	(tag) =	ssettag $0x1  }
0x1: {  	s0 =	rddreg [dreg:$0x0]  }
0x2: {  	s1 =	rddreg [dreg:$0x1]  }
0x3: {  	s3 =	rddreg [dreg:$0x2];
	s2 =	srdreg.scid  }
0x4: {  	s4 =	rddreg [dreg:$0x3];
	s17 =	stileid.u32  }
0x5: {  	s5 =	simm.s32 $0x0;
	s28 =	simm.s32 $0x8160;
	s10 =	smul.u32 $0x3E80, s17  }
0x6: {  	s29 =	simm.s32 $0x2710;
	s30 =	simm.s32 $0x2760;
	s11 =	smul.u32 $0x1F400, s17  }
0x7: {  	s2 =	sand.u32 $0x1, s2;
	s6 =	sadd.s32 $0x61EC00, s1;
	s22 =	smul.u32 $0xFA00, s17  }
0x8: {  	s31 =	simm.s32 $0x2C60;
	s7 =	sadd.s32 $0x19E800, s1;
	s8 =	smul.u32 $0x27100, s2  }
0x9: {  	[smem:$0x7FF] =	sst s5;
	p0 =	sgt.u32 s17, $0x9;
	s9 =	smul.u32 $0x138800, s2  }
0xa: {  	_ =	strace $0x8000004A;
	s12 =	sshll.u32 s2, $0x4;
	s2 =	ssub.s32 $0x2, s2  }
0xb: {  	s12 =	sor.u32 s17, s12;
	s16 =	sshrl.u32 s2, $0x1;
	s8 =	sadd.s32 s10, s8  }
0xc: {  	s9 =	sadd.s32 s11, s9;
	s15 =	smul.u32 $0x4E20, s12;
	s2 =	ssub.s32 s2, s16  }
0xd: {  	s13 =	sshrl.u32 s8, $0x3;
	s14 =	sshrl.u32 s9, $0x3;
	s8 =	smul.u32 $0x2710, s12  }
0xe: {  	s9 =	sadd.s32 $0x18AE00, s1;
	s12 =	smul.u32 $0x27100, s12;
	s2 =	smax.u32 s2, $0x1  }
0xf: {  	s13 =	sadd.s32 s13, s1;
	s15 =	sadd.s32 s7, s15;
	[dreg:$0xf] =	wrdreg s2  }
0x10: {  	s1 =	sadd.s32 s14, s1;
	[dreg:$0x7] =	wrdreg s15;
	s12 =	sadd.s32 s6, s12  }
0x11: {  	s25 =	sshrl.u32 s22, $0x2;
	s1 =	sadd.s32 $0xE000, s1;
	[dreg:$0x8] =	wrdreg s12  }
0x12: {  	s10 =	sadd.s32 s10, s4;
	s26 =	sadd.s32 $0x4200, s13;
	[dreg:$0xc] =	wrdreg s1  }
0x13: {  	s18 =	sshrl.u32 s8, $0x3;
	s13 =	sadd.s32 s25, s4;
	[dreg:$0xd] =	wrdreg s26  }
0x14: {  	s2 =	simm.s32 $0x29E0;
	s14 =	sadd.s32 s9, s18;
	[dreg:$0xe] =	wrdreg s13  }
0x15: {  	s19 =	sadd.s32 $0x28, s8;
	s15 =	sadd.s32 $0x640, s13;
	[dreg:$0x5] =	wrdreg s14  }
0x16: {  	s20 =	sshrl.u32 s19, $0x3;
	s16 =	sadd.s32 $0xC80, s13;
	[dreg:$0x10] =	wrdreg s15  }
0x17: {  	s21 =	sshll.u32 s19, $0x1;
	s22 =	sadd.s32 $0x2580, s13;
	[dreg:$0x11] =	wrdreg s16  }
0x18: {  	s1 =	sadd.s32 s11, s3;
	s25 =	sadd.s32 $0x3200, s13;
	[dreg:$0x17] =	wrdreg s22  }
0x19: {  	s26 =	sadd.s32 $0x3840, s13;
	s11 =	simm.s32 $0x6860;
	[dreg:$0x19] =	wrdreg s25  }
0x1a: {  	s14 =	sadd.s32 $0x9C40, s14;
	s12 =	sadd.s32 s9, s20;
	[dreg:$0x1a] =	wrdreg s26  }
0x1b: {  	s23 =	sadd.s32 s7, s21;
	s1 =	sshrl.u32 @!p0 s1, $0x3;
	[dreg:$0x6] =	wrdreg s14  }
0x1c: {  	s20 =	sadd.s32 $0x1900, s13;
	s21 =	sadd.s32 $0x1F40, s13;
	[dreg:$0x9] =	wrdreg s12  }
0x1d: {  	s22 =	simm.s32 $0x5;
	s26 =	simm.s32 $0x7C60;
	[dreg:$0xa] =	wrdreg s23  }
0x1e: {  	s15 =	simm.s32 $0x4;
	s16 =	simm.s32 $0x0;
	[dreg:$0x12] =	wrdreg s1  }
0x1f: {  	s14 =	sshll.u32 s19, $0x4;
	s1 =	sshrl.u32 @!p0 s10, $0x3;
	[dreg:$0x15] =	wrdreg s20  }
0x20: {  	s19 =	sadd.s32 $0x12C0, s13;
	[dreg:$0x16] =	wrdreg s21;
	s21 =	simm.s32 $0x2738  }
.Ltmp0:
0x21: {  	s12 =	simm.s32 $0x1;
	[dreg:$0x13] =	wrdreg s1;
	(pc) =	sbr.rel .LBB2_1-.Ltmp0, $4  }
0x22: {  	s24 =	sadd.s32 s6, s14;
	s14 =	smul.u32 $0x7D000, s17;
	[dreg:$0x14] =	wrdreg s19  }
0x23: {  	s1 =	simm.s32 $0x28;
	s19 =	simm.s32 $0x4060;
	[dreg:$0xb] =	wrdreg s24  }
0x24: {  	s24 =	sadd.s32 $0x2BC0, s13;
	s13 =	simm.s32 $0x3;
	s18 =	sshrl.u32 s14, $0x2  }
0x25: {  	v0 =	vimm.f32 $0.0e+00;
	[dreg:$0x18] =	wrdreg s24;
	s14 =	simm.s32 $0x2;
	s23 =	sadd.s32 s18, s3  }
.LBB2_14:
0x26: {  	s10 =	stileid.u32;
	[bflag:$0x0] =	sbarrier.arrive $0xFFFF  }
0x27: {  	s10 =	sshll.u32 @!p0 s10, $0x6;
	s17 =	rddreg [dreg:$0xc]  }
0x28: {  	s18 =	rddreg [dreg:$0x12];
	s10 =	sor.u32 @!p0 $0x1C05, s10  }
0x29: {  	[hbm:s17], [sflag:s10] =	dma.local @!p0 [spmem:s18], $0x3E80  }
0x2a: {  	s17 =	simm.s32 @!p0 $0x5  }
0x2b: {  	_ =	swait.ge @!p0 [sflag:s17], $0x3E80  }
0x2c: {  	[sflag:s17] =	ssyncset.done @!p0 $0x0;
	s18 =	rddreg [dreg:$0xd]  }
0x2d: {  	s20 =	rddreg [dreg:$0x13];
	[sflag:s17] =	ssyncadd.s32 @!p0 $0xFFFFC180  }
0x2e: {  	[hbm:s18], [sflag:s10] =	dma.local @!p0 [spmem:s20], $0x7D0  }
0x2f: {  	_ =	swait.ge @!p0 [sflag:s17], $0x7D0  }
0x30: {  	s16 =	sadd.s32 $0x1, s16;
	s25 =	rddreg [dreg:$0xf]  }
0x31: {  	p1 =	sne.s32 s16, s25  }
.Ltmp1:
0x32: {  	_ = 	snop;
	(pc) =	sbr.rel @!p1 .LBB2_15-.Ltmp1, $3  }
0x33: {  	_ =	sdelay $0x1  }
0x34: {  	[sflag:s17] =	ssyncset.done @!p0 $0x0  }
0x35: {  	[sflag:s17] =	ssyncadd.s32 @!p0 $0xFFFFF830  }
.LBB2_1:
0x36: {  	s10 =	rddreg [dreg:$0x6]  }
0x37: {  	[tilespmem:s5], [sflag:$0x5] =	stream.linear.gather [hbm4b:s10+s5], $0x2710, $0x38;
	[tilespmem:$0x1E730] =	vst v63  }
0x38: {  	_ =	swait.ge [sflag:s22], $0x2710  }
0x39: {  	[sflag:s22] =	ssyncset.done $0x0  }
0x3a: {  	[sflag:s22] =	ssyncadd.s32 $0xFFFFD8F0  }
0x3b: {  	[tilespmem:$0x7C60] =	vst v0  }
0x3c: {  	[tilespmem:$0x7C70] =	vst v0  }
0x3d: {  	[tilespmem:$0x7C80] =	vst v0  }
0x3e: {  	[tilespmem:$0x7C90] =	vst v0  }
0x3f: {  	[tilespmem:$0x7CA0] =	vst v0  }
0x40: {  	[tilespmem:$0x7CB0] =	vst v0  }
0x41: {  	[tilespmem:$0x7CC0] =	vst v0  }
0x42: {  	[tilespmem:$0x7CD0] =	vst v0  }
0x43: {  	[tilespmem:$0x7CE0] =	vst v0  }
0x44: {  	[tilespmem:$0x7CF0] =	vst v0  }
0x45: {  	[tilespmem:$0x7D00] =	vst v0  }
0x46: {  	[tilespmem:$0x7D10] =	vst v0  }
0x47: {  	[tilespmem:$0x7D20] =	vst v0  }
0x48: {  	[tilespmem:$0x7D30] =	vst v0  }
0x49: {  	[tilespmem:$0x7D40] =	vst v0  }
0x4a: {  	[tilespmem:$0x7D50] =	vst v0  }
0x4b: {  	[tilespmem:$0x7D60] =	vst v0  }
0x4c: {  	[tilespmem:$0x7D70] =	vst v0  }
0x4d: {  	[tilespmem:$0x7D80] =	vst v0  }
0x4e: {  	[tilespmem:$0x7D90] =	vst v0  }
0x4f: {  	[tilespmem:$0x7DA0] =	vst v0  }
0x50: {  	[tilespmem:$0x7DB0] =	vst v0  }
0x51: {  	[tilespmem:$0x7DC0] =	vst v0  }
0x52: {  	[tilespmem:$0x7DD0] =	vst v0  }
0x53: {  	[tilespmem:$0x7DE0] =	vst v0  }
0x54: {  	[tilespmem:$0x7DF0] =	vst v0  }
0x55: {  	[tilespmem:$0x7E00] =	vst v0  }
0x56: {  	[tilespmem:$0x7E10] =	vst v0  }
0x57: {  	[tilespmem:$0x7E20] =	vst v0  }
0x58: {  	[tilespmem:$0x7E30] =	vst v0  }
0x59: {  	[tilespmem:$0x7E40] =	vst v0  }
0x5a: {  	[tilespmem:$0x7E50] =	vst v0  }
0x5b: {  	[tilespmem:$0x7E60] =	vst v0  }
0x5c: {  	[tilespmem:$0x7E70] =	vst v0  }
0x5d: {  	[tilespmem:$0x7E80] =	vst v0  }
0x5e: {  	[tilespmem:$0x7E90] =	vst v0  }
0x5f: {  	[tilespmem:$0x7EA0] =	vst v0  }
0x60: {  	[tilespmem:$0x7EB0] =	vst v0  }
0x61: {  	[tilespmem:$0x7EC0] =	vst v0  }
0x62: {  	[tilespmem:$0x7ED0] =	vst v0  }
0x63: {  	[tilespmem:$0x7EE0] =	vst v0  }
0x64: {  	[tilespmem:$0x7EF0] =	vst v0  }
0x65: {  	[tilespmem:$0x7F00] =	vst v0  }
0x66: {  	[tilespmem:$0x7F10] =	vst v0  }
0x67: {  	[tilespmem:$0x7F20] =	vst v0  }
0x68: {  	[tilespmem:$0x7F30] =	vst v0  }
0x69: {  	[tilespmem:$0x7F40] =	vst v0  }
0x6a: {  	[tilespmem:$0x7F50] =	vst v0  }
0x6b: {  	[tilespmem:$0x7F60] =	vst v0  }
0x6c: {  	[tilespmem:$0x7F70] =	vst v0  }
0x6d: {  	[tilespmem:$0x7F80] =	vst v0  }
0x6e: {  	[tilespmem:$0x7F90] =	vst v0  }
0x6f: {  	[tilespmem:$0x7FA0] =	vst v0  }
0x70: {  	[tilespmem:$0x7FB0] =	vst v0  }
0x71: {  	[tilespmem:$0x7FC0] =	vst v0  }
0x72: {  	[tilespmem:$0x7FD0] =	vst v0  }
0x73: {  	[tilespmem:$0x7FE0] =	vst v0  }
0x74: {  	[tilespmem:$0x7FF0] =	vst v0  }
0x75: {  	[tilespmem:$0x8000] =	vst v0  }
0x76: {  	[tilespmem:$0x8010] =	vst v0  }
0x77: {  	[tilespmem:$0x8020] =	vst v0  }
0x78: {  	[tilespmem:$0x8030] =	vst v0  }
0x79: {  	[tilespmem:$0x8040] =	vst v0  }
0x7a: {  	[tilespmem:$0x8050] =	vst v0  }
0x7b: {  	[tilespmem:$0x8060] =	vst v0  }
0x7c: {  	[tilespmem:$0x8070] =	vst v0  }
0x7d: {  	[tilespmem:$0x8080] =	vst v0  }
0x7e: {  	[tilespmem:$0x8090] =	vst v0  }
0x7f: {  	[tilespmem:$0x80A0] =	vst v0  }
0x80: {  	[tilespmem:$0x80B0] =	vst v0  }
0x81: {  	[tilespmem:$0x80C0] =	vst v0  }
0x82: {  	[tilespmem:$0x80D0] =	vst v0  }
0x83: {  	[tilespmem:$0x80E0] =	vst v0  }
0x84: {  	[tilespmem:$0x80F0] =	vst v0  }
0x85: {  	[tilespmem:$0x8100] =	vst v0  }
0x86: {  	[tilespmem:$0x8110] =	vst v0  }
0x87: {  	[tilespmem:$0x8120] =	vst v0  }
0x88: {  	[tilespmem:$0x8130] =	vst v0  }
0x89: {  	[tilespmem:$0x8140] =	vst v0  }
0x8a: {  	s17 =	simm.s32 $0x0;
	s10 =	simm.s32 $0x40;
	[tilespmem:$0x8150] =	vst v0  }
.LBB2_2:
0x8b: {  	p1 =	sne.s32 s10, $0x18C0;
	[tilespmem:s17+$0x8160] =	vst v0;
	s17 =	smov.u32 s10;
	s10 =	sadd.s32 $0x40, s10  }
.Ltmp2:
0x8c: {  	(pc) =	sbr.rel @p1 .LBB2_2-.Ltmp2, $2  }
0x8d: {  	_ =	sdelay $0x2  }
0x8e: {  	s17 =	sshra.s32 s17, $0x2  }
.Ltmp3:
0x8f: {  	(pc) =	sbr.rel @p0 .LBB2_7-.Ltmp3, $2  }
0x90: {  	_ =	sdelay $0x2  }
0x91: {  	[tilespmem:s17+$0x8160] =	vst v0;
	s10 =	simm.s32 $0x0  }
0x92: {  	s17 =	sshra.s32 s10, $0x2  }
0x93: {  	s17 =	sadd.s32 s17, s23  }
0x94: {  	[spmem:s17] =	stream.linear.scatter [tilespmem:s26], [sflag:$0x5], $0x500, $0x38;
	[tilespmem:$0x1E730] =	vst v63  }
0x95: {  	s10 =	sadd.s32 $0x1400, s10;
	_ =	swait.ge [sflag:s22], $0x500  }
.LBB2_5:
0x96: {  	s17 =	sshra.s32 s10, $0x2;
	[sflag:s22] =	ssyncset.done $0x0;
	p1 =	sne.s32 s10, $0x7BC00  }
.Ltmp4:
0x97: {  	s17 =	sadd.s32 s17, s23;
	[sflag:s22] =	ssyncadd.s32 $0xFFFFFB00;
	(pc) =	sbr.rel @p1 .LBB2_5-.Ltmp4, $3  }
0x98: {  	[spmem:s17] =	stream.linear.scatter [tilespmem:s26], [sflag:$0x5], $0x500, $0x38;
	[tilespmem:$0x1E730] =	vst v63  }
0x99: {  	s10 =	sadd.s32 $0x1400, s10;
	_ =	sdelay $0x1  }
0x9a: {  	_ =	swait.ge [sflag:s22], $0x500  }
0x9b: {  	[sflag:s22] =	ssyncset.done $0x0  }
0x9c: {  	s10 =	rddreg [dreg:$0xe];
	[sflag:s22] =	ssyncadd.s32 $0xFFFFFB00  }
0x9d: {  	[spmem:s10] =	stream.linear.scatter [tilespmem:s28], [sflag:$0x5], $0x640, $0x38;
	[tilespmem:$0x1E730] =	vst v63  }
0x9e: {  	_ =	swait.ge [sflag:s22], $0x640  }
0x9f: {  	[sflag:s22] =	ssyncset.done $0x0  }
0xa0: {  	s18 =	rddreg [dreg:$0x10];
	[sflag:s22] =	ssyncadd.s32 $0xFFFFF9C0  }
0xa1: {  	[spmem:s18] =	stream.linear.scatter [tilespmem:s28], [sflag:$0x5], $0x640, $0x38;
	[tilespmem:$0x1E730] =	vst v63  }
0xa2: {  	_ =	swait.ge [sflag:s22], $0x640  }
0xa3: {  	[sflag:s22] =	ssyncset.done $0x0  }
0xa4: {  	s20 =	rddreg [dreg:$0x11];
	[sflag:s22] =	ssyncadd.s32 $0xFFFFF9C0  }
0xa5: {  	[spmem:s20] =	stream.linear.scatter [tilespmem:s28], [sflag:$0x5], $0x640, $0x38;
	[tilespmem:$0x1E730] =	vst v63  }
0xa6: {  	_ =	swait.ge [sflag:s22], $0x640  }
0xa7: {  	[sflag:s22] =	ssyncset.done $0x0  }
0xa8: {  	s24 =	rddreg [dreg:$0x14];
	[sflag:s22] =	ssyncadd.s32 $0xFFFFF9C0  }
0xa9: {  	[spmem:s24] =	stream.linear.scatter [tilespmem:s28], [sflag:$0x5], $0x640, $0x38;
	[tilespmem:$0x1E730] =	vst v63  }
0xaa: {  	_ =	swait.ge [sflag:s22], $0x640  }
0xab: {  	[sflag:s22] =	ssyncset.done $0x0  }
0xac: {  	s25 =	rddreg [dreg:$0x15];
	[sflag:s22] =	ssyncadd.s32 $0xFFFFF9C0  }
0xad: {  	[spmem:s25] =	stream.linear.scatter [tilespmem:s28], [sflag:$0x5], $0x640, $0x38;
	[tilespmem:$0x1E730] =	vst v63  }
0xae: {  	_ =	swait.ge [sflag:s22], $0x640  }
0xaf: {  	[sflag:s22] =	ssyncset.done $0x0  }
0xb0: {  	s17 =	rddreg [dreg:$0x16];
	[sflag:s22] =	ssyncadd.s32 $0xFFFFF9C0  }
0xb1: {  	[spmem:s17] =	stream.linear.scatter [tilespmem:s28], [sflag:$0x5], $0x640, $0x38;
	[tilespmem:$0x1E730] =	vst v63  }
0xb2: {  	_ =	swait.ge [sflag:s22], $0x640  }
0xb3: {  	[sflag:s22] =	ssyncset.done $0x0  }
0xb4: {  	s18 =	rddreg [dreg:$0x17];
	[sflag:s22] =	ssyncadd.s32 $0xFFFFF9C0  }
0xb5: {  	[spmem:s18] =	stream.linear.scatter [tilespmem:s28], [sflag:$0x5], $0x640, $0x38;
	[tilespmem:$0x1E730] =	vst v63  }
0xb6: {  	_ =	swait.ge [sflag:s22], $0x640  }
0xb7: {  	[sflag:s22] =	ssyncset.done $0x0  }
0xb8: {  	s20 =	rddreg [dreg:$0x18];
	[sflag:s22] =	ssyncadd.s32 $0xFFFFF9C0  }
0xb9: {  	[spmem:s20] =	stream.linear.scatter [tilespmem:s28], [sflag:$0x5], $0x640, $0x38;
	[tilespmem:$0x1E730] =	vst v63  }
0xba: {  	_ =	swait.ge [sflag:s22], $0x640  }
0xbb: {  	[sflag:s22] =	ssyncset.done $0x0  }
0xbc: {  	s24 =	rddreg [dreg:$0x19];
	[sflag:s22] =	ssyncadd.s32 $0xFFFFF9C0  }
0xbd: {  	[spmem:s24] =	stream.linear.scatter [tilespmem:s28], [sflag:$0x5], $0x640, $0x38;
	[tilespmem:$0x1E730] =	vst v63  }
0xbe: {  	_ =	swait.ge [sflag:s22], $0x640  }
0xbf: {  	[sflag:s22] =	ssyncset.done $0x0  }
0xc0: {  	s25 =	rddreg [dreg:$0x1a];
	[sflag:s22] =	ssyncadd.s32 $0xFFFFF9C0  }
0xc1: {  	[spmem:s25] =	stream.linear.scatter [tilespmem:s28], [sflag:$0x5], $0x640, $0x38;
	[tilespmem:$0x1E730] =	vst v63  }
0xc2: {  	_ =	swait.ge [sflag:s22], $0x640  }
0xc3: {  	[sflag:s22] =	ssyncset.done $0x0  }
0xc4: {  	[sflag:s22] =	ssyncadd.s32 $0xFFFFF9C0  }
.LBB2_7:
0xc5: {  	[bflag:$0x0] =	sbarrier.arrive $0xFFFF  }
0xc6: {  	s17 =	simm.s32 $0x0;
	s10 =	rddreg [dreg:$0x5]  }
0xc7: {  	[tilespmem:s29], [sflag:$0x1] =	stream.linear.gather [hbm4b:s10+s17], $0x28, $0x38;
	[tilespmem:$0x1E730] =	vst v63  }
0xc8: {  	s24 =	rddreg [dreg:$0x7]  }
0xc9: {  	[tilespmem:s30], [sflag:$0x1] =	stream.linear.gather [hbm4b:s24+s17], $0x280, $0x38;
	[tilespmem:$0x1E730] =	vst v63  }
0xca: {  	s25 =	rddreg [dreg:$0x8]  }
0xcb: {  	[tilespmem:s31], [sflag:$0x1] =	stream.linear.gather [hbm4b:s25+s17], $0x1400, $0x38;
	[tilespmem:$0x1E730] =	vst v63  }
0xcc: {  	s18 =	simm.s32 $0x5460  }
0xcd: {  	[tilespmem:s18], [sflag:$0x1] =	stream.indirect.gather [hbm4b:s0+s1], $0x80, s17, s1, $0xb8;
	[tilespmem:$0x1E730] =	vst v63  }
0xce: {  	s20 =	rddreg [dreg:$0x9]  }
0xcf: {  	[tilespmem:s21], [sflag:$0x2] =	stream.linear.gather [hbm4b:s20+s17], $0x28, $0x38;
	[tilespmem:$0x1E730] =	vst v63  }
0xd0: {  	s24 =	rddreg [dreg:$0xa]  }
0xd1: {  	[tilespmem:s2], [sflag:$0x2] =	stream.linear.gather [hbm4b:s24+s17], $0x280, $0x38;
	[tilespmem:$0x1E730] =	vst v63  }
0xd2: {  	s25 =	rddreg [dreg:$0xb]  }
0xd3: {  	[tilespmem:s19], [sflag:$0x2] =	stream.linear.gather [hbm4b:s25+s17], $0x1400, $0x38;
	[tilespmem:$0x1E730] =	vst v63  }
0xd4: {  	_ = 	snop  }
0xd5: {  	[tilespmem:s11], [sflag:$0x2] =	stream.indirect.gather [hbm4b:s0+s1], $0x80, s1, s1, $0xb8;
	[tilespmem:$0x1E730] =	vst v63  }
.LBB2_8:
0xd6: {  	_ =	swait.ge [sflag:s12], $0x28  }
0xd7: {  	[sflag:s12] =	ssyncset.done $0x0  }
0xd8: {  	[sflag:s12] =	ssyncadd.s32 $0xFFFFFFD8  }
0xd9: {  	_ =	swait.ge [sflag:s12], $0x280  }
0xda: {  	[sflag:s12] =	ssyncset.done $0x0  }
0xdb: {  	[sflag:s12] =	ssyncadd.s32 $0xFFFFFD80  }
0xdc: {  	_ =	swait.ge [sflag:s12], $0x1400  }
0xdd: {  	[sflag:s12] =	ssyncset.done $0x0  }
0xde: {  	[sflag:s12] =	ssyncadd.s32 $0xFFFFEC00  }
0xdf: {  	_ =	swait.ge [sflag:s12], $0x1400  }
0xe0: {  	[sflag:s12] =	ssyncset.done $0x0  }
0xe1: {  	s18 =	simm.s32 $0x0;
	[sflag:s12] =	ssyncadd.s32 $0xFFFFEC00  }
0xe2: {  	v4 =	vld [tilespmem:s18+$0x5460]  }
0xe3: {  	v7 =	vld [tilespmem:s18+$0x5470]  }
0xe4: {  	v5 =	vld [tilespmem:s18+$0x5480]  }
0xe5: {  	v8 =	vld [tilespmem:s18+$0x5490]  }
0xe6: {  	v1 =	vld [tilespmem:s18+$0x54A0]  }
0xe7: {  	v3 =	vld [tilespmem:s18+$0x54B0]  }
0xe8: {  	v2 =	vld [tilespmem:s18+$0x54C0]  }
0xe9: {  	v6 =	vld [tilespmem:s18+$0x54D0]  }
0xea: {  	v9 =	vld [tilespmem:s18+$0x2C90]  }
0xeb: {  	v10 =	vld [tilespmem:s18+$0x2C70]  }
0xec: {  	s10 =	simm.s32 $0x2760;
	s20 =	simm.s32 $0x200;
	v11 =	vld [tilespmem:s18+$0x2C60]  }
.LBB2_9:
0xed: {  	p1 =	sne.s32 s20, $0x4E00;
	v12 =	vld [tilespmem:s10+$0x0]  }
0xee: {  	v13 =	vld [tilespmem:s18+$0x2C80]  }
0xef: {  	v14 =	vld [tilespmem:s18+$0x2CD0]  }
0xf0: {  	v15 =	vld [tilespmem:s18+$0x2CB0]  }
0xf1: {  	v8 =	vadd.f32 v8, v9;
	v10 =	vadd.f32 v7, v10;
	v9 =	vld [tilespmem:s18+$0x2CA0]  }
0xf2: {  	s24 =	sshra.s32 s20, $0x2;
	v11 =	vadd.f32 v4, v11;
	v16 =	vbroadcast v12, $0x0;
	v17 =	vbroadcast v12, $0x1;
	v18 =	vld [tilespmem:s18+$0x2CC0]  }
0xf3: {  	v19 =	vbroadcast v12, $0x2;
	v20 =	vbroadcast v12, $0x3;
	v4 =	vld [tilespmem:s24+$0x5460];
	v13 =	vadd.f32 v5, v13  }
0xf4: {  	v7 =	vld [tilespmem:s24+$0x5470];
	v11 =	vmul.f32 v11, v16;
	v10 =	vmul.f32 v10, v17;
	v6 =	vadd.f32 v6, v14  }
0xf5: {  	v14 =	vmul.f32 v8, v20;
	v5 =	vld [tilespmem:s24+$0x5480];
	v13 =	vmul.f32 v13, v19;
	v15 =	vadd.f32 v3, v15  }
0xf6: {  	v16 =	vbroadcast v12, $0x5;
	v8 =	vld [tilespmem:s24+$0x5490];
	[tilespmem:s18+$0x2C60] =	vst v11;
	v9 =	vadd.f32 v1, v9;
	v11 =	vbroadcast v12, $0x4  }
0xf7: {  	v17 =	vbroadcast v12, $0x6;
	v12 =	vbroadcast v12, $0x7;
	v1 =	vld [tilespmem:s24+$0x54A0];
	[tilespmem:s18+$0x2C70] =	vst v10;
	v10 =	vadd.f32 v2, v18  }
0xf8: {  	v3 =	vld [tilespmem:s24+$0x54B0];
	[tilespmem:s18+$0x2C80] =	vst v13;
	v9 =	vmul.f32 v9, v11;
	v11 =	vmul.f32 v15, v16  }
.Ltmp5:
0xf9: {  	v12 =	vmul.f32 v6, v12;
	v2 =	vld [tilespmem:s24+$0x54C0];
	[tilespmem:s18+$0x2C90] =	vst v14;
	v13 =	vmul.f32 v10, v17;
	(pc) =	sbr.rel @p1 .LBB2_9-.Ltmp5, $4  }
0xfa: {  	v6 =	vld [tilespmem:s24+$0x54D0];
	[tilespmem:s18+$0x2CA0] =	vst v9  }
0xfb: {  	v9 =	vld [tilespmem:s24+$0x2C90];
	[tilespmem:s18+$0x2CB0] =	vst v11  }
0xfc: {  	v10 =	vld [tilespmem:s24+$0x2C70];
	[tilespmem:s18+$0x2CC0] =	vst v13  }
0xfd: {  	s20 =	sadd.s32 $0x200, s20;
	s10 =	sadd.s32 $0x10, s10;
	v11 =	vld [tilespmem:s24+$0x2C60];
	[tilespmem:s18+$0x2CD0] =	vst v12;
	s18 =	smov.u32 s24  }
0xfe: {  	v12 =	vld [tilespmem:s10+$0x0]  }
0xff: {  	v13 =	vld [tilespmem:s18+$0x2C80];
	_ =	sdelay $0x2  }
0x100: {  	v15 =	vld [tilespmem:s18+$0x2CB0]  }
0x101: {  	v14 =	vld [tilespmem:s18+$0x2CA0];
	v7 =	vadd.f32 v7, v10;
	v4 =	vadd.f32 v4, v11;
	v11 =	vbroadcast v12, $0x0  }
0x102: {  	v16 =	vld [tilespmem:s18+$0x2CC0];
	v10 =	vbroadcast v12, $0x1;
	v5 =	vadd.f32 v5, v13;
	v63 =	vbroadcast v12, $0x2  }
0x103: {  	v17 =	vld [tilespmem:s18+$0x2CD0];
	v8 =	vadd.f32 v8, v9;
	v9 =	vbroadcast v12, $0x3;
	v4 =	vmul.f32 v4, v11  }
0x104: {  	v7 =	vmul.f32 v7, v10;
	v5 =	vmul.f32 v5, v63  }
0x105: {  	v3 =	vadd.f32 v3, v15;
	v8 =	vmul.f32 v8, v9;
	v9 =	vbroadcast v12, $0x5;
	[tilespmem:s18+$0x2C60] =	vst v4  }
0x106: {  	v1 =	vadd.f32 v1, v14;
	v4 =	vbroadcast v12, $0x4;
	[tilespmem:s18+$0x2C70] =	vst v7  }
0x107: {  	v2 =	vadd.f32 v2, v16;
	v7 =	vbroadcast v12, $0x6;
	[tilespmem:s18+$0x2C80] =	vst v5;
	v3 =	vmul.f32 v3, v9  }
0x108: {  	v5 =	vbroadcast v12, $0x7;
	[tilespmem:s18+$0x2C90] =	vst v8;
	v1 =	vmul.f32 v1, v4;
	v4 =	vadd.f32 v6, v17  }
0x109: {  	v2 =	vmul.f32 v2, v7;
	[tilespmem:s18+$0x2CB0] =	vst v3  }
0x10a: {  	[tilespmem:s18+$0x2CA0] =	vst v1;
	v1 =	vmul.f32 v4, v5  }
0x10b: {  	[tilespmem:s18+$0x2CC0] =	vst v2  }
0x10c: {  	[tilespmem:s18+$0x2CD0] =	vst v1  }
0x10d: {  	[spmem:s3] =	stream.indirect.scatter.add.f32 [tilespmem:s31], [sflag:$0x3], $0x80, s29, s1, $0xb8;
	[tilespmem:$0x1E730] =	vst v63  }
0x10e: {  	p1 =	seq.s32 s17, $0x7C  }
0x10f: {  	[spmem:s4] =	stream.indirect.scatter.add.f32 [tilespmem:s30], [sflag:$0x3], $0x10, s29, s1, $0xb8;
	[tilespmem:$0x1E730] =	vst v63  }
0x110: {  	s10 =	smul.u32 @!p1 $0x50, s17;
	_ =	swait.ge [sflag:s13], $0x1400  }
0x111: {  	[sflag:s13] =	ssyncset.done $0x0  }
0x112: {  	s10 =	sadd.s32 @!p1 $0x50, s10;
	[sflag:s13] =	ssyncadd.s32 $0xFFFFEC00  }
0x113: {  	s18 =	sadd.s32 @!p1 s8, s10;
	_ =	swait.ge [sflag:s13], $0x280  }
0x114: {  	s24 =	simm.s32 @!p1 $0x0;
	s20 =	sshrl.u32 @!p1 s18, $0x3;
	[sflag:s13] =	ssyncset.done $0x0  }
0x115: {  	s25 =	simm.s32 @!p1 $0x2710;
	s20 =	sadd.s32 @!p1 s9, s20;
	[sflag:s13] =	ssyncadd.s32 $0xFFFFFD80  }
0x116: {  	[tilespmem:s25], [sflag:$0x1] =	stream.linear.gather @!p1 [hbm4b:s20+s24], $0x28, $0x38;
	[tilespmem:$0x1E730] =	vst v63  }
0x117: {  	s20 =	sshll.u32 @!p1 s18, $0x1  }
0x118: {  	s18 =	sshll.u32 @!p1 s18, $0x4;
	s20 =	sand.u32 @!p1 $0x1FFFFFE0, s20  }
0x119: {  	s25 =	simm.s32 @!p1 $0x2760;
	s18 =	sand.u32 @!p1 $0x1FFFFF00, s18;
	s20 =	sadd.s32 @!p1 s7, s20  }
0x11a: {  	[tilespmem:s25], [sflag:$0x1] =	stream.linear.gather @!p1 [hbm4b:s20+s24], $0x280, $0x38;
	[tilespmem:$0x1E730] =	vst v63  }
0x11b: {  	s18 =	sadd.s32 @!p1 s6, s18;
	s20 =	simm.s32 @!p1 $0x2C60  }
0x11c: {  	[tilespmem:s20], [sflag:$0x1] =	stream.linear.gather @!p1 [hbm4b:s18+s24], $0x1400, $0x38;
	[tilespmem:$0x1E730] =	vst v63  }
0x11d: {  	s18 =	simm.s32 @!p1 $0x28;
	s20 =	simm.s32 @!p1 $0x5460  }
0x11e: {  	[tilespmem:s20], [sflag:$0x1] =	stream.indirect.gather @!p1 [hbm4b:s0+s18], $0x80, s10, s18, $0xb8;
	[tilespmem:$0x1E730] =	vst v63  }
0x11f: {  	_ =	swait.ge [sflag:s14], $0x28  }
0x120: {  	[sflag:s14] =	ssyncset.done $0x0  }
0x121: {  	[sflag:s14] =	ssyncadd.s32 $0xFFFFFFD8  }
0x122: {  	_ =	swait.ge [sflag:s14], $0x280  }
0x123: {  	[sflag:s14] =	ssyncset.done $0x0  }
0x124: {  	[sflag:s14] =	ssyncadd.s32 $0xFFFFFD80  }
0x125: {  	_ =	swait.ge [sflag:s14], $0x1400  }
0x126: {  	[sflag:s14] =	ssyncset.done $0x0  }
0x127: {  	[sflag:s14] =	ssyncadd.s32 $0xFFFFEC00  }
0x128: {  	_ =	swait.ge [sflag:s14], $0x1400  }
0x129: {  	[sflag:s14] =	ssyncset.done $0x0  }
0x12a: {  	s18 =	simm.s32 $0x0;
	[sflag:s14] =	ssyncadd.s32 $0xFFFFEC00  }
0x12b: {  	v4 =	vld [tilespmem:s18+$0x6860]  }
0x12c: {  	v7 =	vld [tilespmem:s18+$0x6870]  }
0x12d: {  	v5 =	vld [tilespmem:s18+$0x6880]  }
0x12e: {  	v8 =	vld [tilespmem:s18+$0x6890]  }
0x12f: {  	v1 =	vld [tilespmem:s18+$0x68A0]  }
0x130: {  	v3 =	vld [tilespmem:s18+$0x68B0]  }
0x131: {  	v2 =	vld [tilespmem:s18+$0x68C0]  }
0x132: {  	v6 =	vld [tilespmem:s18+$0x68D0]  }
0x133: {  	v9 =	vld [tilespmem:s18+$0x4090]  }
0x134: {  	v10 =	vld [tilespmem:s18+$0x4070]  }
0x135: {  	s10 =	simm.s32 $0x29E0;
	s20 =	simm.s32 $0x200;
	v11 =	vld [tilespmem:s18+$0x4060]  }
.LBB2_11:
0x136: {  	p2 =	sne.s32 s20, $0x4E00;
	v12 =	vld [tilespmem:s10+$0x0]  }
0x137: {  	v13 =	vld [tilespmem:s18+$0x4080]  }
0x138: {  	v14 =	vld [tilespmem:s18+$0x40D0]  }
0x139: {  	v15 =	vld [tilespmem:s18+$0x40B0]  }
0x13a: {  	v8 =	vadd.f32 v8, v9;
	v10 =	vadd.f32 v7, v10;
	v9 =	vld [tilespmem:s18+$0x40A0]  }
0x13b: {  	s24 =	sshra.s32 s20, $0x2;
	v11 =	vadd.f32 v4, v11;
	v16 =	vbroadcast v12, $0x0;
	v17 =	vbroadcast v12, $0x1;
	v18 =	vld [tilespmem:s18+$0x40C0]  }
0x13c: {  	v19 =	vbroadcast v12, $0x2;
	v20 =	vbroadcast v12, $0x3;
	v4 =	vld [tilespmem:s24+$0x6860];
	v13 =	vadd.f32 v5, v13  }
0x13d: {  	v7 =	vld [tilespmem:s24+$0x6870];
	v11 =	vmul.f32 v11, v16;
	v10 =	vmul.f32 v10, v17;
	v6 =	vadd.f32 v6, v14  }
0x13e: {  	v14 =	vmul.f32 v8, v20;
	v5 =	vld [tilespmem:s24+$0x6880];
	v13 =	vmul.f32 v13, v19;
	v15 =	vadd.f32 v3, v15  }
0x13f: {  	v16 =	vbroadcast v12, $0x5;
	v8 =	vld [tilespmem:s24+$0x6890];
	[tilespmem:s18+$0x4060] =	vst v11;
	v9 =	vadd.f32 v1, v9;
	v11 =	vbroadcast v12, $0x4  }
0x140: {  	v17 =	vbroadcast v12, $0x6;
	v12 =	vbroadcast v12, $0x7;
	v1 =	vld [tilespmem:s24+$0x68A0];
	[tilespmem:s18+$0x4070] =	vst v10;
	v10 =	vadd.f32 v2, v18  }
0x141: {  	v3 =	vld [tilespmem:s24+$0x68B0];
	[tilespmem:s18+$0x4080] =	vst v13;
	v9 =	vmul.f32 v9, v11;
	v11 =	vmul.f32 v15, v16  }
.Ltmp6:
0x142: {  	v12 =	vmul.f32 v6, v12;
	v2 =	vld [tilespmem:s24+$0x68C0];
	[tilespmem:s18+$0x4090] =	vst v14;
	v13 =	vmul.f32 v10, v17;
	(pc) =	sbr.rel @p2 .LBB2_11-.Ltmp6, $4  }
0x143: {  	v6 =	vld [tilespmem:s24+$0x68D0];
	[tilespmem:s18+$0x40A0] =	vst v9  }
0x144: {  	v9 =	vld [tilespmem:s24+$0x4090];
	[tilespmem:s18+$0x40B0] =	vst v11  }
0x145: {  	v10 =	vld [tilespmem:s24+$0x4070];
	[tilespmem:s18+$0x40C0] =	vst v13  }
0x146: {  	s20 =	sadd.s32 $0x200, s20;
	s10 =	sadd.s32 $0x10, s10;
	v11 =	vld [tilespmem:s24+$0x4060];
	[tilespmem:s18+$0x40D0] =	vst v12;
	s18 =	smov.u32 s24  }
0x147: {  	v12 =	vld [tilespmem:s10+$0x0];
	_ =	sdelay $0x1  }
0x148: {  	v13 =	vld [tilespmem:s18+$0x4080];
	_ =	sdelay $0x1  }
0x149: {  	v14 =	vld [tilespmem:s18+$0x40A0]  }
0x14a: {  	v15 =	vld [tilespmem:s18+$0x40B0];
	v4 =	vadd.f32 v4, v11;
	v55 =	vbroadcast v12, $0x0  }
0x14b: {  	v16 =	vld [tilespmem:s18+$0x40C0];
	v7 =	vadd.f32 v7, v10;
	v56 =	vbroadcast v12, $0x1  }
0x14c: {  	v17 =	vld [tilespmem:s18+$0x40D0];
	v5 =	vadd.f32 v5, v13;
	v57 =	vbroadcast v12, $0x2;
	v4 =	vmul.f32 v4, v55  }
0x14d: {  	v8 =	vadd.f32 v8, v9;
	v58 =	vbroadcast v12, $0x3;
	v7 =	vmul.f32 v7, v56  }
0x14e: {  	v1 =	vadd.f32 v1, v14;
	v59 =	vbroadcast v12, $0x4;
	v5 =	vmul.f32 v5, v57;
	[tilespmem:s18+$0x4060] =	vst v4  }
0x14f: {  	v3 =	vadd.f32 v3, v15;
	v60 =	vbroadcast v12, $0x5;
	v8 =	vmul.f32 v8, v58;
	[tilespmem:s18+$0x4070] =	vst v7  }
0x150: {  	v2 =	vadd.f32 v2, v16;
	v61 =	vbroadcast v12, $0x6;
	v1 =	vmul.f32 v1, v59;
	[tilespmem:s18+$0x4080] =	vst v5  }
0x151: {  	v62 =	vadd.f32 v6, v17;
	v63 =	vbroadcast v12, $0x7;
	v3 =	vmul.f32 v3, v60;
	[tilespmem:s18+$0x4090] =	vst v8  }
0x152: {  	v2 =	vmul.f32 v2, v61;
	[tilespmem:s18+$0x40A0] =	vst v1  }
0x153: {  	v1 =	vmul.f32 v62, v63;
	[tilespmem:s18+$0x40B0] =	vst v3  }
0x154: {  	[tilespmem:s18+$0x40C0] =	vst v2  }
0x155: {  	[tilespmem:s18+$0x40D0] =	vst v1  }
0x156: {  	[spmem:s3] =	stream.indirect.scatter.add.f32 [tilespmem:s19], [sflag:$0x4], $0x80, s21, s1, $0xb8;
	[tilespmem:$0x1E730] =	vst v63  }
0x157: {  	_ = 	snop  }
0x158: {  	[spmem:s4] =	stream.indirect.scatter.add.f32 [tilespmem:s2], [sflag:$0x4], $0x10, s21, s1, $0xb8;
	[tilespmem:$0x1E730] =	vst v63  }
0x159: {  	_ =	swait.ge [sflag:s15], $0x1400  }
.Ltmp7:
0x15a: {  	[sflag:s15] =	ssyncset.done $0x0;
	(pc) =	sbr.rel @p1 .LBB2_14-.Ltmp7, $4  }
0x15b: {  	[sflag:s15] =	ssyncadd.s32 $0xFFFFEC00  }
0x15c: {  	_ =	swait.ge [sflag:s15], $0x280  }
0x15d: {  	[sflag:s15] =	ssyncset.done $0x0  }
0x15e: {  	[sflag:s15] =	ssyncadd.s32 $0xFFFFFD80  }
0x15f: {  	s10 =	smul.u32 $0x50, s17;
	_ =	sdelay $0x1  }
0x160: {  	s10 =	sadd.s32 $0x78, s10  }
0x161: {  	s18 =	sadd.s32 s8, s10  }
0x162: {  	s20 =	sshrl.u32 s18, $0x3  }
0x163: {  	s25 =	sshll.u32 s18, $0x1;
	s20 =	sadd.s32 s9, s20  }
0x164: {  	[tilespmem:s21], [sflag:$0x2] =	stream.linear.gather [hbm4b:s20+s5], $0x28, $0x38;
	[tilespmem:$0x1E730] =	vst v63  }
0x165: {  	s20 =	sand.u32 $0x1FFFFFF0, s25  }
0x166: {  	s18 =	sshll.u32 s18, $0x4;
	s20 =	sadd.s32 s7, s20  }
0x167: {  	[tilespmem:s2], [sflag:$0x2] =	stream.linear.gather [hbm4b:s20+s5], $0x280, $0x38;
	[tilespmem:$0x1E730] =	vst v63  }
.Ltmp8:
0x168: {  	s18 =	sand.u32 $0x1FFFFF80, s18;
	(pc) =	sbr.rel .LBB2_8-.Ltmp8, $4  }
0x169: {  	s18 =	sadd.s32 s6, s18  }
0x16a: {  	[tilespmem:s19], [sflag:$0x2] =	stream.linear.gather [hbm4b:s18+s5], $0x1400, $0x38;
	[tilespmem:$0x1E730] =	vst v63  }
0x16b: {  	s17 =	sadd.s32 $0x1, s17  }
0x16c: {  	[tilespmem:s11], [sflag:$0x2] =	stream.indirect.gather [hbm4b:s0+s1], $0x80, s10, s1, $0xb8;
	[tilespmem:$0x1E730] =	vst v63  }
.LBB2_15:
0x16d: {  	_ =	sfence.sel $0x180000  }
0x16e: {  	[bflag:$0x0] =	sbarrier.arrive $0xFFFF  }
0x16f: {  	_ =	strace $0x9000004A  }
0x170: {  	s0 =	stileid.u32;
	[bflag:$0x2] =	sbarrier.arrive $0xFFFF  }
0x171: {  	p0 =	sne.s32 s0, $0x0;
	s0 =	rddreg [dreg:$0x4]  }
0x172: {  	s0 =	sadd.s32 @!p0 $0x100000, s0  }
0x173: {  	[sflag:s0] =	ssyncadd.tile.s32 @!p0 $0x1;
	_ =	shalt  }
.Lfunc_end2:
_tile_overlayer_lowered:
.L_overlay_start_2:
0x174: {  	(tag) =	ssettag $0x2  }
0x175: {  	s0 =	rddreg [dreg:$0x0];
	s2 =	stileid.u32  }
0x176: {  	s1 =	rddreg [dreg:$0x1];
	p0 =	sne.s32 s2, $0x0  }
0x177: {  	s3 =	rddreg [dreg:$0x2];
	[bflag:$0x3] =	sbarrier.arrive $0xFFFF;
	s2 =	simm.s32 @!p0 $0x1C05  }
0x178: {  	[timem:s3], [sflag:s2] =	dma.local @!p0 [hbm:s0], s1  }
0x179: {  	s0 =	simm.s32 @!p0 $0x5  }
0x17a: {  	_ =	swait.ge @!p0 [sflag:s0], s1  }
0x17b: {  	s1 =	ssub.s32 @!p0 $0x0, s1;
	[sflag:s0] =	ssyncset.done @!p0 $0x0  }
0x17c: {  	[sflag:s0] =	ssyncadd.s32 @!p0 s1  }
0x17d: {  	[bflag:$0x3] =	sbarrier.arrive $0xFFFF  }
0x17e: {  	_ =	shalt  }

// kernel: kernel.7.cloned.1.call-start
scs
__scs_entry_jumppad:
0x0: {  	(pc) =	sbr.rel $0x88, $3  }
0x1: {  	(tag) =	ssettag $0x0;
	lr =	simm.s32 $0x1  }
0x2: {  	[smem:$0x3F90] =	sst lr;
	_ =	strace $0xD0000000  }
0x3: {  	_ = 	snop  }
0x4: {  	_ = 	snop  }
0x5: {  	_ = 	snop  }
0x6: {  	_ = 	snop  }
0x7: {  	_ = 	snop  }
__scs_overlays_trampoline_lowered:
0x8: {  	[smem:$0x3F9F] =	sst s0  }
0x9: {  	[smem:$0x3FA0] =	sst s1  }
0xa: {  	[smem:$0x3FA1] =	sst s2  }
0xb: {  	[smem:$0x3FA2] =	sst s3  }
0xc: {  	[smem:$0x3FA3] =	sst s4  }
0xd: {  	[smem:$0x3FA4] =	sst s5  }
0xe: {  	[smem:$0x3FA5] =	sst s6  }
0xf: {  	[smem:$0x3FA6] =	sst s7  }
0x10: {  	[smem:$0x3FA7] =	sst s8  }
0x11: {  	[smem:$0x3FA8] =	sst s9;
	s0 =	simm.s32 @!p0 $0x0  }
0x12: {  	s1 =	sld [smem:$0x3F8E];
	s0 =	simm.s32 @p0 $0x1  }
0x13: {  	[smem:$0x3FA9] =	sst s0;
	s0 =	simm.s32 @!p1 $0x0  }
0x14: {  	s2 =	sld [smem:$0x3F8D];
	s0 =	simm.s32 @p1 $0x1  }
0x15: {  	[smem:$0x3FAA] =	sst s0;
	s0 =	simm.s32 @!p2 $0x0  }
0x16: {  	s3 =	sld [smem:$0x3FDB];
	s0 =	simm.s32 @p2 $0x1  }
0x17: {  	s4 =	simm.s32 $0x1BF5;
	[smem:$0x3FAC] =	sst s0  }
0x18: {  	s0 =	sld [smem:$0x3F8F];
	_ =	swait.ge [sflag:s4], $0x0  }
0x19: {  	s7 =	sld [smem:$0x3F90]  }
0x1a: {  	s8 =	sadd.s32 $0xFFFFE003, lr  }
0x1b: {  	s9 =	sadd.s32 $0xFFFFFEF7, lr;
	s5 =	simm.s32 $0xFFFFFFFF;
	p2 =	slt.u32 s8, $0xFFFFF086  }
0x1c: {  	p1 =	slt.u32 s9, $0xF7A;
	s5 =	simm.s32 @!p2 $0x0  }
0x1d: {  	s5 =	simm.s32 @p1 $0x1;
	p0 =	seq.s32 s7, s2  }
0x1e: {  	s7 =	smul.u32 @!p0 $0xF7A, s2;
	p2 =	seq.s32 @!p0 s5, $0x0  }
0x1f: {  	s9 =	smul.u32 $0xF7A, s1;
	s8 =	simm.s32 @!p0 $0x1BF5;
	p2 =	por !p2, p0  }
0x20: {  	[sflag:s8] =	ssyncset.s32 @!p0 $0xFFFFF086;
	s6 =	sadd.s32 @!p0 s3, s7;
	s7 =	simm.s32 @!p0 $0x108  }
0x21: {  	s3 =	sadd.s32 s3, s9;
	s6 =	sadd.s32 @!p0 $0x88, s6;
	s7 =	simm.s32 @p2 $0x1082  }
0x22: {  	[simem:s7], [sflag:s8] =	dma.local @!p0 [hbm:s6], $0xF7A  }
0x23: {  	s9 =	sor.u32 $0xD0000000, s2;
	s6 =	simm.s32 $0x108;
	_ =	swait.ge @!p0 [sflag:s8], $0x0  }
0x24: {  	s3 =	sadd.s32 $0x88, s3;
	s6 =	simm.s32 @!p1 $0x1082;
	[sflag:s4] =	ssyncset.s32 $0xFFFFF086  }
0x25: {  	[simem:s6], [sflag:s4] =	dma.local [hbm:s3], $0xF7A  }
0x26: {  	[smem:$0x3F90] =	sst s1;
	(tag) =	ssettag s2;
	_ =	strace s9  }
0x27: {  	s1 =	sld [smem:$0x3FA0]  }
0x28: {  	s2 =	sld [smem:$0x3FA1]  }
0x29: {  	s4 =	sld [smem:$0x3FA3]  }
0x2a: {  	p0 =	seq.s32 s5, $0x0;
	s5 =	sld [smem:$0x3FA4]  }
0x2b: {  	s6 =	sld [smem:$0x3FA5]  }
0x2c: {  	s7 =	sld [smem:$0x3FA6]  }
0x2d: {  	s3 =	simm.s32 $0x108;
	s8 =	sld [smem:$0x3FA7]  }
0x2e: {  	s3 =	simm.s32 @!p0 $0x1082;
	s9 =	sld [smem:$0x3FA8]  }
0x2f: {  	lr =	sadd.s32 s0, s3;
	s0 =	sld [smem:$0x3F9F]  }
0x30: {  	s3 =	sld [smem:$0x3FA2]  }
0x31: {  	[smem:$0x3FAB] =	sst s10  }
0x32: {  	s10 =	sld [smem:$0x3FA9];
	_ =	sdelay $0x3  }
0x33: {  	p0 =	seq.s32 s10, $0x1;
	s10 =	sld [smem:$0x3FAB];
	_ =	sdelay $0x3  }
0x34: {  	[smem:$0x3FAB] =	sst s10  }
0x35: {  	s10 =	sld [smem:$0x3FAA];
	_ =	sdelay $0x3  }
0x36: {  	p1 =	seq.s32 s10, $0x1;
	s10 =	sld [smem:$0x3FAB];
	_ =	sdelay $0x3  }
0x37: {  	[smem:$0x3FAB] =	sst s10  }
0x38: {  	s10 =	sld [smem:$0x3FAC]  }
0x39: {  	_ = 	snop;
	(pc) =	sbr.ind lr, $3  }
0x3a: {  	_ = 	snop  }
0x3b: {  	_ = 	snop  }
0x3c: {  	p2 =	seq.s32 s10, $0x1;
	s10 =	sld [smem:$0x3FAB]  }
0x3d: {  	_ =	shalt  }
0x3e: {  	_ =	shalt  }
0x3f: {  	_ =	shalt  }
0x40: {  	_ =	shalt  }
0x41: {  	_ =	shalt  }
0x42: {  	_ =	shalt  }
0x43: {  	_ =	shalt  }
0x44: {  	_ =	shalt  }
0x45: {  	_ =	shalt  }
0x46: {  	_ =	shalt  }
0x47: {  	_ =	shalt  }
0x48: {  	_ =	shalt  }
0x49: {  	_ =	shalt  }
0x4a: {  	_ =	shalt  }
0x4b: {  	_ =	shalt  }
0x4c: {  	_ =	shalt  }
0x4d: {  	_ =	shalt  }
0x4e: {  	_ =	shalt  }
0x4f: {  	_ =	shalt  }
0x50: {  	_ =	shalt  }
0x51: {  	_ =	shalt  }
0x52: {  	_ =	shalt  }
0x53: {  	_ =	shalt  }
0x54: {  	_ =	shalt  }
0x55: {  	_ =	shalt  }
0x56: {  	_ =	shalt  }
0x57: {  	_ =	shalt  }
0x58: {  	_ =	shalt  }
0x59: {  	_ =	shalt  }
0x5a: {  	_ =	shalt  }
0x5b: {  	_ =	shalt  }
0x5c: {  	_ =	shalt  }
0x5d: {  	_ =	shalt  }
0x5e: {  	_ =	shalt  }
0x5f: {  	_ =	shalt  }
0x60: {  	_ =	shalt  }
0x61: {  	_ =	shalt  }
0x62: {  	_ =	shalt  }
0x63: {  	_ =	shalt  }
0x64: {  	_ =	shalt  }
0x65: {  	_ =	shalt  }
0x66: {  	_ =	shalt  }
0x67: {  	_ =	shalt  }
0x68: {  	_ =	shalt  }
0x69: {  	_ =	shalt  }
0x6a: {  	_ =	shalt  }
0x6b: {  	_ =	shalt  }
0x6c: {  	_ =	shalt  }
0x6d: {  	_ =	shalt  }
0x6e: {  	_ =	shalt  }
0x6f: {  	_ =	shalt  }
0x70: {  	_ =	shalt  }
0x71: {  	_ =	shalt  }
0x72: {  	_ =	shalt  }
0x73: {  	_ =	shalt  }
0x74: {  	_ =	shalt  }
0x75: {  	_ =	shalt  }
0x76: {  	_ =	shalt  }
0x77: {  	_ =	shalt  }
0x78: {  	_ =	shalt  }
0x79: {  	_ =	shalt  }
0x7a: {  	_ =	shalt  }
0x7b: {  	_ =	shalt  }
0x7c: {  	_ =	shalt  }
0x7d: {  	_ =	shalt  }
0x7e: {  	_ =	shalt  }
0x7f: {  	_ =	shalt  }
0x80: {  	_ =	shalt  }
0x81: {  	_ =	shalt  }
0x82: {  	_ =	shalt  }
0x83: {  	_ =	shalt  }
0x84: {  	_ =	shalt  }
0x85: {  	_ =	shalt  }
0x86: {  	_ =	shalt  }
0x87: {  	_ =	shalt  }
.Lfunc_end0:
.L_simem_size_0:
called_computation_lowered:
.L_overlay_start_0:
0x88: {  	s2 =	sld [smem:$0x3FD9]  }
0x89: {  	s3 =	sld [smem:$0x3FFE];
	_ =	sdelay $0x1  }
0x8a: {  	s1 =	srdreg.scid  }
0x8b: {  	s0 =	sand.u32 $0x1, s1  }
0x8c: {  	s16 =	sshll.u32 s0, $0xA;
	s2 =	sadd.s32 s3, s2  }
0x8d: {  	s2 =	sadd.s32 s2, s16  }
0x8e: {  	[smem:$0x3FB7] =	sst s2  }
0x8f: {  	_ = 	snop  }
0x90: {  	(tm) =	ssettm $0x1  }
0x91: {  	s17 =	sld [smem:$0x3FFB];
	_ =	sdelay $0x3  }
0x92: {  	_ =	strace s17  }
0x93: {  	s2 =	sld [smem:$0x3FFC];
	_ =	sdelay $0x3  }
0x94: {  	_ =	strace s2  }
0x95: {  	s2 =	sld [smem:$0x3FFD];
	_ =	sdelay $0x3  }
0x96: {  	_ =	strace s2  }
0x97: {  	_ =	strace $0x8FFFFFFF  }
0x98: {  	s18 =	sld [smem:$0x3FDB];
	_ =	sdelay $0x1  }
0x99: {  	s19 =	simm.s32 $_scs_section_size  }
0x9a: {  	s4 =	simm.s32 $_size__tile_overlayer_lowered;
	s5 =	simm.s32 $_tile_overlayer_lowered  }
0x9b: {  	s22 =	simm.s32 $0x1BFF;
	s21 =	sshll.u32 s5, $0x1;
	s2 =	sadd.s32 s19, s18  }
0x9c: {  	s6 =	simm.s32 $0x0;
	s20 =	sshll.u32 s4, $0x1;
	s4 =	sadd.s32 s21, s2  }
0x9d: {  	[timem:s6], [sflag:s22] =	dma.local [hbm:s4], s20  }
0x9e: {  	_ =	swait.ge [sflag:s22], s20  }
0x9f: {  	s3 =	ssub.s32 $0x0, s20;
	[sflag:s22] =	ssyncset.done $0x0  }
0xa0: {  	[sflag:s22] =	ssyncadd.s32 s3;
	_ =	sdelay $0x1  }
0xa1: {  	s23 =	simm.s32 $0x1B8B  }
0xa2: {  	_ =	swait.ge [sflag:s23], $0x1  }
0xa3: {  	[sflag:s23] =	ssyncset.done $0x0  }
0xa4: {  	s25 =	simm.s32 $0x1B8E;
	s24 =	sld [smem:$0x3FFE];
	[sflag:s23] =	ssyncadd.s32 $0xFFFFFFFF  }
0xa5: {  	s26 =	simm.s32 $execute0_lowered;
	[smem:$0x3FD2] =	sst s25  }
0xa6: {  	s4 =	sshll.u32 s26, $0x1;
	_ =	strace $0x80000046;
	[dreg:$0x1] =	wrdreg $0xFFFFFFFF  }
0xa7: {  	s28 =	simm.s32 $_size_execute0_lowered;
	s2 =	sadd.s32 s2, s4;
	[dreg:$0x0] =	wrdreg $0x0  }
0xa8: {  	s4 =	sshll.u32 s28, $0x1;
	[dreg:$0x2] =	wrdreg s2  }
0xa9: {  	[dreg:$0x3] =	wrdreg s4  }
0xaa: {  	[dreg:$0x4] =	wrdreg $0xC0  }
0xab: {  	_ =	task [dreg:s6], $0x5FFFF  }
0xac: {  	[dreg:$0x1] =	wrdreg $0xFFFFFFFF  }
0xad: {  	[dreg:$0x0] =	wrdreg $0x60  }
0xae: {  	[dreg:$0x2] =	wrdreg s24  }
0xaf: {  	[dreg:$0x3] =	wrdreg $0x9  }
0xb0: {  	_ =	task.clear_ibuf [dreg:s6], $0x4FFFF;
	_ =	strace $0x90000046  }
0xb1: {  	s29 =	simm.s32 $0x9;
	_ =	strace $0x80000048  }
0xb2: {  	_ =	swait.ge [sflag:s29], $0x1  }
0xb3: {  	[sflag:s29] =	ssyncadd.s32 $0xFFFFFFFF  }
0xb4: {  	_ =	strace $0x90000048  }
0xb5: {  	_ =	sfence  }
0xb6: {  	s30 =	sld [smem:$0x0];
	_ =	sdelay $0x2  }
0xb7: {  	s31 =	sshll.u32 s1, $0xD;
	s1 =	sshrl.u32 s1, $0x2  }
0xb8: {  	s3 =	sand.u32 $0x4000, s31;
	s1 =	sadd.s32 s1, s30  }
0xb9: {  	s0 =	sor.u32 s3, s0;
	s1 =	sshll.u32 s1, $0x11  }
0xba: {  	s0 =	sor.u32 s1, s0  }
0xbb: {  	s0 =	sadd.s32 $0x8F2B, s0  }
0xbc: {  	[sflag:s0] =	ssyncadd.remote.s32 $0x1  }
0xbd: {  	_ =	sfence.sel $0xFFFF  }
0xbe: {  	[dreg:$0x0] =	wrdreg $0xFFFFFFFF;
	(pc) =	sbr.abs _section_cstart, $3  }
0xbf: {  	[dreg:$0x1] =	wrdreg $0xFFFFFFFF  }
0xc0: {  	_ =	task.clear_ibuf [dreg:s6], $0x2FFFF;
	_ =	strace $0x9FFFFFFF  }
0xc1: {  	(tm) =	ssettm $0x7FFFFFFF  }
tec
execute0_lowered:
.L_overlay_start_1:
0x0: {  	(tag) =	ssettag $0x1  }
0x1: {  	s0 =	rddreg [dreg:$0x0]  }
0x2: {  	s1 =	srdreg.scid;
	s2 =	simm.s32 $0x0;
	s4 =	stileid.u32  }
0x3: {  	s17 =	simm.s32 $0x5;
	s19 =	simm.s32 $0x50;
	s20 =	simm.s32 $0x4E200  }
0x4: {  	s31 =	simm.s32 $0x1;
	s28 =	simm.s32 $0x1A220;
	s1 =	sand.u32 $0x1, s1  }
0x5: {  	s30 =	simm.s32 $0x3;
	s18 =	simm.s32 $0x0;
	s3 =	sshll.u32 s1, $0x4  }
0x6: {  	[smem:$0x7FF] =	sst s2;
	s5 =	sadd.s32 $0x52400, s0;
	s8 =	sor.u32 s4, s3  }
0x7: {  	s6 =	sadd.s32 $0xA0800, s0;
	s7 =	sadd.s32 $0x13CC00, s0;
	s3 =	smul.u32 $0x2710, s8  }
0x8: {  	_ =	strace $0x80000047;
	s1 =	ssub.s32 $0x2, s1;
	s4 =	sadd.s32 $0x4200, s0  }
0x9: {  	s11 =	sshrl.u32 s1, $0x1;
	s12 =	smul.u32 $0x27100, s8;
	s9 =	sshrl.u32 s3, $0x3  }
0xa: {  	s8 =	sadd.s32 $0x19E800, s0;
	s21 =	ssub.s32 s1, s11;
	s24 =	sadd.s32 s6, s9  }
0xb: {  	s25 =	sshrl.u32 s12, $0x3;
	s26 =	sadd.s32 s7, s9;
	[dreg:$0x4] =	wrdreg s24  }
0xc: {  	s10 =	sadd.s32 s9, s0;
	s0 =	smax.u32 s21, $0x1;
	[dreg:$0x5] =	wrdreg s26  }
0xd: {  	s9 =	sadd.s32 $0xA, s9;
	s22 =	sadd.s32 $0x18AE00, s10;
	[dreg:$0x9] =	wrdreg s0  }
0xe: {  	s1 =	sadd.s32 s8, s25;
	s23 =	sadd.s32 $0x194A40, s10;
	[dreg:$0x2] =	wrdreg s22  }
0xf: {  	s21 =	simm.s32 $0x18E20;
	s29 =	sadd.s32 s6, s9;
	[dreg:$0x3] =	wrdreg s23  }
0x10: {  	v1 =	vlaneseq.u32;
	vm0 =	vmmov $0x1;
	vm1 =	vcmask $0x704;
	s25 =	simm.s32 $0x19320;
	s9 =	sadd.s32 s7, s9;
	[dreg:$0x6] =	wrdreg s29  }
0x11: {  	vm2 =	vcmask $0xB08;
	vm3 =	vcmask $0xF0C;
	vm4 =	vcmask $0x1310;
	s1 =	sadd.s32 $0x4D80, s1;
	s24 =	simm.s32 $0xEE20;
	[dreg:$0x7] =	wrdreg s9  }
0x12: {  	vm5 =	vcmask $0x1714;
	v0 =	vmul.u32 $0x50, v1;
	v1 =	vand.u32 $0x7, v1;
	s26 =	simm.s32 $0x19AA0;
	s0 =	simm.s32 $0x19D20;
	[dreg:$0x8] =	wrdreg s1  }
0x13: {  	vm6 =	vcmask $0x1B18;
	vm7 =	vcmask $0x1F1C;
	v1 =	vmul.u32 $0x50, v1;
	s22 =	simm.s32 $0x19820;
	s23 =	simm.s32 $0x4E20;
	s1 =	simm.s32 $0x2  }
.LBB2_1:
0x14: {  	s9 =	rddreg [dreg:$0x2]  }
0x15: {  	[tilespmem:s2], [sflag:$0x5] =	stream.linear.gather [hbm4b:s9+s2], $0x2710, $0x38;
	[tilespmem:$0x1A720] =	vst v63  }
0x16: {  	_ =	swait.ge [sflag:s17], $0x2710  }
0x17: {  	[sflag:s17] =	ssyncset.done $0x0  }
0x18: {  	s10 =	simm.s32 $0x2710;
	s29 =	rddreg [dreg:$0x3];
	[sflag:s17] =	ssyncadd.s32 $0xFFFFD8F0  }
0x19: {  	[tilespmem:s10], [sflag:$0x5] =	stream.linear.gather [hbm4b:s29+s2], $0x2710, $0x38;
	[tilespmem:$0x1A720] =	vst v63  }
0x1a: {  	_ =	swait.ge [sflag:s17], $0x2710  }
0x1b: {  	[sflag:s17] =	ssyncset.done $0x0  }
0x1c: {  	s11 =	rddreg [dreg:$0x4];
	[sflag:s17] =	ssyncadd.s32 $0xFFFFD8F0  }
0x1d: {  	[tilespmem:s21], [sflag:$0x1] =	stream.strided.gather [hbm4b:s11+s19], $0x500, s20, s19, $0x38;
	[tilespmem:$0x1A720] =	vst v63  }
0x1e: {  	s12 =	rddreg [dreg:$0x5]  }
0x1f: {  	[tilespmem:s22], [sflag:$0x1] =	stream.strided.gather [hbm4b:s12+s19], $0x280, s20, s19, $0x38;
	[tilespmem:$0x1A720] =	vst v63  }
0x20: {  	_ = 	snop  }
0x21: {  	[tilespmem:s23], [sflag:$0x1] =	stream.indirect.gather [hbm4b:s4+s19], $0x100, s2, s19, $0xb8;
	[tilespmem:$0x1A720] =	vst v63  }
0x22: {  	_ = 	snop  }
0x23: {  	[tilespmem:s24], [sflag:$0x1] =	stream.indirect.gather [hbm4b:s5+s19], $0x100, s10, s19, $0xb8;
	[tilespmem:$0x1A720] =	vst v63  }
0x24: {  	s13 =	rddreg [dreg:$0x6]  }
0x25: {  	[tilespmem:s25], [sflag:$0x2] =	stream.strided.gather [hbm4b:s13+s19], $0x500, s20, s19, $0x38;
	[tilespmem:$0x1A720] =	vst v63  }
0x26: {  	s14 =	rddreg [dreg:$0x7]  }
0x27: {  	[tilespmem:s26], [sflag:$0x2] =	stream.strided.gather [hbm4b:s14+s19], $0x280, s20, s19, $0x38;
	[tilespmem:$0x1A720] =	vst v63  }
0x28: {  	s15 =	simm.s32 $0x9E20  }
0x29: {  	[tilespmem:s15], [sflag:$0x2] =	stream.indirect.gather [hbm4b:s4+s19], $0x100, s19, s19, $0xb8;
	[tilespmem:$0x1A720] =	vst v63  }
0x2a: {  	s16 =	simm.s32 $0x2760;
	s9 =	simm.s32 $0x0;
	s29 =	simm.s32 $0x13E20  }
0x2b: {  	[tilespmem:s29], [sflag:$0x2] =	stream.indirect.gather [hbm4b:s5+s19], $0x100, s16, s19, $0xb8;
	[tilespmem:$0x1A720] =	vst v63  }
.LBB2_2:
0x2c: {  	_ =	swait.ge [sflag:s31], $0x500  }
0x2d: {  	[sflag:s31] =	ssyncset.done $0x0  }
0x2e: {  	[sflag:s31] =	ssyncadd.s32 $0xFFFFFB00  }
0x2f: {  	_ =	swait.ge [sflag:s31], $0x280  }
0x30: {  	[sflag:s31] =	ssyncset.done $0x0  }
0x31: {  	[sflag:s31] =	ssyncadd.s32 $0xFFFFFD80  }
0x32: {  	_ =	swait.ge [sflag:s31], $0x5000  }
0x33: {  	[sflag:s31] =	ssyncset.done $0x0  }
0x34: {  	[sflag:s31] =	ssyncadd.s32 $0xFFFFB000  }
0x35: {  	_ =	swait.ge [sflag:s31], $0x5000  }
0x36: {  	p0 =	seq.s32 s9, $0x0;
	[sflag:s31] =	ssyncset.done $0x0  }
0x37: {  	s10 =	smul.u32 $0xA0, s9;
	s13 =	simm.s32 @!p0 $0x3;
	[sflag:s31] =	ssyncadd.s32 $0xFFFFB000  }
0x38: {  	s11 =	sshll.u32 s9, $0x1;
	s14 =	simm.s32 $0x19D40;
	_ =	swait.ge @!p0 [sflag:s13], $0x500  }
0x39: {  	s15 =	simm.s32 $0x5020;
	s16 =	simm.s32 $0xF020;
	[sflag:s13] =	ssyncset.done @!p0 $0x0  }
0x3a: {  	s12 =	sadd.s32 s3, s10;
	[sflag:s13] =	ssyncadd.s32 @!p0 $0xFFFFFB00;
	s13 =	simm.s32 $0x3  }
.LBB2_3:
0x3b: {  	v4 =	vld [tilespmem:s15+$0xFFFFFE00]  }
0x3c: {  	v5 =	vld [tilespmem:s16+$0xFFFFFE00]  }
0x3d: {  	v6 =	vld [tilespmem:s15+$0xFFFFFE80]  }
0x3e: {  	v7 =	vld [tilespmem:s16+$0xFFFFFE80]  }
0x3f: {  	v8 =	vld [tilespmem:s15+$0xFFFFFE10]  }
0x40: {  	v9 =	vld [tilespmem:s16+$0xFFFFFE10]  }
0x41: {  	v10 =	vld [tilespmem:s15+$0xFFFFFE90]  }
0x42: {  	v11 =	vld [tilespmem:s16+$0xFFFFFE90]  }
0x43: {  	v12 =	vld [tilespmem:s15+$0xFFFFFE20]  }
0x44: {  	v13 =	vld [tilespmem:s16+$0xFFFFFE20]  }
0x45: {  	s29 =	sadd.s32 $0xFFFFFFFD, s13;
	v14 =	vld [tilespmem:s15+$0xFFFFFEA0]  }
0x46: {  	v15 =	vld [tilespmem:s16+$0xFFFFFEA0];
	v2 =	vmov s29  }
0x47: {  	v16 =	vld [tilespmem:s15+$0xFFFFFE30];
	v2 =	vand.u32 $0x7C, v2  }
0x48: {  	v17 =	vld [tilespmem:s16+$0xFFFFFE30];
	v3 =	vadd.s32 v0, v2  }
0x49: {  	v18 =	vld [tilespmem:s15+$0xFFFFFEB0]  }
0x4a: {  	v19 =	vld [tilespmem:s16+$0xFFFFFEB0]  }
0x4b: {  	v20 =	vld [tilespmem:s15+$0xFFFFFE40]  }
0x4c: {  	v21 =	vld [tilespmem:s16+$0xFFFFFE40]  }
0x4d: {  	v3 =	vld.idx.msk [tilespmem:v3+s21+$0x0], $0xffff  }
0x4e: {  	v22 =	vld [tilespmem:s15+$0xFFFFFEC0]  }
0x4f: {  	v23 =	vld [tilespmem:s16+$0xFFFFFEC0]  }
0x50: {  	v46 =	vld [tilespmem:s15+$0xFFFFFE50];
	v6 =	vadd.f32 v7, v6  }
0x51: {  	v24 =	vld [tilespmem:s16+$0xFFFFFE50]  }
0x52: {  	v49 =	vld [tilespmem:s15+$0xFFFFFED0];
	v4 =	vmul.f32 v5, v4;
	v48 =	vadd.f32 v11, v10;
	v47 =	vmul.f32 v6, v3  }
0x53: {  	v51 =	vld [tilespmem:s16+$0xFFFFFED0];
	v50 =	vadd.f32 v15, v14  }
0x54: {  	v53 =	vld [tilespmem:s15+$0xFFFFFE60];
	v52 =	vmul.f32 v9, v8;
	v6 =	vmul.f32 v48, v3;
	v4 =	vadd.f32 v47, v4  }
0x55: {  	v55 =	vld [tilespmem:s16+$0xFFFFFE60];
	v54 =	vmul.f32 v13, v12  }
0x56: {  	v58 =	vld [tilespmem:s15+$0xFFFFFEE0];
	v57 =	vadd.f32 v19, v18;
	v11 =	vmul.f32 v50, v3;
	v56 =	vadd.f32 v6, v52;
	(xrf2) =	vadd.scan.msk.f32 $0xffff, v4  }
0x57: {  	v59 =	vld [tilespmem:s16+$0xFFFFFEE0];
	v60 =	vmul.f32 v17, v16  }
0x58: {  	v62 =	vld [tilespmem:s15+$0xFFFFFEF0];
	v61 =	vadd.f32 v23, v22;
	v5 =	vmul.f32 v57, v3;
	v9 =	vadd.f32 v11, v54;
	(xrf2) =	vadd.scan.msk.f32 $0xffff, v56  }
0x59: {  	v63 =	vld [tilespmem:s16+$0xFFFFFEF0];
	v10 =	vadd.f32 v51, v49  }
0x5a: {  	v25 =	vld [tilespmem:s15+$0xFFFFFE70];
	v22 =	vmul.f32 v21, v20;
	v23 =	vmul.f32 v61, v3;
	v4 =	vadd.f32 v5, v60;
	(xrf2) =	vadd.scan.msk.f32 $0xffff, v9  }
0x5b: {  	v26 =	vld [tilespmem:s16+$0xFFFFFE70];
	v7 =	vmul.f32 v24, v46  }
0x5c: {  	v28 =	vadd.f32 v59, v58;
	v10 =	vmul.f32 v10, v3;
	v27 =	vadd.f32 v23, v22;
	(xrf2) =	vadd.scan.msk.f32 $0xffff, v4  }
0x5d: {  	v30 =	vmul.f32 v55, v53  }
0x5e: {  	v31 =	vadd.f32 v63, v62;
	v29 =	vadd.f32 v10, v7;
	v5 =	vmul.f32 v28, v3;
	(xrf2) =	vadd.scan.msk.f32 $0xffff, v27;
	_ =	sdelay $0x1  }
0x5f: {  	v33 =	vmul.f32 v26, v25;
	v3 =	vmul.f32 v31, v3;
	v4 =	vadd.f32 v5, v30;
	v32, _, _ =	vpop (xrf2);
	(xrf2) =	vadd.scan.msk.f32 $0xffff, v29  }
0x60: {  	v34 =	vbroadcast v32, $0xF  }
0x61: {  	v3 =	vadd.f32 v3, v33;
	v35, _, _ =	vpop (xrf2);
	(xrf2) =	vadd.scan.msk.f32 $0xffff, v4  }
0x62: {  	v37 =	vbroadcast v35, $0xF;
	v36 =	vnsel vm0, $0x0, v34  }
0x63: {  	v38, _, _ =	vpop (xrf2);
	(xrf2) =	vadd.scan.msk.f32 $0xffff, v3;
	v3 =	vadd.f32 $0.0e+00, v36  }
0x64: {  	v40 =	vbroadcast v38, $0xF;
	v39 =	vnsel vm1, $0x0, v37  }
0x65: {  	v41, _, _ =	vpop (xrf2);
	v3 =	vadd.f32 v39, v3  }
0x66: {  	v43 =	vbroadcast v41, $0xF;
	v42 =	vnsel vm2, $0x0, v40  }
0x67: {  	v44, _, _ =	vpop (xrf2);
	v3 =	vadd.f32 v42, v3  }
0x68: {  	v46 =	vbroadcast v44, $0xF;
	v45 =	vnsel vm3, $0x0, v43  }
0x69: {  	v2 =	vadd.s32 v1, v2;
	v47, _, _ =	vpop (xrf2);
	v3 =	vadd.f32 v45, v3  }
0x6a: {  	v48 =	vnsel vm4, $0x0, v46;
	v49 =	vbroadcast v47, $0xF  }
0x6b: {  	v50, _, _ =	vpop (xrf2);
	v3 =	vadd.f32 v48, v3  }
0x6c: {  	v52 =	vbroadcast v50, $0xF;
	v51 =	vnsel vm5, $0x0, v49  }
0x6d: {  	v53, _, _ =	vpop (xrf2);
	v3 =	vadd.f32 v51, v3  }
0x6e: {  	v2 =	vld.idx.msk [tilespmem:v2+s22+$0x0], $0xffff;
	v55 =	vbroadcast v53, $0xF;
	v54 =	vnsel vm6, $0x0, v52  }
0x6f: {  	v3 =	vadd.f32 v54, v3  }
0x70: {  	v56 =	vnsel vm7, $0x0, v55  }
0x71: {  	v3 =	vadd.f32 v56, v3;
	_ =	sdelay $0x1  }
0x72: {  	v2 =	vadd.f32 v3, v2;
	_ =	sdelay $0x1  }
0x73: {  	v2 =	vmul.f32 $2.500000000e-01, v2;
	_ =	sdelay $0x1  }
0x74: {  	v2 =	vmul.f32 $1.442695020e+00, v2;
	_ =	sdelay $0x1  }
0x75: {  	(erf) = vpow2.f32 v2;
	_ =	sdelay $0x2  }
0x76: {  	s29 =	sadd.s32 $0xFFFFFFFE, s13  }
0x77: {  	v2 =	vmov s29  }
0x78: {  	v2 =	vand.u32 $0x7D, v2  }
0x79: {  	v3 =	vadd.s32 v0, v2;
	_ =	sdelay $0x2  }
0x7a: {  	v57 =	vpop (erf)  }
0x7b: {  	[tilespmem:s14+$0xFFFFFFE0] =	vst v57  }
0x7c: {  	v3 =	vld.idx.msk [tilespmem:v3+s21+$0x0], $0xffff  }
0x7d: {  	v4 =	vld [tilespmem:s15+$0xFFFFFF00]  }
0x7e: {  	v58 =	vld [tilespmem:s16+$0xFFFFFF00]  }
0x7f: {  	v59 =	vld [tilespmem:s15+$0xFFFFFF80]  }
0x80: {  	v60 =	vld [tilespmem:s16+$0xFFFFFF80]  }
0x81: {  	v61 =	vld [tilespmem:s15+$0xFFFFFF10]  }
0x82: {  	v62 =	vld [tilespmem:s16+$0xFFFFFF10]  }
0x83: {  	v63 =	vld [tilespmem:s15+$0xFFFFFF90]  }
0x84: {  	v28 =	vld [tilespmem:s16+$0xFFFFFF90]  }
0x85: {  	v29 =	vld [tilespmem:s15+$0xFFFFFF20]  }
0x86: {  	v30 =	vld [tilespmem:s16+$0xFFFFFF20]  }
0x87: {  	v31 =	vld [tilespmem:s15+$0xFFFFFFA0]  }
0x88: {  	v32 =	vld [tilespmem:s16+$0xFFFFFFA0]  }
0x89: {  	v33 =	vld [tilespmem:s15+$0xFFFFFF30]  }
0x8a: {  	v34 =	vld [tilespmem:s16+$0xFFFFFF30]  }
0x8b: {  	v35 =	vld [tilespmem:s15+$0xFFFFFFB0]  }
0x8c: {  	v36 =	vld [tilespmem:s16+$0xFFFFFFB0]  }
0x8d: {  	v37 =	vld [tilespmem:s15+$0xFFFFFF40]  }
0x8e: {  	v38 =	vld [tilespmem:s16+$0xFFFFFF40]  }
0x8f: {  	v39 =	vld [tilespmem:s15+$0xFFFFFFC0]  }
0x90: {  	v40 =	vld [tilespmem:s16+$0xFFFFFFC0]  }
0x91: {  	v41 =	vld [tilespmem:s15+$0xFFFFFF50];
	v6 =	vadd.f32 v60, v59  }
0x92: {  	v42 =	vld [tilespmem:s16+$0xFFFFFF50]  }
0x93: {  	v45 =	vld [tilespmem:s15+$0xFFFFFFD0];
	v4 =	vmul.f32 v58, v4;
	v44 =	vadd.f32 v28, v63;
	v43 =	vmul.f32 v6, v3  }
0x94: {  	v47 =	vld [tilespmem:s16+$0xFFFFFFD0];
	v46 =	vadd.f32 v32, v31  }
0x95: {  	v49 =	vld [tilespmem:s15+$0xFFFFFF60];
	v48 =	vmul.f32 v62, v61;
	v6 =	vmul.f32 v44, v3;
	v4 =	vadd.f32 v43, v4  }
0x96: {  	v51 =	vld [tilespmem:s16+$0xFFFFFF60];
	v50 =	vmul.f32 v30, v29  }
0x97: {  	v54 =	vld [tilespmem:s15+$0xFFFFFFE0];
	v53 =	vadd.f32 v36, v35;
	v11 =	vmul.f32 v46, v3;
	v52 =	vadd.f32 v6, v48;
	(xrf2) =	vadd.scan.msk.f32 $0xffff, v4  }
0x98: {  	v55 =	vld [tilespmem:s16+$0xFFFFFFE0];
	v56 =	vmul.f32 v34, v33  }
0x99: {  	v57 =	vadd.f32 v40, v39;
	v58 =	vld [tilespmem:s15+$0xFFFFFFF0];
	v5 =	vmul.f32 v53, v3;
	v9 =	vadd.f32 v11, v50;
	(xrf2) =	vadd.scan.msk.f32 $0xffff, v52  }
0x9a: {  	v10 =	vadd.f32 v47, v45;
	v59 =	vld [tilespmem:s16+$0xFFFFFFF0]  }
0x9b: {  	v60 =	vmul.f32 v38, v37;
	v62 =	vld [tilespmem:s15+$0xFFFFFF70];
	v61 =	vmul.f32 v57, v3;
	v4 =	vadd.f32 v5, v56;
	(xrf2) =	vadd.scan.msk.f32 $0xffff, v9  }
0x9c: {  	v7 =	vmul.f32 v42, v41;
	v63 =	vld [tilespmem:s16+$0xFFFFFF70]  }
0x9d: {  	v19 =	vadd.f32 v55, v54;
	v10 =	vmul.f32 v10, v3;
	v18 =	vadd.f32 v61, v60;
	(xrf2) =	vadd.scan.msk.f32 $0xffff, v4  }
0x9e: {  	v21 =	vmul.f32 v51, v49  }
0x9f: {  	v20 =	vadd.f32 v10, v7;
	v22 =	vadd.f32 v59, v58;
	v5 =	vmul.f32 v19, v3;
	(xrf2) =	vadd.scan.msk.f32 $0xffff, v18;
	_ =	sdelay $0x1  }
0xa0: {  	v24 =	vmul.f32 v63, v62;
	v3 =	vmul.f32 v22, v3;
	v4 =	vadd.f32 v5, v21;
	v23, _, _ =	vpop (xrf2);
	(xrf2) =	vadd.scan.msk.f32 $0xffff, v20  }
0xa1: {  	v25 =	vbroadcast v23, $0xF  }
0xa2: {  	v3 =	vadd.f32 v3, v24;
	v26, _, _ =	vpop (xrf2);
	(xrf2) =	vadd.scan.msk.f32 $0xffff, v4  }
0xa3: {  	v28 =	vbroadcast v26, $0xF;
	v27 =	vnsel vm0, $0x0, v25  }
0xa4: {  	v29, _, _ =	vpop (xrf2);
	(xrf2) =	vadd.scan.msk.f32 $0xffff, v3;
	v3 =	vadd.f32 $0.0e+00, v27  }
0xa5: {  	v31 =	vbroadcast v29, $0xF;
	v30 =	vnsel vm1, $0x0, v28  }
0xa6: {  	v32, _, _ =	vpop (xrf2);
	v3 =	vadd.f32 v30, v3  }
0xa7: {  	v34 =	vbroadcast v32, $0xF;
	v33 =	vnsel vm2, $0x0, v31  }
0xa8: {  	v35, _, _ =	vpop (xrf2);
	v3 =	vadd.f32 v33, v3  }
0xa9: {  	v37 =	vbroadcast v35, $0xF;
	v36 =	vnsel vm3, $0x0, v34  }
0xaa: {  	v2 =	vadd.s32 v1, v2;
	v38, _, _ =	vpop (xrf2);
	v3 =	vadd.f32 v36, v3  }
0xab: {  	v39 =	vnsel vm4, $0x0, v37;
	v40 =	vbroadcast v38, $0xF  }
0xac: {  	v41, _, _ =	vpop (xrf2);
	v3 =	vadd.f32 v39, v3  }
0xad: {  	v43 =	vbroadcast v41, $0xF;
	v42 =	vnsel vm5, $0x0, v40  }
0xae: {  	v44, _, _ =	vpop (xrf2);
	v3 =	vadd.f32 v42, v3  }
0xaf: {  	v2 =	vld.idx.msk [tilespmem:v2+s22+$0x0], $0xffff;
	v46 =	vbroadcast v44, $0xF;
	v45 =	vnsel vm6, $0x0, v43  }
0xb0: {  	v3 =	vadd.f32 v45, v3  }
0xb1: {  	v47 =	vnsel vm7, $0x0, v46  }
0xb2: {  	v3 =	vadd.f32 v47, v3;
	_ =	sdelay $0x1  }
0xb3: {  	v2 =	vadd.f32 v3, v2;
	_ =	sdelay $0x1  }
0xb4: {  	v2 =	vmul.f32 $2.500000000e-01, v2;
	_ =	sdelay $0x1  }
0xb5: {  	v2 =	vmul.f32 $1.442695020e+00, v2;
	_ =	sdelay $0x1  }
0xb6: {  	(erf) = vpow2.f32 v2;
	_ =	sdelay $0x2  }
0xb7: {  	s29 =	sadd.s32 $0xFFFFFFFF, s13  }
0xb8: {  	v2 =	vmov s29  }
0xb9: {  	v2 =	vand.u32 $0x7E, v2  }
0xba: {  	v3 =	vadd.s32 v0, v2;
	_ =	sdelay $0x2  }
0xbb: {  	v48 =	vpop (erf)  }
0xbc: {  	[tilespmem:s14+$0xFFFFFFF0] =	vst v48  }
0xbd: {  	v3 =	vld.idx.msk [tilespmem:v3+s21+$0x0], $0xffff  }
0xbe: {  	v4 =	vld [tilespmem:s15+$0x0]  }
0xbf: {  	v49 =	vld [tilespmem:s16+$0x0]  }
0xc0: {  	v50 =	vld [tilespmem:s15+$0x80]  }
0xc1: {  	v51 =	vld [tilespmem:s16+$0x80]  }
0xc2: {  	v52 =	vld [tilespmem:s15+$0x10]  }
0xc3: {  	v53 =	vld [tilespmem:s16+$0x10]  }
0xc4: {  	v54 =	vld [tilespmem:s15+$0x90]  }
0xc5: {  	v55 =	vld [tilespmem:s16+$0x90]  }
0xc6: {  	v56 =	vld [tilespmem:s15+$0x20]  }
0xc7: {  	v57 =	vld [tilespmem:s16+$0x20]  }
0xc8: {  	v58 =	vld [tilespmem:s15+$0xA0]  }
0xc9: {  	v59 =	vld [tilespmem:s16+$0xA0]  }
0xca: {  	v60 =	vld [tilespmem:s15+$0x30]  }
0xcb: {  	v61 =	vld [tilespmem:s16+$0x30]  }
0xcc: {  	v62 =	vld [tilespmem:s15+$0xB0]  }
0xcd: {  	v63 =	vld [tilespmem:s16+$0xB0]  }
0xce: {  	v28 =	vld [tilespmem:s15+$0x40]  }
0xcf: {  	v29 =	vld [tilespmem:s16+$0x40]  }
0xd0: {  	v30 =	vld [tilespmem:s15+$0xC0]  }
0xd1: {  	v31 =	vld [tilespmem:s16+$0xC0]  }
0xd2: {  	v32 =	vld [tilespmem:s15+$0x50];
	v6 =	vadd.f32 v51, v50  }
0xd3: {  	v33 =	vld [tilespmem:s16+$0x50]  }
0xd4: {  	v36 =	vld [tilespmem:s15+$0xD0];
	v4 =	vmul.f32 v49, v4;
	v35 =	vadd.f32 v55, v54;
	v34 =	vmul.f32 v6, v3  }
0xd5: {  	v38 =	vld [tilespmem:s16+$0xD0];
	v37 =	vadd.f32 v59, v58  }
0xd6: {  	v40 =	vld [tilespmem:s15+$0x60];
	v39 =	vmul.f32 v53, v52;
	v6 =	vmul.f32 v35, v3;
	v4 =	vadd.f32 v34, v4  }
0xd7: {  	v42 =	vld [tilespmem:s16+$0x60];
	v41 =	vmul.f32 v57, v56  }
0xd8: {  	v45 =	vld [tilespmem:s15+$0xE0];
	v44 =	vadd.f32 v63, v62;
	v11 =	vmul.f32 v37, v3;
	v43 =	vadd.f32 v6, v39;
	(xrf2) =	vadd.scan.msk.f32 $0xffff, v4  }
0xd9: {  	v46 =	vld [tilespmem:s16+$0xE0];
	v47 =	vmul.f32 v61, v60  }
0xda: {  	v48 =	vadd.f32 v31, v30;
	v49 =	vld [tilespmem:s15+$0xF0];
	v5 =	vmul.f32 v44, v3;
	v9 =	vadd.f32 v11, v41;
	(xrf2) =	vadd.scan.msk.f32 $0xffff, v43  }
0xdb: {  	v10 =	vadd.f32 v38, v36;
	v50 =	vld [tilespmem:s16+$0xF0]  }
0xdc: {  	v51 =	vmul.f32 v29, v28;
	v53 =	vld [tilespmem:s15+$0x70];
	v52 =	vmul.f32 v48, v3;
	v4 =	vadd.f32 v5, v47;
	(xrf2) =	vadd.scan.msk.f32 $0xffff, v9  }
0xdd: {  	v7 =	vmul.f32 v33, v32;
	v54 =	vld [tilespmem:s16+$0x70]  }
0xde: {  	v56 =	vadd.f32 v46, v45;
	v10 =	vmul.f32 v10, v3;
	v55 =	vadd.f32 v52, v51;
	(xrf2) =	vadd.scan.msk.f32 $0xffff, v4  }
0xdf: {  	v58 =	vmul.f32 v42, v40  }
0xe0: {  	v57 =	vadd.f32 v10, v7;
	v59 =	vadd.f32 v50, v49;
	v5 =	vmul.f32 v56, v3;
	(xrf2) =	vadd.scan.msk.f32 $0xffff, v55;
	_ =	sdelay $0x1  }
0xe1: {  	v61 =	vmul.f32 v54, v53;
	v3 =	vmul.f32 v59, v3;
	v4 =	vadd.f32 v5, v58;
	v60, _, _ =	vpop (xrf2);
	(xrf2) =	vadd.scan.msk.f32 $0xffff, v57  }
0xe2: {  	v62 =	vbroadcast v60, $0xF  }
0xe3: {  	v3 =	vadd.f32 v3, v61;
	v63, _, _ =	vpop (xrf2);
	(xrf2) =	vadd.scan.msk.f32 $0xffff, v4  }
0xe4: {  	v10 =	vbroadcast v63, $0xF;
	v9 =	vnsel vm0, $0x0, v62  }
0xe5: {  	v11, _, _ =	vpop (xrf2);
	(xrf2) =	vadd.scan.msk.f32 $0xffff, v3;
	v3 =	vadd.f32 $0.0e+00, v9  }
0xe6: {  	v13 =	vbroadcast v11, $0xF;
	v12 =	vnsel vm1, $0x0, v10  }
0xe7: {  	v14, _, _ =	vpop (xrf2);
	v3 =	vadd.f32 v12, v3  }
0xe8: {  	v16 =	vbroadcast v14, $0xF;
	v15 =	vnsel vm2, $0x0, v13  }
0xe9: {  	v17, _, _ =	vpop (xrf2);
	v3 =	vadd.f32 v15, v3  }
0xea: {  	v19 =	vbroadcast v17, $0xF;
	v18 =	vnsel vm3, $0x0, v16  }
0xeb: {  	v2 =	vadd.s32 v1, v2;
	v20, _, _ =	vpop (xrf2);
	v3 =	vadd.f32 v18, v3  }
0xec: {  	v21 =	vnsel vm4, $0x0, v19;
	v22 =	vbroadcast v20, $0xF  }
0xed: {  	v23, _, _ =	vpop (xrf2);
	v3 =	vadd.f32 v21, v3  }
0xee: {  	v25 =	vbroadcast v23, $0xF;
	v24 =	vnsel vm5, $0x0, v22  }
0xef: {  	v26, _, _ =	vpop (xrf2);
	v3 =	vadd.f32 v24, v3  }
0xf0: {  	v2 =	vld.idx.msk [tilespmem:v2+s22+$0x0], $0xffff;
	v28 =	vbroadcast v26, $0xF;
	v27 =	vnsel vm6, $0x0, v25  }
0xf1: {  	v3 =	vadd.f32 v27, v3  }
0xf2: {  	v29 =	vnsel vm7, $0x0, v28  }
0xf3: {  	v3 =	vadd.f32 v29, v3;
	_ =	sdelay $0x1  }
0xf4: {  	v2 =	vadd.f32 v3, v2;
	_ =	sdelay $0x1  }
0xf5: {  	v2 =	vmul.f32 $2.500000000e-01, v2;
	_ =	sdelay $0x1  }
0xf6: {  	v2 =	vmul.f32 $1.442695020e+00, v2;
	_ =	sdelay $0x1  }
0xf7: {  	(erf) = vpow2.f32 v2;
	_ =	sdelay $0x3  }
0xf8: {  	v2 =	vmov s13  }
0xf9: {  	v2 =	vand.u32 $0x7F, v2  }
0xfa: {  	v3 =	vadd.s32 v0, v2;
	_ =	sdelay $0x2  }
0xfb: {  	v30 =	vpop (erf)  }
0xfc: {  	[tilespmem:s14+$0x0] =	vst v30  }
0xfd: {  	v3 =	vld.idx.msk [tilespmem:v3+s21+$0x0], $0xffff  }
0xfe: {  	v4 =	vld [tilespmem:s15+$0x100]  }
0xff: {  	v31 =	vld [tilespmem:s16+$0x100]  }
0x100: {  	v32 =	vld [tilespmem:s15+$0x180]  }
0x101: {  	v33 =	vld [tilespmem:s16+$0x180]  }
0x102: {  	v34 =	vld [tilespmem:s15+$0x110]  }
0x103: {  	v35 =	vld [tilespmem:s16+$0x110]  }
0x104: {  	v36 =	vld [tilespmem:s15+$0x190]  }
0x105: {  	v37 =	vld [tilespmem:s16+$0x190]  }
0x106: {  	v38 =	vld [tilespmem:s15+$0x120]  }
0x107: {  	v39 =	vld [tilespmem:s16+$0x120]  }
0x108: {  	v40 =	vld [tilespmem:s15+$0x1A0]  }
0x109: {  	v41 =	vld [tilespmem:s16+$0x1A0]  }
0x10a: {  	v42 =	vld [tilespmem:s15+$0x130]  }
0x10b: {  	v43 =	vld [tilespmem:s16+$0x130]  }
0x10c: {  	v44 =	vld [tilespmem:s15+$0x1B0]  }
0x10d: {  	v45 =	vld [tilespmem:s16+$0x1B0]  }
0x10e: {  	v46 =	vld [tilespmem:s15+$0x140]  }
0x10f: {  	v47 =	vld [tilespmem:s16+$0x140]  }
0x110: {  	v48 =	vld [tilespmem:s15+$0x1C0]  }
0x111: {  	v49 =	vld [tilespmem:s16+$0x1C0]  }
0x112: {  	v50 =	vld [tilespmem:s15+$0x150];
	v6 =	vadd.f32 v33, v32  }
0x113: {  	v51 =	vld [tilespmem:s16+$0x150]  }
0x114: {  	v54 =	vld [tilespmem:s15+$0x1D0];
	v4 =	vmul.f32 v31, v4;
	v53 =	vadd.f32 v37, v36;
	v52 =	vmul.f32 v6, v3  }
0x115: {  	v56 =	vld [tilespmem:s16+$0x1D0];
	v55 =	vadd.f32 v41, v40  }
0x116: {  	v58 =	vld [tilespmem:s15+$0x160];
	v57 =	vmul.f32 v35, v34;
	v6 =	vmul.f32 v53, v3;
	v4 =	vadd.f32 v52, v4  }
0x117: {  	v60 =	vld [tilespmem:s16+$0x160];
	v59 =	vmul.f32 v39, v38  }
0x118: {  	v63 =	vld [tilespmem:s15+$0x1E0];
	v62 =	vadd.f32 v45, v44;
	v11 =	vmul.f32 v55, v3;
	v61 =	vadd.f32 v6, v57;
	(xrf2) =	vadd.scan.msk.f32 $0xffff, v4  }
0x119: {  	v25 =	vld [tilespmem:s16+$0x1E0];
	v26 =	vmul.f32 v43, v42  }
0x11a: {  	v28 =	vld [tilespmem:s15+$0x1F0];
	v27 =	vadd.f32 v49, v48;
	v5 =	vmul.f32 v62, v3;
	v9 =	vadd.f32 v11, v59;
	(xrf2) =	vadd.scan.msk.f32 $0xffff, v61  }
0x11b: {  	v29 =	vld [tilespmem:s16+$0x1F0];
	v10 =	vadd.f32 v56, v54  }
0x11c: {  	v30 =	vmul.f32 v47, v46;
	v32 =	vld [tilespmem:s15+$0x170];
	v31 =	vmul.f32 v27, v3;
	v4 =	vadd.f32 v5, v26;
	(xrf2) =	vadd.scan.msk.f32 $0xffff, v9  }
0x11d: {  	v7 =	vmul.f32 v51, v50;
	v33 =	vld [tilespmem:s16+$0x170]  }
0x11e: {  	v35 =	vadd.f32 v25, v63;
	v10 =	vmul.f32 v10, v3;
	v34 =	vadd.f32 v31, v30;
	(xrf2) =	vadd.scan.msk.f32 $0xffff, v4  }
0x11f: {  	v37 =	vmul.f32 v60, v58  }
0x120: {  	v38 =	vadd.f32 v29, v28;
	v36 =	vadd.f32 v10, v7;
	v5 =	vmul.f32 v35, v3;
	(xrf2) =	vadd.scan.msk.f32 $0xffff, v34;
	_ =	sdelay $0x1  }
0x121: {  	v40 =	vmul.f32 v33, v32;
	v3 =	vmul.f32 v38, v3;
	v4 =	vadd.f32 v5, v37;
	v39, _, _ =	vpop (xrf2);
	(xrf2) =	vadd.scan.msk.f32 $0xffff, v36  }
0x122: {  	v41 =	vbroadcast v39, $0xF  }
0x123: {  	v3 =	vadd.f32 v3, v40;
	v42, _, _ =	vpop (xrf2);
	(xrf2) =	vadd.scan.msk.f32 $0xffff, v4  }
0x124: {  	v44 =	vbroadcast v42, $0xF;
	v43 =	vnsel vm0, $0x0, v41  }
0x125: {  	v45, _, _ =	vpop (xrf2);
	(xrf2) =	vadd.scan.msk.f32 $0xffff, v3;
	v3 =	vadd.f32 $0.0e+00, v43  }
0x126: {  	v47 =	vbroadcast v45, $0xF;
	v46 =	vnsel vm1, $0x0, v44  }
0x127: {  	v48, _, _ =	vpop (xrf2);
	v3 =	vadd.f32 v46, v3  }
0x128: {  	v50 =	vbroadcast v48, $0xF;
	v49 =	vnsel vm2, $0x0, v47  }
0x129: {  	v51, _, _ =	vpop (xrf2);
	v3 =	vadd.f32 v49, v3  }
0x12a: {  	v53 =	vbroadcast v51, $0xF;
	v52 =	vnsel vm3, $0x0, v50  }
0x12b: {  	v2 =	vadd.s32 v1, v2;
	v54, _, _ =	vpop (xrf2);
	v3 =	vadd.f32 v52, v3  }
0x12c: {  	v55 =	vnsel vm4, $0x0, v53;
	v56 =	vbroadcast v54, $0xF  }
0x12d: {  	v57, _, _ =	vpop (xrf2);
	v3 =	vadd.f32 v55, v3  }
0x12e: {  	v59 =	vbroadcast v57, $0xF;
	v58 =	vnsel vm5, $0x0, v56  }
0x12f: {  	v60, _, _ =	vpop (xrf2);
	v3 =	vadd.f32 v58, v3  }
0x130: {  	v2 =	vld.idx.msk [tilespmem:v2+s22+$0x0], $0xffff;
	v62 =	vbroadcast v60, $0xF;
	v61 =	vnsel vm6, $0x0, v59  }
0x131: {  	v3 =	vadd.f32 v61, v3  }
0x132: {  	v63 =	vnsel vm7, $0x0, v62  }
0x133: {  	v3 =	vadd.f32 v63, v3;
	_ =	sdelay $0x1  }
0x134: {  	v2 =	vadd.f32 v3, v2;
	_ =	sdelay $0x1  }
0x135: {  	v2 =	vmul.f32 $2.500000000e-01, v2;
	_ =	sdelay $0x1  }
0x136: {  	v2 =	vmul.f32 $1.442695020e+00, v2;
	_ =	sdelay $0x1  }
0x137: {  	(erf) = vpow2.f32 v2;
	_ =	sdelay $0x4  }
0x138: {  	p1 =	sne.s32 s13, $0x4F  }
.Ltmp0:
0x139: {  	_ = 	snop;
	(pc) =	sbr.rel @p1 .LBB2_3-.Ltmp0, $3  }
0x13a: {  	_ =	sdelay $0x1  }
0x13b: {  	s13 =	sadd.s32 $0x4, s13;
	v2 =	vpop (erf)  }
0x13c: {  	s15 =	sadd.s32 $0x400, s15;
	s16 =	sadd.s32 $0x400, s16;
	[tilespmem:s14+$0x10] =	vst v2;
	s14 =	sadd.s32 $0x40, s14  }
0x13d: {  	s12 =	sshll.u32 s12, $0x1;
	s15 =	sadd.s32 $0xA0, s10  }
0x13e: {  	s12 =	sadd.s32 s8, s12;
	s13 =	sadd.s32 s3, s15  }
0x13f: {  	[hbm4b:s12+s2] =	stream.linear.scatter [tilespmem:s0], [sflag:$0x3], $0x500, $0x38;
	[tilespmem:$0x1A720] =	vst v63  }
0x140: {  	s13 =	sshrl.u32 s13, $0x3  }
0x141: {  	s14 =	sadd.s32 s6, s13  }
0x142: {  	[tilespmem:s21], [sflag:$0x1] =	stream.strided.gather [hbm4b:s14+s19], $0x500, s20, s19, $0x38;
	[tilespmem:$0x1A720] =	vst v63  }
0x143: {  	s13 =	sadd.s32 s7, s13  }
0x144: {  	[tilespmem:s22], [sflag:$0x1] =	stream.strided.gather [hbm4b:s13+s19], $0x280, s20, s19, $0x38;
	[tilespmem:$0x1A720] =	vst v63  }
0x145: {  	_ = 	snop  }
0x146: {  	[tilespmem:s23], [sflag:$0x1] =	stream.indirect.gather [hbm4b:s4+s19], $0x100, s15, s19, $0xb8;
	[tilespmem:$0x1A720] =	vst v63  }
0x147: {  	s16 =	sadd.s32 $0x27B0, s10  }
0x148: {  	[tilespmem:s24], [sflag:$0x1] =	stream.indirect.gather [hbm4b:s5+s19], $0x100, s16, s19, $0xb8;
	[tilespmem:$0x1A720] =	vst v63  }
0x149: {  	_ =	swait.ge [sflag:s1], $0x500  }
0x14a: {  	[sflag:s1] =	ssyncset.done $0x0  }
0x14b: {  	[sflag:s1] =	ssyncadd.s32 $0xFFFFFB00  }
0x14c: {  	_ =	swait.ge [sflag:s1], $0x280  }
0x14d: {  	[sflag:s1] =	ssyncset.done $0x0  }
0x14e: {  	[sflag:s1] =	ssyncadd.s32 $0xFFFFFD80  }
0x14f: {  	_ =	swait.ge [sflag:s1], $0x5000  }
0x150: {  	[sflag:s1] =	ssyncset.done $0x0  }
0x151: {  	[sflag:s1] =	ssyncadd.s32 $0xFFFFB000  }
0x152: {  	s11 =	sor.u32 $0x1, s11;
	_ =	swait.ge [sflag:s1], $0x5000  }
0x153: {  	s29 =	smul.u32 $0x50, s11;
	[sflag:s1] =	ssyncset.done $0x0  }
0x154: {  	s13 =	simm.s32 @!p0 $0x4;
	[sflag:s1] =	ssyncadd.s32 $0xFFFFB000  }
0x155: {  	s12 =	sadd.s32 s3, s29;
	_ =	swait.ge @!p0 [sflag:s13], $0x500  }
0x156: {  	s14 =	simm.s32 $0x1A240;
	s15 =	simm.s32 $0xA020;
	[sflag:s13] =	ssyncset.done @!p0 $0x0  }
0x157: {  	s16 =	simm.s32 $0x14020;
	[sflag:s13] =	ssyncadd.s32 @!p0 $0xFFFFFB00;
	s13 =	simm.s32 $0x3  }
.LBB2_5:
0x158: {  	v4 =	vld [tilespmem:s15+$0xFFFFFE00]  }
0x159: {  	v5 =	vld [tilespmem:s16+$0xFFFFFE00]  }
0x15a: {  	v6 =	vld [tilespmem:s15+$0xFFFFFE80]  }
0x15b: {  	v7 =	vld [tilespmem:s16+$0xFFFFFE80]  }
0x15c: {  	v8 =	vld [tilespmem:s15+$0xFFFFFE10]  }
0x15d: {  	v9 =	vld [tilespmem:s16+$0xFFFFFE10]  }
0x15e: {  	v10 =	vld [tilespmem:s15+$0xFFFFFE90]  }
0x15f: {  	v11 =	vld [tilespmem:s16+$0xFFFFFE90]  }
0x160: {  	v12 =	vld [tilespmem:s15+$0xFFFFFE20]  }
0x161: {  	v13 =	vld [tilespmem:s16+$0xFFFFFE20]  }
0x162: {  	s29 =	sadd.s32 $0xFFFFFFFD, s13;
	v14 =	vld [tilespmem:s15+$0xFFFFFEA0]  }
0x163: {  	v15 =	vld [tilespmem:s16+$0xFFFFFEA0];
	v2 =	vmov s29  }
0x164: {  	v16 =	vld [tilespmem:s15+$0xFFFFFE30];
	v2 =	vand.u32 $0x7C, v2  }
0x165: {  	v17 =	vld [tilespmem:s16+$0xFFFFFE30];
	v3 =	vadd.s32 v0, v2  }
0x166: {  	v18 =	vld [tilespmem:s15+$0xFFFFFEB0]  }
0x167: {  	v19 =	vld [tilespmem:s16+$0xFFFFFEB0]  }
0x168: {  	v20 =	vld [tilespmem:s15+$0xFFFFFE40]  }
0x169: {  	v21 =	vld [tilespmem:s16+$0xFFFFFE40]  }
0x16a: {  	v3 =	vld.idx.msk [tilespmem:v3+s25+$0x0], $0xffff  }
0x16b: {  	v22 =	vld [tilespmem:s15+$0xFFFFFEC0]  }
0x16c: {  	v23 =	vld [tilespmem:s16+$0xFFFFFEC0]  }
0x16d: {  	v46 =	vld [tilespmem:s15+$0xFFFFFE50];
	v6 =	vadd.f32 v7, v6  }
0x16e: {  	v24 =	vld [tilespmem:s16+$0xFFFFFE50]  }
0x16f: {  	v49 =	vld [tilespmem:s15+$0xFFFFFED0];
	v4 =	vmul.f32 v5, v4;
	v48 =	vadd.f32 v11, v10;
	v47 =	vmul.f32 v6, v3  }
0x170: {  	v51 =	vld [tilespmem:s16+$0xFFFFFED0];
	v50 =	vadd.f32 v15, v14  }
0x171: {  	v53 =	vld [tilespmem:s15+$0xFFFFFE60];
	v52 =	vmul.f32 v9, v8;
	v6 =	vmul.f32 v48, v3;
	v4 =	vadd.f32 v47, v4  }
0x172: {  	v55 =	vld [tilespmem:s16+$0xFFFFFE60];
	v54 =	vmul.f32 v13, v12  }
0x173: {  	v58 =	vld [tilespmem:s15+$0xFFFFFEE0];
	v57 =	vadd.f32 v19, v18;
	v11 =	vmul.f32 v50, v3;
	v56 =	vadd.f32 v6, v52;
	(xrf2) =	vadd.scan.msk.f32 $0xffff, v4  }
0x174: {  	v59 =	vld [tilespmem:s16+$0xFFFFFEE0];
	v60 =	vmul.f32 v17, v16  }
0x175: {  	v62 =	vld [tilespmem:s15+$0xFFFFFEF0];
	v61 =	vadd.f32 v23, v22;
	v5 =	vmul.f32 v57, v3;
	v9 =	vadd.f32 v11, v54;
	(xrf2) =	vadd.scan.msk.f32 $0xffff, v56  }
0x176: {  	v63 =	vld [tilespmem:s16+$0xFFFFFEF0];
	v10 =	vadd.f32 v51, v49  }
0x177: {  	v25 =	vld [tilespmem:s15+$0xFFFFFE70];
	v22 =	vmul.f32 v21, v20;
	v23 =	vmul.f32 v61, v3;
	v4 =	vadd.f32 v5, v60;
	(xrf2) =	vadd.scan.msk.f32 $0xffff, v9  }
0x178: {  	v26 =	vld [tilespmem:s16+$0xFFFFFE70];
	v7 =	vmul.f32 v24, v46  }
0x179: {  	v28 =	vadd.f32 v59, v58;
	v10 =	vmul.f32 v10, v3;
	v27 =	vadd.f32 v23, v22;
	(xrf2) =	vadd.scan.msk.f32 $0xffff, v4  }
0x17a: {  	v30 =	vmul.f32 v55, v53  }
0x17b: {  	v31 =	vadd.f32 v63, v62;
	v29 =	vadd.f32 v10, v7;
	v5 =	vmul.f32 v28, v3;
	(xrf2) =	vadd.scan.msk.f32 $0xffff, v27;
	_ =	sdelay $0x1  }
0x17c: {  	v33 =	vmul.f32 v26, v25;
	v3 =	vmul.f32 v31, v3;
	v4 =	vadd.f32 v5, v30;
	v32, _, _ =	vpop (xrf2);
	(xrf2) =	vadd.scan.msk.f32 $0xffff, v29  }
0x17d: {  	v34 =	vbroadcast v32, $0xF  }
0x17e: {  	v3 =	vadd.f32 v3, v33;
	v35, _, _ =	vpop (xrf2);
	(xrf2) =	vadd.scan.msk.f32 $0xffff, v4  }
0x17f: {  	v37 =	vbroadcast v35, $0xF;
	v36 =	vnsel vm0, $0x0, v34  }
0x180: {  	v38, _, _ =	vpop (xrf2);
	(xrf2) =	vadd.scan.msk.f32 $0xffff, v3;
	v3 =	vadd.f32 $0.0e+00, v36  }
0x181: {  	v40 =	vbroadcast v38, $0xF;
	v39 =	vnsel vm1, $0x0, v37  }
0x182: {  	v41, _, _ =	vpop (xrf2);
	v3 =	vadd.f32 v39, v3  }
0x183: {  	v43 =	vbroadcast v41, $0xF;
	v42 =	vnsel vm2, $0x0, v40  }
0x184: {  	v44, _, _ =	vpop (xrf2);
	v3 =	vadd.f32 v42, v3  }
0x185: {  	v46 =	vbroadcast v44, $0xF;
	v45 =	vnsel vm3, $0x0, v43  }
0x186: {  	v2 =	vadd.s32 v1, v2;
	v47, _, _ =	vpop (xrf2);
	v3 =	vadd.f32 v45, v3  }
0x187: {  	v48 =	vnsel vm4, $0x0, v46;
	v49 =	vbroadcast v47, $0xF  }
0x188: {  	v50, _, _ =	vpop (xrf2);
	v3 =	vadd.f32 v48, v3  }
0x189: {  	v52 =	vbroadcast v50, $0xF;
	v51 =	vnsel vm5, $0x0, v49  }
0x18a: {  	v53, _, _ =	vpop (xrf2);
	v3 =	vadd.f32 v51, v3  }
0x18b: {  	v2 =	vld.idx.msk [tilespmem:v2+s26+$0x0], $0xffff;
	v55 =	vbroadcast v53, $0xF;
	v54 =	vnsel vm6, $0x0, v52  }
0x18c: {  	v3 =	vadd.f32 v54, v3  }
0x18d: {  	v56 =	vnsel vm7, $0x0, v55  }
0x18e: {  	v3 =	vadd.f32 v56, v3;
	_ =	sdelay $0x1  }
0x18f: {  	v2 =	vadd.f32 v3, v2;
	_ =	sdelay $0x1  }
0x190: {  	v2 =	vmul.f32 $2.500000000e-01, v2;
	_ =	sdelay $0x1  }
0x191: {  	v2 =	vmul.f32 $1.442695020e+00, v2;
	_ =	sdelay $0x1  }
0x192: {  	(erf) = vpow2.f32 v2;
	_ =	sdelay $0x2  }
0x193: {  	s29 =	sadd.s32 $0xFFFFFFFE, s13  }
0x194: {  	v2 =	vmov s29  }
0x195: {  	v2 =	vand.u32 $0x7D, v2  }
0x196: {  	v3 =	vadd.s32 v0, v2;
	_ =	sdelay $0x2  }
0x197: {  	v57 =	vpop (erf)  }
0x198: {  	[tilespmem:s14+$0xFFFFFFE0] =	vst v57  }
0x199: {  	v3 =	vld.idx.msk [tilespmem:v3+s25+$0x0], $0xffff  }
0x19a: {  	v4 =	vld [tilespmem:s15+$0xFFFFFF00]  }
0x19b: {  	v58 =	vld [tilespmem:s16+$0xFFFFFF00]  }
0x19c: {  	v59 =	vld [tilespmem:s15+$0xFFFFFF80]  }
0x19d: {  	v60 =	vld [tilespmem:s16+$0xFFFFFF80]  }
0x19e: {  	v61 =	vld [tilespmem:s15+$0xFFFFFF10]  }
0x19f: {  	v62 =	vld [tilespmem:s16+$0xFFFFFF10]  }
0x1a0: {  	v63 =	vld [tilespmem:s15+$0xFFFFFF90]  }
0x1a1: {  	v28 =	vld [tilespmem:s16+$0xFFFFFF90]  }
0x1a2: {  	v29 =	vld [tilespmem:s15+$0xFFFFFF20]  }
0x1a3: {  	v30 =	vld [tilespmem:s16+$0xFFFFFF20]  }
0x1a4: {  	v31 =	vld [tilespmem:s15+$0xFFFFFFA0]  }
0x1a5: {  	v32 =	vld [tilespmem:s16+$0xFFFFFFA0]  }
0x1a6: {  	v33 =	vld [tilespmem:s15+$0xFFFFFF30]  }
0x1a7: {  	v34 =	vld [tilespmem:s16+$0xFFFFFF30]  }
0x1a8: {  	v35 =	vld [tilespmem:s15+$0xFFFFFFB0]  }
0x1a9: {  	v36 =	vld [tilespmem:s16+$0xFFFFFFB0]  }
0x1aa: {  	v37 =	vld [tilespmem:s15+$0xFFFFFF40]  }
0x1ab: {  	v38 =	vld [tilespmem:s16+$0xFFFFFF40]  }
0x1ac: {  	v39 =	vld [tilespmem:s15+$0xFFFFFFC0]  }
0x1ad: {  	v40 =	vld [tilespmem:s16+$0xFFFFFFC0]  }
0x1ae: {  	v41 =	vld [tilespmem:s15+$0xFFFFFF50];
	v6 =	vadd.f32 v60, v59  }
0x1af: {  	v42 =	vld [tilespmem:s16+$0xFFFFFF50]  }
0x1b0: {  	v45 =	vld [tilespmem:s15+$0xFFFFFFD0];
	v4 =	vmul.f32 v58, v4;
	v44 =	vadd.f32 v28, v63;
	v43 =	vmul.f32 v6, v3  }
0x1b1: {  	v47 =	vld [tilespmem:s16+$0xFFFFFFD0];
	v46 =	vadd.f32 v32, v31  }
0x1b2: {  	v49 =	vld [tilespmem:s15+$0xFFFFFF60];
	v48 =	vmul.f32 v62, v61;
	v6 =	vmul.f32 v44, v3;
	v4 =	vadd.f32 v43, v4  }
0x1b3: {  	v51 =	vld [tilespmem:s16+$0xFFFFFF60];
	v50 =	vmul.f32 v30, v29  }
0x1b4: {  	v54 =	vld [tilespmem:s15+$0xFFFFFFE0];
	v53 =	vadd.f32 v36, v35;
	v11 =	vmul.f32 v46, v3;
	v52 =	vadd.f32 v6, v48;
	(xrf2) =	vadd.scan.msk.f32 $0xffff, v4  }
0x1b5: {  	v55 =	vld [tilespmem:s16+$0xFFFFFFE0];
	v56 =	vmul.f32 v34, v33  }
0x1b6: {  	v57 =	vadd.f32 v40, v39;
	v58 =	vld [tilespmem:s15+$0xFFFFFFF0];
	v5 =	vmul.f32 v53, v3;
	v9 =	vadd.f32 v11, v50;
	(xrf2) =	vadd.scan.msk.f32 $0xffff, v52  }
0x1b7: {  	v10 =	vadd.f32 v47, v45;
	v59 =	vld [tilespmem:s16+$0xFFFFFFF0]  }
0x1b8: {  	v60 =	vmul.f32 v38, v37;
	v62 =	vld [tilespmem:s15+$0xFFFFFF70];
	v61 =	vmul.f32 v57, v3;
	v4 =	vadd.f32 v5, v56;
	(xrf2) =	vadd.scan.msk.f32 $0xffff, v9  }
0x1b9: {  	v7 =	vmul.f32 v42, v41;
	v63 =	vld [tilespmem:s16+$0xFFFFFF70]  }
0x1ba: {  	v19 =	vadd.f32 v55, v54;
	v10 =	vmul.f32 v10, v3;
	v18 =	vadd.f32 v61, v60;
	(xrf2) =	vadd.scan.msk.f32 $0xffff, v4  }
0x1bb: {  	v21 =	vmul.f32 v51, v49  }
0x1bc: {  	v20 =	vadd.f32 v10, v7;
	v22 =	vadd.f32 v59, v58;
	v5 =	vmul.f32 v19, v3;
	(xrf2) =	vadd.scan.msk.f32 $0xffff, v18;
	_ =	sdelay $0x1  }
0x1bd: {  	v24 =	vmul.f32 v63, v62;
	v3 =	vmul.f32 v22, v3;
	v4 =	vadd.f32 v5, v21;
	v23, _, _ =	vpop (xrf2);
	(xrf2) =	vadd.scan.msk.f32 $0xffff, v20  }
0x1be: {  	v25 =	vbroadcast v23, $0xF  }
0x1bf: {  	v3 =	vadd.f32 v3, v24;
	v26, _, _ =	vpop (xrf2);
	(xrf2) =	vadd.scan.msk.f32 $0xffff, v4  }
0x1c0: {  	v28 =	vbroadcast v26, $0xF;
	v27 =	vnsel vm0, $0x0, v25  }
0x1c1: {  	v29, _, _ =	vpop (xrf2);
	(xrf2) =	vadd.scan.msk.f32 $0xffff, v3;
	v3 =	vadd.f32 $0.0e+00, v27  }
0x1c2: {  	v31 =	vbroadcast v29, $0xF;
	v30 =	vnsel vm1, $0x0, v28  }
0x1c3: {  	v32, _, _ =	vpop (xrf2);
	v3 =	vadd.f32 v30, v3  }
0x1c4: {  	v34 =	vbroadcast v32, $0xF;
	v33 =	vnsel vm2, $0x0, v31  }
0x1c5: {  	v35, _, _ =	vpop (xrf2);
	v3 =	vadd.f32 v33, v3  }
0x1c6: {  	v37 =	vbroadcast v35, $0xF;
	v36 =	vnsel vm3, $0x0, v34  }
0x1c7: {  	v2 =	vadd.s32 v1, v2;
	v38, _, _ =	vpop (xrf2);
	v3 =	vadd.f32 v36, v3  }
0x1c8: {  	v39 =	vnsel vm4, $0x0, v37;
	v40 =	vbroadcast v38, $0xF  }
0x1c9: {  	v41, _, _ =	vpop (xrf2);
	v3 =	vadd.f32 v39, v3  }
0x1ca: {  	v43 =	vbroadcast v41, $0xF;
	v42 =	vnsel vm5, $0x0, v40  }
0x1cb: {  	v44, _, _ =	vpop (xrf2);
	v3 =	vadd.f32 v42, v3  }
0x1cc: {  	v2 =	vld.idx.msk [tilespmem:v2+s26+$0x0], $0xffff;
	v46 =	vbroadcast v44, $0xF;
	v45 =	vnsel vm6, $0x0, v43  }
0x1cd: {  	v3 =	vadd.f32 v45, v3  }
0x1ce: {  	v47 =	vnsel vm7, $0x0, v46  }
0x1cf: {  	v3 =	vadd.f32 v47, v3;
	_ =	sdelay $0x1  }
0x1d0: {  	v2 =	vadd.f32 v3, v2;
	_ =	sdelay $0x1  }
0x1d1: {  	v2 =	vmul.f32 $2.500000000e-01, v2;
	_ =	sdelay $0x1  }
0x1d2: {  	v2 =	vmul.f32 $1.442695020e+00, v2;
	_ =	sdelay $0x1  }
0x1d3: {  	(erf) = vpow2.f32 v2;
	_ =	sdelay $0x2  }
0x1d4: {  	s29 =	sadd.s32 $0xFFFFFFFF, s13  }
0x1d5: {  	v2 =	vmov s29  }
0x1d6: {  	v2 =	vand.u32 $0x7E, v2  }
0x1d7: {  	v3 =	vadd.s32 v0, v2;
	_ =	sdelay $0x2  }
0x1d8: {  	v48 =	vpop (erf)  }
0x1d9: {  	[tilespmem:s14+$0xFFFFFFF0] =	vst v48  }
0x1da: {  	v3 =	vld.idx.msk [tilespmem:v3+s25+$0x0], $0xffff  }
0x1db: {  	v4 =	vld [tilespmem:s15+$0x0]  }
0x1dc: {  	v49 =	vld [tilespmem:s16+$0x0]  }
0x1dd: {  	v50 =	vld [tilespmem:s15+$0x80]  }
0x1de: {  	v51 =	vld [tilespmem:s16+$0x80]  }
0x1df: {  	v52 =	vld [tilespmem:s15+$0x10]  }
0x1e0: {  	v53 =	vld [tilespmem:s16+$0x10]  }
0x1e1: {  	v54 =	vld [tilespmem:s15+$0x90]  }
0x1e2: {  	v55 =	vld [tilespmem:s16+$0x90]  }
0x1e3: {  	v56 =	vld [tilespmem:s15+$0x20]  }
0x1e4: {  	v57 =	vld [tilespmem:s16+$0x20]  }
0x1e5: {  	v58 =	vld [tilespmem:s15+$0xA0]  }
0x1e6: {  	v59 =	vld [tilespmem:s16+$0xA0]  }
0x1e7: {  	v60 =	vld [tilespmem:s15+$0x30]  }
0x1e8: {  	v61 =	vld [tilespmem:s16+$0x30]  }
0x1e9: {  	v62 =	vld [tilespmem:s15+$0xB0]  }
0x1ea: {  	v63 =	vld [tilespmem:s16+$0xB0]  }
0x1eb: {  	v28 =	vld [tilespmem:s15+$0x40]  }
0x1ec: {  	v29 =	vld [tilespmem:s16+$0x40]  }
0x1ed: {  	v30 =	vld [tilespmem:s15+$0xC0]  }
0x1ee: {  	v31 =	vld [tilespmem:s16+$0xC0]  }
0x1ef: {  	v32 =	vld [tilespmem:s15+$0x50];
	v6 =	vadd.f32 v51, v50  }
0x1f0: {  	v33 =	vld [tilespmem:s16+$0x50]  }
0x1f1: {  	v36 =	vld [tilespmem:s15+$0xD0];
	v4 =	vmul.f32 v49, v4;
	v35 =	vadd.f32 v55, v54;
	v34 =	vmul.f32 v6, v3  }
0x1f2: {  	v38 =	vld [tilespmem:s16+$0xD0];
	v37 =	vadd.f32 v59, v58  }
0x1f3: {  	v40 =	vld [tilespmem:s15+$0x60];
	v39 =	vmul.f32 v53, v52;
	v6 =	vmul.f32 v35, v3;
	v4 =	vadd.f32 v34, v4  }
0x1f4: {  	v42 =	vld [tilespmem:s16+$0x60];
	v41 =	vmul.f32 v57, v56  }
0x1f5: {  	v45 =	vld [tilespmem:s15+$0xE0];
	v44 =	vadd.f32 v63, v62;
	v11 =	vmul.f32 v37, v3;
	v43 =	vadd.f32 v6, v39;
	(xrf2) =	vadd.scan.msk.f32 $0xffff, v4  }
0x1f6: {  	v46 =	vld [tilespmem:s16+$0xE0];
	v47 =	vmul.f32 v61, v60  }
0x1f7: {  	v48 =	vadd.f32 v31, v30;
	v49 =	vld [tilespmem:s15+$0xF0];
	v5 =	vmul.f32 v44, v3;
	v9 =	vadd.f32 v11, v41;
	(xrf2) =	vadd.scan.msk.f32 $0xffff, v43  }
0x1f8: {  	v10 =	vadd.f32 v38, v36;
	v50 =	vld [tilespmem:s16+$0xF0]  }
0x1f9: {  	v51 =	vmul.f32 v29, v28;
	v53 =	vld [tilespmem:s15+$0x70];
	v52 =	vmul.f32 v48, v3;
	v4 =	vadd.f32 v5, v47;
	(xrf2) =	vadd.scan.msk.f32 $0xffff, v9  }
0x1fa: {  	v7 =	vmul.f32 v33, v32;
	v54 =	vld [tilespmem:s16+$0x70]  }
0x1fb: {  	v56 =	vadd.f32 v46, v45;
	v10 =	vmul.f32 v10, v3;
	v55 =	vadd.f32 v52, v51;
	(xrf2) =	vadd.scan.msk.f32 $0xffff, v4  }
0x1fc: {  	v58 =	vmul.f32 v42, v40  }
0x1fd: {  	v57 =	vadd.f32 v10, v7;
	v59 =	vadd.f32 v50, v49;
	v5 =	vmul.f32 v56, v3;
	(xrf2) =	vadd.scan.msk.f32 $0xffff, v55;
	_ =	sdelay $0x1  }
0x1fe: {  	v61 =	vmul.f32 v54, v53;
	v3 =	vmul.f32 v59, v3;
	v4 =	vadd.f32 v5, v58;
	v60, _, _ =	vpop (xrf2);
	(xrf2) =	vadd.scan.msk.f32 $0xffff, v57  }
0x1ff: {  	v62 =	vbroadcast v60, $0xF  }
0x200: {  	v3 =	vadd.f32 v3, v61;
	v63, _, _ =	vpop (xrf2);
	(xrf2) =	vadd.scan.msk.f32 $0xffff, v4  }
0x201: {  	v10 =	vbroadcast v63, $0xF;
	v9 =	vnsel vm0, $0x0, v62  }
0x202: {  	v11, _, _ =	vpop (xrf2);
	(xrf2) =	vadd.scan.msk.f32 $0xffff, v3;
	v3 =	vadd.f32 $0.0e+00, v9  }
0x203: {  	v13 =	vbroadcast v11, $0xF;
	v12 =	vnsel vm1, $0x0, v10  }
0x204: {  	v14, _, _ =	vpop (xrf2);
	v3 =	vadd.f32 v12, v3  }
0x205: {  	v16 =	vbroadcast v14, $0xF;
	v15 =	vnsel vm2, $0x0, v13  }
0x206: {  	v17, _, _ =	vpop (xrf2);
	v3 =	vadd.f32 v15, v3  }
0x207: {  	v19 =	vbroadcast v17, $0xF;
	v18 =	vnsel vm3, $0x0, v16  }
0x208: {  	v2 =	vadd.s32 v1, v2;
	v20, _, _ =	vpop (xrf2);
	v3 =	vadd.f32 v18, v3  }
0x209: {  	v21 =	vnsel vm4, $0x0, v19;
	v22 =	vbroadcast v20, $0xF  }
0x20a: {  	v23, _, _ =	vpop (xrf2);
	v3 =	vadd.f32 v21, v3  }
0x20b: {  	v25 =	vbroadcast v23, $0xF;
	v24 =	vnsel vm5, $0x0, v22  }
0x20c: {  	v26, _, _ =	vpop (xrf2);
	v3 =	vadd.f32 v24, v3  }
0x20d: {  	v2 =	vld.idx.msk [tilespmem:v2+s26+$0x0], $0xffff;
	v28 =	vbroadcast v26, $0xF;
	v27 =	vnsel vm6, $0x0, v25  }
0x20e: {  	v3 =	vadd.f32 v27, v3  }
0x20f: {  	v29 =	vnsel vm7, $0x0, v28  }
0x210: {  	v3 =	vadd.f32 v29, v3;
	_ =	sdelay $0x1  }
0x211: {  	v2 =	vadd.f32 v3, v2;
	_ =	sdelay $0x1  }
0x212: {  	v2 =	vmul.f32 $2.500000000e-01, v2;
	_ =	sdelay $0x1  }
0x213: {  	v2 =	vmul.f32 $1.442695020e+00, v2;
	_ =	sdelay $0x1  }
0x214: {  	(erf) = vpow2.f32 v2;
	_ =	sdelay $0x3  }
0x215: {  	v2 =	vmov s13  }
0x216: {  	v2 =	vand.u32 $0x7F, v2  }
0x217: {  	v3 =	vadd.s32 v0, v2;
	_ =	sdelay $0x2  }
0x218: {  	v30 =	vpop (erf)  }
0x219: {  	[tilespmem:s14+$0x0] =	vst v30  }
0x21a: {  	v3 =	vld.idx.msk [tilespmem:v3+s25+$0x0], $0xffff  }
0x21b: {  	v4 =	vld [tilespmem:s15+$0x100]  }
0x21c: {  	v31 =	vld [tilespmem:s16+$0x100]  }
0x21d: {  	v32 =	vld [tilespmem:s15+$0x180]  }
0x21e: {  	v33 =	vld [tilespmem:s16+$0x180]  }
0x21f: {  	v34 =	vld [tilespmem:s15+$0x110]  }
0x220: {  	v35 =	vld [tilespmem:s16+$0x110]  }
0x221: {  	v36 =	vld [tilespmem:s15+$0x190]  }
0x222: {  	v37 =	vld [tilespmem:s16+$0x190]  }
0x223: {  	v38 =	vld [tilespmem:s15+$0x120]  }
0x224: {  	v39 =	vld [tilespmem:s16+$0x120]  }
0x225: {  	v40 =	vld [tilespmem:s15+$0x1A0]  }
0x226: {  	v41 =	vld [tilespmem:s16+$0x1A0]  }
0x227: {  	v42 =	vld [tilespmem:s15+$0x130]  }
0x228: {  	v43 =	vld [tilespmem:s16+$0x130]  }
0x229: {  	v44 =	vld [tilespmem:s15+$0x1B0]  }
0x22a: {  	v45 =	vld [tilespmem:s16+$0x1B0]  }
0x22b: {  	v46 =	vld [tilespmem:s15+$0x140]  }
0x22c: {  	v47 =	vld [tilespmem:s16+$0x140]  }
0x22d: {  	v48 =	vld [tilespmem:s15+$0x1C0]  }
0x22e: {  	v49 =	vld [tilespmem:s16+$0x1C0]  }
0x22f: {  	v50 =	vld [tilespmem:s15+$0x150];
	v6 =	vadd.f32 v33, v32  }
0x230: {  	v51 =	vld [tilespmem:s16+$0x150]  }
0x231: {  	v54 =	vld [tilespmem:s15+$0x1D0];
	v4 =	vmul.f32 v31, v4;
	v53 =	vadd.f32 v37, v36;
	v52 =	vmul.f32 v6, v3  }
0x232: {  	v56 =	vld [tilespmem:s16+$0x1D0];
	v55 =	vadd.f32 v41, v40  }
0x233: {  	v58 =	vld [tilespmem:s15+$0x160];
	v57 =	vmul.f32 v35, v34;
	v6 =	vmul.f32 v53, v3;
	v4 =	vadd.f32 v52, v4  }
0x234: {  	v60 =	vld [tilespmem:s16+$0x160];
	v59 =	vmul.f32 v39, v38  }
0x235: {  	v63 =	vld [tilespmem:s15+$0x1E0];
	v62 =	vadd.f32 v45, v44;
	v11 =	vmul.f32 v55, v3;
	v61 =	vadd.f32 v6, v57;
	(xrf2) =	vadd.scan.msk.f32 $0xffff, v4  }
0x236: {  	v25 =	vld [tilespmem:s16+$0x1E0];
	v26 =	vmul.f32 v43, v42  }
0x237: {  	v28 =	vld [tilespmem:s15+$0x1F0];
	v27 =	vadd.f32 v49, v48;
	v5 =	vmul.f32 v62, v3;
	v9 =	vadd.f32 v11, v59;
	(xrf2) =	vadd.scan.msk.f32 $0xffff, v61  }
0x238: {  	v29 =	vld [tilespmem:s16+$0x1F0];
	v10 =	vadd.f32 v56, v54  }
0x239: {  	v30 =	vmul.f32 v47, v46;
	v32 =	vld [tilespmem:s15+$0x170];
	v31 =	vmul.f32 v27, v3;
	v4 =	vadd.f32 v5, v26;
	(xrf2) =	vadd.scan.msk.f32 $0xffff, v9  }
0x23a: {  	v7 =	vmul.f32 v51, v50;
	v33 =	vld [tilespmem:s16+$0x170]  }
0x23b: {  	v35 =	vadd.f32 v25, v63;
	v10 =	vmul.f32 v10, v3;
	v34 =	vadd.f32 v31, v30;
	(xrf2) =	vadd.scan.msk.f32 $0xffff, v4  }
0x23c: {  	v37 =	vmul.f32 v60, v58  }
0x23d: {  	v38 =	vadd.f32 v29, v28;
	v36 =	vadd.f32 v10, v7;
	v5 =	vmul.f32 v35, v3;
	(xrf2) =	vadd.scan.msk.f32 $0xffff, v34;
	_ =	sdelay $0x1  }
0x23e: {  	v40 =	vmul.f32 v33, v32;
	v3 =	vmul.f32 v38, v3;
	v4 =	vadd.f32 v5, v37;
	v39, _, _ =	vpop (xrf2);
	(xrf2) =	vadd.scan.msk.f32 $0xffff, v36  }
0x23f: {  	v41 =	vbroadcast v39, $0xF  }
0x240: {  	v3 =	vadd.f32 v3, v40;
	v42, _, _ =	vpop (xrf2);
	(xrf2) =	vadd.scan.msk.f32 $0xffff, v4  }
0x241: {  	v44 =	vbroadcast v42, $0xF;
	v43 =	vnsel vm0, $0x0, v41  }
0x242: {  	v45, _, _ =	vpop (xrf2);
	(xrf2) =	vadd.scan.msk.f32 $0xffff, v3;
	v3 =	vadd.f32 $0.0e+00, v43  }
0x243: {  	v47 =	vbroadcast v45, $0xF;
	v46 =	vnsel vm1, $0x0, v44  }
0x244: {  	v48, _, _ =	vpop (xrf2);
	v3 =	vadd.f32 v46, v3  }
0x245: {  	v50 =	vbroadcast v48, $0xF;
	v49 =	vnsel vm2, $0x0, v47  }
0x246: {  	v51, _, _ =	vpop (xrf2);
	v3 =	vadd.f32 v49, v3  }
0x247: {  	v53 =	vbroadcast v51, $0xF;
	v52 =	vnsel vm3, $0x0, v50  }
0x248: {  	v2 =	vadd.s32 v1, v2;
	v54, _, _ =	vpop (xrf2);
	v3 =	vadd.f32 v52, v3  }
0x249: {  	v55 =	vnsel vm4, $0x0, v53;
	v56 =	vbroadcast v54, $0xF  }
0x24a: {  	v57, _, _ =	vpop (xrf2);
	v3 =	vadd.f32 v55, v3  }
0x24b: {  	v59 =	vbroadcast v57, $0xF;
	v58 =	vnsel vm5, $0x0, v56  }
0x24c: {  	v60, _, _ =	vpop (xrf2);
	v3 =	vadd.f32 v58, v3  }
0x24d: {  	v2 =	vld.idx.msk [tilespmem:v2+s26+$0x0], $0xffff;
	v62 =	vbroadcast v60, $0xF;
	v61 =	vnsel vm6, $0x0, v59  }
0x24e: {  	v3 =	vadd.f32 v61, v3  }
0x24f: {  	v63 =	vnsel vm7, $0x0, v62  }
0x250: {  	v3 =	vadd.f32 v63, v3;
	_ =	sdelay $0x1  }
0x251: {  	v2 =	vadd.f32 v3, v2;
	_ =	sdelay $0x1  }
0x252: {  	v2 =	vmul.f32 $2.500000000e-01, v2;
	_ =	sdelay $0x1  }
0x253: {  	v2 =	vmul.f32 $1.442695020e+00, v2;
	_ =	sdelay $0x1  }
0x254: {  	(erf) = vpow2.f32 v2;
	_ =	sdelay $0x4  }
0x255: {  	p0 =	sne.s32 s13, $0x4F  }
.Ltmp1:
0x256: {  	_ = 	snop;
	(pc) =	sbr.rel @p0 .LBB2_5-.Ltmp1, $3  }
0x257: {  	_ =	sdelay $0x1  }
0x258: {  	s13 =	sadd.s32 $0x4, s13;
	v2 =	vpop (erf)  }
0x259: {  	s15 =	sadd.s32 $0x400, s15;
	s16 =	sadd.s32 $0x400, s16;
	[tilespmem:s14+$0x10] =	vst v2;
	s14 =	sadd.s32 $0x40, s14  }
0x25a: {  	s12 =	sshll.u32 s12, $0x1  }
0x25b: {  	p0 =	sgt.u32 s11, $0x7A;
	s12 =	sand.u32 $0x1FFFFFE0, s12  }
0x25c: {  	s11 =	sadd.s32 @!p0 $0xF0, s10;
	s12 =	sadd.s32 s8, s12  }
0x25d: {  	[hbm4b:s12+s2] =	stream.linear.scatter [tilespmem:s28], [sflag:$0x4], $0x500, $0x38;
	[tilespmem:$0x1A720] =	vst v63  }
0x25e: {  	s12 =	sadd.s32 @!p0 s3, s11  }
0x25f: {  	s14 =	simm.s32 @!p0 $0x50;
	s12 =	sshrl.u32 @!p0 s12, $0x3  }
0x260: {  	s15 =	simm.s32 @!p0 $0x4E200;
	s16 =	simm.s32 @!p0 $0x19320;
	s13 =	sadd.s32 @!p0 s6, s12  }
0x261: {  	[tilespmem:s16], [sflag:$0x2] =	stream.strided.gather @!p0 [hbm4b:s13+s14], $0x500, s15, s14, $0x38;
	[tilespmem:$0x1A720] =	vst v63  }
0x262: {  	s12 =	sadd.s32 @!p0 s7, s12;
	s13 =	simm.s32 @!p0 $0x19AA0  }
0x263: {  	[tilespmem:s13], [sflag:$0x2] =	stream.strided.gather @!p0 [hbm4b:s12+s14], $0x280, s15, s14, $0x38;
	[tilespmem:$0x1A720] =	vst v63  }
0x264: {  	s12 =	simm.s32 @!p0 $0x9E20  }
0x265: {  	[tilespmem:s12], [sflag:$0x2] =	stream.indirect.gather @!p0 [hbm4b:s4+s14], $0x100, s11, s14, $0xb8;
	[tilespmem:$0x1A720] =	vst v63  }
0x266: {  	s9 =	sadd.s32 $0x1, s9;
	s10 =	sadd.s32 @!p0 $0x2800, s10;
	s11 =	simm.s32 @!p0 $0x13E20  }
0x267: {  	[tilespmem:s11], [sflag:$0x2] =	stream.indirect.gather @!p0 [hbm4b:s5+s14], $0x100, s10, s14, $0xb8;
	[tilespmem:$0x1A720] =	vst v63  }
0x268: {  	p0 =	sne.s32 s9, $0x3E  }
.Ltmp2:
0x269: {  	_ = 	snop;
	(pc) =	sbr.rel @p0 .LBB2_2-.Ltmp2, $1  }
0x26a: {  	_ =	sdelay $0x3  }
0x26b: {  	_ =	swait.ge [sflag:s31], $0x500  }
0x26c: {  	[sflag:s31] =	ssyncset.done $0x0  }
0x26d: {  	[sflag:s31] =	ssyncadd.s32 $0xFFFFFB00  }
0x26e: {  	_ =	swait.ge [sflag:s31], $0x280  }
0x26f: {  	[sflag:s31] =	ssyncset.done $0x0  }
0x270: {  	[sflag:s31] =	ssyncadd.s32 $0xFFFFFD80  }
0x271: {  	_ =	swait.ge [sflag:s31], $0x5000  }
0x272: {  	[sflag:s31] =	ssyncset.done $0x0  }
0x273: {  	[sflag:s31] =	ssyncadd.s32 $0xFFFFB000  }
0x274: {  	_ =	swait.ge [sflag:s31], $0x5000  }
0x275: {  	[sflag:s31] =	ssyncset.done $0x0  }
0x276: {  	s9 =	simm.s32 $0x3;
	[sflag:s31] =	ssyncadd.s32 $0xFFFFB000  }
0x277: {  	_ =	swait.ge [sflag:s9], $0x500  }
0x278: {  	s10 =	simm.s32 $0x19D40;
	[sflag:s9] =	ssyncset.done $0x0  }
0x279: {  	s11 =	simm.s32 $0x5020;
	s12 =	simm.s32 $0xF020;
	[sflag:s9] =	ssyncadd.s32 $0xFFFFFB00  }
.LBB2_8:
0x27a: {  	v4 =	vld [tilespmem:s11+$0xFFFFFE00]  }
0x27b: {  	v5 =	vld [tilespmem:s12+$0xFFFFFE00]  }
0x27c: {  	v6 =	vld [tilespmem:s11+$0xFFFFFE80]  }
0x27d: {  	v7 =	vld [tilespmem:s12+$0xFFFFFE80]  }
0x27e: {  	v8 =	vld [tilespmem:s11+$0xFFFFFE10]  }
0x27f: {  	v9 =	vld [tilespmem:s12+$0xFFFFFE10]  }
0x280: {  	v10 =	vld [tilespmem:s11+$0xFFFFFE90]  }
0x281: {  	v11 =	vld [tilespmem:s12+$0xFFFFFE90]  }
0x282: {  	v12 =	vld [tilespmem:s11+$0xFFFFFE20]  }
0x283: {  	v13 =	vld [tilespmem:s12+$0xFFFFFE20]  }
0x284: {  	s13 =	sadd.s32 $0xFFFFFFFD, s9;
	v14 =	vld [tilespmem:s11+$0xFFFFFEA0]  }
0x285: {  	v15 =	vld [tilespmem:s12+$0xFFFFFEA0];
	v2 =	vmov s13  }
0x286: {  	v16 =	vld [tilespmem:s11+$0xFFFFFE30];
	v2 =	vand.u32 $0x7C, v2  }
0x287: {  	v17 =	vld [tilespmem:s12+$0xFFFFFE30];
	v3 =	vadd.s32 v0, v2  }
0x288: {  	v18 =	vld [tilespmem:s11+$0xFFFFFEB0]  }
0x289: {  	v19 =	vld [tilespmem:s12+$0xFFFFFEB0]  }
0x28a: {  	v20 =	vld [tilespmem:s11+$0xFFFFFE40]  }
0x28b: {  	v21 =	vld [tilespmem:s12+$0xFFFFFE40]  }
0x28c: {  	v3 =	vld.idx.msk [tilespmem:v3+s21+$0x0], $0xffff  }
0x28d: {  	v22 =	vld [tilespmem:s11+$0xFFFFFEC0]  }
0x28e: {  	v23 =	vld [tilespmem:s12+$0xFFFFFEC0]  }
0x28f: {  	v46 =	vld [tilespmem:s11+$0xFFFFFE50];
	v6 =	vadd.f32 v7, v6  }
0x290: {  	v24 =	vld [tilespmem:s12+$0xFFFFFE50]  }
0x291: {  	v49 =	vld [tilespmem:s11+$0xFFFFFED0];
	v4 =	vmul.f32 v5, v4;
	v48 =	vadd.f32 v11, v10;
	v47 =	vmul.f32 v6, v3  }
0x292: {  	v51 =	vld [tilespmem:s12+$0xFFFFFED0];
	v50 =	vadd.f32 v15, v14  }
0x293: {  	v53 =	vld [tilespmem:s11+$0xFFFFFE60];
	v52 =	vmul.f32 v9, v8;
	v6 =	vmul.f32 v48, v3;
	v4 =	vadd.f32 v47, v4  }
0x294: {  	v55 =	vld [tilespmem:s12+$0xFFFFFE60];
	v54 =	vmul.f32 v13, v12  }
0x295: {  	v58 =	vld [tilespmem:s11+$0xFFFFFEE0];
	v57 =	vadd.f32 v19, v18;
	v11 =	vmul.f32 v50, v3;
	v56 =	vadd.f32 v6, v52;
	(xrf2) =	vadd.scan.msk.f32 $0xffff, v4  }
0x296: {  	v59 =	vld [tilespmem:s12+$0xFFFFFEE0];
	v60 =	vmul.f32 v17, v16  }
0x297: {  	v62 =	vld [tilespmem:s11+$0xFFFFFEF0];
	v61 =	vadd.f32 v23, v22;
	v5 =	vmul.f32 v57, v3;
	v9 =	vadd.f32 v11, v54;
	(xrf2) =	vadd.scan.msk.f32 $0xffff, v56  }
0x298: {  	v63 =	vld [tilespmem:s12+$0xFFFFFEF0];
	v10 =	vadd.f32 v51, v49  }
0x299: {  	v25 =	vld [tilespmem:s11+$0xFFFFFE70];
	v22 =	vmul.f32 v21, v20;
	v23 =	vmul.f32 v61, v3;
	v4 =	vadd.f32 v5, v60;
	(xrf2) =	vadd.scan.msk.f32 $0xffff, v9  }
0x29a: {  	v26 =	vld [tilespmem:s12+$0xFFFFFE70];
	v7 =	vmul.f32 v24, v46  }
0x29b: {  	v28 =	vadd.f32 v59, v58;
	v10 =	vmul.f32 v10, v3;
	v27 =	vadd.f32 v23, v22;
	(xrf2) =	vadd.scan.msk.f32 $0xffff, v4  }
0x29c: {  	v30 =	vmul.f32 v55, v53  }
0x29d: {  	v31 =	vadd.f32 v63, v62;
	v29 =	vadd.f32 v10, v7;
	v5 =	vmul.f32 v28, v3;
	(xrf2) =	vadd.scan.msk.f32 $0xffff, v27;
	_ =	sdelay $0x1  }
0x29e: {  	v33 =	vmul.f32 v26, v25;
	v3 =	vmul.f32 v31, v3;
	v4 =	vadd.f32 v5, v30;
	v32, _, _ =	vpop (xrf2);
	(xrf2) =	vadd.scan.msk.f32 $0xffff, v29  }
0x29f: {  	v34 =	vbroadcast v32, $0xF  }
0x2a0: {  	v3 =	vadd.f32 v3, v33;
	v35, _, _ =	vpop (xrf2);
	(xrf2) =	vadd.scan.msk.f32 $0xffff, v4  }
0x2a1: {  	v37 =	vbroadcast v35, $0xF;
	v36 =	vnsel vm0, $0x0, v34  }
0x2a2: {  	v38, _, _ =	vpop (xrf2);
	(xrf2) =	vadd.scan.msk.f32 $0xffff, v3;
	v3 =	vadd.f32 $0.0e+00, v36  }
0x2a3: {  	v40 =	vbroadcast v38, $0xF;
	v39 =	vnsel vm1, $0x0, v37  }
0x2a4: {  	v41, _, _ =	vpop (xrf2);
	v3 =	vadd.f32 v39, v3  }
0x2a5: {  	v43 =	vbroadcast v41, $0xF;
	v42 =	vnsel vm2, $0x0, v40  }
0x2a6: {  	v44, _, _ =	vpop (xrf2);
	v3 =	vadd.f32 v42, v3  }
0x2a7: {  	v46 =	vbroadcast v44, $0xF;
	v45 =	vnsel vm3, $0x0, v43  }
0x2a8: {  	v2 =	vadd.s32 v1, v2;
	v47, _, _ =	vpop (xrf2);
	v3 =	vadd.f32 v45, v3  }
0x2a9: {  	v48 =	vnsel vm4, $0x0, v46;
	v49 =	vbroadcast v47, $0xF  }
0x2aa: {  	v50, _, _ =	vpop (xrf2);
	v3 =	vadd.f32 v48, v3  }
0x2ab: {  	v52 =	vbroadcast v50, $0xF;
	v51 =	vnsel vm5, $0x0, v49  }
0x2ac: {  	v53, _, _ =	vpop (xrf2);
	v3 =	vadd.f32 v51, v3  }
0x2ad: {  	v2 =	vld.idx.msk [tilespmem:v2+s22+$0x0], $0xffff;
	v55 =	vbroadcast v53, $0xF;
	v54 =	vnsel vm6, $0x0, v52  }
0x2ae: {  	v3 =	vadd.f32 v54, v3  }
0x2af: {  	v56 =	vnsel vm7, $0x0, v55  }
0x2b0: {  	v3 =	vadd.f32 v56, v3;
	_ =	sdelay $0x1  }
0x2b1: {  	v2 =	vadd.f32 v3, v2;
	_ =	sdelay $0x1  }
0x2b2: {  	v2 =	vmul.f32 $2.500000000e-01, v2;
	_ =	sdelay $0x1  }
0x2b3: {  	v2 =	vmul.f32 $1.442695020e+00, v2;
	_ =	sdelay $0x1  }
0x2b4: {  	(erf) = vpow2.f32 v2;
	_ =	sdelay $0x2  }
0x2b5: {  	s16 =	sadd.s32 $0xFFFFFFFE, s9  }
0x2b6: {  	v2 =	vmov s16  }
0x2b7: {  	v2 =	vand.u32 $0x7D, v2  }
0x2b8: {  	v3 =	vadd.s32 v0, v2;
	_ =	sdelay $0x2  }
0x2b9: {  	v57 =	vpop (erf)  }
0x2ba: {  	[tilespmem:s10+$0xFFFFFFE0] =	vst v57  }
0x2bb: {  	v3 =	vld.idx.msk [tilespmem:v3+s21+$0x0], $0xffff  }
0x2bc: {  	v4 =	vld [tilespmem:s11+$0xFFFFFF00]  }
0x2bd: {  	v58 =	vld [tilespmem:s12+$0xFFFFFF00]  }
0x2be: {  	v59 =	vld [tilespmem:s11+$0xFFFFFF80]  }
0x2bf: {  	v60 =	vld [tilespmem:s12+$0xFFFFFF80]  }
0x2c0: {  	v61 =	vld [tilespmem:s11+$0xFFFFFF10]  }
0x2c1: {  	v62 =	vld [tilespmem:s12+$0xFFFFFF10]  }
0x2c2: {  	v63 =	vld [tilespmem:s11+$0xFFFFFF90]  }
0x2c3: {  	v28 =	vld [tilespmem:s12+$0xFFFFFF90]  }
0x2c4: {  	v29 =	vld [tilespmem:s11+$0xFFFFFF20]  }
0x2c5: {  	v30 =	vld [tilespmem:s12+$0xFFFFFF20]  }
0x2c6: {  	v31 =	vld [tilespmem:s11+$0xFFFFFFA0]  }
0x2c7: {  	v32 =	vld [tilespmem:s12+$0xFFFFFFA0]  }
0x2c8: {  	v33 =	vld [tilespmem:s11+$0xFFFFFF30]  }
0x2c9: {  	v34 =	vld [tilespmem:s12+$0xFFFFFF30]  }
0x2ca: {  	v35 =	vld [tilespmem:s11+$0xFFFFFFB0]  }
0x2cb: {  	v36 =	vld [tilespmem:s12+$0xFFFFFFB0]  }
0x2cc: {  	v37 =	vld [tilespmem:s11+$0xFFFFFF40]  }
0x2cd: {  	v38 =	vld [tilespmem:s12+$0xFFFFFF40]  }
0x2ce: {  	v39 =	vld [tilespmem:s11+$0xFFFFFFC0]  }
0x2cf: {  	v40 =	vld [tilespmem:s12+$0xFFFFFFC0]  }
0x2d0: {  	v41 =	vld [tilespmem:s11+$0xFFFFFF50];
	v6 =	vadd.f32 v60, v59  }
0x2d1: {  	v42 =	vld [tilespmem:s12+$0xFFFFFF50]  }
0x2d2: {  	v45 =	vld [tilespmem:s11+$0xFFFFFFD0];
	v4 =	vmul.f32 v58, v4;
	v44 =	vadd.f32 v28, v63;
	v43 =	vmul.f32 v6, v3  }
0x2d3: {  	v47 =	vld [tilespmem:s12+$0xFFFFFFD0];
	v46 =	vadd.f32 v32, v31  }
0x2d4: {  	v49 =	vld [tilespmem:s11+$0xFFFFFF60];
	v48 =	vmul.f32 v62, v61;
	v6 =	vmul.f32 v44, v3;
	v4 =	vadd.f32 v43, v4  }
0x2d5: {  	v51 =	vld [tilespmem:s12+$0xFFFFFF60];
	v50 =	vmul.f32 v30, v29  }
0x2d6: {  	v54 =	vld [tilespmem:s11+$0xFFFFFFE0];
	v53 =	vadd.f32 v36, v35;
	v11 =	vmul.f32 v46, v3;
	v52 =	vadd.f32 v6, v48;
	(xrf2) =	vadd.scan.msk.f32 $0xffff, v4  }
0x2d7: {  	v55 =	vld [tilespmem:s12+$0xFFFFFFE0];
	v56 =	vmul.f32 v34, v33  }
0x2d8: {  	v57 =	vadd.f32 v40, v39;
	v58 =	vld [tilespmem:s11+$0xFFFFFFF0];
	v5 =	vmul.f32 v53, v3;
	v9 =	vadd.f32 v11, v50;
	(xrf2) =	vadd.scan.msk.f32 $0xffff, v52  }
0x2d9: {  	v10 =	vadd.f32 v47, v45;
	v59 =	vld [tilespmem:s12+$0xFFFFFFF0]  }
0x2da: {  	v60 =	vmul.f32 v38, v37;
	v62 =	vld [tilespmem:s11+$0xFFFFFF70];
	v61 =	vmul.f32 v57, v3;
	v4 =	vadd.f32 v5, v56;
	(xrf2) =	vadd.scan.msk.f32 $0xffff, v9  }
0x2db: {  	v7 =	vmul.f32 v42, v41;
	v63 =	vld [tilespmem:s12+$0xFFFFFF70]  }
0x2dc: {  	v19 =	vadd.f32 v55, v54;
	v10 =	vmul.f32 v10, v3;
	v18 =	vadd.f32 v61, v60;
	(xrf2) =	vadd.scan.msk.f32 $0xffff, v4  }
0x2dd: {  	v21 =	vmul.f32 v51, v49  }
0x2de: {  	v20 =	vadd.f32 v10, v7;
	v22 =	vadd.f32 v59, v58;
	v5 =	vmul.f32 v19, v3;
	(xrf2) =	vadd.scan.msk.f32 $0xffff, v18;
	_ =	sdelay $0x1  }
0x2df: {  	v24 =	vmul.f32 v63, v62;
	v3 =	vmul.f32 v22, v3;
	v4 =	vadd.f32 v5, v21;
	v23, _, _ =	vpop (xrf2);
	(xrf2) =	vadd.scan.msk.f32 $0xffff, v20  }
0x2e0: {  	v25 =	vbroadcast v23, $0xF  }
0x2e1: {  	v3 =	vadd.f32 v3, v24;
	v26, _, _ =	vpop (xrf2);
	(xrf2) =	vadd.scan.msk.f32 $0xffff, v4  }
0x2e2: {  	v28 =	vbroadcast v26, $0xF;
	v27 =	vnsel vm0, $0x0, v25  }
0x2e3: {  	v29, _, _ =	vpop (xrf2);
	(xrf2) =	vadd.scan.msk.f32 $0xffff, v3;
	v3 =	vadd.f32 $0.0e+00, v27  }
0x2e4: {  	v31 =	vbroadcast v29, $0xF;
	v30 =	vnsel vm1, $0x0, v28  }
0x2e5: {  	v32, _, _ =	vpop (xrf2);
	v3 =	vadd.f32 v30, v3  }
0x2e6: {  	v34 =	vbroadcast v32, $0xF;
	v33 =	vnsel vm2, $0x0, v31  }
0x2e7: {  	v35, _, _ =	vpop (xrf2);
	v3 =	vadd.f32 v33, v3  }
0x2e8: {  	v37 =	vbroadcast v35, $0xF;
	v36 =	vnsel vm3, $0x0, v34  }
0x2e9: {  	v2 =	vadd.s32 v1, v2;
	v38, _, _ =	vpop (xrf2);
	v3 =	vadd.f32 v36, v3  }
0x2ea: {  	v39 =	vnsel vm4, $0x0, v37;
	v40 =	vbroadcast v38, $0xF  }
0x2eb: {  	v41, _, _ =	vpop (xrf2);
	v3 =	vadd.f32 v39, v3  }
0x2ec: {  	v43 =	vbroadcast v41, $0xF;
	v42 =	vnsel vm5, $0x0, v40  }
0x2ed: {  	v44, _, _ =	vpop (xrf2);
	v3 =	vadd.f32 v42, v3  }
0x2ee: {  	v2 =	vld.idx.msk [tilespmem:v2+s22+$0x0], $0xffff;
	v46 =	vbroadcast v44, $0xF;
	v45 =	vnsel vm6, $0x0, v43  }
0x2ef: {  	v3 =	vadd.f32 v45, v3  }
0x2f0: {  	v47 =	vnsel vm7, $0x0, v46  }
0x2f1: {  	v3 =	vadd.f32 v47, v3;
	_ =	sdelay $0x1  }
0x2f2: {  	v2 =	vadd.f32 v3, v2;
	_ =	sdelay $0x1  }
0x2f3: {  	v2 =	vmul.f32 $2.500000000e-01, v2;
	_ =	sdelay $0x1  }
0x2f4: {  	v2 =	vmul.f32 $1.442695020e+00, v2;
	_ =	sdelay $0x1  }
0x2f5: {  	(erf) = vpow2.f32 v2;
	_ =	sdelay $0x2  }
0x2f6: {  	s29 =	sadd.s32 $0xFFFFFFFF, s9  }
0x2f7: {  	v2 =	vmov s29  }
0x2f8: {  	v2 =	vand.u32 $0x7E, v2  }
0x2f9: {  	v3 =	vadd.s32 v0, v2;
	_ =	sdelay $0x2  }
0x2fa: {  	v48 =	vpop (erf)  }
0x2fb: {  	[tilespmem:s10+$0xFFFFFFF0] =	vst v48  }
0x2fc: {  	v3 =	vld.idx.msk [tilespmem:v3+s21+$0x0], $0xffff  }
0x2fd: {  	v4 =	vld [tilespmem:s11+$0x0]  }
0x2fe: {  	v49 =	vld [tilespmem:s12+$0x0]  }
0x2ff: {  	v50 =	vld [tilespmem:s11+$0x80]  }
0x300: {  	v51 =	vld [tilespmem:s12+$0x80]  }
0x301: {  	v52 =	vld [tilespmem:s11+$0x10]  }
0x302: {  	v53 =	vld [tilespmem:s12+$0x10]  }
0x303: {  	v54 =	vld [tilespmem:s11+$0x90]  }
0x304: {  	v55 =	vld [tilespmem:s12+$0x90]  }
0x305: {  	v56 =	vld [tilespmem:s11+$0x20]  }
0x306: {  	v57 =	vld [tilespmem:s12+$0x20]  }
0x307: {  	v58 =	vld [tilespmem:s11+$0xA0]  }
0x308: {  	v59 =	vld [tilespmem:s12+$0xA0]  }
0x309: {  	v60 =	vld [tilespmem:s11+$0x30]  }
0x30a: {  	v61 =	vld [tilespmem:s12+$0x30]  }
0x30b: {  	v62 =	vld [tilespmem:s11+$0xB0]  }
0x30c: {  	v63 =	vld [tilespmem:s12+$0xB0]  }
0x30d: {  	v28 =	vld [tilespmem:s11+$0x40]  }
0x30e: {  	v29 =	vld [tilespmem:s12+$0x40]  }
0x30f: {  	v30 =	vld [tilespmem:s11+$0xC0]  }
0x310: {  	v31 =	vld [tilespmem:s12+$0xC0]  }
0x311: {  	v32 =	vld [tilespmem:s11+$0x50];
	v6 =	vadd.f32 v51, v50  }
0x312: {  	v33 =	vld [tilespmem:s12+$0x50]  }
0x313: {  	v36 =	vld [tilespmem:s11+$0xD0];
	v4 =	vmul.f32 v49, v4;
	v35 =	vadd.f32 v55, v54;
	v34 =	vmul.f32 v6, v3  }
0x314: {  	v38 =	vld [tilespmem:s12+$0xD0];
	v37 =	vadd.f32 v59, v58  }
0x315: {  	v40 =	vld [tilespmem:s11+$0x60];
	v39 =	vmul.f32 v53, v52;
	v6 =	vmul.f32 v35, v3;
	v4 =	vadd.f32 v34, v4  }
0x316: {  	v42 =	vld [tilespmem:s12+$0x60];
	v41 =	vmul.f32 v57, v56  }
0x317: {  	v45 =	vld [tilespmem:s11+$0xE0];
	v44 =	vadd.f32 v63, v62;
	v11 =	vmul.f32 v37, v3;
	v43 =	vadd.f32 v6, v39;
	(xrf2) =	vadd.scan.msk.f32 $0xffff, v4  }
0x318: {  	v46 =	vld [tilespmem:s12+$0xE0];
	v47 =	vmul.f32 v61, v60  }
0x319: {  	v48 =	vadd.f32 v31, v30;
	v49 =	vld [tilespmem:s11+$0xF0];
	v5 =	vmul.f32 v44, v3;
	v9 =	vadd.f32 v11, v41;
	(xrf2) =	vadd.scan.msk.f32 $0xffff, v43  }
0x31a: {  	v10 =	vadd.f32 v38, v36;
	v50 =	vld [tilespmem:s12+$0xF0]  }
0x31b: {  	v51 =	vmul.f32 v29, v28;
	v53 =	vld [tilespmem:s11+$0x70];
	v52 =	vmul.f32 v48, v3;
	v4 =	vadd.f32 v5, v47;
	(xrf2) =	vadd.scan.msk.f32 $0xffff, v9  }
0x31c: {  	v7 =	vmul.f32 v33, v32;
	v54 =	vld [tilespmem:s12+$0x70]  }
0x31d: {  	v56 =	vadd.f32 v46, v45;
	v10 =	vmul.f32 v10, v3;
	v55 =	vadd.f32 v52, v51;
	(xrf2) =	vadd.scan.msk.f32 $0xffff, v4  }
0x31e: {  	v58 =	vmul.f32 v42, v40  }
0x31f: {  	v57 =	vadd.f32 v10, v7;
	v59 =	vadd.f32 v50, v49;
	v5 =	vmul.f32 v56, v3;
	(xrf2) =	vadd.scan.msk.f32 $0xffff, v55;
	_ =	sdelay $0x1  }
0x320: {  	v61 =	vmul.f32 v54, v53;
	v3 =	vmul.f32 v59, v3;
	v4 =	vadd.f32 v5, v58;
	v60, _, _ =	vpop (xrf2);
	(xrf2) =	vadd.scan.msk.f32 $0xffff, v57  }
0x321: {  	v62 =	vbroadcast v60, $0xF  }
0x322: {  	v3 =	vadd.f32 v3, v61;
	v63, _, _ =	vpop (xrf2);
	(xrf2) =	vadd.scan.msk.f32 $0xffff, v4  }
0x323: {  	v10 =	vbroadcast v63, $0xF;
	v9 =	vnsel vm0, $0x0, v62  }
0x324: {  	v11, _, _ =	vpop (xrf2);
	(xrf2) =	vadd.scan.msk.f32 $0xffff, v3;
	v3 =	vadd.f32 $0.0e+00, v9  }
0x325: {  	v13 =	vbroadcast v11, $0xF;
	v12 =	vnsel vm1, $0x0, v10  }
0x326: {  	v14, _, _ =	vpop (xrf2);
	v3 =	vadd.f32 v12, v3  }
0x327: {  	v16 =	vbroadcast v14, $0xF;
	v15 =	vnsel vm2, $0x0, v13  }
0x328: {  	v17, _, _ =	vpop (xrf2);
	v3 =	vadd.f32 v15, v3  }
0x329: {  	v19 =	vbroadcast v17, $0xF;
	v18 =	vnsel vm3, $0x0, v16  }
0x32a: {  	v2 =	vadd.s32 v1, v2;
	v20, _, _ =	vpop (xrf2);
	v3 =	vadd.f32 v18, v3  }
0x32b: {  	v21 =	vnsel vm4, $0x0, v19;
	v22 =	vbroadcast v20, $0xF  }
0x32c: {  	v23, _, _ =	vpop (xrf2);
	v3 =	vadd.f32 v21, v3  }
0x32d: {  	v25 =	vbroadcast v23, $0xF;
	v24 =	vnsel vm5, $0x0, v22  }
0x32e: {  	v26, _, _ =	vpop (xrf2);
	v3 =	vadd.f32 v24, v3  }
0x32f: {  	v2 =	vld.idx.msk [tilespmem:v2+s22+$0x0], $0xffff;
	v28 =	vbroadcast v26, $0xF;
	v27 =	vnsel vm6, $0x0, v25  }
0x330: {  	v3 =	vadd.f32 v27, v3  }
0x331: {  	v29 =	vnsel vm7, $0x0, v28  }
0x332: {  	v3 =	vadd.f32 v29, v3;
	_ =	sdelay $0x1  }
0x333: {  	v2 =	vadd.f32 v3, v2;
	_ =	sdelay $0x1  }
0x334: {  	v2 =	vmul.f32 $2.500000000e-01, v2;
	_ =	sdelay $0x1  }
0x335: {  	v2 =	vmul.f32 $1.442695020e+00, v2;
	_ =	sdelay $0x1  }
0x336: {  	(erf) = vpow2.f32 v2;
	_ =	sdelay $0x3  }
0x337: {  	v2 =	vmov s9  }
0x338: {  	v2 =	vand.u32 $0x7F, v2  }
0x339: {  	v3 =	vadd.s32 v0, v2;
	_ =	sdelay $0x2  }
0x33a: {  	v30 =	vpop (erf)  }
0x33b: {  	[tilespmem:s10+$0x0] =	vst v30  }
0x33c: {  	v3 =	vld.idx.msk [tilespmem:v3+s21+$0x0], $0xffff  }
0x33d: {  	v4 =	vld [tilespmem:s11+$0x100]  }
0x33e: {  	v31 =	vld [tilespmem:s12+$0x100]  }
0x33f: {  	v32 =	vld [tilespmem:s11+$0x180]  }
0x340: {  	v33 =	vld [tilespmem:s12+$0x180]  }
0x341: {  	v34 =	vld [tilespmem:s11+$0x110]  }
0x342: {  	v35 =	vld [tilespmem:s12+$0x110]  }
0x343: {  	v36 =	vld [tilespmem:s11+$0x190]  }
0x344: {  	v37 =	vld [tilespmem:s12+$0x190]  }
0x345: {  	v38 =	vld [tilespmem:s11+$0x120]  }
0x346: {  	v39 =	vld [tilespmem:s12+$0x120]  }
0x347: {  	v40 =	vld [tilespmem:s11+$0x1A0]  }
0x348: {  	v41 =	vld [tilespmem:s12+$0x1A0]  }
0x349: {  	v42 =	vld [tilespmem:s11+$0x130]  }
0x34a: {  	v43 =	vld [tilespmem:s12+$0x130]  }
0x34b: {  	v44 =	vld [tilespmem:s11+$0x1B0]  }
0x34c: {  	v45 =	vld [tilespmem:s12+$0x1B0]  }
0x34d: {  	v46 =	vld [tilespmem:s11+$0x140]  }
0x34e: {  	v47 =	vld [tilespmem:s12+$0x140]  }
0x34f: {  	v48 =	vld [tilespmem:s11+$0x1C0]  }
0x350: {  	v49 =	vld [tilespmem:s12+$0x1C0]  }
0x351: {  	v50 =	vld [tilespmem:s11+$0x150];
	v6 =	vadd.f32 v33, v32  }
0x352: {  	v51 =	vld [tilespmem:s12+$0x150]  }
0x353: {  	v54 =	vld [tilespmem:s11+$0x1D0];
	v4 =	vmul.f32 v31, v4;
	v53 =	vadd.f32 v37, v36;
	v52 =	vmul.f32 v6, v3  }
0x354: {  	v56 =	vld [tilespmem:s12+$0x1D0];
	v55 =	vadd.f32 v41, v40  }
0x355: {  	v58 =	vld [tilespmem:s11+$0x160];
	v57 =	vmul.f32 v35, v34;
	v6 =	vmul.f32 v53, v3;
	v4 =	vadd.f32 v52, v4  }
0x356: {  	v60 =	vld [tilespmem:s12+$0x160];
	v59 =	vmul.f32 v39, v38  }
0x357: {  	v63 =	vld [tilespmem:s11+$0x1E0];
	v62 =	vadd.f32 v45, v44;
	v11 =	vmul.f32 v55, v3;
	v61 =	vadd.f32 v6, v57;
	(xrf2) =	vadd.scan.msk.f32 $0xffff, v4  }
0x358: {  	v25 =	vld [tilespmem:s12+$0x1E0];
	v26 =	vmul.f32 v43, v42  }
0x359: {  	v28 =	vld [tilespmem:s11+$0x1F0];
	v27 =	vadd.f32 v49, v48;
	v5 =	vmul.f32 v62, v3;
	v9 =	vadd.f32 v11, v59;
	(xrf2) =	vadd.scan.msk.f32 $0xffff, v61  }
0x35a: {  	v29 =	vld [tilespmem:s12+$0x1F0];
	v10 =	vadd.f32 v56, v54  }
0x35b: {  	v30 =	vmul.f32 v47, v46;
	v32 =	vld [tilespmem:s11+$0x170];
	v31 =	vmul.f32 v27, v3;
	v4 =	vadd.f32 v5, v26;
	(xrf2) =	vadd.scan.msk.f32 $0xffff, v9  }
0x35c: {  	v7 =	vmul.f32 v51, v50;
	v33 =	vld [tilespmem:s12+$0x170]  }
0x35d: {  	v35 =	vadd.f32 v25, v63;
	v10 =	vmul.f32 v10, v3;
	v34 =	vadd.f32 v31, v30;
	(xrf2) =	vadd.scan.msk.f32 $0xffff, v4  }
0x35e: {  	v37 =	vmul.f32 v60, v58  }
0x35f: {  	v38 =	vadd.f32 v29, v28;
	v36 =	vadd.f32 v10, v7;
	v5 =	vmul.f32 v35, v3;
	(xrf2) =	vadd.scan.msk.f32 $0xffff, v34;
	_ =	sdelay $0x1  }
0x360: {  	v40 =	vmul.f32 v33, v32;
	v3 =	vmul.f32 v38, v3;
	v4 =	vadd.f32 v5, v37;
	v39, _, _ =	vpop (xrf2);
	(xrf2) =	vadd.scan.msk.f32 $0xffff, v36  }
0x361: {  	v41 =	vbroadcast v39, $0xF  }
0x362: {  	v3 =	vadd.f32 v3, v40;
	v42, _, _ =	vpop (xrf2);
	(xrf2) =	vadd.scan.msk.f32 $0xffff, v4  }
0x363: {  	v44 =	vbroadcast v42, $0xF;
	v43 =	vnsel vm0, $0x0, v41  }
0x364: {  	v45, _, _ =	vpop (xrf2);
	(xrf2) =	vadd.scan.msk.f32 $0xffff, v3;
	v3 =	vadd.f32 $0.0e+00, v43  }
0x365: {  	v47 =	vbroadcast v45, $0xF;
	v46 =	vnsel vm1, $0x0, v44  }
0x366: {  	v48, _, _ =	vpop (xrf2);
	v3 =	vadd.f32 v46, v3  }
0x367: {  	v50 =	vbroadcast v48, $0xF;
	v49 =	vnsel vm2, $0x0, v47  }
0x368: {  	v51, _, _ =	vpop (xrf2);
	v3 =	vadd.f32 v49, v3  }
0x369: {  	v53 =	vbroadcast v51, $0xF;
	v52 =	vnsel vm3, $0x0, v50  }
0x36a: {  	v2 =	vadd.s32 v1, v2;
	v54, _, _ =	vpop (xrf2);
	v3 =	vadd.f32 v52, v3  }
0x36b: {  	v55 =	vnsel vm4, $0x0, v53;
	v56 =	vbroadcast v54, $0xF  }
0x36c: {  	v57, _, _ =	vpop (xrf2);
	v3 =	vadd.f32 v55, v3  }
0x36d: {  	v59 =	vbroadcast v57, $0xF;
	v58 =	vnsel vm5, $0x0, v56  }
0x36e: {  	v60, _, _ =	vpop (xrf2);
	v3 =	vadd.f32 v58, v3  }
0x36f: {  	v2 =	vld.idx.msk [tilespmem:v2+s22+$0x0], $0xffff;
	v62 =	vbroadcast v60, $0xF;
	v61 =	vnsel vm6, $0x0, v59  }
0x370: {  	v3 =	vadd.f32 v61, v3  }
0x371: {  	v63 =	vnsel vm7, $0x0, v62  }
0x372: {  	v3 =	vadd.f32 v63, v3;
	_ =	sdelay $0x1  }
0x373: {  	v2 =	vadd.f32 v3, v2;
	_ =	sdelay $0x1  }
0x374: {  	v2 =	vmul.f32 $2.500000000e-01, v2;
	_ =	sdelay $0x1  }
0x375: {  	v2 =	vmul.f32 $1.442695020e+00, v2;
	_ =	sdelay $0x1  }
0x376: {  	(erf) = vpow2.f32 v2;
	_ =	sdelay $0x4  }
0x377: {  	p0 =	sne.s32 s9, $0x4F  }
.Ltmp3:
0x378: {  	_ = 	snop;
	(pc) =	sbr.rel @p0 .LBB2_8-.Ltmp3, $3  }
0x379: {  	_ =	sdelay $0x1  }
0x37a: {  	s9 =	sadd.s32 $0x4, s9;
	v2 =	vpop (erf)  }
0x37b: {  	s11 =	sadd.s32 $0x400, s11;
	s12 =	sadd.s32 $0x400, s12;
	[tilespmem:s10+$0x10] =	vst v2;
	s10 =	sadd.s32 $0x40, s10  }
0x37c: {  	s9 =	rddreg [dreg:$0x8];
	s16 =	simm.s32 $0x4  }
0x37d: {  	[hbm4b:s9+s2] =	stream.linear.scatter [tilespmem:s0], [sflag:$0x3], $0x500, $0x38;
	[tilespmem:$0x1A720] =	vst v63  }
0x37e: {  	_ =	swait.ge [sflag:s16], $0x500  }
0x37f: {  	[sflag:s16] =	ssyncset.done $0x0  }
0x380: {  	[sflag:s16] =	ssyncadd.s32 $0xFFFFFB00  }
0x381: {  	_ =	swait.ge [sflag:s30], $0x500  }
0x382: {  	s18 =	sadd.s32 $0x1, s18;
	s29 =	rddreg [dreg:$0x9]  }
0x383: {  	p0 =	sne.s32 s18, s29  }
.Ltmp4:
0x384: {  	_ = 	snop;
	(pc) =	sbr.rel @p0 .LBB2_1-.Ltmp4, $3  }
0x385: {  	_ =	sdelay $0x1  }
0x386: {  	[sflag:s30] =	ssyncset.done $0x0  }
0x387: {  	[sflag:s30] =	ssyncadd.s32 $0xFFFFFB00  }
0x388: {  	_ =	sfence.sel $0x180000  }
0x389: {  	[bflag:$0x0] =	sbarrier.arrive $0xFFFF  }
0x38a: {  	_ =	strace $0x90000047  }
0x38b: {  	s0 =	stileid.u32;
	[bflag:$0x2] =	sbarrier.arrive $0xFFFF  }
0x38c: {  	p0 =	sne.s32 s0, $0x0;
	s0 =	rddreg [dreg:$0x1]  }
0x38d: {  	s0 =	sadd.s32 @!p0 $0x100000, s0  }
0x38e: {  	[sflag:s0] =	ssyncadd.tile.s32 @!p0 $0x1;
	_ =	shalt  }
.Lfunc_end2:
_tile_overlayer_lowered:
.L_overlay_start_2:
0x38f: {  	(tag) =	ssettag $0x2  }
0x390: {  	s0 =	rddreg [dreg:$0x0];
	s2 =	stileid.u32  }
0x391: {  	s1 =	rddreg [dreg:$0x1];
	p0 =	sne.s32 s2, $0x0  }
0x392: {  	s3 =	rddreg [dreg:$0x2];
	[bflag:$0x3] =	sbarrier.arrive $0xFFFF;
	s2 =	simm.s32 @!p0 $0x1C05  }
0x393: {  	[timem:s3], [sflag:s2] =	dma.local @!p0 [hbm:s0], s1  }
0x394: {  	s0 =	simm.s32 @!p0 $0x5  }
0x395: {  	_ =	swait.ge @!p0 [sflag:s0], s1  }
0x396: {  	s1 =	ssub.s32 @!p0 $0x0, s1;
	[sflag:s0] =	ssyncset.done @!p0 $0x0  }
0x397: {  	[sflag:s0] =	ssyncadd.s32 @!p0 s1  }
0x398: {  	[bflag:$0x3] =	sbarrier.arrive $0xFFFF  }
0x399: {  	_ =	shalt  }

</sc_bundles>
